<compile_context>
chip_gen: v7x
topology: tpu7x:2x2x1
jax: 0.10.2.dev20260603
libtpu: 0.0.44.dev20260713+nightly
codegen_flags: <defaults>
</compile_context>

<pallas_src>
import functools

import jax
import jax.numpy as jnp
from jax import lax
from jax.experimental import pallas as pl
from jax.experimental.pallas import tpu as pltpu
from jax.experimental.pallas import tpu_sc as plsc

N = 10000
E = 320000
IN_D = 128
HID = 64
OUT_D = 32

NC = 2
NS = 16
BATCH = 128
FAST_C = 1
B_TILE = 160
PHASES = 2
B_PH = B_TILE // PHASES
NBT_PAD = NS * B_TILE
N_PAD = 10240
ROWS_PER_TILE = N_PAD // NS
RB = 128
NBUF = 4
DUMMY = N

BM = 1000
GRID = N // BM

_mesh = plsc.VectorSubcoreMesh(core_axis_name="c", subcore_axis_name="s")


def _edge_pass(table, src3, dst3, width, with_deg):
    out_types = [jax.ShapeDtypeStruct((N_PAD, width), jnp.float32)]
    scratch = [
        pltpu.VMEM((B_PH, BATCH), jnp.int32),
        pltpu.VMEM((B_PH, BATCH), jnp.int32),
        pltpu.VMEM((NBUF, BATCH, width), jnp.float32),
        pltpu.VMEM((RB, width), jnp.float32),
        pltpu.VMEM_SHARED((N_PAD, width), jnp.float32),
        pltpu.SemaphoreType.DMA((NBUF,)),
        pltpu.SemaphoreType.DMA((NBUF,)),
        pltpu.SemaphoreType.DMA,
    ]
    if with_deg:
        out_types.append(jax.ShapeDtypeStruct((N_PAD, 16), jnp.float32))
        scratch += [
            pltpu.VMEM((BATCH, 16), jnp.float32),
            pltpu.VMEM((RB, 16), jnp.float32),
            pltpu.VMEM_SHARED((N_PAD, 16), jnp.float32),
        ]

    def body(table_hbm, src_hbm, dst_hbm, *refs):
        if with_deg:
            (agg_hbm, deg_hbm, srcv, dstv, rows, zb, acc,
             g_sem, s_sem, o_sem, ones, dzb, dacc) = refs
        else:
            (agg_hbm, srcv, dstv, rows, zb, acc, g_sem, s_sem, o_sem) = refs
        c = lax.axis_index("c")
        s = lax.axis_index("s")
        base = s * ROWS_PER_TILE

        @pl.when(c == FAST_C)
        def _():
            @pl.loop(0, RB)
            def _(i):
                for k in range(width // 16):
                    zb[i, pl.ds(k * 16, 16)] = jnp.zeros((16,), jnp.float32)
                if with_deg:
                    dzb[i, pl.ds(0, 16)] = jnp.zeros((16,), jnp.float32)
                    ones[i, pl.ds(0, 16)] = jnp.ones((16,), jnp.float32)

            @pl.loop(0, ROWS_PER_TILE, step=RB)
            def _(r):
                pltpu.sync_copy(zb, acc.at[pl.ds(base + r, RB)])
                if with_deg:
                    pltpu.sync_copy(dzb, dacc.at[pl.ds(base + r, RB)])

            for ph in range(PHASES):
                bstart = s * B_TILE + ph * B_PH
                pltpu.sync_copy(src_hbm.at[pl.ds(bstart, B_PH)], srcv)
                pltpu.sync_copy(dst_hbm.at[pl.ds(bstart, B_PH)], dstv)
                if ph == 0:
                    plsc.subcore_barrier()

                @pl.loop(0, B_PH, step=NBUF)
                def _(j0):
                    gds = []
                    for b in range(NBUF):
                        @pl.when(j0 > 0)
                        def _(b=b):
                            pltpu.make_async_copy(
                                rows.at[b], acc.at[dstv.at[j0]],
                                s_sem.at[b]).wait()
                        gds.append(pltpu.async_copy(
                            table_hbm.at[srcv.at[j0 + b]], rows.at[b],
                            g_sem.at[b]))
                    for b in range(NBUF):
                        gds[b].wait()
                        pltpu.async_copy(rows.at[b], acc.at[dstv.at[j0 + b]],
                                         s_sem.at[b], add=True)
                        if with_deg:
                            od = pltpu.async_copy(
                                ones, dacc.at[dstv.at[j0 + b]], o_sem,
                                add=True)

                            @pl.when(j0 > 0)
                            def _(od=od):
                                od.wait()

                for b in range(NBUF):
                    pltpu.make_async_copy(rows.at[b], acc.at[dstv.at[0]],
                                          s_sem.at[b]).wait()
                    if with_deg:
                        pltpu.make_async_copy(ones, dacc.at[dstv.at[0]],
                                              o_sem).wait()

            plsc.subcore_barrier()

            pltpu.sync_copy(acc.at[pl.ds(base, ROWS_PER_TILE)],
                            agg_hbm.at[pl.ds(base, ROWS_PER_TILE)])
            if with_deg:
                pltpu.sync_copy(dacc.at[pl.ds(base, ROWS_PER_TILE)],
                                deg_hbm.at[pl.ds(base, ROWS_PER_TILE)])

    kern = pl.kernel(body, out_type=out_types, mesh=_mesh,
                     scratch_types=scratch,
                     compiler_params=pltpu.CompilerParams(
                         use_tc_tiling_on_sc=False))
    return kern(table, src3, dst3)


def _proj1_body(x_ref, w_ref, p_ref, r_ref):
    y = jnp.dot(x_ref[...], w_ref[...], preferred_element_type=jnp.float32)
    p_ref[...] = y[:, :HID]
    r_ref[...] = y[:, HID:]


def _combine1_body(a_ref, d_ref, r1_ref, w2_ref, b1_ref,
                   p2_ref, r2_ref, inv_ref):
    inv = 1.0 / jnp.maximum(d_ref[...], 1.0)
    h = jnp.maximum(a_ref[...] * inv[:, 0:1] + r1_ref[...] + b1_ref[...], 0.0)
    pr = jnp.dot(h, w2_ref[...], preferred_element_type=jnp.float32)
    p2_ref[...] = pr[:, :OUT_D]
    r2_ref[...] = pr[:, OUT_D:]
    inv_ref[...] = inv


def _combine2_body(a_ref, inv_ref, r2_ref, b2_ref, o_ref):
    o_ref[...] = a_ref[...] * inv_ref[:, 0:1] + r2_ref[...] + b2_ref[...]


def kernel(x, edge_index, Wl1, bl1, Wr1, Wl2, bl2, Wr2):
    src = edge_index[0].astype(jnp.int32)
    dst = edge_index[1].astype(jnp.int32)
    pad = NBT_PAD * BATCH - E
    src3 = jnp.concatenate([src, jnp.zeros((pad,), jnp.int32)]).reshape(
        NBT_PAD, BATCH)
    dst3 = jnp.concatenate([dst, jnp.full((pad,), DUMMY, jnp.int32)]).reshape(
        NBT_PAD, BATCH)

    w1 = jnp.concatenate([Wl1, Wr1], axis=1)
    w2 = jnp.concatenate([Wl2, Wr2], axis=1)
    b1 = bl1.reshape(1, HID)
    b2 = bl2.reshape(1, OUT_D)

    p1, r1 = pl.pallas_call(
        _proj1_body,
        grid=(GRID,),
        in_specs=[
            pl.BlockSpec((BM, IN_D), lambda i: (i, 0)),
            pl.BlockSpec((IN_D, IN_D), lambda i: (0, 0)),
        ],
        out_specs=[
            pl.BlockSpec((BM, HID), lambda i: (i, 0)),
            pl.BlockSpec((BM, HID), lambda i: (i, 0)),
        ],
        out_shape=[
            jax.ShapeDtypeStruct((N, HID), jnp.float32),
            jax.ShapeDtypeStruct((N, HID), jnp.float32),
        ],
    )(x, w1)

    agg1p, degp = _edge_pass(p1, src3, dst3, HID, True)

    p2, r2, invd = pl.pallas_call(
        _combine1_body,
        grid=(GRID,),
        in_specs=[
            pl.BlockSpec((BM, HID), lambda i: (i, 0)),
            pl.BlockSpec((BM, 16), lambda i: (i, 0)),
            pl.BlockSpec((BM, HID), lambda i: (i, 0)),
            pl.BlockSpec((HID, HID), lambda i: (0, 0)),
            pl.BlockSpec((1, HID), lambda i: (0, 0)),
        ],
        out_specs=[
            pl.BlockSpec((BM, OUT_D), lambda i: (i, 0)),
            pl.BlockSpec((BM, OUT_D), lambda i: (i, 0)),
            pl.BlockSpec((BM, 16), lambda i: (i, 0)),
        ],
        out_shape=[
            jax.ShapeDtypeStruct((N, OUT_D), jnp.float32),
            jax.ShapeDtypeStruct((N, OUT_D), jnp.float32),
            jax.ShapeDtypeStruct((N, 16), jnp.float32),
        ],
    )(agg1p, degp, r1, w2, b1)

    (agg2p,) = _edge_pass(p2, src3, dst3, OUT_D, False)

    out = pl.pallas_call(
        _combine2_body,
        grid=(GRID,),
        in_specs=[
            pl.BlockSpec((BM, OUT_D), lambda i: (i, 0)),
            pl.BlockSpec((BM, 16), lambda i: (i, 0)),
            pl.BlockSpec((BM, OUT_D), lambda i: (i, 0)),
            pl.BlockSpec((1, OUT_D), lambda i: (0, 0)),
        ],
        out_specs=pl.BlockSpec((BM, OUT_D), lambda i: (i, 0)),
        out_shape=jax.ShapeDtypeStruct((N, OUT_D), jnp.float32),
    )(agg2p, invd, r2, b2)

    return out

# --- scband reference (transcript-rebuilt; emitter-appended) ---
"""Pipeline reference for scband-graph-sageencoder-66855460929638 (READ-ONLY COPY).

The authoritative reference and input builder live on the scoring server;
editing this copy changes nothing except your own understanding.
"""

import jax, jax.numpy as jnp
import numpy as np

N_NODES = 10000
N_EDGES = 320000
IN_DIM = 128
HIDDEN = 64
OUT_DIM = 32


def setup_inputs(seed: int = 0) -> dict:
    key = jax.random.key(seed)
    ks = jax.random.split(key, 8)
    x = jax.random.normal(ks[0], (N_NODES, IN_DIM), dtype=jnp.float32)
    edge_index = jax.random.randint(ks[1], (2, N_EDGES), 0, N_NODES)
    # SAGEConv layer 1 params: lin_l (neighbor aggr, with bias), lin_r (root, no bias)
    Wl1 = jax.random.normal(ks[2], (IN_DIM, HIDDEN), dtype=jnp.float32) * (1.0 / np.sqrt(IN_DIM))
    bl1 = jnp.zeros((HIDDEN,), dtype=jnp.float32)
    Wr1 = jax.random.normal(ks[3], (IN_DIM, HIDDEN), dtype=jnp.float32) * (1.0 / np.sqrt(IN_DIM))
    # SAGEConv layer 2 params
    Wl2 = jax.random.normal(ks[4], (HIDDEN, OUT_DIM), dtype=jnp.float32) * (1.0 / np.sqrt(HIDDEN))
    bl2 = jnp.zeros((OUT_DIM,), dtype=jnp.float32)
    Wr2 = jax.random.normal(ks[5], (HIDDEN, OUT_DIM), dtype=jnp.float32) * (1.0 / np.sqrt(HIDDEN))
    return {"x": x, "edge_index": edge_index, "Wl1": Wl1, "bl1": bl1, "Wr1": Wr1, "Wl2": Wl2, "bl2": bl2, "Wr2": Wr2}


def _sage_conv(h, edge_index, Wl, bl, Wr):
    # PyG SAGEConv with mean aggregation:
    #   out = lin_l(mean_{j in N(i)} x_j) + lin_r(x_i)
    src = edge_index[0]
    dst = edge_index[1]
    n = h.shape[0]
    msgs = h[src]  # gather source node features per edge
    agg = jax.ops.segment_sum(msgs, dst, num_segments=n)
    deg = jax.ops.segment_sum(jnp.ones((edge_index.shape[1],), dtype=h.dtype), dst, num_segments=n)
    mean = agg / jnp.clip(deg, 1.0)[:, None]
    return mean @ Wl + bl + h @ Wr


def reference(x, edge_index, Wl1, bl1, Wr1, Wl2, bl2, Wr2):
    h = jax.nn.relu(_sage_conv(x, edge_index, Wl1, bl1, Wr1))
    out = _sage_conv(h, edge_index, Wl2, bl2, Wr2)
    return out

if __name__ == "__main__":
    import jax
    _d = setup_inputs()
    print(jax.jit(kernel)(*tuple(_d.values())))

</pallas_src>

<mosaic_0001>
#map = affine_map<(d0, d1) -> (0, 0)>
module attributes {stable_mosaic.version = 14 : i64} {
  func.func @body(%arg0: i32, %arg1: i32, %arg2: memref<10000x64xf32, #tpu.memory_space<hbm>>, %arg3: memref<2560x128xi32, #tpu.memory_space<hbm>>, %arg4: memref<2560x128xi32, #tpu.memory_space<hbm>>, %arg5: memref<10240x64xf32, #tpu.memory_space<hbm>>, %arg6: memref<10240x16xf32, #tpu.memory_space<hbm>>, %arg7: memref<80x128xi32, #tpu.memory_space<vmem>>, %arg8: memref<80x128xi32, #tpu.memory_space<vmem>>, %arg9: memref<4x128x64xf32, #tpu.memory_space<vmem>>, %arg10: memref<128x64xf32, #tpu.memory_space<vmem>>, %arg11: memref<10240x64xf32, #tpu.memory_space<vmem_shared>>, %arg12: memref<4x!tpu.dma_semaphore, #tpu.memory_space<semaphore_mem>>, %arg13: memref<4x!tpu.dma_semaphore, #tpu.memory_space<semaphore_mem>>, %arg14: memref<!tpu.dma_semaphore, #tpu.memory_space<semaphore_mem>>, %arg15: memref<128x16xf32, #tpu.memory_space<vmem>>, %arg16: memref<128x16xf32, #tpu.memory_space<vmem>>, %arg17: memref<10240x16xf32, #tpu.memory_space<vmem_shared>>) attributes {dimension_semantics = [#tpu.dimension_semantics<core_parallel>, #tpu.dimension_semantics<subcore_parallel>], iteration_bounds = array<i64: 2, 16>, scalar_prefetch = 0 : i64, scratch_operands = 11 : i64, tpu.core_type = #tpu.core_type<sc_vector_subcore>, window_params = [{transform_indices = #map}, {transform_indices = #map}, {transform_indices = #map}, {transform_indices = #map}, {transform_indices = #map}]} {
    %mul3A = arith.constant 640 : i32
    %mul3A_0 = arith.muli %arg1, %mul3A : i32
    %eq3A = arith.constant 1 : i32
    %eq3A_1 = arith.cmpi eq, %arg0, %eq3A : i32
    %convert_element_type3A = arith.extui %eq3A_1 : i1 to i32
    %cond3A = arith.constant 0 : i32
    %cond3A_2 = arith.cmpi ne, %convert_element_type3A, %cond3A : i32
    scf.if %cond3A_2 {
      %scan3A = arith.constant 0 : i32
      %scan3A_3 = arith.constant 128 : i32
      %scan3A_4 = arith.addi %scan3A, %scan3A_3 : i32
      %scan3A_5 = arith.constant 1 : i32
      scf.for %scan3A_205 = %scan3A to %scan3A_4 step %scan3A_5  : i32 {
        %mul3A_206 = arith.constant 1 : i32
        %mul3A_207 = arith.muli %scan3A_205, %mul3A_206 : i32
        %add3A_208 = arith.constant 0 : i32
        %add3A_209 = arith.addi %add3A_208, %mul3A_207 : i32
        %broadcast_in_dim3A = arith.constant 0.000000e+00 : f32
        %broadcast_in_dim3A_210 = vector.broadcast %broadcast_in_dim3A : f32 to vector<16xf32>
        %swap3A = arith.index_cast %add3A_209 : i32 to index
        %swap3A_211 = arith.constant 0 : index
        %swap3A_212 = tpu.vector_load %arg10[%swap3A, %swap3A_211] {strides = array<i32>} : memref<128x64xf32, #tpu.memory_space<vmem>>, vector<1x16xf32>,
        %swap3A_213 = vector.shape_cast %swap3A_212 : vector<1x16xf32> to vector<16xf32>
        %swap3A_214 = vector.shape_cast %broadcast_in_dim3A_210 : vector<16xf32> to vector<1x16xf32>
        tpu.vector_store %arg10[%swap3A, %swap3A_211], %swap3A_214 {strides = array<i32>} : memref<128x64xf32, #tpu.memory_space<vmem>>, vector<1x16xf32>,
        %broadcast_in_dim3A_215 = arith.constant 0.000000e+00 : f32
        %broadcast_in_dim3A_216 = vector.broadcast %broadcast_in_dim3A_215 : f32 to vector<16xf32>
        %swap3A_217 = arith.index_cast %add3A_209 : i32 to index
        %swap3A_218 = arith.constant 16 : index
        %swap3A_219 = tpu.vector_load %arg10[%swap3A_217, %swap3A_218] {strides = array<i32>} : memref<128x64xf32, #tpu.memory_space<vmem>>, vector<1x16xf32>,
        %swap3A_220 = vector.shape_cast %swap3A_219 : vector<1x16xf32> to vector<16xf32>
        %swap3A_221 = vector.shape_cast %broadcast_in_dim3A_216 : vector<16xf32> to vector<1x16xf32>
        tpu.vector_store %arg10[%swap3A_217, %swap3A_218], %swap3A_221 {strides = array<i32>} : memref<128x64xf32, #tpu.memory_space<vmem>>, vector<1x16xf32>,
        %broadcast_in_dim3A_222 = arith.constant 0.000000e+00 : f32
        %broadcast_in_dim3A_223 = vector.broadcast %broadcast_in_dim3A_222 : f32 to vector<16xf32>
        %swap3A_224 = arith.index_cast %add3A_209 : i32 to index
        %swap3A_225 = arith.constant 32 : index
        %swap3A_226 = tpu.vector_load %arg10[%swap3A_224, %swap3A_225] {strides = array<i32>} : memref<128x64xf32, #tpu.memory_space<vmem>>, vector<1x16xf32>,
        %swap3A_227 = vector.shape_cast %swap3A_226 : vector<1x16xf32> to vector<16xf32>
        %swap3A_228 = vector.shape_cast %broadcast_in_dim3A_223 : vector<16xf32> to vector<1x16xf32>
        tpu.vector_store %arg10[%swap3A_224, %swap3A_225], %swap3A_228 {strides = array<i32>} : memref<128x64xf32, #tpu.memory_space<vmem>>, vector<1x16xf32>,
        %broadcast_in_dim3A_229 = arith.constant 0.000000e+00 : f32
        %broadcast_in_dim3A_230 = vector.broadcast %broadcast_in_dim3A_229 : f32 to vector<16xf32>
        %swap3A_231 = arith.index_cast %add3A_209 : i32 to index
        %swap3A_232 = arith.constant 48 : index
        %swap3A_233 = tpu.vector_load %arg10[%swap3A_231, %swap3A_232] {strides = array<i32>} : memref<128x64xf32, #tpu.memory_space<vmem>>, vector<1x16xf32>,
        %swap3A_234 = vector.shape_cast %swap3A_233 : vector<1x16xf32> to vector<16xf32>
        %swap3A_235 = vector.shape_cast %broadcast_in_dim3A_230 : vector<16xf32> to vector<1x16xf32>
        tpu.vector_store %arg10[%swap3A_231, %swap3A_232], %swap3A_235 {strides = array<i32>} : memref<128x64xf32, #tpu.memory_space<vmem>>, vector<1x16xf32>,
        %broadcast_in_dim3A_236 = arith.constant 0.000000e+00 : f32
        %broadcast_in_dim3A_237 = vector.broadcast %broadcast_in_dim3A_236 : f32 to vector<16xf32>
        %swap3A_238 = arith.index_cast %add3A_209 : i32 to index
        %swap3A_239 = arith.constant 0 : index
        %swap3A_240 = tpu.vector_load %arg16[%swap3A_238, %swap3A_239] {strides = array<i32>} : memref<128x16xf32, #tpu.memory_space<vmem>>, vector<1x16xf32>,
        %swap3A_241 = vector.shape_cast %swap3A_240 : vector<1x16xf32> to vector<16xf32>
        %swap3A_242 = vector.shape_cast %broadcast_in_dim3A_237 : vector<16xf32> to vector<1x16xf32>
        tpu.vector_store %arg16[%swap3A_238, %swap3A_239], %swap3A_242 {strides = array<i32>} : memref<128x16xf32, #tpu.memory_space<vmem>>, vector<1x16xf32>,
        %broadcast_in_dim3A_243 = arith.constant 1.000000e+00 : f32
        %broadcast_in_dim3A_244 = vector.broadcast %broadcast_in_dim3A_243 : f32 to vector<16xf32>
        %swap3A_245 = arith.index_cast %add3A_209 : i32 to index
        %swap3A_246 = arith.constant 0 : index
        %swap3A_247 = tpu.vector_load %arg15[%swap3A_245, %swap3A_246] {strides = array<i32>} : memref<128x16xf32, #tpu.memory_space<vmem>>, vector<1x16xf32>,
        %swap3A_248 = vector.shape_cast %swap3A_247 : vector<1x16xf32> to vector<16xf32>
        %swap3A_249 = vector.shape_cast %broadcast_in_dim3A_244 : vector<16xf32> to vector<1x16xf32>
        tpu.vector_store %arg15[%swap3A_245, %swap3A_246], %swap3A_249 {strides = array<i32>} : memref<128x16xf32, #tpu.memory_space<vmem>>, vector<1x16xf32>,
      }
      %scan3A_6 = arith.constant 128 : i32
      %scan3A_7 = arith.constant 0 : i32
      %scan3A_8 = arith.constant 5 : i32
      %scan3A_9 = arith.addi %scan3A_7, %scan3A_8 : i32
      %scan3A_10 = arith.constant 1 : i32
      scf.for %scan3A_205 = %scan3A_7 to %scan3A_9 step %scan3A_10  : i32 {
        %mul3A_206 = arith.constant 128 : i32
        %mul3A_207 = arith.muli %scan3A_205, %mul3A_206 : i32
        %add3A_208 = arith.constant 0 : i32
        %add3A_209 = arith.addi %add3A_208, %mul3A_207 : i32
        %add3A_210 = arith.addi %mul3A_0, %add3A_209 : i32
        "tpu.region"() ({
          %run_scoped3A = tpu.sem_alloc : memref<!tpu.dma_semaphore, #tpu.memory_space<semaphore_mem>>
          %dma_start3A = arith.constant 0 : i32
          %dma_start3A_212 = tpu.memref_slice %arg11[%add3A_210, %dma_start3A] : memref<10240x64xf32, #tpu.memory_space<vmem_shared>> -> memref<128x64xf32, #tpu.memory_space<vmem_shared>>
          %dma_start3A_213 = arith.constant 0 : i32
          %dma_start3A_214 = tpu.memref_slice %arg11[%add3A_210, %dma_start3A_213] : memref<10240x64xf32, #tpu.memory_space<vmem_shared>> -> memref<128x64xf32, #tpu.memory_space<vmem_shared>>
          tpu.enqueue_dma source(%arg10 : memref<128x64xf32, #tpu.memory_space<vmem>>) target(%dma_start3A_214 : memref<128x64xf32, #tpu.memory_space<vmem_shared>>) target_semaphore(%run_scoped3A : memref<!tpu.dma_semaphore, #tpu.memory_space<semaphore_mem>>)
          %dma_wait3A_215 = arith.constant 0 : i32
          %dma_wait3A_216 = tpu.memref_slice %arg11[%add3A_210, %dma_wait3A_215] : memref<10240x64xf32, #tpu.memory_space<vmem_shared>> -> memref<128x64xf32, #tpu.memory_space<vmem_shared>>
          %dma_wait3A_217 = arith.constant 0 : i32
          %dma_wait3A_218 = tpu.memref_slice %arg11[%add3A_210, %dma_wait3A_217] : memref<10240x64xf32, #tpu.memory_space<vmem_shared>> -> memref<128x64xf32, #tpu.memory_space<vmem_shared>>
          tpu.wait_dma2 semaphore(%run_scoped3A : memref<!tpu.dma_semaphore, #tpu.memory_space<semaphore_mem>>) src(%arg10 : memref<128x64xf32, #tpu.memory_space<vmem>>) dst(%dma_wait3A_218 : memref<128x64xf32, #tpu.memory_space<vmem_shared>>)
          tpu.yield
        }) : () -> ()
        %add3A_211 = arith.addi %mul3A_0, %add3A_209 : i32
        "tpu.region"() ({
          %run_scoped3A = tpu.sem_alloc : memref<!tpu.dma_semaphore, #tpu.memory_space<semaphore_mem>>
          %dma_start3A = arith.constant 0 : i32
          %dma_start3A_212 = tpu.memref_slice %arg17[%add3A_211, %dma_start3A] : memref<10240x16xf32, #tpu.memory_space<vmem_shared>> -> memref<128x16xf32, #tpu.memory_space<vmem_shared>>
          %dma_start3A_213 = arith.constant 0 : i32
          %dma_start3A_214 = tpu.memref_slice %arg17[%add3A_211, %dma_start3A_213] : memref<10240x16xf32, #tpu.memory_space<vmem_shared>> -> memref<128x16xf32, #tpu.memory_space<vmem_shared>>
          tpu.enqueue_dma source(%arg16 : memref<128x16xf32, #tpu.memory_space<vmem>>) target(%dma_start3A_214 : memref<128x16xf32, #tpu.memory_space<vmem_shared>>) target_semaphore(%run_scoped3A : memref<!tpu.dma_semaphore, #tpu.memory_space<semaphore_mem>>)
          %dma_wait3A_215 = arith.constant 0 : i32
          %dma_wait3A_216 = tpu.memref_slice %arg17[%add3A_211, %dma_wait3A_215] : memref<10240x16xf32, #tpu.memory_space<vmem_shared>> -> memref<128x16xf32, #tpu.memory_space<vmem_shared>>
          %dma_wait3A_217 = arith.constant 0 : i32
          %dma_wait3A_218 = tpu.memref_slice %arg17[%add3A_211, %dma_wait3A_217] : memref<10240x16xf32, #tpu.memory_space<vmem_shared>> -> memref<128x16xf32, #tpu.memory_space<vmem_shared>>
          tpu.wait_dma2 semaphore(%run_scoped3A : memref<!tpu.dma_semaphore, #tpu.memory_space<semaphore_mem>>) src(%arg16 : memref<128x16xf32, #tpu.memory_space<vmem>>) dst(%dma_wait3A_218 : memref<128x16xf32, #tpu.memory_space<vmem_shared>>)
          tpu.yield
        }) : () -> ()
      }
      %scan3A_11 = arith.constant 5 : i32
      %mul3A_12 = arith.constant 160 : i32
      %mul3A_13 = arith.muli %arg1, %mul3A_12 : i32
      %add3A = arith.constant 0 : i32
      %add3A_14 = arith.addi %mul3A_13, %add3A : i32
      "tpu.region"() ({
        %run_scoped3A = tpu.sem_alloc : memref<!tpu.dma_semaphore, #tpu.memory_space<semaphore_mem>>
        %dma_start3A = arith.constant 0 : i32
        %dma_start3A_205 = tpu.memref_slice %arg3[%add3A_14, %dma_start3A] : memref<2560x128xi32, #tpu.memory_space<hbm>> -> memref<80x128xi32, #tpu.memory_space<hbm>>
        %dma_start3A_206 = arith.constant 0 : i32
        %dma_start3A_207 = tpu.memref_slice %arg3[%add3A_14, %dma_start3A_206] : memref<2560x128xi32, #tpu.memory_space<hbm>> -> memref<80x128xi32, #tpu.memory_space<hbm>>
        tpu.enqueue_dma source(%dma_start3A_207 : memref<80x128xi32, #tpu.memory_space<hbm>>) target(%arg7 : memref<80x128xi32, #tpu.memory_space<vmem>>) target_semaphore(%run_scoped3A : memref<!tpu.dma_semaphore, #tpu.memory_space<semaphore_mem>>)
        %dma_wait3A_208 = arith.constant 0 : i32
        %dma_wait3A_209 = tpu.memref_slice %arg3[%add3A_14, %dma_wait3A_208] : memref<2560x128xi32, #tpu.memory_space<hbm>> -> memref<80x128xi32, #tpu.memory_space<hbm>>
        %dma_wait3A_210 = arith.constant 0 : i32
        %dma_wait3A_211 = tpu.memref_slice %arg3[%add3A_14, %dma_wait3A_210] : memref<2560x128xi32, #tpu.memory_space<hbm>> -> memref<80x128xi32, #tpu.memory_space<hbm>>
        tpu.wait_dma2 semaphore(%run_scoped3A : memref<!tpu.dma_semaphore, #tpu.memory_space<semaphore_mem>>) src(%dma_wait3A_211 : memref<80x128xi32, #tpu.memory_space<hbm>>) dst(%arg7 : memref<80x128xi32, #tpu.memory_space<vmem>>)
        tpu.yield
      }) : () -> ()
      "tpu.region"() ({
        %run_scoped3A = tpu.sem_alloc : memref<!tpu.dma_semaphore, #tpu.memory_space<semaphore_mem>>
        %dma_start3A = arith.constant 0 : i32
        %dma_start3A_205 = tpu.memref_slice %arg4[%add3A_14, %dma_start3A] : memref<2560x128xi32, #tpu.memory_space<hbm>> -> memref<80x128xi32, #tpu.memory_space<hbm>>
        %dma_start3A_206 = arith.constant 0 : i32
        %dma_start3A_207 = tpu.memref_slice %arg4[%add3A_14, %dma_start3A_206] : memref<2560x128xi32, #tpu.memory_space<hbm>> -> memref<80x128xi32, #tpu.memory_space<hbm>>
        tpu.enqueue_dma source(%dma_start3A_207 : memref<80x128xi32, #tpu.memory_space<hbm>>) target(%arg8 : memref<80x128xi32, #tpu.memory_space<vmem>>) target_semaphore(%run_scoped3A : memref<!tpu.dma_semaphore, #tpu.memory_space<semaphore_mem>>)
        %dma_wait3A_208 = arith.constant 0 : i32
        %dma_wait3A_209 = tpu.memref_slice %arg4[%add3A_14, %dma_wait3A_208] : memref<2560x128xi32, #tpu.memory_space<hbm>> -> memref<80x128xi32, #tpu.memory_space<hbm>>
        %dma_wait3A_210 = arith.constant 0 : i32
        %dma_wait3A_211 = tpu.memref_slice %arg4[%add3A_14, %dma_wait3A_210] : memref<2560x128xi32, #tpu.memory_space<hbm>> -> memref<80x128xi32, #tpu.memory_space<hbm>>
        tpu.wait_dma2 semaphore(%run_scoped3A : memref<!tpu.dma_semaphore, #tpu.memory_space<semaphore_mem>>) src(%dma_wait3A_211 : memref<80x128xi32, #tpu.memory_space<hbm>>) dst(%arg8 : memref<80x128xi32, #tpu.memory_space<vmem>>)
        tpu.yield
      }) : () -> ()
      %barrier3A = arith.constant 0 : index
      tpu.barrier barrier_id(%barrier3A)
      %scan3A_15 = arith.constant 0 : i32
      %scan3A_16 = arith.constant 20 : i32
      %scan3A_17 = arith.addi %scan3A_15, %scan3A_16 : i32
      %scan3A_18 = arith.constant 1 : i32
      scf.for %scan3A_205 = %scan3A_15 to %scan3A_17 step %scan3A_18  : i32 {
        %mul3A_206 = arith.constant 4 : i32
        %mul3A_207 = arith.muli %scan3A_205, %mul3A_206 : i32
        %add3A_208 = arith.constant 0 : i32
        %add3A_209 = arith.addi %add3A_208, %mul3A_207 : i32
        %gt3A = arith.constant 0 : i32
        %gt3A_210 = arith.cmpi sgt, %add3A_209, %gt3A : i32
        %convert_element_type3A_211 = arith.extui %gt3A_210 : i1 to i32
        %cond3A_212 = arith.constant 0 : i32
        %cond3A_213 = arith.cmpi ne, %convert_element_type3A_211, %cond3A_212 : i32
        scf.if %cond3A_213 {
          %dma_wait3A_464 = arith.constant 0 : i32
          %dma_wait3A_465 = arith.constant 0 : i32
          %dma_wait3A_466 = arith.constant 0 : i32
          %dma_wait3A_467 = arith.constant 0 : i32
          %dma_wait3A_468 = tpu.memref_slice %arg9[%dma_wait3A_464, %dma_wait3A_466, %dma_wait3A_467] : memref<4x128x64xf32, #tpu.memory_space<vmem>> -> memref<1x128x64xf32, #tpu.memory_space<vmem>>
          %dma_wait3A_469 = tpu.memref_squeeze %dma_wait3A_468 : memref<1x128x64xf32, #tpu.memory_space<vmem>> -> memref<128x64xf32, #tpu.memory_space<vmem>>
          %dma_wait3A_470 = arith.constant 0 : i32
          %dma_wait3A_471 = tpu.memref_slice %arg8[%add3A_209, %dma_wait3A_470] : memref<80x128xi32, #tpu.memory_space<vmem>> -> memref<1x128xi32, #tpu.memory_space<vmem>>
          %dma_wait3A_472 = tpu.memref_squeeze %dma_wait3A_471 : memref<1x128xi32, #tpu.memory_space<vmem>> -> memref<128xi32, #tpu.memory_space<vmem>>
          %dma_wait3A_473 = arith.constant 0 : i32
          %dma_wait3A_474 = arith.constant 0 : i32
          %dma_wait3A_475 = tpu.memref_slice %arg11[%dma_wait3A_473, %dma_wait3A_474] : memref<10240x64xf32, #tpu.memory_space<vmem_shared>> -> memref<10240x64xf32, #tpu.memory_space<vmem_shared>>
          %dma_wait3A_476 = tpu.memref_slice %arg13[%dma_wait3A_465] : memref<4x!tpu.dma_semaphore, #tpu.memory_space<semaphore_mem>> -> memref<1x!tpu.dma_semaphore, #tpu.memory_space<semaphore_mem>>
          %dma_wait3A_477 = tpu.memref_squeeze %dma_wait3A_476 : memref<1x!tpu.dma_semaphore, #tpu.memory_space<semaphore_mem>> -> memref<!tpu.dma_semaphore, #tpu.memory_space<semaphore_mem>>
          tpu.wait_indirect_dma semaphore(%dma_wait3A_477 : memref<!tpu.dma_semaphore, #tpu.memory_space<semaphore_mem>>) src(%dma_wait3A_469 : memref<128x64xf32, #tpu.memory_space<vmem>>) dst(%dma_wait3A_475 : memref<10240x64xf32, #tpu.memory_space<vmem_shared>>)
        } else {
        }
        %add3A_214 = arith.constant 0 : i32
        %add3A_215 = arith.addi %add3A_209, %add3A_214 : i32
        %dma_start3A = arith.constant 0 : i32
        %dma_start3A_216 = arith.constant 0 : i32
        %dma_start3A_217 = arith.constant 0 : i32
        %dma_start3A_218 = arith.constant 0 : i32
        %dma_start3A_219 = tpu.memref_slice %arg9[%dma_start3A, %dma_start3A_217, %dma_start3A_218] : memref<4x128x64xf32, #tpu.memory_space<vmem>> -> memref<1x128x64xf32, #tpu.memory_space<vmem>>
        %dma_start3A_220 = tpu.memref_squeeze %dma_start3A_219 : memref<1x128x64xf32, #tpu.memory_space<vmem>> -> memref<128x64xf32, #tpu.memory_space<vmem>>
        %dma_start3A_221 = arith.constant 0 : i32
        %dma_start3A_222 = tpu.memref_slice %arg7[%add3A_215, %dma_start3A_221] : memref<80x128xi32, #tpu.memory_space<vmem>> -> memref<1x128xi32, #tpu.memory_space<vmem>>
        %dma_start3A_223 = tpu.memref_squeeze %dma_start3A_222 : memref<1x128xi32, #tpu.memory_space<vmem>> -> memref<128xi32, #tpu.memory_space<vmem>>
        %dma_start3A_224 = arith.constant 0 : i32
        %dma_start3A_225 = arith.constant 0 : i32
        %dma_start3A_226 = tpu.memref_slice %arg2[%dma_start3A_224, %dma_start3A_225] : memref<10000x64xf32, #tpu.memory_space<hbm>> -> memref<10000x64xf32, #tpu.memory_space<hbm>>
        %dma_start3A_227 = tpu.memref_slice %arg12[%dma_start3A_216] : memref<4x!tpu.dma_semaphore, #tpu.memory_space<semaphore_mem>> -> memref<1x!tpu.dma_semaphore, #tpu.memory_space<semaphore_mem>>
        %dma_start3A_228 = tpu.memref_squeeze %dma_start3A_227 : memref<1x!tpu.dma_semaphore, #tpu.memory_space<semaphore_mem>> -> memref<!tpu.dma_semaphore, #tpu.memory_space<semaphore_mem>>
        tpu.enqueue_indirect_dma source(%dma_start3A_226 : memref<10000x64xf32, #tpu.memory_space<hbm>>) target(%dma_start3A_220 : memref<128x64xf32, #tpu.memory_space<vmem>>) offsets(%dma_start3A_223 : memref<128xi32, #tpu.memory_space<vmem>>) semaphore(%dma_start3A_228 : memref<!tpu.dma_semaphore, #tpu.memory_space<semaphore_mem>>)
        %gt3A_229 = arith.constant 0 : i32
        %gt3A_230 = arith.cmpi sgt, %add3A_209, %gt3A_229 : i32
        %convert_element_type3A_231 = arith.extui %gt3A_230 : i1 to i32
        %cond3A_232 = arith.constant 0 : i32
        %cond3A_233 = arith.cmpi ne, %convert_element_type3A_231, %cond3A_232 : i32
        scf.if %cond3A_233 {
          %dma_wait3A_464 = arith.constant 1 : i32
          %dma_wait3A_465 = arith.constant 1 : i32
          %dma_wait3A_466 = arith.constant 0 : i32
          %dma_wait3A_467 = arith.constant 0 : i32
          %dma_wait3A_468 = tpu.memref_slice %arg9[%dma_wait3A_464, %dma_wait3A_466, %dma_wait3A_467] : memref<4x128x64xf32, #tpu.memory_space<vmem>> -> memref<1x128x64xf32, #tpu.memory_space<vmem>>
          %dma_wait3A_469 = tpu.memref_squeeze %dma_wait3A_468 : memref<1x128x64xf32, #tpu.memory_space<vmem>> -> memref<128x64xf32, #tpu.memory_space<vmem>>
          %dma_wait3A_470 = arith.constant 0 : i32
          %dma_wait3A_471 = tpu.memref_slice %arg8[%add3A_209, %dma_wait3A_470] : memref<80x128xi32, #tpu.memory_space<vmem>> -> memref<1x128xi32, #tpu.memory_space<vmem>>
          %dma_wait3A_472 = tpu.memref_squeeze %dma_wait3A_471 : memref<1x128xi32, #tpu.memory_space<vmem>> -> memref<128xi32, #tpu.memory_space<vmem>>
          %dma_wait3A_473 = arith.constant 0 : i32
          %dma_wait3A_474 = arith.constant 0 : i32
          %dma_wait3A_475 = tpu.memref_slice %arg11[%dma_wait3A_473, %dma_wait3A_474] : memref<10240x64xf32, #tpu.memory_space<vmem_shared>> -> memref<10240x64xf32, #tpu.memory_space<vmem_shared>>
          %dma_wait3A_476 = tpu.memref_slice %arg13[%dma_wait3A_465] : memref<4x!tpu.dma_semaphore, #tpu.memory_space<semaphore_mem>> -> memref<1x!tpu.dma_semaphore, #tpu.memory_space<semaphore_mem>>
          %dma_wait3A_477 = tpu.memref_squeeze %dma_wait3A_476 : memref<1x!tpu.dma_semaphore, #tpu.memory_space<semaphore_mem>> -> memref<!tpu.dma_semaphore, #tpu.memory_space<semaphore_mem>>
          tpu.wait_indirect_dma semaphore(%dma_wait3A_477 : memref<!tpu.dma_semaphore, #tpu.memory_space<semaphore_mem>>) src(%dma_wait3A_469 : memref<128x64xf32, #tpu.memory_space<vmem>>) dst(%dma_wait3A_475 : memref<10240x64xf32, #tpu.memory_space<vmem_shared>>)
        } else {
        }
        %add3A_234 = arith.constant 1 : i32
        %add3A_235 = arith.addi %add3A_209, %add3A_234 : i32
        %dma_start3A_236 = arith.constant 1 : i32
        %dma_start3A_237 = arith.constant 1 : i32
        %dma_start3A_238 = arith.constant 0 : i32
        %dma_start3A_239 = arith.constant 0 : i32
        %dma_start3A_240 = tpu.memref_slice %arg9[%dma_start3A_236, %dma_start3A_238, %dma_start3A_239] : memref<4x128x64xf32, #tpu.memory_space<vmem>> -> memref<1x128x64xf32, #tpu.memory_space<vmem>>
        %dma_start3A_241 = tpu.memref_squeeze %dma_start3A_240 : memref<1x128x64xf32, #tpu.memory_space<vmem>> -> memref<128x64xf32, #tpu.memory_space<vmem>>
        %dma_start3A_242 = arith.constant 0 : i32
        %dma_start3A_243 = tpu.memref_slice %arg7[%add3A_235, %dma_start3A_242] : memref<80x128xi32, #tpu.memory_space<vmem>> -> memref<1x128xi32, #tpu.memory_space<vmem>>
        %dma_start3A_244 = tpu.memref_squeeze %dma_start3A_243 : memref<1x128xi32, #tpu.memory_space<vmem>> -> memref<128xi32, #tpu.memory_space<vmem>>
        %dma_start3A_245 = arith.constant 0 : i32
        %dma_start3A_246 = arith.constant 0 : i32
        %dma_start3A_247 = tpu.memref_slice %arg2[%dma_start3A_245, %dma_start3A_246] : memref<10000x64xf32, #tpu.memory_space<hbm>> -> memref<10000x64xf32, #tpu.memory_space<hbm>>
        %dma_start3A_248 = tpu.memref_slice %arg12[%dma_start3A_237] : memref<4x!tpu.dma_semaphore, #tpu.memory_space<semaphore_mem>> -> memref<1x!tpu.dma_semaphore, #tpu.memory_space<semaphore_mem>>
        %dma_start3A_249 = tpu.memref_squeeze %dma_start3A_248 : memref<1x!tpu.dma_semaphore, #tpu.memory_space<semaphore_mem>> -> memref<!tpu.dma_semaphore, #tpu.memory_space<semaphore_mem>>
        tpu.enqueue_indirect_dma source(%dma_start3A_247 : memref<10000x64xf32, #tpu.memory_space<hbm>>) target(%dma_start3A_241 : memref<128x64xf32, #tpu.memory_space<vmem>>) offsets(%dma_start3A_244 : memref<128xi32, #tpu.memory_space<vmem>>) semaphore(%dma_start3A_249 : memref<!tpu.dma_semaphore, #tpu.memory_space<semaphore_mem>>)
        %gt3A_250 = arith.constant 0 : i32
        %gt3A_251 = arith.cmpi sgt, %add3A_209, %gt3A_250 : i32
        %convert_element_type3A_252 = arith.extui %gt3A_251 : i1 to i32
        %cond3A_253 = arith.constant 0 : i32
        %cond3A_254 = arith.cmpi ne, %convert_element_type3A_252, %cond3A_253 : i32
        scf.if %cond3A_254 {
          %dma_wait3A_464 = arith.constant 2 : i32
          %dma_wait3A_465 = arith.constant 2 : i32
          %dma_wait3A_466 = arith.constant 0 : i32
          %dma_wait3A_467 = arith.constant 0 : i32
          %dma_wait3A_468 = tpu.memref_slice %arg9[%dma_wait3A_464, %dma_wait3A_466, %dma_wait3A_467] : memref<4x128x64xf32, #tpu.memory_space<vmem>> -> memref<1x128x64xf32, #tpu.memory_space<vmem>>
          %dma_wait3A_469 = tpu.memref_squeeze %dma_wait3A_468 : memref<1x128x64xf32, #tpu.memory_space<vmem>> -> memref<128x64xf32, #tpu.memory_space<vmem>>
          %dma_wait3A_470 = arith.constant 0 : i32
          %dma_wait3A_471 = tpu.memref_slice %arg8[%add3A_209, %dma_wait3A_470] : memref<80x128xi32, #tpu.memory_space<vmem>> -> memref<1x128xi32, #tpu.memory_space<vmem>>
          %dma_wait3A_472 = tpu.memref_squeeze %dma_wait3A_471 : memref<1x128xi32, #tpu.memory_space<vmem>> -> memref<128xi32, #tpu.memory_space<vmem>>
          %dma_wait3A_473 = arith.constant 0 : i32
          %dma_wait3A_474 = arith.constant 0 : i32
          %dma_wait3A_475 = tpu.memref_slice %arg11[%dma_wait3A_473, %dma_wait3A_474] : memref<10240x64xf32, #tpu.memory_space<vmem_shared>> -> memref<10240x64xf32, #tpu.memory_space<vmem_shared>>
          %dma_wait3A_476 = tpu.memref_slice %arg13[%dma_wait3A_465] : memref<4x!tpu.dma_semaphore, #tpu.memory_space<semaphore_mem>> -> memref<1x!tpu.dma_semaphore, #tpu.memory_space<semaphore_mem>>
          %dma_wait3A_477 = tpu.memref_squeeze %dma_wait3A_476 : memref<1x!tpu.dma_semaphore, #tpu.memory_space<semaphore_mem>> -> memref<!tpu.dma_semaphore, #tpu.memory_space<semaphore_mem>>
          tpu.wait_indirect_dma semaphore(%dma_wait3A_477 : memref<!tpu.dma_semaphore, #tpu.memory_space<semaphore_mem>>) src(%dma_wait3A_469 : memref<128x64xf32, #tpu.memory_space<vmem>>) dst(%dma_wait3A_475 : memref<10240x64xf32, #tpu.memory_space<vmem_shared>>)
        } else {
        }
        %add3A_255 = arith.constant 2 : i32
        %add3A_256 = arith.addi %add3A_209, %add3A_255 : i32
        %dma_start3A_257 = arith.constant 2 : i32
        %dma_start3A_258 = arith.constant 2 : i32
        %dma_start3A_259 = arith.constant 0 : i32
        %dma_start3A_260 = arith.constant 0 : i32
        %dma_start3A_261 = tpu.memref_slice %arg9[%dma_start3A_257, %dma_start3A_259, %dma_start3A_260] : memref<4x128x64xf32, #tpu.memory_space<vmem>> -> memref<1x128x64xf32, #tpu.memory_space<vmem>>
        %dma_start3A_262 = tpu.memref_squeeze %dma_start3A_261 : memref<1x128x64xf32, #tpu.memory_space<vmem>> -> memref<128x64xf32, #tpu.memory_space<vmem>>
        %dma_start3A_263 = arith.constant 0 : i32
        %dma_start3A_264 = tpu.memref_slice %arg7[%add3A_256, %dma_start3A_263] : memref<80x128xi32, #tpu.memory_space<vmem>> -> memref<1x128xi32, #tpu.memory_space<vmem>>
        %dma_start3A_265 = tpu.memref_squeeze %dma_start3A_264 : memref<1x128xi32, #tpu.memory_space<vmem>> -> memref<128xi32, #tpu.memory_space<vmem>>
        %dma_start3A_266 = arith.constant 0 : i32
        %dma_start3A_267 = arith.constant 0 : i32
        %dma_start3A_268 = tpu.memref_slice %arg2[%dma_start3A_266, %dma_start3A_267] : memref<10000x64xf32, #tpu.memory_space<hbm>> -> memref<10000x64xf32, #tpu.memory_space<hbm>>
        %dma_start3A_269 = tpu.memref_slice %arg12[%dma_start3A_258] : memref<4x!tpu.dma_semaphore, #tpu.memory_space<semaphore_mem>> -> memref<1x!tpu.dma_semaphore, #tpu.memory_space<semaphore_mem>>
        %dma_start3A_270 = tpu.memref_squeeze %dma_start3A_269 : memref<1x!tpu.dma_semaphore, #tpu.memory_space<semaphore_mem>> -> memref<!tpu.dma_semaphore, #tpu.memory_space<semaphore_mem>>
        tpu.enqueue_indirect_dma source(%dma_start3A_268 : memref<10000x64xf32, #tpu.memory_space<hbm>>) target(%dma_start3A_262 : memref<128x64xf32, #tpu.memory_space<vmem>>) offsets(%dma_start3A_265 : memref<128xi32, #tpu.memory_space<vmem>>) semaphore(%dma_start3A_270 : memref<!tpu.dma_semaphore, #tpu.memory_space<semaphore_mem>>)
        %gt3A_271 = arith.constant 0 : i32
        %gt3A_272 = arith.cmpi sgt, %add3A_209, %gt3A_271 : i32
        %convert_element_type3A_273 = arith.extui %gt3A_272 : i1 to i32
        %cond3A_274 = arith.constant 0 : i32
        %cond3A_275 = arith.cmpi ne, %convert_element_type3A_273, %cond3A_274 : i32
        scf.if %cond3A_275 {
          %dma_wait3A_464 = arith.constant 3 : i32
          %dma_wait3A_465 = arith.constant 3 : i32
          %dma_wait3A_466 = arith.constant 0 : i32
          %dma_wait3A_467 = arith.constant 0 : i32
          %dma_wait3A_468 = tpu.memref_slice %arg9[%dma_wait3A_464, %dma_wait3A_466, %dma_wait3A_467] : memref<4x128x64xf32, #tpu.memory_space<vmem>> -> memref<1x128x64xf32, #tpu.memory_space<vmem>>
          %dma_wait3A_469 = tpu.memref_squeeze %dma_wait3A_468 : memref<1x128x64xf32, #tpu.memory_space<vmem>> -> memref<128x64xf32, #tpu.memory_space<vmem>>
          %dma_wait3A_470 = arith.constant 0 : i32
          %dma_wait3A_471 = tpu.memref_slice %arg8[%add3A_209, %dma_wait3A_470] : memref<80x128xi32, #tpu.memory_space<vmem>> -> memref<1x128xi32, #tpu.memory_space<vmem>>
          %dma_wait3A_472 = tpu.memref_squeeze %dma_wait3A_471 : memref<1x128xi32, #tpu.memory_space<vmem>> -> memref<128xi32, #tpu.memory_space<vmem>>
          %dma_wait3A_473 = arith.constant 0 : i32
          %dma_wait3A_474 = arith.constant 0 : i32
          %dma_wait3A_475 = tpu.memref_slice %arg11[%dma_wait3A_473, %dma_wait3A_474] : memref<10240x64xf32, #tpu.memory_space<vmem_shared>> -> memref<10240x64xf32, #tpu.memory_space<vmem_shared>>
          %dma_wait3A_476 = tpu.memref_slice %arg13[%dma_wait3A_465] : memref<4x!tpu.dma_semaphore, #tpu.memory_space<semaphore_mem>> -> memref<1x!tpu.dma_semaphore, #tpu.memory_space<semaphore_mem>>
          %dma_wait3A_477 = tpu.memref_squeeze %dma_wait3A_476 : memref<1x!tpu.dma_semaphore, #tpu.memory_space<semaphore_mem>> -> memref<!tpu.dma_semaphore, #tpu.memory_space<semaphore_mem>>
          tpu.wait_indirect_dma semaphore(%dma_wait3A_477 : memref<!tpu.dma_semaphore, #tpu.memory_space<semaphore_mem>>) src(%dma_wait3A_469 : memref<128x64xf32, #tpu.memory_space<vmem>>) dst(%dma_wait3A_475 : memref<10240x64xf32, #tpu.memory_space<vmem_shared>>)
        } else {
        }
        %add3A_276 = arith.constant 3 : i32
        %add3A_277 = arith.addi %add3A_209, %add3A_276 : i32
        %dma_start3A_278 = arith.constant 3 : i32
        %dma_start3A_279 = arith.constant 3 : i32
        %dma_start3A_280 = arith.constant 0 : i32
        %dma_start3A_281 = arith.constant 0 : i32
        %dma_start3A_282 = tpu.memref_slice %arg9[%dma_start3A_278, %dma_start3A_280, %dma_start3A_281] : memref<4x128x64xf32, #tpu.memory_space<vmem>> -> memref<1x128x64xf32, #tpu.memory_space<vmem>>
        %dma_start3A_283 = tpu.memref_squeeze %dma_start3A_282 : memref<1x128x64xf32, #tpu.memory_space<vmem>> -> memref<128x64xf32, #tpu.memory_space<vmem>>
        %dma_start3A_284 = arith.constant 0 : i32
        %dma_start3A_285 = tpu.memref_slice %arg7[%add3A_277, %dma_start3A_284] : memref<80x128xi32, #tpu.memory_space<vmem>> -> memref<1x128xi32, #tpu.memory_space<vmem>>
        %dma_start3A_286 = tpu.memref_squeeze %dma_start3A_285 : memref<1x128xi32, #tpu.memory_space<vmem>> -> memref<128xi32, #tpu.memory_space<vmem>>
        %dma_start3A_287 = arith.constant 0 : i32
        %dma_start3A_288 = arith.constant 0 : i32
        %dma_start3A_289 = tpu.memref_slice %arg2[%dma_start3A_287, %dma_start3A_288] : memref<10000x64xf32, #tpu.memory_space<hbm>> -> memref<10000x64xf32, #tpu.memory_space<hbm>>
        %dma_start3A_290 = tpu.memref_slice %arg12[%dma_start3A_279] : memref<4x!tpu.dma_semaphore, #tpu.memory_space<semaphore_mem>> -> memref<1x!tpu.dma_semaphore, #tpu.memory_space<semaphore_mem>>
        %dma_start3A_291 = tpu.memref_squeeze %dma_start3A_290 : memref<1x!tpu.dma_semaphore, #tpu.memory_space<semaphore_mem>> -> memref<!tpu.dma_semaphore, #tpu.memory_space<semaphore_mem>>
        tpu.enqueue_indirect_dma source(%dma_start3A_289 : memref<10000x64xf32, #tpu.memory_space<hbm>>) target(%dma_start3A_283 : memref<128x64xf32, #tpu.memory_space<vmem>>) offsets(%dma_start3A_286 : memref<128xi32, #tpu.memory_space<vmem>>) semaphore(%dma_start3A_291 : memref<!tpu.dma_semaphore, #tpu.memory_space<semaphore_mem>>)
        %dma_wait3A_292 = arith.constant 0 : i32
        %dma_wait3A_293 = arith.constant 0 : i32
        %dma_wait3A_294 = arith.constant 0 : i32
        %dma_wait3A_295 = arith.constant 0 : i32
        %dma_wait3A_296 = tpu.memref_slice %arg9[%dma_wait3A_292, %dma_wait3A_294, %dma_wait3A_295] : memref<4x128x64xf32, #tpu.memory_space<vmem>> -> memref<1x128x64xf32, #tpu.memory_space<vmem>>
        %dma_wait3A_297 = tpu.memref_squeeze %dma_wait3A_296 : memref<1x128x64xf32, #tpu.memory_space<vmem>> -> memref<128x64xf32, #tpu.memory_space<vmem>>
        %dma_wait3A_298 = arith.constant 0 : i32
        %dma_wait3A_299 = tpu.memref_slice %arg7[%add3A_215, %dma_wait3A_298] : memref<80x128xi32, #tpu.memory_space<vmem>> -> memref<1x128xi32, #tpu.memory_space<vmem>>
        %dma_wait3A_300 = tpu.memref_squeeze %dma_wait3A_299 : memref<1x128xi32, #tpu.memory_space<vmem>> -> memref<128xi32, #tpu.memory_space<vmem>>
        %dma_wait3A_301 = arith.constant 0 : i32
        %dma_wait3A_302 = arith.constant 0 : i32
        %dma_wait3A_303 = tpu.memref_slice %arg2[%dma_wait3A_301, %dma_wait3A_302] : memref<10000x64xf32, #tpu.memory_space<hbm>> -> memref<10000x64xf32, #tpu.memory_space<hbm>>
        %dma_wait3A_304 = tpu.memref_slice %arg12[%dma_wait3A_293] : memref<4x!tpu.dma_semaphore, #tpu.memory_space<semaphore_mem>> -> memref<1x!tpu.dma_semaphore, #tpu.memory_space<semaphore_mem>>
        %dma_wait3A_305 = tpu.memref_squeeze %dma_wait3A_304 : memref<1x!tpu.dma_semaphore, #tpu.memory_space<semaphore_mem>> -> memref<!tpu.dma_semaphore, #tpu.memory_space<semaphore_mem>>
        tpu.wait_indirect_dma semaphore(%dma_wait3A_305 : memref<!tpu.dma_semaphore, #tpu.memory_space<semaphore_mem>>) src(%dma_wait3A_303 : memref<10000x64xf32, #tpu.memory_space<hbm>>) dst(%dma_wait3A_297 : memref<128x64xf32, #tpu.memory_space<vmem>>)
        %add3A_306 = arith.constant 0 : i32
        %add3A_307 = arith.addi %add3A_209, %add3A_306 : i32
        %dma_start3A_308 = arith.constant 0 : i32
        %dma_start3A_309 = arith.constant 0 : i32
        %dma_start3A_310 = arith.constant 0 : i32
        %dma_start3A_311 = arith.constant 0 : i32
        %dma_start3A_312 = tpu.memref_slice %arg9[%dma_start3A_308, %dma_start3A_310, %dma_start3A_311] : memref<4x128x64xf32, #tpu.memory_space<vmem>> -> memref<1x128x64xf32, #tpu.memory_space<vmem>>
        %dma_start3A_313 = tpu.memref_squeeze %dma_start3A_312 : memref<1x128x64xf32, #tpu.memory_space<vmem>> -> memref<128x64xf32, #tpu.memory_space<vmem>>
        %dma_start3A_314 = arith.constant 0 : i32
        %dma_start3A_315 = tpu.memref_slice %arg8[%add3A_307, %dma_start3A_314] : memref<80x128xi32, #tpu.memory_space<vmem>> -> memref<1x128xi32, #tpu.memory_space<vmem>>
        %dma_start3A_316 = tpu.memref_squeeze %dma_start3A_315 : memref<1x128xi32, #tpu.memory_space<vmem>> -> memref<128xi32, #tpu.memory_space<vmem>>
        %dma_start3A_317 = arith.constant 0 : i32
        %dma_start3A_318 = arith.constant 0 : i32
        %dma_start3A_319 = tpu.memref_slice %arg11[%dma_start3A_317, %dma_start3A_318] : memref<10240x64xf32, #tpu.memory_space<vmem_shared>> -> memref<10240x64xf32, #tpu.memory_space<vmem_shared>>
        %dma_start3A_320 = tpu.memref_slice %arg13[%dma_start3A_309] : memref<4x!tpu.dma_semaphore, #tpu.memory_space<semaphore_mem>> -> memref<1x!tpu.dma_semaphore, #tpu.memory_space<semaphore_mem>>
        %dma_start3A_321 = tpu.memref_squeeze %dma_start3A_320 : memref<1x!tpu.dma_semaphore, #tpu.memory_space<semaphore_mem>> -> memref<!tpu.dma_semaphore, #tpu.memory_space<semaphore_mem>>
        tpu.enqueue_indirect_dma source(%dma_start3A_313 : memref<128x64xf32, #tpu.memory_space<vmem>>) target(%dma_start3A_319 : memref<10240x64xf32, #tpu.memory_space<vmem_shared>>) offsets(%dma_start3A_316 : memref<128xi32, #tpu.memory_space<vmem>>) semaphore(%dma_start3A_321 : memref<!tpu.dma_semaphore, #tpu.memory_space<semaphore_mem>>) {add = true}
        %add3A_322 = arith.constant 0 : i32
        %add3A_323 = arith.addi %add3A_209, %add3A_322 : i32
        %dma_start3A_324 = arith.constant 0 : i32
        %dma_start3A_325 = tpu.memref_slice %arg8[%add3A_323, %dma_start3A_324] : memref<80x128xi32, #tpu.memory_space<vmem>> -> memref<1x128xi32, #tpu.memory_space<vmem>>
        %dma_start3A_326 = tpu.memref_squeeze %dma_start3A_325 : memref<1x128xi32, #tpu.memory_space<vmem>> -> memref<128xi32, #tpu.memory_space<vmem>>
        %dma_start3A_327 = arith.constant 0 : i32
        %dma_start3A_328 = arith.constant 0 : i32
        %dma_start3A_329 = tpu.memref_slice %arg17[%dma_start3A_327, %dma_start3A_328] : memref<10240x16xf32, #tpu.memory_space<vmem_shared>> -> memref<10240x16xf32, #tpu.memory_space<vmem_shared>>
        tpu.enqueue_indirect_dma source(%arg15 : memref<128x16xf32, #tpu.memory_space<vmem>>) target(%dma_start3A_329 : memref<10240x16xf32, #tpu.memory_space<vmem_shared>>) offsets(%dma_start3A_326 : memref<128xi32, #tpu.memory_space<vmem>>) semaphore(%arg14 : memref<!tpu.dma_semaphore, #tpu.memory_space<semaphore_mem>>) {add = true}
        %gt3A_330 = arith.constant 0 : i32
        %gt3A_331 = arith.cmpi sgt, %add3A_209, %gt3A_330 : i32
        %convert_element_type3A_332 = arith.extui %gt3A_331 : i1 to i32
        %cond3A_333 = arith.constant 0 : i32
        %cond3A_334 = arith.cmpi ne, %convert_element_type3A_332, %cond3A_333 : i32
        scf.if %cond3A_334 {
          %dma_wait3A_464 = arith.constant 0 : i32
          %dma_wait3A_465 = tpu.memref_slice %arg8[%add3A_323, %dma_wait3A_464] : memref<80x128xi32, #tpu.memory_space<vmem>> -> memref<1x128xi32, #tpu.memory_space<vmem>>
          %dma_wait3A_466 = tpu.memref_squeeze %dma_wait3A_465 : memref<1x128xi32, #tpu.memory_space<vmem>> -> memref<128xi32, #tpu.memory_space<vmem>>
          %dma_wait3A_467 = arith.constant 0 : i32
          %dma_wait3A_468 = arith.constant 0 : i32
          %dma_wait3A_469 = tpu.memref_slice %arg17[%dma_wait3A_467, %dma_wait3A_468] : memref<10240x16xf32, #tpu.memory_space<vmem_shared>> -> memref<10240x16xf32, #tpu.memory_space<vmem_shared>>
          tpu.wait_indirect_dma semaphore(%arg14 : memref<!tpu.dma_semaphore, #tpu.memory_space<semaphore_mem>>) src(%arg15 : memref<128x16xf32, #tpu.memory_space<vmem>>) dst(%dma_wait3A_469 : memref<10240x16xf32, #tpu.memory_space<vmem_shared>>)
        } else {
        }
        %dma_wait3A_335 = arith.constant 1 : i32
        %dma_wait3A_336 = arith.constant 1 : i32
        %dma_wait3A_337 = arith.constant 0 : i32
        %dma_wait3A_338 = arith.constant 0 : i32
        %dma_wait3A_339 = tpu.memref_slice %arg9[%dma_wait3A_335, %dma_wait3A_337, %dma_wait3A_338] : memref<4x128x64xf32, #tpu.memory_space<vmem>> -> memref<1x128x64xf32, #tpu.memory_space<vmem>>
        %dma_wait3A_340 = tpu.memref_squeeze %dma_wait3A_339 : memref<1x128x64xf32, #tpu.memory_space<vmem>> -> memref<128x64xf32, #tpu.memory_space<vmem>>
        %dma_wait3A_341 = arith.constant 0 : i32
        %dma_wait3A_342 = tpu.memref_slice %arg7[%add3A_235, %dma_wait3A_341] : memref<80x128xi32, #tpu.memory_space<vmem>> -> memref<1x128xi32, #tpu.memory_space<vmem>>
        %dma_wait3A_343 = tpu.memref_squeeze %dma_wait3A_342 : memref<1x128xi32, #tpu.memory_space<vmem>> -> memref<128xi32, #tpu.memory_space<vmem>>
        %dma_wait3A_344 = arith.constant 0 : i32
        %dma_wait3A_345 = arith.constant 0 : i32
        %dma_wait3A_346 = tpu.memref_slice %arg2[%dma_wait3A_344, %dma_wait3A_345] : memref<10000x64xf32, #tpu.memory_space<hbm>> -> memref<10000x64xf32, #tpu.memory_space<hbm>>
        %dma_wait3A_347 = tpu.memref_slice %arg12[%dma_wait3A_336] : memref<4x!tpu.dma_semaphore, #tpu.memory_space<semaphore_mem>> -> memref<1x!tpu.dma_semaphore, #tpu.memory_space<semaphore_mem>>
        %dma_wait3A_348 = tpu.memref_squeeze %dma_wait3A_347 : memref<1x!tpu.dma_semaphore, #tpu.memory_space<semaphore_mem>> -> memref<!tpu.dma_semaphore, #tpu.memory_space<semaphore_mem>>
        tpu.wait_indirect_dma semaphore(%dma_wait3A_348 : memref<!tpu.dma_semaphore, #tpu.memory_space<semaphore_mem>>) src(%dma_wait3A_346 : memref<10000x64xf32, #tpu.memory_space<hbm>>) dst(%dma_wait3A_340 : memref<128x64xf32, #tpu.memory_space<vmem>>)
        %add3A_349 = arith.constant 1 : i32
        %add3A_350 = arith.addi %add3A_209, %add3A_349 : i32
        %dma_start3A_351 = arith.constant 1 : i32
        %dma_start3A_352 = arith.constant 1 : i32
        %dma_start3A_353 = arith.constant 0 : i32
        %dma_start3A_354 = arith.constant 0 : i32
        %dma_start3A_355 = tpu.memref_slice %arg9[%dma_start3A_351, %dma_start3A_353, %dma_start3A_354] : memref<4x128x64xf32, #tpu.memory_space<vmem>> -> memref<1x128x64xf32, #tpu.memory_space<vmem>>
        %dma_start3A_356 = tpu.memref_squeeze %dma_start3A_355 : memref<1x128x64xf32, #tpu.memory_space<vmem>> -> memref<128x64xf32, #tpu.memory_space<vmem>>
        %dma_start3A_357 = arith.constant 0 : i32
        %dma_start3A_358 = tpu.memref_slice %arg8[%add3A_350, %dma_start3A_357] : memref<80x128xi32, #tpu.memory_space<vmem>> -> memref<1x128xi32, #tpu.memory_space<vmem>>
        %dma_start3A_359 = tpu.memref_squeeze %dma_start3A_358 : memref<1x128xi32, #tpu.memory_space<vmem>> -> memref<128xi32, #tpu.memory_space<vmem>>
        %dma_start3A_360 = arith.constant 0 : i32
        %dma_start3A_361 = arith.constant 0 : i32
        %dma_start3A_362 = tpu.memref_slice %arg11[%dma_start3A_360, %dma_start3A_361] : memref<10240x64xf32, #tpu.memory_space<vmem_shared>> -> memref<10240x64xf32, #tpu.memory_space<vmem_shared>>
        %dma_start3A_363 = tpu.memref_slice %arg13[%dma_start3A_352] : memref<4x!tpu.dma_semaphore, #tpu.memory_space<semaphore_mem>> -> memref<1x!tpu.dma_semaphore, #tpu.memory_space<semaphore_mem>>
        %dma_start3A_364 = tpu.memref_squeeze %dma_start3A_363 : memref<1x!tpu.dma_semaphore, #tpu.memory_space<semaphore_mem>> -> memref<!tpu.dma_semaphore, #tpu.memory_space<semaphore_mem>>
        tpu.enqueue_indirect_dma source(%dma_start3A_356 : memref<128x64xf32, #tpu.memory_space<vmem>>) target(%dma_start3A_362 : memref<10240x64xf32, #tpu.memory_space<vmem_shared>>) offsets(%dma_start3A_359 : memref<128xi32, #tpu.memory_space<vmem>>) semaphore(%dma_start3A_364 : memref<!tpu.dma_semaphore, #tpu.memory_space<semaphore_mem>>) {add = true}
        %add3A_365 = arith.constant 1 : i32
        %add3A_366 = arith.addi %add3A_209, %add3A_365 : i32
        %dma_start3A_367 = arith.constant 0 : i32
        %dma_start3A_368 = tpu.memref_slice %arg8[%add3A_366, %dma_start3A_367] : memref<80x128xi32, #tpu.memory_space<vmem>> -> memref<1x128xi32, #tpu.memory_space<vmem>>
        %dma_start3A_369 = tpu.memref_squeeze %dma_start3A_368 : memref<1x128xi32, #tpu.memory_space<vmem>> -> memref<128xi32, #tpu.memory_space<vmem>>
        %dma_start3A_370 = arith.constant 0 : i32
        %dma_start3A_371 = arith.constant 0 : i32
        %dma_start3A_372 = tpu.memref_slice %arg17[%dma_start3A_370, %dma_start3A_371] : memref<10240x16xf32, #tpu.memory_space<vmem_shared>> -> memref<10240x16xf32, #tpu.memory_space<vmem_shared>>
        tpu.enqueue_indirect_dma source(%arg15 : memref<128x16xf32, #tpu.memory_space<vmem>>) target(%dma_start3A_372 : memref<10240x16xf32, #tpu.memory_space<vmem_shared>>) offsets(%dma_start3A_369 : memref<128xi32, #tpu.memory_space<vmem>>) semaphore(%arg14 : memref<!tpu.dma_semaphore, #tpu.memory_space<semaphore_mem>>) {add = true}
        %gt3A_373 = arith.constant 0 : i32
        %gt3A_374 = arith.cmpi sgt, %add3A_209, %gt3A_373 : i32
        %convert_element_type3A_375 = arith.extui %gt3A_374 : i1 to i32
        %cond3A_376 = arith.constant 0 : i32
        %cond3A_377 = arith.cmpi ne, %convert_element_type3A_375, %cond3A_376 : i32
        scf.if %cond3A_377 {
          %dma_wait3A_464 = arith.constant 0 : i32
          %dma_wait3A_465 = tpu.memref_slice %arg8[%add3A_366, %dma_wait3A_464] : memref<80x128xi32, #tpu.memory_space<vmem>> -> memref<1x128xi32, #tpu.memory_space<vmem>>
          %dma_wait3A_466 = tpu.memref_squeeze %dma_wait3A_465 : memref<1x128xi32, #tpu.memory_space<vmem>> -> memref<128xi32, #tpu.memory_space<vmem>>
          %dma_wait3A_467 = arith.constant 0 : i32
          %dma_wait3A_468 = arith.constant 0 : i32
          %dma_wait3A_469 = tpu.memref_slice %arg17[%dma_wait3A_467, %dma_wait3A_468] : memref<10240x16xf32, #tpu.memory_space<vmem_shared>> -> memref<10240x16xf32, #tpu.memory_space<vmem_shared>>
          tpu.wait_indirect_dma semaphore(%arg14 : memref<!tpu.dma_semaphore, #tpu.memory_space<semaphore_mem>>) src(%arg15 : memref<128x16xf32, #tpu.memory_space<vmem>>) dst(%dma_wait3A_469 : memref<10240x16xf32, #tpu.memory_space<vmem_shared>>)
        } else {
        }
        %dma_wait3A_378 = arith.constant 2 : i32
        %dma_wait3A_379 = arith.constant 2 : i32
        %dma_wait3A_380 = arith.constant 0 : i32
        %dma_wait3A_381 = arith.constant 0 : i32
        %dma_wait3A_382 = tpu.memref_slice %arg9[%dma_wait3A_378, %dma_wait3A_380, %dma_wait3A_381] : memref<4x128x64xf32, #tpu.memory_space<vmem>> -> memref<1x128x64xf32, #tpu.memory_space<vmem>>
        %dma_wait3A_383 = tpu.memref_squeeze %dma_wait3A_382 : memref<1x128x64xf32, #tpu.memory_space<vmem>> -> memref<128x64xf32, #tpu.memory_space<vmem>>
        %dma_wait3A_384 = arith.constant 0 : i32
        %dma_wait3A_385 = tpu.memref_slice %arg7[%add3A_256, %dma_wait3A_384] : memref<80x128xi32, #tpu.memory_space<vmem>> -> memref<1x128xi32, #tpu.memory_space<vmem>>
        %dma_wait3A_386 = tpu.memref_squeeze %dma_wait3A_385 : memref<1x128xi32, #tpu.memory_space<vmem>> -> memref<128xi32, #tpu.memory_space<vmem>>
        %dma_wait3A_387 = arith.constant 0 : i32
        %dma_wait3A_388 = arith.constant 0 : i32
        %dma_wait3A_389 = tpu.memref_slice %arg2[%dma_wait3A_387, %dma_wait3A_388] : memref<10000x64xf32, #tpu.memory_space<hbm>> -> memref<10000x64xf32, #tpu.memory_space<hbm>>
        %dma_wait3A_390 = tpu.memref_slice %arg12[%dma_wait3A_379] : memref<4x!tpu.dma_semaphore, #tpu.memory_space<semaphore_mem>> -> memref<1x!tpu.dma_semaphore, #tpu.memory_space<semaphore_mem>>
        %dma_wait3A_391 = tpu.memref_squeeze %dma_wait3A_390 : memref<1x!tpu.dma_semaphore, #tpu.memory_space<semaphore_mem>> -> memref<!tpu.dma_semaphore, #tpu.memory_space<semaphore_mem>>
        tpu.wait_indirect_dma semaphore(%dma_wait3A_391 : memref<!tpu.dma_semaphore, #tpu.memory_space<semaphore_mem>>) src(%dma_wait3A_389 : memref<10000x64xf32, #tpu.memory_space<hbm>>) dst(%dma_wait3A_383 : memref<128x64xf32, #tpu.memory_space<vmem>>)
        %add3A_392 = arith.constant 2 : i32
        %add3A_393 = arith.addi %add3A_209, %add3A_392 : i32
        %dma_start3A_394 = arith.constant 2 : i32
        %dma_start3A_395 = arith.constant 2 : i32
        %dma_start3A_396 = arith.constant 0 : i32
        %dma_start3A_397 = arith.constant 0 : i32
        %dma_start3A_398 = tpu.memref_slice %arg9[%dma_start3A_394, %dma_start3A_396, %dma_start3A_397] : memref<4x128x64xf32, #tpu.memory_space<vmem>> -> memref<1x128x64xf32, #tpu.memory_space<vmem>>
        %dma_start3A_399 = tpu.memref_squeeze %dma_start3A_398 : memref<1x128x64xf32, #tpu.memory_space<vmem>> -> memref<128x64xf32, #tpu.memory_space<vmem>>
        %dma_start3A_400 = arith.constant 0 : i32
        %dma_start3A_401 = tpu.memref_slice %arg8[%add3A_393, %dma_start3A_400] : memref<80x128xi32, #tpu.memory_space<vmem>> -> memref<1x128xi32, #tpu.memory_space<vmem>>
        %dma_start3A_402 = tpu.memref_squeeze %dma_start3A_401 : memref<1x128xi32, #tpu.memory_space<vmem>> -> memref<128xi32, #tpu.memory_space<vmem>>
        %dma_start3A_403 = arith.constant 0 : i32
        %dma_start3A_404 = arith.constant 0 : i32
        %dma_start3A_405 = tpu.memref_slice %arg11[%dma_start3A_403, %dma_start3A_404] : memref<10240x64xf32, #tpu.memory_space<vmem_shared>> -> memref<10240x64xf32, #tpu.memory_space<vmem_shared>>
        %dma_start3A_406 = tpu.memref_slice %arg13[%dma_start3A_395] : memref<4x!tpu.dma_semaphore, #tpu.memory_space<semaphore_mem>> -> memref<1x!tpu.dma_semaphore, #tpu.memory_space<semaphore_mem>>
        %dma_start3A_407 = tpu.memref_squeeze %dma_start3A_406 : memref<1x!tpu.dma_semaphore, #tpu.memory_space<semaphore_mem>> -> memref<!tpu.dma_semaphore, #tpu.memory_space<semaphore_mem>>
        tpu.enqueue_indirect_dma source(%dma_start3A_399 : memref<128x64xf32, #tpu.memory_space<vmem>>) target(%dma_start3A_405 : memref<10240x64xf32, #tpu.memory_space<vmem_shared>>) offsets(%dma_start3A_402 : memref<128xi32, #tpu.memory_space<vmem>>) semaphore(%dma_start3A_407 : memref<!tpu.dma_semaphore, #tpu.memory_space<semaphore_mem>>) {add = true}
        %add3A_408 = arith.constant 2 : i32
        %add3A_409 = arith.addi %add3A_209, %add3A_408 : i32
        %dma_start3A_410 = arith.constant 0 : i32
        %dma_start3A_411 = tpu.memref_slice %arg8[%add3A_409, %dma_start3A_410] : memref<80x128xi32, #tpu.memory_space<vmem>> -> memref<1x128xi32, #tpu.memory_space<vmem>>
        %dma_start3A_412 = tpu.memref_squeeze %dma_start3A_411 : memref<1x128xi32, #tpu.memory_space<vmem>> -> memref<128xi32, #tpu.memory_space<vmem>>
        %dma_start3A_413 = arith.constant 0 : i32
        %dma_start3A_414 = arith.constant 0 : i32
        %dma_start3A_415 = tpu.memref_slice %arg17[%dma_start3A_413, %dma_start3A_414] : memref<10240x16xf32, #tpu.memory_space<vmem_shared>> -> memref<10240x16xf32, #tpu.memory_space<vmem_shared>>
        tpu.enqueue_indirect_dma source(%arg15 : memref<128x16xf32, #tpu.memory_space<vmem>>) target(%dma_start3A_415 : memref<10240x16xf32, #tpu.memory_space<vmem_shared>>) offsets(%dma_start3A_412 : memref<128xi32, #tpu.memory_space<vmem>>) semaphore(%arg14 : memref<!tpu.dma_semaphore, #tpu.memory_space<semaphore_mem>>) {add = true}
        %gt3A_416 = arith.constant 0 : i32
        %gt3A_417 = arith.cmpi sgt, %add3A_209, %gt3A_416 : i32
        %convert_element_type3A_418 = arith.extui %gt3A_417 : i1 to i32
        %cond3A_419 = arith.constant 0 : i32
        %cond3A_420 = arith.cmpi ne, %convert_element_type3A_418, %cond3A_419 : i32
        scf.if %cond3A_420 {
          %dma_wait3A_464 = arith.constant 0 : i32
          %dma_wait3A_465 = tpu.memref_slice %arg8[%add3A_409, %dma_wait3A_464] : memref<80x128xi32, #tpu.memory_space<vmem>> -> memref<1x128xi32, #tpu.memory_space<vmem>>
          %dma_wait3A_466 = tpu.memref_squeeze %dma_wait3A_465 : memref<1x128xi32, #tpu.memory_space<vmem>> -> memref<128xi32, #tpu.memory_space<vmem>>
          %dma_wait3A_467 = arith.constant 0 : i32
          %dma_wait3A_468 = arith.constant 0 : i32
          %dma_wait3A_469 = tpu.memref_slice %arg17[%dma_wait3A_467, %dma_wait3A_468] : memref<10240x16xf32, #tpu.memory_space<vmem_shared>> -> memref<10240x16xf32, #tpu.memory_space<vmem_shared>>
          tpu.wait_indirect_dma semaphore(%arg14 : memref<!tpu.dma_semaphore, #tpu.memory_space<semaphore_mem>>) src(%arg15 : memref<128x16xf32, #tpu.memory_space<vmem>>) dst(%dma_wait3A_469 : memref<10240x16xf32, #tpu.memory_space<vmem_shared>>)
        } else {
        }
        %dma_wait3A_421 = arith.constant 3 : i32
        %dma_wait3A_422 = arith.constant 3 : i32
        %dma_wait3A_423 = arith.constant 0 : i32
        %dma_wait3A_424 = arith.constant 0 : i32
        %dma_wait3A_425 = tpu.memref_slice %arg9[%dma_wait3A_421, %dma_wait3A_423, %dma_wait3A_424] : memref<4x128x64xf32, #tpu.memory_space<vmem>> -> memref<1x128x64xf32, #tpu.memory_space<vmem>>
        %dma_wait3A_426 = tpu.memref_squeeze %dma_wait3A_425 : memref<1x128x64xf32, #tpu.memory_space<vmem>> -> memref<128x64xf32, #tpu.memory_space<vmem>>
        %dma_wait3A_427 = arith.constant 0 : i32
        %dma_wait3A_428 = tpu.memref_slice %arg7[%add3A_277, %dma_wait3A_427] : memref<80x128xi32, #tpu.memory_space<vmem>> -> memref<1x128xi32, #tpu.memory_space<vmem>>
        %dma_wait3A_429 = tpu.memref_squeeze %dma_wait3A_428 : memref<1x128xi32, #tpu.memory_space<vmem>> -> memref<128xi32, #tpu.memory_space<vmem>>
        %dma_wait3A_430 = arith.constant 0 : i32
        %dma_wait3A_431 = arith.constant 0 : i32
        %dma_wait3A_432 = tpu.memref_slice %arg2[%dma_wait3A_430, %dma_wait3A_431] : memref<10000x64xf32, #tpu.memory_space<hbm>> -> memref<10000x64xf32, #tpu.memory_space<hbm>>
        %dma_wait3A_433 = tpu.memref_slice %arg12[%dma_wait3A_422] : memref<4x!tpu.dma_semaphore, #tpu.memory_space<semaphore_mem>> -> memref<1x!tpu.dma_semaphore, #tpu.memory_space<semaphore_mem>>
        %dma_wait3A_434 = tpu.memref_squeeze %dma_wait3A_433 : memref<1x!tpu.dma_semaphore, #tpu.memory_space<semaphore_mem>> -> memref<!tpu.dma_semaphore, #tpu.memory_space<semaphore_mem>>
        tpu.wait_indirect_dma semaphore(%dma_wait3A_434 : memref<!tpu.dma_semaphore, #tpu.memory_space<semaphore_mem>>) src(%dma_wait3A_432 : memref<10000x64xf32, #tpu.memory_space<hbm>>) dst(%dma_wait3A_426 : memref<128x64xf32, #tpu.memory_space<vmem>>)
        %add3A_435 = arith.constant 3 : i32
        %add3A_436 = arith.addi %add3A_209, %add3A_435 : i32
        %dma_start3A_437 = arith.constant 3 : i32
        %dma_start3A_438 = arith.constant 3 : i32
        %dma_start3A_439 = arith.constant 0 : i32
        %dma_start3A_440 = arith.constant 0 : i32
        %dma_start3A_441 = tpu.memref_slice %arg9[%dma_start3A_437, %dma_start3A_439, %dma_start3A_440] : memref<4x128x64xf32, #tpu.memory_space<vmem>> -> memref<1x128x64xf32, #tpu.memory_space<vmem>>
        %dma_start3A_442 = tpu.memref_squeeze %dma_start3A_441 : memref<1x128x64xf32, #tpu.memory_space<vmem>> -> memref<128x64xf32, #tpu.memory_space<vmem>>
        %dma_start3A_443 = arith.constant 0 : i32
        %dma_start3A_444 = tpu.memref_slice %arg8[%add3A_436, %dma_start3A_443] : memref<80x128xi32, #tpu.memory_space<vmem>> -> memref<1x128xi32, #tpu.memory_space<vmem>>
        %dma_start3A_445 = tpu.memref_squeeze %dma_start3A_444 : memref<1x128xi32, #tpu.memory_space<vmem>> -> memref<128xi32, #tpu.memory_space<vmem>>
        %dma_start3A_446 = arith.constant 0 : i32
        %dma_start3A_447 = arith.constant 0 : i32
        %dma_start3A_448 = tpu.memref_slice %arg11[%dma_start3A_446, %dma_start3A_447] : memref<10240x64xf32, #tpu.memory_space<vmem_shared>> -> memref<10240x64xf32, #tpu.memory_space<vmem_shared>>
        %dma_start3A_449 = tpu.memref_slice %arg13[%dma_start3A_438] : memref<4x!tpu.dma_semaphore, #tpu.memory_space<semaphore_mem>> -> memref<1x!tpu.dma_semaphore, #tpu.memory_space<semaphore_mem>>
        %dma_start3A_450 = tpu.memref_squeeze %dma_start3A_449 : memref<1x!tpu.dma_semaphore, #tpu.memory_space<semaphore_mem>> -> memref<!tpu.dma_semaphore, #tpu.memory_space<semaphore_mem>>
        tpu.enqueue_indirect_dma source(%dma_start3A_442 : memref<128x64xf32, #tpu.memory_space<vmem>>) target(%dma_start3A_448 : memref<10240x64xf32, #tpu.memory_space<vmem_shared>>) offsets(%dma_start3A_445 : memref<128xi32, #tpu.memory_space<vmem>>) semaphore(%dma_start3A_450 : memref<!tpu.dma_semaphore, #tpu.memory_space<semaphore_mem>>) {add = true}
        %add3A_451 = arith.constant 3 : i32
        %add3A_452 = arith.addi %add3A_209, %add3A_451 : i32
        %dma_start3A_453 = arith.constant 0 : i32
        %dma_start3A_454 = tpu.memref_slice %arg8[%add3A_452, %dma_start3A_453] : memref<80x128xi32, #tpu.memory_space<vmem>> -> memref<1x128xi32, #tpu.memory_space<vmem>>
        %dma_start3A_455 = tpu.memref_squeeze %dma_start3A_454 : memref<1x128xi32, #tpu.memory_space<vmem>> -> memref<128xi32, #tpu.memory_space<vmem>>
        %dma_start3A_456 = arith.constant 0 : i32
        %dma_start3A_457 = arith.constant 0 : i32
        %dma_start3A_458 = tpu.memref_slice %arg17[%dma_start3A_456, %dma_start3A_457] : memref<10240x16xf32, #tpu.memory_space<vmem_shared>> -> memref<10240x16xf32, #tpu.memory_space<vmem_shared>>
        tpu.enqueue_indirect_dma source(%arg15 : memref<128x16xf32, #tpu.memory_space<vmem>>) target(%dma_start3A_458 : memref<10240x16xf32, #tpu.memory_space<vmem_shared>>) offsets(%dma_start3A_455 : memref<128xi32, #tpu.memory_space<vmem>>) semaphore(%arg14 : memref<!tpu.dma_semaphore, #tpu.memory_space<semaphore_mem>>) {add = true}
        %gt3A_459 = arith.constant 0 : i32
        %gt3A_460 = arith.cmpi sgt, %add3A_209, %gt3A_459 : i32
        %convert_element_type3A_461 = arith.extui %gt3A_460 : i1 to i32
        %cond3A_462 = arith.constant 0 : i32
        %cond3A_463 = arith.cmpi ne, %convert_element_type3A_461, %cond3A_462 : i32
        scf.if %cond3A_463 {
          %dma_wait3A_464 = arith.constant 0 : i32
          %dma_wait3A_465 = tpu.memref_slice %arg8[%add3A_452, %dma_wait3A_464] : memref<80x128xi32, #tpu.memory_space<vmem>> -> memref<1x128xi32, #tpu.memory_space<vmem>>
          %dma_wait3A_466 = tpu.memref_squeeze %dma_wait3A_465 : memref<1x128xi32, #tpu.memory_space<vmem>> -> memref<128xi32, #tpu.memory_space<vmem>>
          %dma_wait3A_467 = arith.constant 0 : i32
          %dma_wait3A_468 = arith.constant 0 : i32
          %dma_wait3A_469 = tpu.memref_slice %arg17[%dma_wait3A_467, %dma_wait3A_468] : memref<10240x16xf32, #tpu.memory_space<vmem_shared>> -> memref<10240x16xf32, #tpu.memory_space<vmem_shared>>
          tpu.wait_indirect_dma semaphore(%arg14 : memref<!tpu.dma_semaphore, #tpu.memory_space<semaphore_mem>>) src(%arg15 : memref<128x16xf32, #tpu.memory_space<vmem>>) dst(%dma_wait3A_469 : memref<10240x16xf32, #tpu.memory_space<vmem_shared>>)
        } else {
        }
      }
      %scan3A_19 = arith.constant 20 : i32
      %dma_wait3A = arith.constant 0 : i32
      %dma_wait3A_20 = arith.constant 0 : i32
      %dma_wait3A_21 = arith.constant 0 : i32
      %dma_wait3A_22 = arith.constant 0 : i32
      %dma_wait3A_23 = arith.constant 0 : i32
      %dma_wait3A_24 = tpu.memref_slice %arg9[%dma_wait3A, %dma_wait3A_22, %dma_wait3A_23] : memref<4x128x64xf32, #tpu.memory_space<vmem>> -> memref<1x128x64xf32, #tpu.memory_space<vmem>>
      %dma_wait3A_25 = tpu.memref_squeeze %dma_wait3A_24 : memref<1x128x64xf32, #tpu.memory_space<vmem>> -> memref<128x64xf32, #tpu.memory_space<vmem>>
      %dma_wait3A_26 = arith.constant 0 : i32
      %dma_wait3A_27 = tpu.memref_slice %arg8[%dma_wait3A_20, %dma_wait3A_26] : memref<80x128xi32, #tpu.memory_space<vmem>> -> memref<1x128xi32, #tpu.memory_space<vmem>>
      %dma_wait3A_28 = tpu.memref_squeeze %dma_wait3A_27 : memref<1x128xi32, #tpu.memory_space<vmem>> -> memref<128xi32, #tpu.memory_space<vmem>>
      %dma_wait3A_29 = arith.constant 0 : i32
      %dma_wait3A_30 = arith.constant 0 : i32
      %dma_wait3A_31 = tpu.memref_slice %arg11[%dma_wait3A_29, %dma_wait3A_30] : memref<10240x64xf32, #tpu.memory_space<vmem_shared>> -> memref<10240x64xf32, #tpu.memory_space<vmem_shared>>
      %dma_wait3A_32 = tpu.memref_slice %arg13[%dma_wait3A_21] : memref<4x!tpu.dma_semaphore, #tpu.memory_space<semaphore_mem>> -> memref<1x!tpu.dma_semaphore, #tpu.memory_space<semaphore_mem>>
      %dma_wait3A_33 = tpu.memref_squeeze %dma_wait3A_32 : memref<1x!tpu.dma_semaphore, #tpu.memory_space<semaphore_mem>> -> memref<!tpu.dma_semaphore, #tpu.memory_space<semaphore_mem>>
      tpu.wait_indirect_dma semaphore(%dma_wait3A_33 : memref<!tpu.dma_semaphore, #tpu.memory_space<semaphore_mem>>) src(%dma_wait3A_25 : memref<128x64xf32, #tpu.memory_space<vmem>>) dst(%dma_wait3A_31 : memref<10240x64xf32, #tpu.memory_space<vmem_shared>>)
      %dma_wait3A_34 = arith.constant 0 : i32
      %dma_wait3A_35 = arith.constant 0 : i32
      %dma_wait3A_36 = tpu.memref_slice %arg8[%dma_wait3A_34, %dma_wait3A_35] : memref<80x128xi32, #tpu.memory_space<vmem>> -> memref<1x128xi32, #tpu.memory_space<vmem>>
      %dma_wait3A_37 = tpu.memref_squeeze %dma_wait3A_36 : memref<1x128xi32, #tpu.memory_space<vmem>> -> memref<128xi32, #tpu.memory_space<vmem>>
      %dma_wait3A_38 = arith.constant 0 : i32
      %dma_wait3A_39 = arith.constant 0 : i32
      %dma_wait3A_40 = tpu.memref_slice %arg17[%dma_wait3A_38, %dma_wait3A_39] : memref<10240x16xf32, #tpu.memory_space<vmem_shared>> -> memref<10240x16xf32, #tpu.memory_space<vmem_shared>>
      tpu.wait_indirect_dma semaphore(%arg14 : memref<!tpu.dma_semaphore, #tpu.memory_space<semaphore_mem>>) src(%arg15 : memref<128x16xf32, #tpu.memory_space<vmem>>) dst(%dma_wait3A_40 : memref<10240x16xf32, #tpu.memory_space<vmem_shared>>)
      %dma_wait3A_41 = arith.constant 1 : i32
      %dma_wait3A_42 = arith.constant 0 : i32
      %dma_wait3A_43 = arith.constant 1 : i32
      %dma_wait3A_44 = arith.constant 0 : i32
      %dma_wait3A_45 = arith.constant 0 : i32
      %dma_wait3A_46 = tpu.memref_slice %arg9[%dma_wait3A_41, %dma_wait3A_44, %dma_wait3A_45] : memref<4x128x64xf32, #tpu.memory_space<vmem>> -> memref<1x128x64xf32, #tpu.memory_space<vmem>>
      %dma_wait3A_47 = tpu.memref_squeeze %dma_wait3A_46 : memref<1x128x64xf32, #tpu.memory_space<vmem>> -> memref<128x64xf32, #tpu.memory_space<vmem>>
      %dma_wait3A_48 = arith.constant 0 : i32
      %dma_wait3A_49 = tpu.memref_slice %arg8[%dma_wait3A_42, %dma_wait3A_48] : memref<80x128xi32, #tpu.memory_space<vmem>> -> memref<1x128xi32, #tpu.memory_space<vmem>>
      %dma_wait3A_50 = tpu.memref_squeeze %dma_wait3A_49 : memref<1x128xi32, #tpu.memory_space<vmem>> -> memref<128xi32, #tpu.memory_space<vmem>>
      %dma_wait3A_51 = arith.constant 0 : i32
      %dma_wait3A_52 = arith.constant 0 : i32
      %dma_wait3A_53 = tpu.memref_slice %arg11[%dma_wait3A_51, %dma_wait3A_52] : memref<10240x64xf32, #tpu.memory_space<vmem_shared>> -> memref<10240x64xf32, #tpu.memory_space<vmem_shared>>
      %dma_wait3A_54 = tpu.memref_slice %arg13[%dma_wait3A_43] : memref<4x!tpu.dma_semaphore, #tpu.memory_space<semaphore_mem>> -> memref<1x!tpu.dma_semaphore, #tpu.memory_space<semaphore_mem>>
      %dma_wait3A_55 = tpu.memref_squeeze %dma_wait3A_54 : memref<1x!tpu.dma_semaphore, #tpu.memory_space<semaphore_mem>> -> memref<!tpu.dma_semaphore, #tpu.memory_space<semaphore_mem>>
      tpu.wait_indirect_dma semaphore(%dma_wait3A_55 : memref<!tpu.dma_semaphore, #tpu.memory_space<semaphore_mem>>) src(%dma_wait3A_47 : memref<128x64xf32, #tpu.memory_space<vmem>>) dst(%dma_wait3A_53 : memref<10240x64xf32, #tpu.memory_space<vmem_shared>>)
      %dma_wait3A_56 = arith.constant 0 : i32
      %dma_wait3A_57 = arith.constant 0 : i32
      %dma_wait3A_58 = tpu.memref_slice %arg8[%dma_wait3A_56, %dma_wait3A_57] : memref<80x128xi32, #tpu.memory_space<vmem>> -> memref<1x128xi32, #tpu.memory_space<vmem>>
      %dma_wait3A_59 = tpu.memref_squeeze %dma_wait3A_58 : memref<1x128xi32, #tpu.memory_space<vmem>> -> memref<128xi32, #tpu.memory_space<vmem>>
      %dma_wait3A_60 = arith.constant 0 : i32
      %dma_wait3A_61 = arith.constant 0 : i32
      %dma_wait3A_62 = tpu.memref_slice %arg17[%dma_wait3A_60, %dma_wait3A_61] : memref<10240x16xf32, #tpu.memory_space<vmem_shared>> -> memref<10240x16xf32, #tpu.memory_space<vmem_shared>>
      tpu.wait_indirect_dma semaphore(%arg14 : memref<!tpu.dma_semaphore, #tpu.memory_space<semaphore_mem>>) src(%arg15 : memref<128x16xf32, #tpu.memory_space<vmem>>) dst(%dma_wait3A_62 : memref<10240x16xf32, #tpu.memory_space<vmem_shared>>)
      %dma_wait3A_63 = arith.constant 2 : i32
      %dma_wait3A_64 = arith.constant 0 : i32
      %dma_wait3A_65 = arith.constant 2 : i32
      %dma_wait3A_66 = arith.constant 0 : i32
      %dma_wait3A_67 = arith.constant 0 : i32
      %dma_wait3A_68 = tpu.memref_slice %arg9[%dma_wait3A_63, %dma_wait3A_66, %dma_wait3A_67] : memref<4x128x64xf32, #tpu.memory_space<vmem>> -> memref<1x128x64xf32, #tpu.memory_space<vmem>>
      %dma_wait3A_69 = tpu.memref_squeeze %dma_wait3A_68 : memref<1x128x64xf32, #tpu.memory_space<vmem>> -> memref<128x64xf32, #tpu.memory_space<vmem>>
      %dma_wait3A_70 = arith.constant 0 : i32
      %dma_wait3A_71 = tpu.memref_slice %arg8[%dma_wait3A_64, %dma_wait3A_70] : memref<80x128xi32, #tpu.memory_space<vmem>> -> memref<1x128xi32, #tpu.memory_space<vmem>>
      %dma_wait3A_72 = tpu.memref_squeeze %dma_wait3A_71 : memref<1x128xi32, #tpu.memory_space<vmem>> -> memref<128xi32, #tpu.memory_space<vmem>>
      %dma_wait3A_73 = arith.constant 0 : i32
      %dma_wait3A_74 = arith.constant 0 : i32
      %dma_wait3A_75 = tpu.memref_slice %arg11[%dma_wait3A_73, %dma_wait3A_74] : memref<10240x64xf32, #tpu.memory_space<vmem_shared>> -> memref<10240x64xf32, #tpu.memory_space<vmem_shared>>
      %dma_wait3A_76 = tpu.memref_slice %arg13[%dma_wait3A_65] : memref<4x!tpu.dma_semaphore, #tpu.memory_space<semaphore_mem>> -> memref<1x!tpu.dma_semaphore, #tpu.memory_space<semaphore_mem>>
      %dma_wait3A_77 = tpu.memref_squeeze %dma_wait3A_76 : memref<1x!tpu.dma_semaphore, #tpu.memory_space<semaphore_mem>> -> memref<!tpu.dma_semaphore, #tpu.memory_space<semaphore_mem>>
      tpu.wait_indirect_dma semaphore(%dma_wait3A_77 : memref<!tpu.dma_semaphore, #tpu.memory_space<semaphore_mem>>) src(%dma_wait3A_69 : memref<128x64xf32, #tpu.memory_space<vmem>>) dst(%dma_wait3A_75 : memref<10240x64xf32, #tpu.memory_space<vmem_shared>>)
      %dma_wait3A_78 = arith.constant 0 : i32
      %dma_wait3A_79 = arith.constant 0 : i32
      %dma_wait3A_80 = tpu.memref_slice %arg8[%dma_wait3A_78, %dma_wait3A_79] : memref<80x128xi32, #tpu.memory_space<vmem>> -> memref<1x128xi32, #tpu.memory_space<vmem>>
      %dma_wait3A_81 = tpu.memref_squeeze %dma_wait3A_80 : memref<1x128xi32, #tpu.memory_space<vmem>> -> memref<128xi32, #tpu.memory_space<vmem>>
      %dma_wait3A_82 = arith.constant 0 : i32
      %dma_wait3A_83 = arith.constant 0 : i32
      %dma_wait3A_84 = tpu.memref_slice %arg17[%dma_wait3A_82, %dma_wait3A_83] : memref<10240x16xf32, #tpu.memory_space<vmem_shared>> -> memref<10240x16xf32, #tpu.memory_space<vmem_shared>>
      tpu.wait_indirect_dma semaphore(%arg14 : memref<!tpu.dma_semaphore, #tpu.memory_space<semaphore_mem>>) src(%arg15 : memref<128x16xf32, #tpu.memory_space<vmem>>) dst(%dma_wait3A_84 : memref<10240x16xf32, #tpu.memory_space<vmem_shared>>)
      %dma_wait3A_85 = arith.constant 3 : i32
      %dma_wait3A_86 = arith.constant 0 : i32
      %dma_wait3A_87 = arith.constant 3 : i32
      %dma_wait3A_88 = arith.constant 0 : i32
      %dma_wait3A_89 = arith.constant 0 : i32
      %dma_wait3A_90 = tpu.memref_slice %arg9[%dma_wait3A_85, %dma_wait3A_88, %dma_wait3A_89] : memref<4x128x64xf32, #tpu.memory_space<vmem>> -> memref<1x128x64xf32, #tpu.memory_space<vmem>>
      %dma_wait3A_91 = tpu.memref_squeeze %dma_wait3A_90 : memref<1x128x64xf32, #tpu.memory_space<vmem>> -> memref<128x64xf32, #tpu.memory_space<vmem>>
      %dma_wait3A_92 = arith.constant 0 : i32
      %dma_wait3A_93 = tpu.memref_slice %arg8[%dma_wait3A_86, %dma_wait3A_92] : memref<80x128xi32, #tpu.memory_space<vmem>> -> memref<1x128xi32, #tpu.memory_space<vmem>>
      %dma_wait3A_94 = tpu.memref_squeeze %dma_wait3A_93 : memref<1x128xi32, #tpu.memory_space<vmem>> -> memref<128xi32, #tpu.memory_space<vmem>>
      %dma_wait3A_95 = arith.constant 0 : i32
      %dma_wait3A_96 = arith.constant 0 : i32
      %dma_wait3A_97 = tpu.memref_slice %arg11[%dma_wait3A_95, %dma_wait3A_96] : memref<10240x64xf32, #tpu.memory_space<vmem_shared>> -> memref<10240x64xf32, #tpu.memory_space<vmem_shared>>
      %dma_wait3A_98 = tpu.memref_slice %arg13[%dma_wait3A_87] : memref<4x!tpu.dma_semaphore, #tpu.memory_space<semaphore_mem>> -> memref<1x!tpu.dma_semaphore, #tpu.memory_space<semaphore_mem>>
      %dma_wait3A_99 = tpu.memref_squeeze %dma_wait3A_98 : memref<1x!tpu.dma_semaphore, #tpu.memory_space<semaphore_mem>> -> memref<!tpu.dma_semaphore, #tpu.memory_space<semaphore_mem>>
      tpu.wait_indirect_dma semaphore(%dma_wait3A_99 : memref<!tpu.dma_semaphore, #tpu.memory_space<semaphore_mem>>) src(%dma_wait3A_91 : memref<128x64xf32, #tpu.memory_space<vmem>>) dst(%dma_wait3A_97 : memref<10240x64xf32, #tpu.memory_space<vmem_shared>>)
      %dma_wait3A_100 = arith.constant 0 : i32
      %dma_wait3A_101 = arith.constant 0 : i32
      %dma_wait3A_102 = tpu.memref_slice %arg8[%dma_wait3A_100, %dma_wait3A_101] : memref<80x128xi32, #tpu.memory_space<vmem>> -> memref<1x128xi32, #tpu.memory_space<vmem>>
      %dma_wait3A_103 = tpu.memref_squeeze %dma_wait3A_102 : memref<1x128xi32, #tpu.memory_space<vmem>> -> memref<128xi32, #tpu.memory_space<vmem>>
      %dma_wait3A_104 = arith.constant 0 : i32
      %dma_wait3A_105 = arith.constant 0 : i32
      %dma_wait3A_106 = tpu.memref_slice %arg17[%dma_wait3A_104, %dma_wait3A_105] : memref<10240x16xf32, #tpu.memory_space<vmem_shared>> -> memref<10240x16xf32, #tpu.memory_space<vmem_shared>>
      tpu.wait_indirect_dma semaphore(%arg14 : memref<!tpu.dma_semaphore, #tpu.memory_space<semaphore_mem>>) src(%arg15 : memref<128x16xf32, #tpu.memory_space<vmem>>) dst(%dma_wait3A_106 : memref<10240x16xf32, #tpu.memory_space<vmem_shared>>)
      %mul3A_107 = arith.constant 160 : i32
      %mul3A_108 = arith.muli %arg1, %mul3A_107 : i32
      %add3A_109 = arith.constant 80 : i32
      %add3A_110 = arith.addi %mul3A_108, %add3A_109 : i32
      "tpu.region"() ({
        %run_scoped3A = tpu.sem_alloc : memref<!tpu.dma_semaphore, #tpu.memory_space<semaphore_mem>>
        %dma_start3A = arith.constant 0 : i32
        %dma_start3A_205 = tpu.memref_slice %arg3[%add3A_110, %dma_start3A] : memref<2560x128xi32, #tpu.memory_space<hbm>> -> memref<80x128xi32, #tpu.memory_space<hbm>>
        %dma_start3A_206 = arith.constant 0 : i32
        %dma_start3A_207 = tpu.memref_slice %arg3[%add3A_110, %dma_start3A_206] : memref<2560x128xi32, #tpu.memory_space<hbm>> -> memref<80x128xi32, #tpu.memory_space<hbm>>
        tpu.enqueue_dma source(%dma_start3A_207 : memref<80x128xi32, #tpu.memory_space<hbm>>) target(%arg7 : memref<80x128xi32, #tpu.memory_space<vmem>>) target_semaphore(%run_scoped3A : memref<!tpu.dma_semaphore, #tpu.memory_space<semaphore_mem>>)
        %dma_wait3A_208 = arith.constant 0 : i32
        %dma_wait3A_209 = tpu.memref_slice %arg3[%add3A_110, %dma_wait3A_208] : memref<2560x128xi32, #tpu.memory_space<hbm>> -> memref<80x128xi32, #tpu.memory_space<hbm>>
        %dma_wait3A_210 = arith.constant 0 : i32
        %dma_wait3A_211 = tpu.memref_slice %arg3[%add3A_110, %dma_wait3A_210] : memref<2560x128xi32, #tpu.memory_space<hbm>> -> memref<80x128xi32, #tpu.memory_space<hbm>>
        tpu.wait_dma2 semaphore(%run_scoped3A : memref<!tpu.dma_semaphore, #tpu.memory_space<semaphore_mem>>) src(%dma_wait3A_211 : memref<80x128xi32, #tpu.memory_space<hbm>>) dst(%arg7 : memref<80x128xi32, #tpu.memory_space<vmem>>)
        tpu.yield
      }) : () -> ()
      "tpu.region"() ({
        %run_scoped3A = tpu.sem_alloc : memref<!tpu.dma_semaphore, #tpu.memory_space<semaphore_mem>>
        %dma_start3A = arith.constant 0 : i32
        %dma_start3A_205 = tpu.memref_slice %arg4[%add3A_110, %dma_start3A] : memref<2560x128xi32, #tpu.memory_space<hbm>> -> memref<80x128xi32, #tpu.memory_space<hbm>>
        %dma_start3A_206 = arith.constant 0 : i32
        %dma_start3A_207 = tpu.memref_slice %arg4[%add3A_110, %dma_start3A_206] : memref<2560x128xi32, #tpu.memory_space<hbm>> -> memref<80x128xi32, #tpu.memory_space<hbm>>
        tpu.enqueue_dma source(%dma_start3A_207 : memref<80x128xi32, #tpu.memory_space<hbm>>) target(%arg8 : memref<80x128xi32, #tpu.memory_space<vmem>>) target_semaphore(%run_scoped3A : memref<!tpu.dma_semaphore, #tpu.memory_space<semaphore_mem>>)
        %dma_wait3A_208 = arith.constant 0 : i32
        %dma_wait3A_209 = tpu.memref_slice %arg4[%add3A_110, %dma_wait3A_208] : memref<2560x128xi32, #tpu.memory_space<hbm>> -> memref<80x128xi32, #tpu.memory_space<hbm>>
        %dma_wait3A_210 = arith.constant 0 : i32
        %dma_wait3A_211 = tpu.memref_slice %arg4[%add3A_110, %dma_wait3A_210] : memref<2560x128xi32, #tpu.memory_space<hbm>> -> memref<80x128xi32, #tpu.memory_space<hbm>>
        tpu.wait_dma2 semaphore(%run_scoped3A : memref<!tpu.dma_semaphore, #tpu.memory_space<semaphore_mem>>) src(%dma_wait3A_211 : memref<80x128xi32, #tpu.memory_space<hbm>>) dst(%arg8 : memref<80x128xi32, #tpu.memory_space<vmem>>)
        tpu.yield
      }) : () -> ()
      %scan3A_111 = arith.constant 0 : i32
      %scan3A_112 = arith.constant 20 : i32
      %scan3A_113 = arith.addi %scan3A_111, %scan3A_112 : i32
      %scan3A_114 = arith.constant 1 : i32
      scf.for %scan3A_205 = %scan3A_111 to %scan3A_113 step %scan3A_114  : i32 {
        %mul3A_206 = arith.constant 4 : i32
        %mul3A_207 = arith.muli %scan3A_205, %mul3A_206 : i32
        %add3A_208 = arith.constant 0 : i32
        %add3A_209 = arith.addi %add3A_208, %mul3A_207 : i32
        %gt3A = arith.constant 0 : i32
        %gt3A_210 = arith.cmpi sgt, %add3A_209, %gt3A : i32
        %convert_element_type3A_211 = arith.extui %gt3A_210 : i1 to i32
        %cond3A_212 = arith.constant 0 : i32
        %cond3A_213 = arith.cmpi ne, %convert_element_type3A_211, %cond3A_212 : i32
        scf.if %cond3A_213 {
          %dma_wait3A_464 = arith.constant 0 : i32
          %dma_wait3A_465 = arith.constant 0 : i32
          %dma_wait3A_466 = arith.constant 0 : i32
          %dma_wait3A_467 = arith.constant 0 : i32
          %dma_wait3A_468 = tpu.memref_slice %arg9[%dma_wait3A_464, %dma_wait3A_466, %dma_wait3A_467] : memref<4x128x64xf32, #tpu.memory_space<vmem>> -> memref<1x128x64xf32, #tpu.memory_space<vmem>>
          %dma_wait3A_469 = tpu.memref_squeeze %dma_wait3A_468 : memref<1x128x64xf32, #tpu.memory_space<vmem>> -> memref<128x64xf32, #tpu.memory_space<vmem>>
          %dma_wait3A_470 = arith.constant 0 : i32
          %dma_wait3A_471 = tpu.memref_slice %arg8[%add3A_209, %dma_wait3A_470] : memref<80x128xi32, #tpu.memory_space<vmem>> -> memref<1x128xi32, #tpu.memory_space<vmem>>
          %dma_wait3A_472 = tpu.memref_squeeze %dma_wait3A_471 : memref<1x128xi32, #tpu.memory_space<vmem>> -> memref<128xi32, #tpu.memory_space<vmem>>
          %dma_wait3A_473 = arith.constant 0 : i32
          %dma_wait3A_474 = arith.constant 0 : i32
          %dma_wait3A_475 = tpu.memref_slice %arg11[%dma_wait3A_473, %dma_wait3A_474] : memref<10240x64xf32, #tpu.memory_space<vmem_shared>> -> memref<10240x64xf32, #tpu.memory_space<vmem_shared>>
          %dma_wait3A_476 = tpu.memref_slice %arg13[%dma_wait3A_465] : memref<4x!tpu.dma_semaphore, #tpu.memory_space<semaphore_mem>> -> memref<1x!tpu.dma_semaphore, #tpu.memory_space<semaphore_mem>>
          %dma_wait3A_477 = tpu.memref_squeeze %dma_wait3A_476 : memref<1x!tpu.dma_semaphore, #tpu.memory_space<semaphore_mem>> -> memref<!tpu.dma_semaphore, #tpu.memory_space<semaphore_mem>>
          tpu.wait_indirect_dma semaphore(%dma_wait3A_477 : memref<!tpu.dma_semaphore, #tpu.memory_space<semaphore_mem>>) src(%dma_wait3A_469 : memref<128x64xf32, #tpu.memory_space<vmem>>) dst(%dma_wait3A_475 : memref<10240x64xf32, #tpu.memory_space<vmem_shared>>)
        } else {
        }
        %add3A_214 = arith.constant 0 : i32
        %add3A_215 = arith.addi %add3A_209, %add3A_214 : i32
        %dma_start3A = arith.constant 0 : i32
        %dma_start3A_216 = arith.constant 0 : i32
        %dma_start3A_217 = arith.constant 0 : i32
        %dma_start3A_218 = arith.constant 0 : i32
        %dma_start3A_219 = tpu.memref_slice %arg9[%dma_start3A, %dma_start3A_217, %dma_start3A_218] : memref<4x128x64xf32, #tpu.memory_space<vmem>> -> memref<1x128x64xf32, #tpu.memory_space<vmem>>
        %dma_start3A_220 = tpu.memref_squeeze %dma_start3A_219 : memref<1x128x64xf32, #tpu.memory_space<vmem>> -> memref<128x64xf32, #tpu.memory_space<vmem>>
        %dma_start3A_221 = arith.constant 0 : i32
        %dma_start3A_222 = tpu.memref_slice %arg7[%add3A_215, %dma_start3A_221] : memref<80x128xi32, #tpu.memory_space<vmem>> -> memref<1x128xi32, #tpu.memory_space<vmem>>
        %dma_start3A_223 = tpu.memref_squeeze %dma_start3A_222 : memref<1x128xi32, #tpu.memory_space<vmem>> -> memref<128xi32, #tpu.memory_space<vmem>>
        %dma_start3A_224 = arith.constant 0 : i32
        %dma_start3A_225 = arith.constant 0 : i32
        %dma_start3A_226 = tpu.memref_slice %arg2[%dma_start3A_224, %dma_start3A_225] : memref<10000x64xf32, #tpu.memory_space<hbm>> -> memref<10000x64xf32, #tpu.memory_space<hbm>>
        %dma_start3A_227 = tpu.memref_slice %arg12[%dma_start3A_216] : memref<4x!tpu.dma_semaphore, #tpu.memory_space<semaphore_mem>> -> memref<1x!tpu.dma_semaphore, #tpu.memory_space<semaphore_mem>>
        %dma_start3A_228 = tpu.memref_squeeze %dma_start3A_227 : memref<1x!tpu.dma_semaphore, #tpu.memory_space<semaphore_mem>> -> memref<!tpu.dma_semaphore, #tpu.memory_space<semaphore_mem>>
        tpu.enqueue_indirect_dma source(%dma_start3A_226 : memref<10000x64xf32, #tpu.memory_space<hbm>>) target(%dma_start3A_220 : memref<128x64xf32, #tpu.memory_space<vmem>>) offsets(%dma_start3A_223 : memref<128xi32, #tpu.memory_space<vmem>>) semaphore(%dma_start3A_228 : memref<!tpu.dma_semaphore, #tpu.memory_space<semaphore_mem>>)
        %gt3A_229 = arith.constant 0 : i32
        %gt3A_230 = arith.cmpi sgt, %add3A_209, %gt3A_229 : i32
        %convert_element_type3A_231 = arith.extui %gt3A_230 : i1 to i32
        %cond3A_232 = arith.constant 0 : i32
        %cond3A_233 = arith.cmpi ne, %convert_element_type3A_231, %cond3A_232 : i32
        scf.if %cond3A_233 {
          %dma_wait3A_464 = arith.constant 1 : i32
          %dma_wait3A_465 = arith.constant 1 : i32
          %dma_wait3A_466 = arith.constant 0 : i32
          %dma_wait3A_467 = arith.constant 0 : i32
          %dma_wait3A_468 = tpu.memref_slice %arg9[%dma_wait3A_464, %dma_wait3A_466, %dma_wait3A_467] : memref<4x128x64xf32, #tpu.memory_space<vmem>> -> memref<1x128x64xf32, #tpu.memory_space<vmem>>
          %dma_wait3A_469 = tpu.memref_squeeze %dma_wait3A_468 : memref<1x128x64xf32, #tpu.memory_space<vmem>> -> memref<128x64xf32, #tpu.memory_space<vmem>>
          %dma_wait3A_470 = arith.constant 0 : i32
          %dma_wait3A_471 = tpu.memref_slice %arg8[%add3A_209, %dma_wait3A_470] : memref<80x128xi32, #tpu.memory_space<vmem>> -> memref<1x128xi32, #tpu.memory_space<vmem>>
          %dma_wait3A_472 = tpu.memref_squeeze %dma_wait3A_471 : memref<1x128xi32, #tpu.memory_space<vmem>> -> memref<128xi32, #tpu.memory_space<vmem>>
          %dma_wait3A_473 = arith.constant 0 : i32
          %dma_wait3A_474 = arith.constant 0 : i32
          %dma_wait3A_475 = tpu.memref_slice %arg11[%dma_wait3A_473, %dma_wait3A_474] : memref<10240x64xf32, #tpu.memory_space<vmem_shared>> -> memref<10240x64xf32, #tpu.memory_space<vmem_shared>>
          %dma_wait3A_476 = tpu.memref_slice %arg13[%dma_wait3A_465] : memref<4x!tpu.dma_semaphore, #tpu.memory_space<semaphore_mem>> -> memref<1x!tpu.dma_semaphore, #tpu.memory_space<semaphore_mem>>
          %dma_wait3A_477 = tpu.memref_squeeze %dma_wait3A_476 : memref<1x!tpu.dma_semaphore, #tpu.memory_space<semaphore_mem>> -> memref<!tpu.dma_semaphore, #tpu.memory_space<semaphore_mem>>
          tpu.wait_indirect_dma semaphore(%dma_wait3A_477 : memref<!tpu.dma_semaphore, #tpu.memory_space<semaphore_mem>>) src(%dma_wait3A_469 : memref<128x64xf32, #tpu.memory_space<vmem>>) dst(%dma_wait3A_475 : memref<10240x64xf32, #tpu.memory_space<vmem_shared>>)
        } else {
        }
        %add3A_234 = arith.constant 1 : i32
        %add3A_235 = arith.addi %add3A_209, %add3A_234 : i32
        %dma_start3A_236 = arith.constant 1 : i32
        %dma_start3A_237 = arith.constant 1 : i32
        %dma_start3A_238 = arith.constant 0 : i32
        %dma_start3A_239 = arith.constant 0 : i32
        %dma_start3A_240 = tpu.memref_slice %arg9[%dma_start3A_236, %dma_start3A_238, %dma_start3A_239] : memref<4x128x64xf32, #tpu.memory_space<vmem>> -> memref<1x128x64xf32, #tpu.memory_space<vmem>>
        %dma_start3A_241 = tpu.memref_squeeze %dma_start3A_240 : memref<1x128x64xf32, #tpu.memory_space<vmem>> -> memref<128x64xf32, #tpu.memory_space<vmem>>
        %dma_start3A_242 = arith.constant 0 : i32
        %dma_start3A_243 = tpu.memref_slice %arg7[%add3A_235, %dma_start3A_242] : memref<80x128xi32, #tpu.memory_space<vmem>> -> memref<1x128xi32, #tpu.memory_space<vmem>>
        %dma_start3A_244 = tpu.memref_squeeze %dma_start3A_243 : memref<1x128xi32, #tpu.memory_space<vmem>> -> memref<128xi32, #tpu.memory_space<vmem>>
        %dma_start3A_245 = arith.constant 0 : i32
        %dma_start3A_246 = arith.constant 0 : i32
        %dma_start3A_247 = tpu.memref_slice %arg2[%dma_start3A_245, %dma_start3A_246] : memref<10000x64xf32, #tpu.memory_space<hbm>> -> memref<10000x64xf32, #tpu.memory_space<hbm>>
        %dma_start3A_248 = tpu.memref_slice %arg12[%dma_start3A_237] : memref<4x!tpu.dma_semaphore, #tpu.memory_space<semaphore_mem>> -> memref<1x!tpu.dma_semaphore, #tpu.memory_space<semaphore_mem>>
        %dma_start3A_249 = tpu.memref_squeeze %dma_start3A_248 : memref<1x!tpu.dma_semaphore, #tpu.memory_space<semaphore_mem>> -> memref<!tpu.dma_semaphore, #tpu.memory_space<semaphore_mem>>
        tpu.enqueue_indirect_dma source(%dma_start3A_247 : memref<10000x64xf32, #tpu.memory_space<hbm>>) target(%dma_start3A_241 : memref<128x64xf32, #tpu.memory_space<vmem>>) offsets(%dma_start3A_244 : memref<128xi32, #tpu.memory_space<vmem>>) semaphore(%dma_start3A_249 : memref<!tpu.dma_semaphore, #tpu.memory_space<semaphore_mem>>)
        %gt3A_250 = arith.constant 0 : i32
        %gt3A_251 = arith.cmpi sgt, %add3A_209, %gt3A_250 : i32
        %convert_element_type3A_252 = arith.extui %gt3A_251 : i1 to i32
        %cond3A_253 = arith.constant 0 : i32
        %cond3A_254 = arith.cmpi ne, %convert_element_type3A_252, %cond3A_253 : i32
        scf.if %cond3A_254 {
          %dma_wait3A_464 = arith.constant 2 : i32
          %dma_wait3A_465 = arith.constant 2 : i32
          %dma_wait3A_466 = arith.constant 0 : i32
          %dma_wait3A_467 = arith.constant 0 : i32
          %dma_wait3A_468 = tpu.memref_slice %arg9[%dma_wait3A_464, %dma_wait3A_466, %dma_wait3A_467] : memref<4x128x64xf32, #tpu.memory_space<vmem>> -> memref<1x128x64xf32, #tpu.memory_space<vmem>>
          %dma_wait3A_469 = tpu.memref_squeeze %dma_wait3A_468 : memref<1x128x64xf32, #tpu.memory_space<vmem>> -> memref<128x64xf32, #tpu.memory_space<vmem>>
          %dma_wait3A_470 = arith.constant 0 : i32
          %dma_wait3A_471 = tpu.memref_slice %arg8[%add3A_209, %dma_wait3A_470] : memref<80x128xi32, #tpu.memory_space<vmem>> -> memref<1x128xi32, #tpu.memory_space<vmem>>
          %dma_wait3A_472 = tpu.memref_squeeze %dma_wait3A_471 : memref<1x128xi32, #tpu.memory_space<vmem>> -> memref<128xi32, #tpu.memory_space<vmem>>
          %dma_wait3A_473 = arith.constant 0 : i32
          %dma_wait3A_474 = arith.constant 0 : i32
          %dma_wait3A_475 = tpu.memref_slice %arg11[%dma_wait3A_473, %dma_wait3A_474] : memref<10240x64xf32, #tpu.memory_space<vmem_shared>> -> memref<10240x64xf32, #tpu.memory_space<vmem_shared>>
          %dma_wait3A_476 = tpu.memref_slice %arg13[%dma_wait3A_465] : memref<4x!tpu.dma_semaphore, #tpu.memory_space<semaphore_mem>> -> memref<1x!tpu.dma_semaphore, #tpu.memory_space<semaphore_mem>>
          %dma_wait3A_477 = tpu.memref_squeeze %dma_wait3A_476 : memref<1x!tpu.dma_semaphore, #tpu.memory_space<semaphore_mem>> -> memref<!tpu.dma_semaphore, #tpu.memory_space<semaphore_mem>>
          tpu.wait_indirect_dma semaphore(%dma_wait3A_477 : memref<!tpu.dma_semaphore, #tpu.memory_space<semaphore_mem>>) src(%dma_wait3A_469 : memref<128x64xf32, #tpu.memory_space<vmem>>) dst(%dma_wait3A_475 : memref<10240x64xf32, #tpu.memory_space<vmem_shared>>)
        } else {
        }
        %add3A_255 = arith.constant 2 : i32
        %add3A_256 = arith.addi %add3A_209, %add3A_255 : i32
        %dma_start3A_257 = arith.constant 2 : i32
        %dma_start3A_258 = arith.constant 2 : i32
        %dma_start3A_259 = arith.constant 0 : i32
        %dma_start3A_260 = arith.constant 0 : i32
        %dma_start3A_261 = tpu.memref_slice %arg9[%dma_start3A_257, %dma_start3A_259, %dma_start3A_260] : memref<4x128x64xf32, #tpu.memory_space<vmem>> -> memref<1x128x64xf32, #tpu.memory_space<vmem>>
        %dma_start3A_262 = tpu.memref_squeeze %dma_start3A_261 : memref<1x128x64xf32, #tpu.memory_space<vmem>> -> memref<128x64xf32, #tpu.memory_space<vmem>>
        %dma_start3A_263 = arith.constant 0 : i32
        %dma_start3A_264 = tpu.memref_slice %arg7[%add3A_256, %dma_start3A_263] : memref<80x128xi32, #tpu.memory_space<vmem>> -> memref<1x128xi32, #tpu.memory_space<vmem>>
        %dma_start3A_265 = tpu.memref_squeeze %dma_start3A_264 : memref<1x128xi32, #tpu.memory_space<vmem>> -> memref<128xi32, #tpu.memory_space<vmem>>
        %dma_start3A_266 = arith.constant 0 : i32
        %dma_start3A_267 = arith.constant 0 : i32
        %dma_start3A_268 = tpu.memref_slice %arg2[%dma_start3A_266, %dma_start3A_267] : memref<10000x64xf32, #tpu.memory_space<hbm>> -> memref<10000x64xf32, #tpu.memory_space<hbm>>
        %dma_start3A_269 = tpu.memref_slice %arg12[%dma_start3A_258] : memref<4x!tpu.dma_semaphore, #tpu.memory_space<semaphore_mem>> -> memref<1x!tpu.dma_semaphore, #tpu.memory_space<semaphore_mem>>
        %dma_start3A_270 = tpu.memref_squeeze %dma_start3A_269 : memref<1x!tpu.dma_semaphore, #tpu.memory_space<semaphore_mem>> -> memref<!tpu.dma_semaphore, #tpu.memory_space<semaphore_mem>>
        tpu.enqueue_indirect_dma source(%dma_start3A_268 : memref<10000x64xf32, #tpu.memory_space<hbm>>) target(%dma_start3A_262 : memref<128x64xf32, #tpu.memory_space<vmem>>) offsets(%dma_start3A_265 : memref<128xi32, #tpu.memory_space<vmem>>) semaphore(%dma_start3A_270 : memref<!tpu.dma_semaphore, #tpu.memory_space<semaphore_mem>>)
        %gt3A_271 = arith.constant 0 : i32
        %gt3A_272 = arith.cmpi sgt, %add3A_209, %gt3A_271 : i32
        %convert_element_type3A_273 = arith.extui %gt3A_272 : i1 to i32
        %cond3A_274 = arith.constant 0 : i32
        %cond3A_275 = arith.cmpi ne, %convert_element_type3A_273, %cond3A_274 : i32
        scf.if %cond3A_275 {
          %dma_wait3A_464 = arith.constant 3 : i32
          %dma_wait3A_465 = arith.constant 3 : i32
          %dma_wait3A_466 = arith.constant 0 : i32
          %dma_wait3A_467 = arith.constant 0 : i32
          %dma_wait3A_468 = tpu.memref_slice %arg9[%dma_wait3A_464, %dma_wait3A_466, %dma_wait3A_467] : memref<4x128x64xf32, #tpu.memory_space<vmem>> -> memref<1x128x64xf32, #tpu.memory_space<vmem>>
          %dma_wait3A_469 = tpu.memref_squeeze %dma_wait3A_468 : memref<1x128x64xf32, #tpu.memory_space<vmem>> -> memref<128x64xf32, #tpu.memory_space<vmem>>
          %dma_wait3A_470 = arith.constant 0 : i32
          %dma_wait3A_471 = tpu.memref_slice %arg8[%add3A_209, %dma_wait3A_470] : memref<80x128xi32, #tpu.memory_space<vmem>> -> memref<1x128xi32, #tpu.memory_space<vmem>>
          %dma_wait3A_472 = tpu.memref_squeeze %dma_wait3A_471 : memref<1x128xi32, #tpu.memory_space<vmem>> -> memref<128xi32, #tpu.memory_space<vmem>>
          %dma_wait3A_473 = arith.constant 0 : i32
          %dma_wait3A_474 = arith.constant 0 : i32
          %dma_wait3A_475 = tpu.memref_slice %arg11[%dma_wait3A_473, %dma_wait3A_474] : memref<10240x64xf32, #tpu.memory_space<vmem_shared>> -> memref<10240x64xf32, #tpu.memory_space<vmem_shared>>
          %dma_wait3A_476 = tpu.memref_slice %arg13[%dma_wait3A_465] : memref<4x!tpu.dma_semaphore, #tpu.memory_space<semaphore_mem>> -> memref<1x!tpu.dma_semaphore, #tpu.memory_space<semaphore_mem>>
          %dma_wait3A_477 = tpu.memref_squeeze %dma_wait3A_476 : memref<1x!tpu.dma_semaphore, #tpu.memory_space<semaphore_mem>> -> memref<!tpu.dma_semaphore, #tpu.memory_space<semaphore_mem>>
          tpu.wait_indirect_dma semaphore(%dma_wait3A_477 : memref<!tpu.dma_semaphore, #tpu.memory_space<semaphore_mem>>) src(%dma_wait3A_469 : memref<128x64xf32, #tpu.memory_space<vmem>>) dst(%dma_wait3A_475 : memref<10240x64xf32, #tpu.memory_space<vmem_shared>>)
        } else {
        }
        %add3A_276 = arith.constant 3 : i32
        %add3A_277 = arith.addi %add3A_209, %add3A_276 : i32
        %dma_start3A_278 = arith.constant 3 : i32
        %dma_start3A_279 = arith.constant 3 : i32
        %dma_start3A_280 = arith.constant 0 : i32
        %dma_start3A_281 = arith.constant 0 : i32
        %dma_start3A_282 = tpu.memref_slice %arg9[%dma_start3A_278, %dma_start3A_280, %dma_start3A_281] : memref<4x128x64xf32, #tpu.memory_space<vmem>> -> memref<1x128x64xf32, #tpu.memory_space<vmem>>
        %dma_start3A_283 = tpu.memref_squeeze %dma_start3A_282 : memref<1x128x64xf32, #tpu.memory_space<vmem>> -> memref<128x64xf32, #tpu.memory_space<vmem>>
        %dma_start3A_284 = arith.constant 0 : i32
        %dma_start3A_285 = tpu.memref_slice %arg7[%add3A_277, %dma_start3A_284] : memref<80x128xi32, #tpu.memory_space<vmem>> -> memref<1x128xi32, #tpu.memory_space<vmem>>
        %dma_start3A_286 = tpu.memref_squeeze %dma_start3A_285 : memref<1x128xi32, #tpu.memory_space<vmem>> -> memref<128xi32, #tpu.memory_space<vmem>>
        %dma_start3A_287 = arith.constant 0 : i32
        %dma_start3A_288 = arith.constant 0 : i32
        %dma_start3A_289 = tpu.memref_slice %arg2[%dma_start3A_287, %dma_start3A_288] : memref<10000x64xf32, #tpu.memory_space<hbm>> -> memref<10000x64xf32, #tpu.memory_space<hbm>>
        %dma_start3A_290 = tpu.memref_slice %arg12[%dma_start3A_279] : memref<4x!tpu.dma_semaphore, #tpu.memory_space<semaphore_mem>> -> memref<1x!tpu.dma_semaphore, #tpu.memory_space<semaphore_mem>>
        %dma_start3A_291 = tpu.memref_squeeze %dma_start3A_290 : memref<1x!tpu.dma_semaphore, #tpu.memory_space<semaphore_mem>> -> memref<!tpu.dma_semaphore, #tpu.memory_space<semaphore_mem>>
        tpu.enqueue_indirect_dma source(%dma_start3A_289 : memref<10000x64xf32, #tpu.memory_space<hbm>>) target(%dma_start3A_283 : memref<128x64xf32, #tpu.memory_space<vmem>>) offsets(%dma_start3A_286 : memref<128xi32, #tpu.memory_space<vmem>>) semaphore(%dma_start3A_291 : memref<!tpu.dma_semaphore, #tpu.memory_space<semaphore_mem>>)
        %dma_wait3A_292 = arith.constant 0 : i32
        %dma_wait3A_293 = arith.constant 0 : i32
        %dma_wait3A_294 = arith.constant 0 : i32
        %dma_wait3A_295 = arith.constant 0 : i32
        %dma_wait3A_296 = tpu.memref_slice %arg9[%dma_wait3A_292, %dma_wait3A_294, %dma_wait3A_295] : memref<4x128x64xf32, #tpu.memory_space<vmem>> -> memref<1x128x64xf32, #tpu.memory_space<vmem>>
        %dma_wait3A_297 = tpu.memref_squeeze %dma_wait3A_296 : memref<1x128x64xf32, #tpu.memory_space<vmem>> -> memref<128x64xf32, #tpu.memory_space<vmem>>
        %dma_wait3A_298 = arith.constant 0 : i32
        %dma_wait3A_299 = tpu.memref_slice %arg7[%add3A_215, %dma_wait3A_298] : memref<80x128xi32, #tpu.memory_space<vmem>> -> memref<1x128xi32, #tpu.memory_space<vmem>>
        %dma_wait3A_300 = tpu.memref_squeeze %dma_wait3A_299 : memref<1x128xi32, #tpu.memory_space<vmem>> -> memref<128xi32, #tpu.memory_space<vmem>>
        %dma_wait3A_301 = arith.constant 0 : i32
        %dma_wait3A_302 = arith.constant 0 : i32
        %dma_wait3A_303 = tpu.memref_slice %arg2[%dma_wait3A_301, %dma_wait3A_302] : memref<10000x64xf32, #tpu.memory_space<hbm>> -> memref<10000x64xf32, #tpu.memory_space<hbm>>
        %dma_wait3A_304 = tpu.memref_slice %arg12[%dma_wait3A_293] : memref<4x!tpu.dma_semaphore, #tpu.memory_space<semaphore_mem>> -> memref<1x!tpu.dma_semaphore, #tpu.memory_space<semaphore_mem>>
        %dma_wait3A_305 = tpu.memref_squeeze %dma_wait3A_304 : memref<1x!tpu.dma_semaphore, #tpu.memory_space<semaphore_mem>> -> memref<!tpu.dma_semaphore, #tpu.memory_space<semaphore_mem>>
        tpu.wait_indirect_dma semaphore(%dma_wait3A_305 : memref<!tpu.dma_semaphore, #tpu.memory_space<semaphore_mem>>) src(%dma_wait3A_303 : memref<10000x64xf32, #tpu.memory_space<hbm>>) dst(%dma_wait3A_297 : memref<128x64xf32, #tpu.memory_space<vmem>>)
        %add3A_306 = arith.constant 0 : i32
        %add3A_307 = arith.addi %add3A_209, %add3A_306 : i32
        %dma_start3A_308 = arith.constant 0 : i32
        %dma_start3A_309 = arith.constant 0 : i32
        %dma_start3A_310 = arith.constant 0 : i32
        %dma_start3A_311 = arith.constant 0 : i32
        %dma_start3A_312 = tpu.memref_slice %arg9[%dma_start3A_308, %dma_start3A_310, %dma_start3A_311] : memref<4x128x64xf32, #tpu.memory_space<vmem>> -> memref<1x128x64xf32, #tpu.memory_space<vmem>>
        %dma_start3A_313 = tpu.memref_squeeze %dma_start3A_312 : memref<1x128x64xf32, #tpu.memory_space<vmem>> -> memref<128x64xf32, #tpu.memory_space<vmem>>
        %dma_start3A_314 = arith.constant 0 : i32
        %dma_start3A_315 = tpu.memref_slice %arg8[%add3A_307, %dma_start3A_314] : memref<80x128xi32, #tpu.memory_space<vmem>> -> memref<1x128xi32, #tpu.memory_space<vmem>>
        %dma_start3A_316 = tpu.memref_squeeze %dma_start3A_315 : memref<1x128xi32, #tpu.memory_space<vmem>> -> memref<128xi32, #tpu.memory_space<vmem>>
        %dma_start3A_317 = arith.constant 0 : i32
        %dma_start3A_318 = arith.constant 0 : i32
        %dma_start3A_319 = tpu.memref_slice %arg11[%dma_start3A_317, %dma_start3A_318] : memref<10240x64xf32, #tpu.memory_space<vmem_shared>> -> memref<10240x64xf32, #tpu.memory_space<vmem_shared>>
        %dma_start3A_320 = tpu.memref_slice %arg13[%dma_start3A_309] : memref<4x!tpu.dma_semaphore, #tpu.memory_space<semaphore_mem>> -> memref<1x!tpu.dma_semaphore, #tpu.memory_space<semaphore_mem>>
        %dma_start3A_321 = tpu.memref_squeeze %dma_start3A_320 : memref<1x!tpu.dma_semaphore, #tpu.memory_space<semaphore_mem>> -> memref<!tpu.dma_semaphore, #tpu.memory_space<semaphore_mem>>
        tpu.enqueue_indirect_dma source(%dma_start3A_313 : memref<128x64xf32, #tpu.memory_space<vmem>>) target(%dma_start3A_319 : memref<10240x64xf32, #tpu.memory_space<vmem_shared>>) offsets(%dma_start3A_316 : memref<128xi32, #tpu.memory_space<vmem>>) semaphore(%dma_start3A_321 : memref<!tpu.dma_semaphore, #tpu.memory_space<semaphore_mem>>) {add = true}
        %add3A_322 = arith.constant 0 : i32
        %add3A_323 = arith.addi %add3A_209, %add3A_322 : i32
        %dma_start3A_324 = arith.constant 0 : i32
        %dma_start3A_325 = tpu.memref_slice %arg8[%add3A_323, %dma_start3A_324] : memref<80x128xi32, #tpu.memory_space<vmem>> -> memref<1x128xi32, #tpu.memory_space<vmem>>
        %dma_start3A_326 = tpu.memref_squeeze %dma_start3A_325 : memref<1x128xi32, #tpu.memory_space<vmem>> -> memref<128xi32, #tpu.memory_space<vmem>>
        %dma_start3A_327 = arith.constant 0 : i32
        %dma_start3A_328 = arith.constant 0 : i32
        %dma_start3A_329 = tpu.memref_slice %arg17[%dma_start3A_327, %dma_start3A_328] : memref<10240x16xf32, #tpu.memory_space<vmem_shared>> -> memref<10240x16xf32, #tpu.memory_space<vmem_shared>>
        tpu.enqueue_indirect_dma source(%arg15 : memref<128x16xf32, #tpu.memory_space<vmem>>) target(%dma_start3A_329 : memref<10240x16xf32, #tpu.memory_space<vmem_shared>>) offsets(%dma_start3A_326 : memref<128xi32, #tpu.memory_space<vmem>>) semaphore(%arg14 : memref<!tpu.dma_semaphore, #tpu.memory_space<semaphore_mem>>) {add = true}
        %gt3A_330 = arith.constant 0 : i32
        %gt3A_331 = arith.cmpi sgt, %add3A_209, %gt3A_330 : i32
        %convert_element_type3A_332 = arith.extui %gt3A_331 : i1 to i32
        %cond3A_333 = arith.constant 0 : i32
        %cond3A_334 = arith.cmpi ne, %convert_element_type3A_332, %cond3A_333 : i32
        scf.if %cond3A_334 {
          %dma_wait3A_464 = arith.constant 0 : i32
          %dma_wait3A_465 = tpu.memref_slice %arg8[%add3A_323, %dma_wait3A_464] : memref<80x128xi32, #tpu.memory_space<vmem>> -> memref<1x128xi32, #tpu.memory_space<vmem>>
          %dma_wait3A_466 = tpu.memref_squeeze %dma_wait3A_465 : memref<1x128xi32, #tpu.memory_space<vmem>> -> memref<128xi32, #tpu.memory_space<vmem>>
          %dma_wait3A_467 = arith.constant 0 : i32
          %dma_wait3A_468 = arith.constant 0 : i32
          %dma_wait3A_469 = tpu.memref_slice %arg17[%dma_wait3A_467, %dma_wait3A_468] : memref<10240x16xf32, #tpu.memory_space<vmem_shared>> -> memref<10240x16xf32, #tpu.memory_space<vmem_shared>>
          tpu.wait_indirect_dma semaphore(%arg14 : memref<!tpu.dma_semaphore, #tpu.memory_space<semaphore_mem>>) src(%arg15 : memref<128x16xf32, #tpu.memory_space<vmem>>) dst(%dma_wait3A_469 : memref<10240x16xf32, #tpu.memory_space<vmem_shared>>)
        } else {
        }
        %dma_wait3A_335 = arith.constant 1 : i32
        %dma_wait3A_336 = arith.constant 1 : i32
        %dma_wait3A_337 = arith.constant 0 : i32
        %dma_wait3A_338 = arith.constant 0 : i32
        %dma_wait3A_339 = tpu.memref_slice %arg9[%dma_wait3A_335, %dma_wait3A_337, %dma_wait3A_338] : memref<4x128x64xf32, #tpu.memory_space<vmem>> -> memref<1x128x64xf32, #tpu.memory_space<vmem>>
        %dma_wait3A_340 = tpu.memref_squeeze %dma_wait3A_339 : memref<1x128x64xf32, #tpu.memory_space<vmem>> -> memref<128x64xf32, #tpu.memory_space<vmem>>
        %dma_wait3A_341 = arith.constant 0 : i32
        %dma_wait3A_342 = tpu.memref_slice %arg7[%add3A_235, %dma_wait3A_341] : memref<80x128xi32, #tpu.memory_space<vmem>> -> memref<1x128xi32, #tpu.memory_space<vmem>>
        %dma_wait3A_343 = tpu.memref_squeeze %dma_wait3A_342 : memref<1x128xi32, #tpu.memory_space<vmem>> -> memref<128xi32, #tpu.memory_space<vmem>>
        %dma_wait3A_344 = arith.constant 0 : i32
        %dma_wait3A_345 = arith.constant 0 : i32
        %dma_wait3A_346 = tpu.memref_slice %arg2[%dma_wait3A_344, %dma_wait3A_345] : memref<10000x64xf32, #tpu.memory_space<hbm>> -> memref<10000x64xf32, #tpu.memory_space<hbm>>
        %dma_wait3A_347 = tpu.memref_slice %arg12[%dma_wait3A_336] : memref<4x!tpu.dma_semaphore, #tpu.memory_space<semaphore_mem>> -> memref<1x!tpu.dma_semaphore, #tpu.memory_space<semaphore_mem>>
        %dma_wait3A_348 = tpu.memref_squeeze %dma_wait3A_347 : memref<1x!tpu.dma_semaphore, #tpu.memory_space<semaphore_mem>> -> memref<!tpu.dma_semaphore, #tpu.memory_space<semaphore_mem>>
        tpu.wait_indirect_dma semaphore(%dma_wait3A_348 : memref<!tpu.dma_semaphore, #tpu.memory_space<semaphore_mem>>) src(%dma_wait3A_346 : memref<10000x64xf32, #tpu.memory_space<hbm>>) dst(%dma_wait3A_340 : memref<128x64xf32, #tpu.memory_space<vmem>>)
        %add3A_349 = arith.constant 1 : i32
        %add3A_350 = arith.addi %add3A_209, %add3A_349 : i32
        %dma_start3A_351 = arith.constant 1 : i32
        %dma_start3A_352 = arith.constant 1 : i32
        %dma_start3A_353 = arith.constant 0 : i32
        %dma_start3A_354 = arith.constant 0 : i32
        %dma_start3A_355 = tpu.memref_slice %arg9[%dma_start3A_351, %dma_start3A_353, %dma_start3A_354] : memref<4x128x64xf32, #tpu.memory_space<vmem>> -> memref<1x128x64xf32, #tpu.memory_space<vmem>>
        %dma_start3A_356 = tpu.memref_squeeze %dma_start3A_355 : memref<1x128x64xf32, #tpu.memory_space<vmem>> -> memref<128x64xf32, #tpu.memory_space<vmem>>
        %dma_start3A_357 = arith.constant 0 : i32
        %dma_start3A_358 = tpu.memref_slice %arg8[%add3A_350, %dma_start3A_357] : memref<80x128xi32, #tpu.memory_space<vmem>> -> memref<1x128xi32, #tpu.memory_space<vmem>>
        %dma_start3A_359 = tpu.memref_squeeze %dma_start3A_358 : memref<1x128xi32, #tpu.memory_space<vmem>> -> memref<128xi32, #tpu.memory_space<vmem>>
        %dma_start3A_360 = arith.constant 0 : i32
        %dma_start3A_361 = arith.constant 0 : i32
        %dma_start3A_362 = tpu.memref_slice %arg11[%dma_start3A_360, %dma_start3A_361] : memref<10240x64xf32, #tpu.memory_space<vmem_shared>> -> memref<10240x64xf32, #tpu.memory_space<vmem_shared>>
        %dma_start3A_363 = tpu.memref_slice %arg13[%dma_start3A_352] : memref<4x!tpu.dma_semaphore, #tpu.memory_space<semaphore_mem>> -> memref<1x!tpu.dma_semaphore, #tpu.memory_space<semaphore_mem>>
        %dma_start3A_364 = tpu.memref_squeeze %dma_start3A_363 : memref<1x!tpu.dma_semaphore, #tpu.memory_space<semaphore_mem>> -> memref<!tpu.dma_semaphore, #tpu.memory_space<semaphore_mem>>
        tpu.enqueue_indirect_dma source(%dma_start3A_356 : memref<128x64xf32, #tpu.memory_space<vmem>>) target(%dma_start3A_362 : memref<10240x64xf32, #tpu.memory_space<vmem_shared>>) offsets(%dma_start3A_359 : memref<128xi32, #tpu.memory_space<vmem>>) semaphore(%dma_start3A_364 : memref<!tpu.dma_semaphore, #tpu.memory_space<semaphore_mem>>) {add = true}
        %add3A_365 = arith.constant 1 : i32
        %add3A_366 = arith.addi %add3A_209, %add3A_365 : i32
        %dma_start3A_367 = arith.constant 0 : i32
        %dma_start3A_368 = tpu.memref_slice %arg8[%add3A_366, %dma_start3A_367] : memref<80x128xi32, #tpu.memory_space<vmem>> -> memref<1x128xi32, #tpu.memory_space<vmem>>
        %dma_start3A_369 = tpu.memref_squeeze %dma_start3A_368 : memref<1x128xi32, #tpu.memory_space<vmem>> -> memref<128xi32, #tpu.memory_space<vmem>>
        %dma_start3A_370 = arith.constant 0 : i32
        %dma_start3A_371 = arith.constant 0 : i32
        %dma_start3A_372 = tpu.memref_slice %arg17[%dma_start3A_370, %dma_start3A_371] : memref<10240x16xf32, #tpu.memory_space<vmem_shared>> -> memref<10240x16xf32, #tpu.memory_space<vmem_shared>>
        tpu.enqueue_indirect_dma source(%arg15 : memref<128x16xf32, #tpu.memory_space<vmem>>) target(%dma_start3A_372 : memref<10240x16xf32, #tpu.memory_space<vmem_shared>>) offsets(%dma_start3A_369 : memref<128xi32, #tpu.memory_space<vmem>>) semaphore(%arg14 : memref<!tpu.dma_semaphore, #tpu.memory_space<semaphore_mem>>) {add = true}
        %gt3A_373 = arith.constant 0 : i32
        %gt3A_374 = arith.cmpi sgt, %add3A_209, %gt3A_373 : i32
        %convert_element_type3A_375 = arith.extui %gt3A_374 : i1 to i32
        %cond3A_376 = arith.constant 0 : i32
        %cond3A_377 = arith.cmpi ne, %convert_element_type3A_375, %cond3A_376 : i32
        scf.if %cond3A_377 {
          %dma_wait3A_464 = arith.constant 0 : i32
          %dma_wait3A_465 = tpu.memref_slice %arg8[%add3A_366, %dma_wait3A_464] : memref<80x128xi32, #tpu.memory_space<vmem>> -> memref<1x128xi32, #tpu.memory_space<vmem>>
          %dma_wait3A_466 = tpu.memref_squeeze %dma_wait3A_465 : memref<1x128xi32, #tpu.memory_space<vmem>> -> memref<128xi32, #tpu.memory_space<vmem>>
          %dma_wait3A_467 = arith.constant 0 : i32
          %dma_wait3A_468 = arith.constant 0 : i32
          %dma_wait3A_469 = tpu.memref_slice %arg17[%dma_wait3A_467, %dma_wait3A_468] : memref<10240x16xf32, #tpu.memory_space<vmem_shared>> -> memref<10240x16xf32, #tpu.memory_space<vmem_shared>>
          tpu.wait_indirect_dma semaphore(%arg14 : memref<!tpu.dma_semaphore, #tpu.memory_space<semaphore_mem>>) src(%arg15 : memref<128x16xf32, #tpu.memory_space<vmem>>) dst(%dma_wait3A_469 : memref<10240x16xf32, #tpu.memory_space<vmem_shared>>)
        } else {
        }
        %dma_wait3A_378 = arith.constant 2 : i32
        %dma_wait3A_379 = arith.constant 2 : i32
        %dma_wait3A_380 = arith.constant 0 : i32
        %dma_wait3A_381 = arith.constant 0 : i32
        %dma_wait3A_382 = tpu.memref_slice %arg9[%dma_wait3A_378, %dma_wait3A_380, %dma_wait3A_381] : memref<4x128x64xf32, #tpu.memory_space<vmem>> -> memref<1x128x64xf32, #tpu.memory_space<vmem>>
        %dma_wait3A_383 = tpu.memref_squeeze %dma_wait3A_382 : memref<1x128x64xf32, #tpu.memory_space<vmem>> -> memref<128x64xf32, #tpu.memory_space<vmem>>
        %dma_wait3A_384 = arith.constant 0 : i32
        %dma_wait3A_385 = tpu.memref_slice %arg7[%add3A_256, %dma_wait3A_384] : memref<80x128xi32, #tpu.memory_space<vmem>> -> memref<1x128xi32, #tpu.memory_space<vmem>>
        %dma_wait3A_386 = tpu.memref_squeeze %dma_wait3A_385 : memref<1x128xi32, #tpu.memory_space<vmem>> -> memref<128xi32, #tpu.memory_space<vmem>>
        %dma_wait3A_387 = arith.constant 0 : i32
        %dma_wait3A_388 = arith.constant 0 : i32
        %dma_wait3A_389 = tpu.memref_slice %arg2[%dma_wait3A_387, %dma_wait3A_388] : memref<10000x64xf32, #tpu.memory_space<hbm>> -> memref<10000x64xf32, #tpu.memory_space<hbm>>
        %dma_wait3A_390 = tpu.memref_slice %arg12[%dma_wait3A_379] : memref<4x!tpu.dma_semaphore, #tpu.memory_space<semaphore_mem>> -> memref<1x!tpu.dma_semaphore, #tpu.memory_space<semaphore_mem>>
        %dma_wait3A_391 = tpu.memref_squeeze %dma_wait3A_390 : memref<1x!tpu.dma_semaphore, #tpu.memory_space<semaphore_mem>> -> memref<!tpu.dma_semaphore, #tpu.memory_space<semaphore_mem>>
        tpu.wait_indirect_dma semaphore(%dma_wait3A_391 : memref<!tpu.dma_semaphore, #tpu.memory_space<semaphore_mem>>) src(%dma_wait3A_389 : memref<10000x64xf32, #tpu.memory_space<hbm>>) dst(%dma_wait3A_383 : memref<128x64xf32, #tpu.memory_space<vmem>>)
        %add3A_392 = arith.constant 2 : i32
        %add3A_393 = arith.addi %add3A_209, %add3A_392 : i32
        %dma_start3A_394 = arith.constant 2 : i32
        %dma_start3A_395 = arith.constant 2 : i32
        %dma_start3A_396 = arith.constant 0 : i32
        %dma_start3A_397 = arith.constant 0 : i32
        %dma_start3A_398 = tpu.memref_slice %arg9[%dma_start3A_394, %dma_start3A_396, %dma_start3A_397] : memref<4x128x64xf32, #tpu.memory_space<vmem>> -> memref<1x128x64xf32, #tpu.memory_space<vmem>>
        %dma_start3A_399 = tpu.memref_squeeze %dma_start3A_398 : memref<1x128x64xf32, #tpu.memory_space<vmem>> -> memref<128x64xf32, #tpu.memory_space<vmem>>
        %dma_start3A_400 = arith.constant 0 : i32
        %dma_start3A_401 = tpu.memref_slice %arg8[%add3A_393, %dma_start3A_400] : memref<80x128xi32, #tpu.memory_space<vmem>> -> memref<1x128xi32, #tpu.memory_space<vmem>>
        %dma_start3A_402 = tpu.memref_squeeze %dma_start3A_401 : memref<1x128xi32, #tpu.memory_space<vmem>> -> memref<128xi32, #tpu.memory_space<vmem>>
        %dma_start3A_403 = arith.constant 0 : i32
        %dma_start3A_404 = arith.constant 0 : i32
        %dma_start3A_405 = tpu.memref_slice %arg11[%dma_start3A_403, %dma_start3A_404] : memref<10240x64xf32, #tpu.memory_space<vmem_shared>> -> memref<10240x64xf32, #tpu.memory_space<vmem_shared>>
        %dma_start3A_406 = tpu.memref_slice %arg13[%dma_start3A_395] : memref<4x!tpu.dma_semaphore, #tpu.memory_space<semaphore_mem>> -> memref<1x!tpu.dma_semaphore, #tpu.memory_space<semaphore_mem>>
        %dma_start3A_407 = tpu.memref_squeeze %dma_start3A_406 : memref<1x!tpu.dma_semaphore, #tpu.memory_space<semaphore_mem>> -> memref<!tpu.dma_semaphore, #tpu.memory_space<semaphore_mem>>
        tpu.enqueue_indirect_dma source(%dma_start3A_399 : memref<128x64xf32, #tpu.memory_space<vmem>>) target(%dma_start3A_405 : memref<10240x64xf32, #tpu.memory_space<vmem_shared>>) offsets(%dma_start3A_402 : memref<128xi32, #tpu.memory_space<vmem>>) semaphore(%dma_start3A_407 : memref<!tpu.dma_semaphore, #tpu.memory_space<semaphore_mem>>) {add = true}
        %add3A_408 = arith.constant 2 : i32
        %add3A_409 = arith.addi %add3A_209, %add3A_408 : i32
        %dma_start3A_410 = arith.constant 0 : i32
        %dma_start3A_411 = tpu.memref_slice %arg8[%add3A_409, %dma_start3A_410] : memref<80x128xi32, #tpu.memory_space<vmem>> -> memref<1x128xi32, #tpu.memory_space<vmem>>
        %dma_start3A_412 = tpu.memref_squeeze %dma_start3A_411 : memref<1x128xi32, #tpu.memory_space<vmem>> -> memref<128xi32, #tpu.memory_space<vmem>>
        %dma_start3A_413 = arith.constant 0 : i32
        %dma_start3A_414 = arith.constant 0 : i32
        %dma_start3A_415 = tpu.memref_slice %arg17[%dma_start3A_413, %dma_start3A_414] : memref<10240x16xf32, #tpu.memory_space<vmem_shared>> -> memref<10240x16xf32, #tpu.memory_space<vmem_shared>>
        tpu.enqueue_indirect_dma source(%arg15 : memref<128x16xf32, #tpu.memory_space<vmem>>) target(%dma_start3A_415 : memref<10240x16xf32, #tpu.memory_space<vmem_shared>>) offsets(%dma_start3A_412 : memref<128xi32, #tpu.memory_space<vmem>>) semaphore(%arg14 : memref<!tpu.dma_semaphore, #tpu.memory_space<semaphore_mem>>) {add = true}
        %gt3A_416 = arith.constant 0 : i32
        %gt3A_417 = arith.cmpi sgt, %add3A_209, %gt3A_416 : i32
        %convert_element_type3A_418 = arith.extui %gt3A_417 : i1 to i32
        %cond3A_419 = arith.constant 0 : i32
        %cond3A_420 = arith.cmpi ne, %convert_element_type3A_418, %cond3A_419 : i32
        scf.if %cond3A_420 {
          %dma_wait3A_464 = arith.constant 0 : i32
          %dma_wait3A_465 = tpu.memref_slice %arg8[%add3A_409, %dma_wait3A_464] : memref<80x128xi32, #tpu.memory_space<vmem>> -> memref<1x128xi32, #tpu.memory_space<vmem>>
          %dma_wait3A_466 = tpu.memref_squeeze %dma_wait3A_465 : memref<1x128xi32, #tpu.memory_space<vmem>> -> memref<128xi32, #tpu.memory_space<vmem>>
          %dma_wait3A_467 = arith.constant 0 : i32
          %dma_wait3A_468 = arith.constant 0 : i32
          %dma_wait3A_469 = tpu.memref_slice %arg17[%dma_wait3A_467, %dma_wait3A_468] : memref<10240x16xf32, #tpu.memory_space<vmem_shared>> -> memref<10240x16xf32, #tpu.memory_space<vmem_shared>>
          tpu.wait_indirect_dma semaphore(%arg14 : memref<!tpu.dma_semaphore, #tpu.memory_space<semaphore_mem>>) src(%arg15 : memref<128x16xf32, #tpu.memory_space<vmem>>) dst(%dma_wait3A_469 : memref<10240x16xf32, #tpu.memory_space<vmem_shared>>)
        } else {
        }
        %dma_wait3A_421 = arith.constant 3 : i32
        %dma_wait3A_422 = arith.constant 3 : i32
        %dma_wait3A_423 = arith.constant 0 : i32
        %dma_wait3A_424 = arith.constant 0 : i32
        %dma_wait3A_425 = tpu.memref_slice %arg9[%dma_wait3A_421, %dma_wait3A_423, %dma_wait3A_424] : memref<4x128x64xf32, #tpu.memory_space<vmem>> -> memref<1x128x64xf32, #tpu.memory_space<vmem>>
        %dma_wait3A_426 = tpu.memref_squeeze %dma_wait3A_425 : memref<1x128x64xf32, #tpu.memory_space<vmem>> -> memref<128x64xf32, #tpu.memory_space<vmem>>
        %dma_wait3A_427 = arith.constant 0 : i32
        %dma_wait3A_428 = tpu.memref_slice %arg7[%add3A_277, %dma_wait3A_427] : memref<80x128xi32, #tpu.memory_space<vmem>> -> memref<1x128xi32, #tpu.memory_space<vmem>>
        %dma_wait3A_429 = tpu.memref_squeeze %dma_wait3A_428 : memref<1x128xi32, #tpu.memory_space<vmem>> -> memref<128xi32, #tpu.memory_space<vmem>>
        %dma_wait3A_430 = arith.constant 0 : i32
        %dma_wait3A_431 = arith.constant 0 : i32
        %dma_wait3A_432 = tpu.memref_slice %arg2[%dma_wait3A_430, %dma_wait3A_431] : memref<10000x64xf32, #tpu.memory_space<hbm>> -> memref<10000x64xf32, #tpu.memory_space<hbm>>
        %dma_wait3A_433 = tpu.memref_slice %arg12[%dma_wait3A_422] : memref<4x!tpu.dma_semaphore, #tpu.memory_space<semaphore_mem>> -> memref<1x!tpu.dma_semaphore, #tpu.memory_space<semaphore_mem>>
        %dma_wait3A_434 = tpu.memref_squeeze %dma_wait3A_433 : memref<1x!tpu.dma_semaphore, #tpu.memory_space<semaphore_mem>> -> memref<!tpu.dma_semaphore, #tpu.memory_space<semaphore_mem>>
        tpu.wait_indirect_dma semaphore(%dma_wait3A_434 : memref<!tpu.dma_semaphore, #tpu.memory_space<semaphore_mem>>) src(%dma_wait3A_432 : memref<10000x64xf32, #tpu.memory_space<hbm>>) dst(%dma_wait3A_426 : memref<128x64xf32, #tpu.memory_space<vmem>>)
        %add3A_435 = arith.constant 3 : i32
        %add3A_436 = arith.addi %add3A_209, %add3A_435 : i32
        %dma_start3A_437 = arith.constant 3 : i32
        %dma_start3A_438 = arith.constant 3 : i32
        %dma_start3A_439 = arith.constant 0 : i32
        %dma_start3A_440 = arith.constant 0 : i32
        %dma_start3A_441 = tpu.memref_slice %arg9[%dma_start3A_437, %dma_start3A_439, %dma_start3A_440] : memref<4x128x64xf32, #tpu.memory_space<vmem>> -> memref<1x128x64xf32, #tpu.memory_space<vmem>>
        %dma_start3A_442 = tpu.memref_squeeze %dma_start3A_441 : memref<1x128x64xf32, #tpu.memory_space<vmem>> -> memref<128x64xf32, #tpu.memory_space<vmem>>
        %dma_start3A_443 = arith.constant 0 : i32
        %dma_start3A_444 = tpu.memref_slice %arg8[%add3A_436, %dma_start3A_443] : memref<80x128xi32, #tpu.memory_space<vmem>> -> memref<1x128xi32, #tpu.memory_space<vmem>>
        %dma_start3A_445 = tpu.memref_squeeze %dma_start3A_444 : memref<1x128xi32, #tpu.memory_space<vmem>> -> memref<128xi32, #tpu.memory_space<vmem>>
        %dma_start3A_446 = arith.constant 0 : i32
        %dma_start3A_447 = arith.constant 0 : i32
        %dma_start3A_448 = tpu.memref_slice %arg11[%dma_start3A_446, %dma_start3A_447] : memref<10240x64xf32, #tpu.memory_space<vmem_shared>> -> memref<10240x64xf32, #tpu.memory_space<vmem_shared>>
        %dma_start3A_449 = tpu.memref_slice %arg13[%dma_start3A_438] : memref<4x!tpu.dma_semaphore, #tpu.memory_space<semaphore_mem>> -> memref<1x!tpu.dma_semaphore, #tpu.memory_space<semaphore_mem>>
        %dma_start3A_450 = tpu.memref_squeeze %dma_start3A_449 : memref<1x!tpu.dma_semaphore, #tpu.memory_space<semaphore_mem>> -> memref<!tpu.dma_semaphore, #tpu.memory_space<semaphore_mem>>
        tpu.enqueue_indirect_dma source(%dma_start3A_442 : memref<128x64xf32, #tpu.memory_space<vmem>>) target(%dma_start3A_448 : memref<10240x64xf32, #tpu.memory_space<vmem_shared>>) offsets(%dma_start3A_445 : memref<128xi32, #tpu.memory_space<vmem>>) semaphore(%dma_start3A_450 : memref<!tpu.dma_semaphore, #tpu.memory_space<semaphore_mem>>) {add = true}
        %add3A_451 = arith.constant 3 : i32
        %add3A_452 = arith.addi %add3A_209, %add3A_451 : i32
        %dma_start3A_453 = arith.constant 0 : i32
        %dma_start3A_454 = tpu.memref_slice %arg8[%add3A_452, %dma_start3A_453] : memref<80x128xi32, #tpu.memory_space<vmem>> -> memref<1x128xi32, #tpu.memory_space<vmem>>
        %dma_start3A_455 = tpu.memref_squeeze %dma_start3A_454 : memref<1x128xi32, #tpu.memory_space<vmem>> -> memref<128xi32, #tpu.memory_space<vmem>>
        %dma_start3A_456 = arith.constant 0 : i32
        %dma_start3A_457 = arith.constant 0 : i32
        %dma_start3A_458 = tpu.memref_slice %arg17[%dma_start3A_456, %dma_start3A_457] : memref<10240x16xf32, #tpu.memory_space<vmem_shared>> -> memref<10240x16xf32, #tpu.memory_space<vmem_shared>>
        tpu.enqueue_indirect_dma source(%arg15 : memref<128x16xf32, #tpu.memory_space<vmem>>) target(%dma_start3A_458 : memref<10240x16xf32, #tpu.memory_space<vmem_shared>>) offsets(%dma_start3A_455 : memref<128xi32, #tpu.memory_space<vmem>>) semaphore(%arg14 : memref<!tpu.dma_semaphore, #tpu.memory_space<semaphore_mem>>) {add = true}
        %gt3A_459 = arith.constant 0 : i32
        %gt3A_460 = arith.cmpi sgt, %add3A_209, %gt3A_459 : i32
        %convert_element_type3A_461 = arith.extui %gt3A_460 : i1 to i32
        %cond3A_462 = arith.constant 0 : i32
        %cond3A_463 = arith.cmpi ne, %convert_element_type3A_461, %cond3A_462 : i32
        scf.if %cond3A_463 {
          %dma_wait3A_464 = arith.constant 0 : i32
          %dma_wait3A_465 = tpu.memref_slice %arg8[%add3A_452, %dma_wait3A_464] : memref<80x128xi32, #tpu.memory_space<vmem>> -> memref<1x128xi32, #tpu.memory_space<vmem>>
          %dma_wait3A_466 = tpu.memref_squeeze %dma_wait3A_465 : memref<1x128xi32, #tpu.memory_space<vmem>> -> memref<128xi32, #tpu.memory_space<vmem>>
          %dma_wait3A_467 = arith.constant 0 : i32
          %dma_wait3A_468 = arith.constant 0 : i32
          %dma_wait3A_469 = tpu.memref_slice %arg17[%dma_wait3A_467, %dma_wait3A_468] : memref<10240x16xf32, #tpu.memory_space<vmem_shared>> -> memref<10240x16xf32, #tpu.memory_space<vmem_shared>>
          tpu.wait_indirect_dma semaphore(%arg14 : memref<!tpu.dma_semaphore, #tpu.memory_space<semaphore_mem>>) src(%arg15 : memref<128x16xf32, #tpu.memory_space<vmem>>) dst(%dma_wait3A_469 : memref<10240x16xf32, #tpu.memory_space<vmem_shared>>)
        } else {
        }
      }
      %scan3A_115 = arith.constant 20 : i32
      %dma_wait3A_116 = arith.constant 0 : i32
      %dma_wait3A_117 = arith.constant 0 : i32
      %dma_wait3A_118 = arith.constant 0 : i32
      %dma_wait3A_119 = arith.constant 0 : i32
      %dma_wait3A_120 = arith.constant 0 : i32
      %dma_wait3A_121 = tpu.memref_slice %arg9[%dma_wait3A_116, %dma_wait3A_119, %dma_wait3A_120] : memref<4x128x64xf32, #tpu.memory_space<vmem>> -> memref<1x128x64xf32, #tpu.memory_space<vmem>>
      %dma_wait3A_122 = tpu.memref_squeeze %dma_wait3A_121 : memref<1x128x64xf32, #tpu.memory_space<vmem>> -> memref<128x64xf32, #tpu.memory_space<vmem>>
      %dma_wait3A_123 = arith.constant 0 : i32
      %dma_wait3A_124 = tpu.memref_slice %arg8[%dma_wait3A_117, %dma_wait3A_123] : memref<80x128xi32, #tpu.memory_space<vmem>> -> memref<1x128xi32, #tpu.memory_space<vmem>>
      %dma_wait3A_125 = tpu.memref_squeeze %dma_wait3A_124 : memref<1x128xi32, #tpu.memory_space<vmem>> -> memref<128xi32, #tpu.memory_space<vmem>>
      %dma_wait3A_126 = arith.constant 0 : i32
      %dma_wait3A_127 = arith.constant 0 : i32
      %dma_wait3A_128 = tpu.memref_slice %arg11[%dma_wait3A_126, %dma_wait3A_127] : memref<10240x64xf32, #tpu.memory_space<vmem_shared>> -> memref<10240x64xf32, #tpu.memory_space<vmem_shared>>
      %dma_wait3A_129 = tpu.memref_slice %arg13[%dma_wait3A_118] : memref<4x!tpu.dma_semaphore, #tpu.memory_space<semaphore_mem>> -> memref<1x!tpu.dma_semaphore, #tpu.memory_space<semaphore_mem>>
      %dma_wait3A_130 = tpu.memref_squeeze %dma_wait3A_129 : memref<1x!tpu.dma_semaphore, #tpu.memory_space<semaphore_mem>> -> memref<!tpu.dma_semaphore, #tpu.memory_space<semaphore_mem>>
      tpu.wait_indirect_dma semaphore(%dma_wait3A_130 : memref<!tpu.dma_semaphore, #tpu.memory_space<semaphore_mem>>) src(%dma_wait3A_122 : memref<128x64xf32, #tpu.memory_space<vmem>>) dst(%dma_wait3A_128 : memref<10240x64xf32, #tpu.memory_space<vmem_shared>>)
      %dma_wait3A_131 = arith.constant 0 : i32
      %dma_wait3A_132 = arith.constant 0 : i32
      %dma_wait3A_133 = tpu.memref_slice %arg8[%dma_wait3A_131, %dma_wait3A_132] : memref<80x128xi32, #tpu.memory_space<vmem>> -> memref<1x128xi32, #tpu.memory_space<vmem>>
      %dma_wait3A_134 = tpu.memref_squeeze %dma_wait3A_133 : memref<1x128xi32, #tpu.memory_space<vmem>> -> memref<128xi32, #tpu.memory_space<vmem>>
      %dma_wait3A_135 = arith.constant 0 : i32
      %dma_wait3A_136 = arith.constant 0 : i32
      %dma_wait3A_137 = tpu.memref_slice %arg17[%dma_wait3A_135, %dma_wait3A_136] : memref<10240x16xf32, #tpu.memory_space<vmem_shared>> -> memref<10240x16xf32, #tpu.memory_space<vmem_shared>>
      tpu.wait_indirect_dma semaphore(%arg14 : memref<!tpu.dma_semaphore, #tpu.memory_space<semaphore_mem>>) src(%arg15 : memref<128x16xf32, #tpu.memory_space<vmem>>) dst(%dma_wait3A_137 : memref<10240x16xf32, #tpu.memory_space<vmem_shared>>)
      %dma_wait3A_138 = arith.constant 1 : i32
      %dma_wait3A_139 = arith.constant 0 : i32
      %dma_wait3A_140 = arith.constant 1 : i32
      %dma_wait3A_141 = arith.constant 0 : i32
      %dma_wait3A_142 = arith.constant 0 : i32
      %dma_wait3A_143 = tpu.memref_slice %arg9[%dma_wait3A_138, %dma_wait3A_141, %dma_wait3A_142] : memref<4x128x64xf32, #tpu.memory_space<vmem>> -> memref<1x128x64xf32, #tpu.memory_space<vmem>>
      %dma_wait3A_144 = tpu.memref_squeeze %dma_wait3A_143 : memref<1x128x64xf32, #tpu.memory_space<vmem>> -> memref<128x64xf32, #tpu.memory_space<vmem>>
      %dma_wait3A_145 = arith.constant 0 : i32
      %dma_wait3A_146 = tpu.memref_slice %arg8[%dma_wait3A_139, %dma_wait3A_145] : memref<80x128xi32, #tpu.memory_space<vmem>> -> memref<1x128xi32, #tpu.memory_space<vmem>>
      %dma_wait3A_147 = tpu.memref_squeeze %dma_wait3A_146 : memref<1x128xi32, #tpu.memory_space<vmem>> -> memref<128xi32, #tpu.memory_space<vmem>>
      %dma_wait3A_148 = arith.constant 0 : i32
      %dma_wait3A_149 = arith.constant 0 : i32
      %dma_wait3A_150 = tpu.memref_slice %arg11[%dma_wait3A_148, %dma_wait3A_149] : memref<10240x64xf32, #tpu.memory_space<vmem_shared>> -> memref<10240x64xf32, #tpu.memory_space<vmem_shared>>
      %dma_wait3A_151 = tpu.memref_slice %arg13[%dma_wait3A_140] : memref<4x!tpu.dma_semaphore, #tpu.memory_space<semaphore_mem>> -> memref<1x!tpu.dma_semaphore, #tpu.memory_space<semaphore_mem>>
      %dma_wait3A_152 = tpu.memref_squeeze %dma_wait3A_151 : memref<1x!tpu.dma_semaphore, #tpu.memory_space<semaphore_mem>> -> memref<!tpu.dma_semaphore, #tpu.memory_space<semaphore_mem>>
      tpu.wait_indirect_dma semaphore(%dma_wait3A_152 : memref<!tpu.dma_semaphore, #tpu.memory_space<semaphore_mem>>) src(%dma_wait3A_144 : memref<128x64xf32, #tpu.memory_space<vmem>>) dst(%dma_wait3A_150 : memref<10240x64xf32, #tpu.memory_space<vmem_shared>>)
      %dma_wait3A_153 = arith.constant 0 : i32
      %dma_wait3A_154 = arith.constant 0 : i32
      %dma_wait3A_155 = tpu.memref_slice %arg8[%dma_wait3A_153, %dma_wait3A_154] : memref<80x128xi32, #tpu.memory_space<vmem>> -> memref<1x128xi32, #tpu.memory_space<vmem>>
      %dma_wait3A_156 = tpu.memref_squeeze %dma_wait3A_155 : memref<1x128xi32, #tpu.memory_space<vmem>> -> memref<128xi32, #tpu.memory_space<vmem>>
      %dma_wait3A_157 = arith.constant 0 : i32
      %dma_wait3A_158 = arith.constant 0 : i32
      %dma_wait3A_159 = tpu.memref_slice %arg17[%dma_wait3A_157, %dma_wait3A_158] : memref<10240x16xf32, #tpu.memory_space<vmem_shared>> -> memref<10240x16xf32, #tpu.memory_space<vmem_shared>>
      tpu.wait_indirect_dma semaphore(%arg14 : memref<!tpu.dma_semaphore, #tpu.memory_space<semaphore_mem>>) src(%arg15 : memref<128x16xf32, #tpu.memory_space<vmem>>) dst(%dma_wait3A_159 : memref<10240x16xf32, #tpu.memory_space<vmem_shared>>)
      %dma_wait3A_160 = arith.constant 2 : i32
      %dma_wait3A_161 = arith.constant 0 : i32
      %dma_wait3A_162 = arith.constant 2 : i32
      %dma_wait3A_163 = arith.constant 0 : i32
      %dma_wait3A_164 = arith.constant 0 : i32
      %dma_wait3A_165 = tpu.memref_slice %arg9[%dma_wait3A_160, %dma_wait3A_163, %dma_wait3A_164] : memref<4x128x64xf32, #tpu.memory_space<vmem>> -> memref<1x128x64xf32, #tpu.memory_space<vmem>>
      %dma_wait3A_166 = tpu.memref_squeeze %dma_wait3A_165 : memref<1x128x64xf32, #tpu.memory_space<vmem>> -> memref<128x64xf32, #tpu.memory_space<vmem>>
      %dma_wait3A_167 = arith.constant 0 : i32
      %dma_wait3A_168 = tpu.memref_slice %arg8[%dma_wait3A_161, %dma_wait3A_167] : memref<80x128xi32, #tpu.memory_space<vmem>> -> memref<1x128xi32, #tpu.memory_space<vmem>>
      %dma_wait3A_169 = tpu.memref_squeeze %dma_wait3A_168 : memref<1x128xi32, #tpu.memory_space<vmem>> -> memref<128xi32, #tpu.memory_space<vmem>>
      %dma_wait3A_170 = arith.constant 0 : i32
      %dma_wait3A_171 = arith.constant 0 : i32
      %dma_wait3A_172 = tpu.memref_slice %arg11[%dma_wait3A_170, %dma_wait3A_171] : memref<10240x64xf32, #tpu.memory_space<vmem_shared>> -> memref<10240x64xf32, #tpu.memory_space<vmem_shared>>
      %dma_wait3A_173 = tpu.memref_slice %arg13[%dma_wait3A_162] : memref<4x!tpu.dma_semaphore, #tpu.memory_space<semaphore_mem>> -> memref<1x!tpu.dma_semaphore, #tpu.memory_space<semaphore_mem>>
      %dma_wait3A_174 = tpu.memref_squeeze %dma_wait3A_173 : memref<1x!tpu.dma_semaphore, #tpu.memory_space<semaphore_mem>> -> memref<!tpu.dma_semaphore, #tpu.memory_space<semaphore_mem>>
      tpu.wait_indirect_dma semaphore(%dma_wait3A_174 : memref<!tpu.dma_semaphore, #tpu.memory_space<semaphore_mem>>) src(%dma_wait3A_166 : memref<128x64xf32, #tpu.memory_space<vmem>>) dst(%dma_wait3A_172 : memref<10240x64xf32, #tpu.memory_space<vmem_shared>>)
      %dma_wait3A_175 = arith.constant 0 : i32
      %dma_wait3A_176 = arith.constant 0 : i32
      %dma_wait3A_177 = tpu.memref_slice %arg8[%dma_wait3A_175, %dma_wait3A_176] : memref<80x128xi32, #tpu.memory_space<vmem>> -> memref<1x128xi32, #tpu.memory_space<vmem>>
      %dma_wait3A_178 = tpu.memref_squeeze %dma_wait3A_177 : memref<1x128xi32, #tpu.memory_space<vmem>> -> memref<128xi32, #tpu.memory_space<vmem>>
      %dma_wait3A_179 = arith.constant 0 : i32
      %dma_wait3A_180 = arith.constant 0 : i32
      %dma_wait3A_181 = tpu.memref_slice %arg17[%dma_wait3A_179, %dma_wait3A_180] : memref<10240x16xf32, #tpu.memory_space<vmem_shared>> -> memref<10240x16xf32, #tpu.memory_space<vmem_shared>>
      tpu.wait_indirect_dma semaphore(%arg14 : memref<!tpu.dma_semaphore, #tpu.memory_space<semaphore_mem>>) src(%arg15 : memref<128x16xf32, #tpu.memory_space<vmem>>) dst(%dma_wait3A_181 : memref<10240x16xf32, #tpu.memory_space<vmem_shared>>)
      %dma_wait3A_182 = arith.constant 3 : i32
      %dma_wait3A_183 = arith.constant 0 : i32
      %dma_wait3A_184 = arith.constant 3 : i32
      %dma_wait3A_185 = arith.constant 0 : i32
      %dma_wait3A_186 = arith.constant 0 : i32
      %dma_wait3A_187 = tpu.memref_slice %arg9[%dma_wait3A_182, %dma_wait3A_185, %dma_wait3A_186] : memref<4x128x64xf32, #tpu.memory_space<vmem>> -> memref<1x128x64xf32, #tpu.memory_space<vmem>>
      %dma_wait3A_188 = tpu.memref_squeeze %dma_wait3A_187 : memref<1x128x64xf32, #tpu.memory_space<vmem>> -> memref<128x64xf32, #tpu.memory_space<vmem>>
      %dma_wait3A_189 = arith.constant 0 : i32
      %dma_wait3A_190 = tpu.memref_slice %arg8[%dma_wait3A_183, %dma_wait3A_189] : memref<80x128xi32, #tpu.memory_space<vmem>> -> memref<1x128xi32, #tpu.memory_space<vmem>>
      %dma_wait3A_191 = tpu.memref_squeeze %dma_wait3A_190 : memref<1x128xi32, #tpu.memory_space<vmem>> -> memref<128xi32, #tpu.memory_space<vmem>>
      %dma_wait3A_192 = arith.constant 0 : i32
      %dma_wait3A_193 = arith.constant 0 : i32
      %dma_wait3A_194 = tpu.memref_slice %arg11[%dma_wait3A_192, %dma_wait3A_193] : memref<10240x64xf32, #tpu.memory_space<vmem_shared>> -> memref<10240x64xf32, #tpu.memory_space<vmem_shared>>
      %dma_wait3A_195 = tpu.memref_slice %arg13[%dma_wait3A_184] : memref<4x!tpu.dma_semaphore, #tpu.memory_space<semaphore_mem>> -> memref<1x!tpu.dma_semaphore, #tpu.memory_space<semaphore_mem>>
      %dma_wait3A_196 = tpu.memref_squeeze %dma_wait3A_195 : memref<1x!tpu.dma_semaphore, #tpu.memory_space<semaphore_mem>> -> memref<!tpu.dma_semaphore, #tpu.memory_space<semaphore_mem>>
      tpu.wait_indirect_dma semaphore(%dma_wait3A_196 : memref<!tpu.dma_semaphore, #tpu.memory_space<semaphore_mem>>) src(%dma_wait3A_188 : memref<128x64xf32, #tpu.memory_space<vmem>>) dst(%dma_wait3A_194 : memref<10240x64xf32, #tpu.memory_space<vmem_shared>>)
      %dma_wait3A_197 = arith.constant 0 : i32
      %dma_wait3A_198 = arith.constant 0 : i32
      %dma_wait3A_199 = tpu.memref_slice %arg8[%dma_wait3A_197, %dma_wait3A_198] : memref<80x128xi32, #tpu.memory_space<vmem>> -> memref<1x128xi32, #tpu.memory_space<vmem>>
      %dma_wait3A_200 = tpu.memref_squeeze %dma_wait3A_199 : memref<1x128xi32, #tpu.memory_space<vmem>> -> memref<128xi32, #tpu.memory_space<vmem>>
      %dma_wait3A_201 = arith.constant 0 : i32
      %dma_wait3A_202 = arith.constant 0 : i32
      %dma_wait3A_203 = tpu.memref_slice %arg17[%dma_wait3A_201, %dma_wait3A_202] : memref<10240x16xf32, #tpu.memory_space<vmem_shared>> -> memref<10240x16xf32, #tpu.memory_space<vmem_shared>>
      tpu.wait_indirect_dma semaphore(%arg14 : memref<!tpu.dma_semaphore, #tpu.memory_space<semaphore_mem>>) src(%arg15 : memref<128x16xf32, #tpu.memory_space<vmem>>) dst(%dma_wait3A_203 : memref<10240x16xf32, #tpu.memory_space<vmem_shared>>)
      %barrier3A_204 = arith.constant 0 : index
      tpu.barrier barrier_id(%barrier3A_204)
      "tpu.region"() ({
        %run_scoped3A = tpu.sem_alloc : memref<!tpu.dma_semaphore, #tpu.memory_space<semaphore_mem>>
        %dma_start3A = arith.constant 0 : i32
        %dma_start3A_205 = tpu.memref_slice %arg5[%mul3A_0, %dma_start3A] : memref<10240x64xf32, #tpu.memory_space<hbm>> -> memref<640x64xf32, #tpu.memory_space<hbm>>
        %dma_start3A_206 = arith.constant 0 : i32
        %dma_start3A_207 = tpu.memref_slice %arg11[%mul3A_0, %dma_start3A_206] : memref<10240x64xf32, #tpu.memory_space<vmem_shared>> -> memref<640x64xf32, #tpu.memory_space<vmem_shared>>
        tpu.enqueue_dma source(%dma_start3A_207 : memref<640x64xf32, #tpu.memory_space<vmem_shared>>) target(%dma_start3A_205 : memref<640x64xf32, #tpu.memory_space<hbm>>) target_semaphore(%run_scoped3A : memref<!tpu.dma_semaphore, #tpu.memory_space<semaphore_mem>>)
        %dma_wait3A_208 = arith.constant 0 : i32
        %dma_wait3A_209 = tpu.memref_slice %arg5[%mul3A_0, %dma_wait3A_208] : memref<10240x64xf32, #tpu.memory_space<hbm>> -> memref<640x64xf32, #tpu.memory_space<hbm>>
        %dma_wait3A_210 = arith.constant 0 : i32
        %dma_wait3A_211 = tpu.memref_slice %arg11[%mul3A_0, %dma_wait3A_210] : memref<10240x64xf32, #tpu.memory_space<vmem_shared>> -> memref<640x64xf32, #tpu.memory_space<vmem_shared>>
        tpu.wait_dma2 semaphore(%run_scoped3A : memref<!tpu.dma_semaphore, #tpu.memory_space<semaphore_mem>>) src(%dma_wait3A_211 : memref<640x64xf32, #tpu.memory_space<vmem_shared>>) dst(%dma_wait3A_209 : memref<640x64xf32, #tpu.memory_space<hbm>>)
        tpu.yield
      }) : () -> ()
      "tpu.region"() ({
        %run_scoped3A = tpu.sem_alloc : memref<!tpu.dma_semaphore, #tpu.memory_space<semaphore_mem>>
        %dma_start3A = arith.constant 0 : i32
        %dma_start3A_205 = tpu.memref_slice %arg6[%mul3A_0, %dma_start3A] : memref<10240x16xf32, #tpu.memory_space<hbm>> -> memref<640x16xf32, #tpu.memory_space<hbm>>
        %dma_start3A_206 = arith.constant 0 : i32
        %dma_start3A_207 = tpu.memref_slice %arg17[%mul3A_0, %dma_start3A_206] : memref<10240x16xf32, #tpu.memory_space<vmem_shared>> -> memref<640x16xf32, #tpu.memory_space<vmem_shared>>
        tpu.enqueue_dma source(%dma_start3A_207 : memref<640x16xf32, #tpu.memory_space<vmem_shared>>) target(%dma_start3A_205 : memref<640x16xf32, #tpu.memory_space<hbm>>) target_semaphore(%run_scoped3A : memref<!tpu.dma_semaphore, #tpu.memory_space<semaphore_mem>>)
        %dma_wait3A_208 = arith.constant 0 : i32
        %dma_wait3A_209 = tpu.memref_slice %arg6[%mul3A_0, %dma_wait3A_208] : memref<10240x16xf32, #tpu.memory_space<hbm>> -> memref<640x16xf32, #tpu.memory_space<hbm>>
        %dma_wait3A_210 = arith.constant 0 : i32
        %dma_wait3A_211 = tpu.memref_slice %arg17[%mul3A_0, %dma_wait3A_210] : memref<10240x16xf32, #tpu.memory_space<vmem_shared>> -> memref<640x16xf32, #tpu.memory_space<vmem_shared>>
        tpu.wait_dma2 semaphore(%run_scoped3A : memref<!tpu.dma_semaphore, #tpu.memory_space<semaphore_mem>>) src(%dma_wait3A_211 : memref<640x16xf32, #tpu.memory_space<vmem_shared>>) dst(%dma_wait3A_209 : memref<640x16xf32, #tpu.memory_space<hbm>>)
        tpu.yield
      }) : () -> ()
    } else {
    }
    return
  }
}

#map = affine_map<(d0, d1) -> (0, 0)>
module attributes {stable_mosaic.version = 14 : i64} {
  func.func @body(%arg0: i32, %arg1: i32, %arg2: memref<10000x32xf32, #tpu.memory_space<hbm>>, %arg3: memref<2560x128xi32, #tpu.memory_space<hbm>>, %arg4: memref<2560x128xi32, #tpu.memory_space<hbm>>, %arg5: memref<10240x32xf32, #tpu.memory_space<hbm>>, %arg6: memref<80x128xi32, #tpu.memory_space<vmem>>, %arg7: memref<80x128xi32, #tpu.memory_space<vmem>>, %arg8: memref<4x128x32xf32, #tpu.memory_space<vmem>>, %arg9: memref<128x32xf32, #tpu.memory_space<vmem>>, %arg10: memref<10240x32xf32, #tpu.memory_space<vmem_shared>>, %arg11: memref<4x!tpu.dma_semaphore, #tpu.memory_space<semaphore_mem>>, %arg12: memref<4x!tpu.dma_semaphore, #tpu.memory_space<semaphore_mem>>, %arg13: memref<!tpu.dma_semaphore, #tpu.memory_space<semaphore_mem>>) attributes {dimension_semantics = [#tpu.dimension_semantics<core_parallel>, #tpu.dimension_semantics<subcore_parallel>], iteration_bounds = array<i64: 2, 16>, scalar_prefetch = 0 : i64, scratch_operands = 8 : i64, tpu.core_type = #tpu.core_type<sc_vector_subcore>, window_params = [{transform_indices = #map}, {transform_indices = #map}, {transform_indices = #map}, {transform_indices = #map}]} {
    %mul3A = arith.constant 640 : i32
    %mul3A_0 = arith.muli %arg1, %mul3A : i32
    %eq3A = arith.constant 1 : i32
    %eq3A_1 = arith.cmpi eq, %arg0, %eq3A : i32
    %convert_element_type3A = arith.extui %eq3A_1 : i1 to i32
    %cond3A = arith.constant 0 : i32
    %cond3A_2 = arith.cmpi ne, %convert_element_type3A, %cond3A : i32
    scf.if %cond3A_2 {
      %scan3A = arith.constant 0 : i32
      %scan3A_3 = arith.constant 128 : i32
      %scan3A_4 = arith.addi %scan3A, %scan3A_3 : i32
      %scan3A_5 = arith.constant 1 : i32
      scf.for %scan3A_149 = %scan3A to %scan3A_4 step %scan3A_5  : i32 {
        %mul3A_150 = arith.constant 1 : i32
        %mul3A_151 = arith.muli %scan3A_149, %mul3A_150 : i32
        %add3A_152 = arith.constant 0 : i32
        %add3A_153 = arith.addi %add3A_152, %mul3A_151 : i32
        %broadcast_in_dim3A = arith.constant 0.000000e+00 : f32
        %broadcast_in_dim3A_154 = vector.broadcast %broadcast_in_dim3A : f32 to vector<16xf32>
        %swap3A = arith.index_cast %add3A_153 : i32 to index
        %swap3A_155 = arith.constant 0 : index
        %swap3A_156 = tpu.vector_load %arg9[%swap3A, %swap3A_155] {strides = array<i32>} : memref<128x32xf32, #tpu.memory_space<vmem>>, vector<1x16xf32>,
        %swap3A_157 = vector.shape_cast %swap3A_156 : vector<1x16xf32> to vector<16xf32>
        %swap3A_158 = vector.shape_cast %broadcast_in_dim3A_154 : vector<16xf32> to vector<1x16xf32>
        tpu.vector_store %arg9[%swap3A, %swap3A_155], %swap3A_158 {strides = array<i32>} : memref<128x32xf32, #tpu.memory_space<vmem>>, vector<1x16xf32>,
        %broadcast_in_dim3A_159 = arith.constant 0.000000e+00 : f32
        %broadcast_in_dim3A_160 = vector.broadcast %broadcast_in_dim3A_159 : f32 to vector<16xf32>
        %swap3A_161 = arith.index_cast %add3A_153 : i32 to index
        %swap3A_162 = arith.constant 16 : index
        %swap3A_163 = tpu.vector_load %arg9[%swap3A_161, %swap3A_162] {strides = array<i32>} : memref<128x32xf32, #tpu.memory_space<vmem>>, vector<1x16xf32>,
        %swap3A_164 = vector.shape_cast %swap3A_163 : vector<1x16xf32> to vector<16xf32>
        %swap3A_165 = vector.shape_cast %broadcast_in_dim3A_160 : vector<16xf32> to vector<1x16xf32>
        tpu.vector_store %arg9[%swap3A_161, %swap3A_162], %swap3A_165 {strides = array<i32>} : memref<128x32xf32, #tpu.memory_space<vmem>>, vector<1x16xf32>,
      }
      %scan3A_6 = arith.constant 128 : i32
      %scan3A_7 = arith.constant 0 : i32
      %scan3A_8 = arith.constant 5 : i32
      %scan3A_9 = arith.addi %scan3A_7, %scan3A_8 : i32
      %scan3A_10 = arith.constant 1 : i32
      scf.for %scan3A_149 = %scan3A_7 to %scan3A_9 step %scan3A_10  : i32 {
        %mul3A_150 = arith.constant 128 : i32
        %mul3A_151 = arith.muli %scan3A_149, %mul3A_150 : i32
        %add3A_152 = arith.constant 0 : i32
        %add3A_153 = arith.addi %add3A_152, %mul3A_151 : i32
        %add3A_154 = arith.addi %mul3A_0, %add3A_153 : i32
        "tpu.region"() ({
          %run_scoped3A = tpu.sem_alloc : memref<!tpu.dma_semaphore, #tpu.memory_space<semaphore_mem>>
          %dma_start3A = arith.constant 0 : i32
          %dma_start3A_155 = tpu.memref_slice %arg10[%add3A_154, %dma_start3A] : memref<10240x32xf32, #tpu.memory_space<vmem_shared>> -> memref<128x32xf32, #tpu.memory_space<vmem_shared>>
          %dma_start3A_156 = arith.constant 0 : i32
          %dma_start3A_157 = tpu.memref_slice %arg10[%add3A_154, %dma_start3A_156] : memref<10240x32xf32, #tpu.memory_space<vmem_shared>> -> memref<128x32xf32, #tpu.memory_space<vmem_shared>>
          tpu.enqueue_dma source(%arg9 : memref<128x32xf32, #tpu.memory_space<vmem>>) target(%dma_start3A_157 : memref<128x32xf32, #tpu.memory_space<vmem_shared>>) target_semaphore(%run_scoped3A : memref<!tpu.dma_semaphore, #tpu.memory_space<semaphore_mem>>)
          %dma_wait3A_158 = arith.constant 0 : i32
          %dma_wait3A_159 = tpu.memref_slice %arg10[%add3A_154, %dma_wait3A_158] : memref<10240x32xf32, #tpu.memory_space<vmem_shared>> -> memref<128x32xf32, #tpu.memory_space<vmem_shared>>
          %dma_wait3A_160 = arith.constant 0 : i32
          %dma_wait3A_161 = tpu.memref_slice %arg10[%add3A_154, %dma_wait3A_160] : memref<10240x32xf32, #tpu.memory_space<vmem_shared>> -> memref<128x32xf32, #tpu.memory_space<vmem_shared>>
          tpu.wait_dma2 semaphore(%run_scoped3A : memref<!tpu.dma_semaphore, #tpu.memory_space<semaphore_mem>>) src(%arg9 : memref<128x32xf32, #tpu.memory_space<vmem>>) dst(%dma_wait3A_161 : memref<128x32xf32, #tpu.memory_space<vmem_shared>>)
          tpu.yield
        }) : () -> ()
      }
      %scan3A_11 = arith.constant 5 : i32
      %mul3A_12 = arith.constant 160 : i32
      %mul3A_13 = arith.muli %arg1, %mul3A_12 : i32
      %add3A = arith.constant 0 : i32
      %add3A_14 = arith.addi %mul3A_13, %add3A : i32
      "tpu.region"() ({
        %run_scoped3A = tpu.sem_alloc : memref<!tpu.dma_semaphore, #tpu.memory_space<semaphore_mem>>
        %dma_start3A = arith.constant 0 : i32
        %dma_start3A_149 = tpu.memref_slice %arg3[%add3A_14, %dma_start3A] : memref<2560x128xi32, #tpu.memory_space<hbm>> -> memref<80x128xi32, #tpu.memory_space<hbm>>
        %dma_start3A_150 = arith.constant 0 : i32
        %dma_start3A_151 = tpu.memref_slice %arg3[%add3A_14, %dma_start3A_150] : memref<2560x128xi32, #tpu.memory_space<hbm>> -> memref<80x128xi32, #tpu.memory_space<hbm>>
        tpu.enqueue_dma source(%dma_start3A_151 : memref<80x128xi32, #tpu.memory_space<hbm>>) target(%arg6 : memref<80x128xi32, #tpu.memory_space<vmem>>) target_semaphore(%run_scoped3A : memref<!tpu.dma_semaphore, #tpu.memory_space<semaphore_mem>>)
        %dma_wait3A_152 = arith.constant 0 : i32
        %dma_wait3A_153 = tpu.memref_slice %arg3[%add3A_14, %dma_wait3A_152] : memref<2560x128xi32, #tpu.memory_space<hbm>> -> memref<80x128xi32, #tpu.memory_space<hbm>>
        %dma_wait3A_154 = arith.constant 0 : i32
        %dma_wait3A_155 = tpu.memref_slice %arg3[%add3A_14, %dma_wait3A_154] : memref<2560x128xi32, #tpu.memory_space<hbm>> -> memref<80x128xi32, #tpu.memory_space<hbm>>
        tpu.wait_dma2 semaphore(%run_scoped3A : memref<!tpu.dma_semaphore, #tpu.memory_space<semaphore_mem>>) src(%dma_wait3A_155 : memref<80x128xi32, #tpu.memory_space<hbm>>) dst(%arg6 : memref<80x128xi32, #tpu.memory_space<vmem>>)
        tpu.yield
      }) : () -> ()
      "tpu.region"() ({
        %run_scoped3A = tpu.sem_alloc : memref<!tpu.dma_semaphore, #tpu.memory_space<semaphore_mem>>
        %dma_start3A = arith.constant 0 : i32
        %dma_start3A_149 = tpu.memref_slice %arg4[%add3A_14, %dma_start3A] : memref<2560x128xi32, #tpu.memory_space<hbm>> -> memref<80x128xi32, #tpu.memory_space<hbm>>
        %dma_start3A_150 = arith.constant 0 : i32
        %dma_start3A_151 = tpu.memref_slice %arg4[%add3A_14, %dma_start3A_150] : memref<2560x128xi32, #tpu.memory_space<hbm>> -> memref<80x128xi32, #tpu.memory_space<hbm>>
        tpu.enqueue_dma source(%dma_start3A_151 : memref<80x128xi32, #tpu.memory_space<hbm>>) target(%arg7 : memref<80x128xi32, #tpu.memory_space<vmem>>) target_semaphore(%run_scoped3A : memref<!tpu.dma_semaphore, #tpu.memory_space<semaphore_mem>>)
        %dma_wait3A_152 = arith.constant 0 : i32
        %dma_wait3A_153 = tpu.memref_slice %arg4[%add3A_14, %dma_wait3A_152] : memref<2560x128xi32, #tpu.memory_space<hbm>> -> memref<80x128xi32, #tpu.memory_space<hbm>>
        %dma_wait3A_154 = arith.constant 0 : i32
        %dma_wait3A_155 = tpu.memref_slice %arg4[%add3A_14, %dma_wait3A_154] : memref<2560x128xi32, #tpu.memory_space<hbm>> -> memref<80x128xi32, #tpu.memory_space<hbm>>
        tpu.wait_dma2 semaphore(%run_scoped3A : memref<!tpu.dma_semaphore, #tpu.memory_space<semaphore_mem>>) src(%dma_wait3A_155 : memref<80x128xi32, #tpu.memory_space<hbm>>) dst(%arg7 : memref<80x128xi32, #tpu.memory_space<vmem>>)
        tpu.yield
      }) : () -> ()
      %barrier3A = arith.constant 0 : index
      tpu.barrier barrier_id(%barrier3A)
      %scan3A_15 = arith.constant 0 : i32
      %scan3A_16 = arith.constant 20 : i32
      %scan3A_17 = arith.addi %scan3A_15, %scan3A_16 : i32
      %scan3A_18 = arith.constant 1 : i32
      scf.for %scan3A_149 = %scan3A_15 to %scan3A_17 step %scan3A_18  : i32 {
        %mul3A_150 = arith.constant 4 : i32
        %mul3A_151 = arith.muli %scan3A_149, %mul3A_150 : i32
        %add3A_152 = arith.constant 0 : i32
        %add3A_153 = arith.addi %add3A_152, %mul3A_151 : i32
        %gt3A = arith.constant 0 : i32
        %gt3A_154 = arith.cmpi sgt, %add3A_153, %gt3A : i32
        %convert_element_type3A_155 = arith.extui %gt3A_154 : i1 to i32
        %cond3A_156 = arith.constant 0 : i32
        %cond3A_157 = arith.cmpi ne, %convert_element_type3A_155, %cond3A_156 : i32
        scf.if %cond3A_157 {
          %dma_wait3A_356 = arith.constant 0 : i32
          %dma_wait3A_357 = arith.constant 0 : i32
          %dma_wait3A_358 = arith.constant 0 : i32
          %dma_wait3A_359 = arith.constant 0 : i32
          %dma_wait3A_360 = tpu.memref_slice %arg8[%dma_wait3A_356, %dma_wait3A_358, %dma_wait3A_359] : memref<4x128x32xf32, #tpu.memory_space<vmem>> -> memref<1x128x32xf32, #tpu.memory_space<vmem>>
          %dma_wait3A_361 = tpu.memref_squeeze %dma_wait3A_360 : memref<1x128x32xf32, #tpu.memory_space<vmem>> -> memref<128x32xf32, #tpu.memory_space<vmem>>
          %dma_wait3A_362 = arith.constant 0 : i32
          %dma_wait3A_363 = tpu.memref_slice %arg7[%add3A_153, %dma_wait3A_362] : memref<80x128xi32, #tpu.memory_space<vmem>> -> memref<1x128xi32, #tpu.memory_space<vmem>>
          %dma_wait3A_364 = tpu.memref_squeeze %dma_wait3A_363 : memref<1x128xi32, #tpu.memory_space<vmem>> -> memref<128xi32, #tpu.memory_space<vmem>>
          %dma_wait3A_365 = arith.constant 0 : i32
          %dma_wait3A_366 = arith.constant 0 : i32
          %dma_wait3A_367 = tpu.memref_slice %arg10[%dma_wait3A_365, %dma_wait3A_366] : memref<10240x32xf32, #tpu.memory_space<vmem_shared>> -> memref<10240x32xf32, #tpu.memory_space<vmem_shared>>
          %dma_wait3A_368 = tpu.memref_slice %arg12[%dma_wait3A_357] : memref<4x!tpu.dma_semaphore, #tpu.memory_space<semaphore_mem>> -> memref<1x!tpu.dma_semaphore, #tpu.memory_space<semaphore_mem>>
          %dma_wait3A_369 = tpu.memref_squeeze %dma_wait3A_368 : memref<1x!tpu.dma_semaphore, #tpu.memory_space<semaphore_mem>> -> memref<!tpu.dma_semaphore, #tpu.memory_space<semaphore_mem>>
          tpu.wait_indirect_dma semaphore(%dma_wait3A_369 : memref<!tpu.dma_semaphore, #tpu.memory_space<semaphore_mem>>) src(%dma_wait3A_361 : memref<128x32xf32, #tpu.memory_space<vmem>>) dst(%dma_wait3A_367 : memref<10240x32xf32, #tpu.memory_space<vmem_shared>>)
        } else {
        }
        %add3A_158 = arith.constant 0 : i32
        %add3A_159 = arith.addi %add3A_153, %add3A_158 : i32
        %dma_start3A = arith.constant 0 : i32
        %dma_start3A_160 = arith.constant 0 : i32
        %dma_start3A_161 = arith.constant 0 : i32
        %dma_start3A_162 = arith.constant 0 : i32
        %dma_start3A_163 = tpu.memref_slice %arg8[%dma_start3A, %dma_start3A_161, %dma_start3A_162] : memref<4x128x32xf32, #tpu.memory_space<vmem>> -> memref<1x128x32xf32, #tpu.memory_space<vmem>>
        %dma_start3A_164 = tpu.memref_squeeze %dma_start3A_163 : memref<1x128x32xf32, #tpu.memory_space<vmem>> -> memref<128x32xf32, #tpu.memory_space<vmem>>
        %dma_start3A_165 = arith.constant 0 : i32
        %dma_start3A_166 = tpu.memref_slice %arg6[%add3A_159, %dma_start3A_165] : memref<80x128xi32, #tpu.memory_space<vmem>> -> memref<1x128xi32, #tpu.memory_space<vmem>>
        %dma_start3A_167 = tpu.memref_squeeze %dma_start3A_166 : memref<1x128xi32, #tpu.memory_space<vmem>> -> memref<128xi32, #tpu.memory_space<vmem>>
        %dma_start3A_168 = arith.constant 0 : i32
        %dma_start3A_169 = arith.constant 0 : i32
        %dma_start3A_170 = tpu.memref_slice %arg2[%dma_start3A_168, %dma_start3A_169] : memref<10000x32xf32, #tpu.memory_space<hbm>> -> memref<10000x32xf32, #tpu.memory_space<hbm>>
        %dma_start3A_171 = tpu.memref_slice %arg11[%dma_start3A_160] : memref<4x!tpu.dma_semaphore, #tpu.memory_space<semaphore_mem>> -> memref<1x!tpu.dma_semaphore, #tpu.memory_space<semaphore_mem>>
        %dma_start3A_172 = tpu.memref_squeeze %dma_start3A_171 : memref<1x!tpu.dma_semaphore, #tpu.memory_space<semaphore_mem>> -> memref<!tpu.dma_semaphore, #tpu.memory_space<semaphore_mem>>
        tpu.enqueue_indirect_dma source(%dma_start3A_170 : memref<10000x32xf32, #tpu.memory_space<hbm>>) target(%dma_start3A_164 : memref<128x32xf32, #tpu.memory_space<vmem>>) offsets(%dma_start3A_167 : memref<128xi32, #tpu.memory_space<vmem>>) semaphore(%dma_start3A_172 : memref<!tpu.dma_semaphore, #tpu.memory_space<semaphore_mem>>)
        %gt3A_173 = arith.constant 0 : i32
        %gt3A_174 = arith.cmpi sgt, %add3A_153, %gt3A_173 : i32
        %convert_element_type3A_175 = arith.extui %gt3A_174 : i1 to i32
        %cond3A_176 = arith.constant 0 : i32
        %cond3A_177 = arith.cmpi ne, %convert_element_type3A_175, %cond3A_176 : i32
        scf.if %cond3A_177 {
          %dma_wait3A_356 = arith.constant 1 : i32
          %dma_wait3A_357 = arith.constant 1 : i32
          %dma_wait3A_358 = arith.constant 0 : i32
          %dma_wait3A_359 = arith.constant 0 : i32
          %dma_wait3A_360 = tpu.memref_slice %arg8[%dma_wait3A_356, %dma_wait3A_358, %dma_wait3A_359] : memref<4x128x32xf32, #tpu.memory_space<vmem>> -> memref<1x128x32xf32, #tpu.memory_space<vmem>>
          %dma_wait3A_361 = tpu.memref_squeeze %dma_wait3A_360 : memref<1x128x32xf32, #tpu.memory_space<vmem>> -> memref<128x32xf32, #tpu.memory_space<vmem>>
          %dma_wait3A_362 = arith.constant 0 : i32
          %dma_wait3A_363 = tpu.memref_slice %arg7[%add3A_153, %dma_wait3A_362] : memref<80x128xi32, #tpu.memory_space<vmem>> -> memref<1x128xi32, #tpu.memory_space<vmem>>
          %dma_wait3A_364 = tpu.memref_squeeze %dma_wait3A_363 : memref<1x128xi32, #tpu.memory_space<vmem>> -> memref<128xi32, #tpu.memory_space<vmem>>
          %dma_wait3A_365 = arith.constant 0 : i32
          %dma_wait3A_366 = arith.constant 0 : i32
          %dma_wait3A_367 = tpu.memref_slice %arg10[%dma_wait3A_365, %dma_wait3A_366] : memref<10240x32xf32, #tpu.memory_space<vmem_shared>> -> memref<10240x32xf32, #tpu.memory_space<vmem_shared>>
          %dma_wait3A_368 = tpu.memref_slice %arg12[%dma_wait3A_357] : memref<4x!tpu.dma_semaphore, #tpu.memory_space<semaphore_mem>> -> memref<1x!tpu.dma_semaphore, #tpu.memory_space<semaphore_mem>>
          %dma_wait3A_369 = tpu.memref_squeeze %dma_wait3A_368 : memref<1x!tpu.dma_semaphore, #tpu.memory_space<semaphore_mem>> -> memref<!tpu.dma_semaphore, #tpu.memory_space<semaphore_mem>>
          tpu.wait_indirect_dma semaphore(%dma_wait3A_369 : memref<!tpu.dma_semaphore, #tpu.memory_space<semaphore_mem>>) src(%dma_wait3A_361 : memref<128x32xf32, #tpu.memory_space<vmem>>) dst(%dma_wait3A_367 : memref<10240x32xf32, #tpu.memory_space<vmem_shared>>)
        } else {
        }
        %add3A_178 = arith.constant 1 : i32
        %add3A_179 = arith.addi %add3A_153, %add3A_178 : i32
        %dma_start3A_180 = arith.constant 1 : i32
        %dma_start3A_181 = arith.constant 1 : i32
        %dma_start3A_182 = arith.constant 0 : i32
        %dma_start3A_183 = arith.constant 0 : i32
        %dma_start3A_184 = tpu.memref_slice %arg8[%dma_start3A_180, %dma_start3A_182, %dma_start3A_183] : memref<4x128x32xf32, #tpu.memory_space<vmem>> -> memref<1x128x32xf32, #tpu.memory_space<vmem>>
        %dma_start3A_185 = tpu.memref_squeeze %dma_start3A_184 : memref<1x128x32xf32, #tpu.memory_space<vmem>> -> memref<128x32xf32, #tpu.memory_space<vmem>>
        %dma_start3A_186 = arith.constant 0 : i32
        %dma_start3A_187 = tpu.memref_slice %arg6[%add3A_179, %dma_start3A_186] : memref<80x128xi32, #tpu.memory_space<vmem>> -> memref<1x128xi32, #tpu.memory_space<vmem>>
        %dma_start3A_188 = tpu.memref_squeeze %dma_start3A_187 : memref<1x128xi32, #tpu.memory_space<vmem>> -> memref<128xi32, #tpu.memory_space<vmem>>
        %dma_start3A_189 = arith.constant 0 : i32
        %dma_start3A_190 = arith.constant 0 : i32
        %dma_start3A_191 = tpu.memref_slice %arg2[%dma_start3A_189, %dma_start3A_190] : memref<10000x32xf32, #tpu.memory_space<hbm>> -> memref<10000x32xf32, #tpu.memory_space<hbm>>
        %dma_start3A_192 = tpu.memref_slice %arg11[%dma_start3A_181] : memref<4x!tpu.dma_semaphore, #tpu.memory_space<semaphore_mem>> -> memref<1x!tpu.dma_semaphore, #tpu.memory_space<semaphore_mem>>
        %dma_start3A_193 = tpu.memref_squeeze %dma_start3A_192 : memref<1x!tpu.dma_semaphore, #tpu.memory_space<semaphore_mem>> -> memref<!tpu.dma_semaphore, #tpu.memory_space<semaphore_mem>>
        tpu.enqueue_indirect_dma source(%dma_start3A_191 : memref<10000x32xf32, #tpu.memory_space<hbm>>) target(%dma_start3A_185 : memref<128x32xf32, #tpu.memory_space<vmem>>) offsets(%dma_start3A_188 : memref<128xi32, #tpu.memory_space<vmem>>) semaphore(%dma_start3A_193 : memref<!tpu.dma_semaphore, #tpu.memory_space<semaphore_mem>>)
        %gt3A_194 = arith.constant 0 : i32
        %gt3A_195 = arith.cmpi sgt, %add3A_153, %gt3A_194 : i32
        %convert_element_type3A_196 = arith.extui %gt3A_195 : i1 to i32
        %cond3A_197 = arith.constant 0 : i32
        %cond3A_198 = arith.cmpi ne, %convert_element_type3A_196, %cond3A_197 : i32
        scf.if %cond3A_198 {
          %dma_wait3A_356 = arith.constant 2 : i32
          %dma_wait3A_357 = arith.constant 2 : i32
          %dma_wait3A_358 = arith.constant 0 : i32
          %dma_wait3A_359 = arith.constant 0 : i32
          %dma_wait3A_360 = tpu.memref_slice %arg8[%dma_wait3A_356, %dma_wait3A_358, %dma_wait3A_359] : memref<4x128x32xf32, #tpu.memory_space<vmem>> -> memref<1x128x32xf32, #tpu.memory_space<vmem>>
          %dma_wait3A_361 = tpu.memref_squeeze %dma_wait3A_360 : memref<1x128x32xf32, #tpu.memory_space<vmem>> -> memref<128x32xf32, #tpu.memory_space<vmem>>
          %dma_wait3A_362 = arith.constant 0 : i32
          %dma_wait3A_363 = tpu.memref_slice %arg7[%add3A_153, %dma_wait3A_362] : memref<80x128xi32, #tpu.memory_space<vmem>> -> memref<1x128xi32, #tpu.memory_space<vmem>>
          %dma_wait3A_364 = tpu.memref_squeeze %dma_wait3A_363 : memref<1x128xi32, #tpu.memory_space<vmem>> -> memref<128xi32, #tpu.memory_space<vmem>>
          %dma_wait3A_365 = arith.constant 0 : i32
          %dma_wait3A_366 = arith.constant 0 : i32
          %dma_wait3A_367 = tpu.memref_slice %arg10[%dma_wait3A_365, %dma_wait3A_366] : memref<10240x32xf32, #tpu.memory_space<vmem_shared>> -> memref<10240x32xf32, #tpu.memory_space<vmem_shared>>
          %dma_wait3A_368 = tpu.memref_slice %arg12[%dma_wait3A_357] : memref<4x!tpu.dma_semaphore, #tpu.memory_space<semaphore_mem>> -> memref<1x!tpu.dma_semaphore, #tpu.memory_space<semaphore_mem>>
          %dma_wait3A_369 = tpu.memref_squeeze %dma_wait3A_368 : memref<1x!tpu.dma_semaphore, #tpu.memory_space<semaphore_mem>> -> memref<!tpu.dma_semaphore, #tpu.memory_space<semaphore_mem>>
          tpu.wait_indirect_dma semaphore(%dma_wait3A_369 : memref<!tpu.dma_semaphore, #tpu.memory_space<semaphore_mem>>) src(%dma_wait3A_361 : memref<128x32xf32, #tpu.memory_space<vmem>>) dst(%dma_wait3A_367 : memref<10240x32xf32, #tpu.memory_space<vmem_shared>>)
        } else {
        }
        %add3A_199 = arith.constant 2 : i32
        %add3A_200 = arith.addi %add3A_153, %add3A_199 : i32
        %dma_start3A_201 = arith.constant 2 : i32
        %dma_start3A_202 = arith.constant 2 : i32
        %dma_start3A_203 = arith.constant 0 : i32
        %dma_start3A_204 = arith.constant 0 : i32
        %dma_start3A_205 = tpu.memref_slice %arg8[%dma_start3A_201, %dma_start3A_203, %dma_start3A_204] : memref<4x128x32xf32, #tpu.memory_space<vmem>> -> memref<1x128x32xf32, #tpu.memory_space<vmem>>
        %dma_start3A_206 = tpu.memref_squeeze %dma_start3A_205 : memref<1x128x32xf32, #tpu.memory_space<vmem>> -> memref<128x32xf32, #tpu.memory_space<vmem>>
        %dma_start3A_207 = arith.constant 0 : i32
        %dma_start3A_208 = tpu.memref_slice %arg6[%add3A_200, %dma_start3A_207] : memref<80x128xi32, #tpu.memory_space<vmem>> -> memref<1x128xi32, #tpu.memory_space<vmem>>
        %dma_start3A_209 = tpu.memref_squeeze %dma_start3A_208 : memref<1x128xi32, #tpu.memory_space<vmem>> -> memref<128xi32, #tpu.memory_space<vmem>>
        %dma_start3A_210 = arith.constant 0 : i32
        %dma_start3A_211 = arith.constant 0 : i32
        %dma_start3A_212 = tpu.memref_slice %arg2[%dma_start3A_210, %dma_start3A_211] : memref<10000x32xf32, #tpu.memory_space<hbm>> -> memref<10000x32xf32, #tpu.memory_space<hbm>>
        %dma_start3A_213 = tpu.memref_slice %arg11[%dma_start3A_202] : memref<4x!tpu.dma_semaphore, #tpu.memory_space<semaphore_mem>> -> memref<1x!tpu.dma_semaphore, #tpu.memory_space<semaphore_mem>>
        %dma_start3A_214 = tpu.memref_squeeze %dma_start3A_213 : memref<1x!tpu.dma_semaphore, #tpu.memory_space<semaphore_mem>> -> memref<!tpu.dma_semaphore, #tpu.memory_space<semaphore_mem>>
        tpu.enqueue_indirect_dma source(%dma_start3A_212 : memref<10000x32xf32, #tpu.memory_space<hbm>>) target(%dma_start3A_206 : memref<128x32xf32, #tpu.memory_space<vmem>>) offsets(%dma_start3A_209 : memref<128xi32, #tpu.memory_space<vmem>>) semaphore(%dma_start3A_214 : memref<!tpu.dma_semaphore, #tpu.memory_space<semaphore_mem>>)
        %gt3A_215 = arith.constant 0 : i32
        %gt3A_216 = arith.cmpi sgt, %add3A_153, %gt3A_215 : i32
        %convert_element_type3A_217 = arith.extui %gt3A_216 : i1 to i32
        %cond3A_218 = arith.constant 0 : i32
        %cond3A_219 = arith.cmpi ne, %convert_element_type3A_217, %cond3A_218 : i32
        scf.if %cond3A_219 {
          %dma_wait3A_356 = arith.constant 3 : i32
          %dma_wait3A_357 = arith.constant 3 : i32
          %dma_wait3A_358 = arith.constant 0 : i32
          %dma_wait3A_359 = arith.constant 0 : i32
          %dma_wait3A_360 = tpu.memref_slice %arg8[%dma_wait3A_356, %dma_wait3A_358, %dma_wait3A_359] : memref<4x128x32xf32, #tpu.memory_space<vmem>> -> memref<1x128x32xf32, #tpu.memory_space<vmem>>
          %dma_wait3A_361 = tpu.memref_squeeze %dma_wait3A_360 : memref<1x128x32xf32, #tpu.memory_space<vmem>> -> memref<128x32xf32, #tpu.memory_space<vmem>>
          %dma_wait3A_362 = arith.constant 0 : i32
          %dma_wait3A_363 = tpu.memref_slice %arg7[%add3A_153, %dma_wait3A_362] : memref<80x128xi32, #tpu.memory_space<vmem>> -> memref<1x128xi32, #tpu.memory_space<vmem>>
          %dma_wait3A_364 = tpu.memref_squeeze %dma_wait3A_363 : memref<1x128xi32, #tpu.memory_space<vmem>> -> memref<128xi32, #tpu.memory_space<vmem>>
          %dma_wait3A_365 = arith.constant 0 : i32
          %dma_wait3A_366 = arith.constant 0 : i32
          %dma_wait3A_367 = tpu.memref_slice %arg10[%dma_wait3A_365, %dma_wait3A_366] : memref<10240x32xf32, #tpu.memory_space<vmem_shared>> -> memref<10240x32xf32, #tpu.memory_space<vmem_shared>>
          %dma_wait3A_368 = tpu.memref_slice %arg12[%dma_wait3A_357] : memref<4x!tpu.dma_semaphore, #tpu.memory_space<semaphore_mem>> -> memref<1x!tpu.dma_semaphore, #tpu.memory_space<semaphore_mem>>
          %dma_wait3A_369 = tpu.memref_squeeze %dma_wait3A_368 : memref<1x!tpu.dma_semaphore, #tpu.memory_space<semaphore_mem>> -> memref<!tpu.dma_semaphore, #tpu.memory_space<semaphore_mem>>
          tpu.wait_indirect_dma semaphore(%dma_wait3A_369 : memref<!tpu.dma_semaphore, #tpu.memory_space<semaphore_mem>>) src(%dma_wait3A_361 : memref<128x32xf32, #tpu.memory_space<vmem>>) dst(%dma_wait3A_367 : memref<10240x32xf32, #tpu.memory_space<vmem_shared>>)
        } else {
        }
        %add3A_220 = arith.constant 3 : i32
        %add3A_221 = arith.addi %add3A_153, %add3A_220 : i32
        %dma_start3A_222 = arith.constant 3 : i32
        %dma_start3A_223 = arith.constant 3 : i32
        %dma_start3A_224 = arith.constant 0 : i32
        %dma_start3A_225 = arith.constant 0 : i32
        %dma_start3A_226 = tpu.memref_slice %arg8[%dma_start3A_222, %dma_start3A_224, %dma_start3A_225] : memref<4x128x32xf32, #tpu.memory_space<vmem>> -> memref<1x128x32xf32, #tpu.memory_space<vmem>>
        %dma_start3A_227 = tpu.memref_squeeze %dma_start3A_226 : memref<1x128x32xf32, #tpu.memory_space<vmem>> -> memref<128x32xf32, #tpu.memory_space<vmem>>
        %dma_start3A_228 = arith.constant 0 : i32
        %dma_start3A_229 = tpu.memref_slice %arg6[%add3A_221, %dma_start3A_228] : memref<80x128xi32, #tpu.memory_space<vmem>> -> memref<1x128xi32, #tpu.memory_space<vmem>>
        %dma_start3A_230 = tpu.memref_squeeze %dma_start3A_229 : memref<1x128xi32, #tpu.memory_space<vmem>> -> memref<128xi32, #tpu.memory_space<vmem>>
        %dma_start3A_231 = arith.constant 0 : i32
        %dma_start3A_232 = arith.constant 0 : i32
        %dma_start3A_233 = tpu.memref_slice %arg2[%dma_start3A_231, %dma_start3A_232] : memref<10000x32xf32, #tpu.memory_space<hbm>> -> memref<10000x32xf32, #tpu.memory_space<hbm>>
        %dma_start3A_234 = tpu.memref_slice %arg11[%dma_start3A_223] : memref<4x!tpu.dma_semaphore, #tpu.memory_space<semaphore_mem>> -> memref<1x!tpu.dma_semaphore, #tpu.memory_space<semaphore_mem>>
        %dma_start3A_235 = tpu.memref_squeeze %dma_start3A_234 : memref<1x!tpu.dma_semaphore, #tpu.memory_space<semaphore_mem>> -> memref<!tpu.dma_semaphore, #tpu.memory_space<semaphore_mem>>
        tpu.enqueue_indirect_dma source(%dma_start3A_233 : memref<10000x32xf32, #tpu.memory_space<hbm>>) target(%dma_start3A_227 : memref<128x32xf32, #tpu.memory_space<vmem>>) offsets(%dma_start3A_230 : memref<128xi32, #tpu.memory_space<vmem>>) semaphore(%dma_start3A_235 : memref<!tpu.dma_semaphore, #tpu.memory_space<semaphore_mem>>)
        %dma_wait3A_236 = arith.constant 0 : i32
        %dma_wait3A_237 = arith.constant 0 : i32
        %dma_wait3A_238 = arith.constant 0 : i32
        %dma_wait3A_239 = arith.constant 0 : i32
        %dma_wait3A_240 = tpu.memref_slice %arg8[%dma_wait3A_236, %dma_wait3A_238, %dma_wait3A_239] : memref<4x128x32xf32, #tpu.memory_space<vmem>> -> memref<1x128x32xf32, #tpu.memory_space<vmem>>
        %dma_wait3A_241 = tpu.memref_squeeze %dma_wait3A_240 : memref<1x128x32xf32, #tpu.memory_space<vmem>> -> memref<128x32xf32, #tpu.memory_space<vmem>>
        %dma_wait3A_242 = arith.constant 0 : i32
        %dma_wait3A_243 = tpu.memref_slice %arg6[%add3A_159, %dma_wait3A_242] : memref<80x128xi32, #tpu.memory_space<vmem>> -> memref<1x128xi32, #tpu.memory_space<vmem>>
        %dma_wait3A_244 = tpu.memref_squeeze %dma_wait3A_243 : memref<1x128xi32, #tpu.memory_space<vmem>> -> memref<128xi32, #tpu.memory_space<vmem>>
        %dma_wait3A_245 = arith.constant 0 : i32
        %dma_wait3A_246 = arith.constant 0 : i32
        %dma_wait3A_247 = tpu.memref_slice %arg2[%dma_wait3A_245, %dma_wait3A_246] : memref<10000x32xf32, #tpu.memory_space<hbm>> -> memref<10000x32xf32, #tpu.memory_space<hbm>>
        %dma_wait3A_248 = tpu.memref_slice %arg11[%dma_wait3A_237] : memref<4x!tpu.dma_semaphore, #tpu.memory_space<semaphore_mem>> -> memref<1x!tpu.dma_semaphore, #tpu.memory_space<semaphore_mem>>
        %dma_wait3A_249 = tpu.memref_squeeze %dma_wait3A_248 : memref<1x!tpu.dma_semaphore, #tpu.memory_space<semaphore_mem>> -> memref<!tpu.dma_semaphore, #tpu.memory_space<semaphore_mem>>
        tpu.wait_indirect_dma semaphore(%dma_wait3A_249 : memref<!tpu.dma_semaphore, #tpu.memory_space<semaphore_mem>>) src(%dma_wait3A_247 : memref<10000x32xf32, #tpu.memory_space<hbm>>) dst(%dma_wait3A_241 : memref<128x32xf32, #tpu.memory_space<vmem>>)
        %add3A_250 = arith.constant 0 : i32
        %add3A_251 = arith.addi %add3A_153, %add3A_250 : i32
        %dma_start3A_252 = arith.constant 0 : i32
        %dma_start3A_253 = arith.constant 0 : i32
        %dma_start3A_254 = arith.constant 0 : i32
        %dma_start3A_255 = arith.constant 0 : i32
        %dma_start3A_256 = tpu.memref_slice %arg8[%dma_start3A_252, %dma_start3A_254, %dma_start3A_255] : memref<4x128x32xf32, #tpu.memory_space<vmem>> -> memref<1x128x32xf32, #tpu.memory_space<vmem>>
        %dma_start3A_257 = tpu.memref_squeeze %dma_start3A_256 : memref<1x128x32xf32, #tpu.memory_space<vmem>> -> memref<128x32xf32, #tpu.memory_space<vmem>>
        %dma_start3A_258 = arith.constant 0 : i32
        %dma_start3A_259 = tpu.memref_slice %arg7[%add3A_251, %dma_start3A_258] : memref<80x128xi32, #tpu.memory_space<vmem>> -> memref<1x128xi32, #tpu.memory_space<vmem>>
        %dma_start3A_260 = tpu.memref_squeeze %dma_start3A_259 : memref<1x128xi32, #tpu.memory_space<vmem>> -> memref<128xi32, #tpu.memory_space<vmem>>
        %dma_start3A_261 = arith.constant 0 : i32
        %dma_start3A_262 = arith.constant 0 : i32
        %dma_start3A_263 = tpu.memref_slice %arg10[%dma_start3A_261, %dma_start3A_262] : memref<10240x32xf32, #tpu.memory_space<vmem_shared>> -> memref<10240x32xf32, #tpu.memory_space<vmem_shared>>
        %dma_start3A_264 = tpu.memref_slice %arg12[%dma_start3A_253] : memref<4x!tpu.dma_semaphore, #tpu.memory_space<semaphore_mem>> -> memref<1x!tpu.dma_semaphore, #tpu.memory_space<semaphore_mem>>
        %dma_start3A_265 = tpu.memref_squeeze %dma_start3A_264 : memref<1x!tpu.dma_semaphore, #tpu.memory_space<semaphore_mem>> -> memref<!tpu.dma_semaphore, #tpu.memory_space<semaphore_mem>>
        tpu.enqueue_indirect_dma source(%dma_start3A_257 : memref<128x32xf32, #tpu.memory_space<vmem>>) target(%dma_start3A_263 : memref<10240x32xf32, #tpu.memory_space<vmem_shared>>) offsets(%dma_start3A_260 : memref<128xi32, #tpu.memory_space<vmem>>) semaphore(%dma_start3A_265 : memref<!tpu.dma_semaphore, #tpu.memory_space<semaphore_mem>>) {add = true}
        %dma_wait3A_266 = arith.constant 1 : i32
        %dma_wait3A_267 = arith.constant 1 : i32
        %dma_wait3A_268 = arith.constant 0 : i32
        %dma_wait3A_269 = arith.constant 0 : i32
        %dma_wait3A_270 = tpu.memref_slice %arg8[%dma_wait3A_266, %dma_wait3A_268, %dma_wait3A_269] : memref<4x128x32xf32, #tpu.memory_space<vmem>> -> memref<1x128x32xf32, #tpu.memory_space<vmem>>
        %dma_wait3A_271 = tpu.memref_squeeze %dma_wait3A_270 : memref<1x128x32xf32, #tpu.memory_space<vmem>> -> memref<128x32xf32, #tpu.memory_space<vmem>>
        %dma_wait3A_272 = arith.constant 0 : i32
        %dma_wait3A_273 = tpu.memref_slice %arg6[%add3A_179, %dma_wait3A_272] : memref<80x128xi32, #tpu.memory_space<vmem>> -> memref<1x128xi32, #tpu.memory_space<vmem>>
        %dma_wait3A_274 = tpu.memref_squeeze %dma_wait3A_273 : memref<1x128xi32, #tpu.memory_space<vmem>> -> memref<128xi32, #tpu.memory_space<vmem>>
        %dma_wait3A_275 = arith.constant 0 : i32
        %dma_wait3A_276 = arith.constant 0 : i32
        %dma_wait3A_277 = tpu.memref_slice %arg2[%dma_wait3A_275, %dma_wait3A_276] : memref<10000x32xf32, #tpu.memory_space<hbm>> -> memref<10000x32xf32, #tpu.memory_space<hbm>>
        %dma_wait3A_278 = tpu.memref_slice %arg11[%dma_wait3A_267] : memref<4x!tpu.dma_semaphore, #tpu.memory_space<semaphore_mem>> -> memref<1x!tpu.dma_semaphore, #tpu.memory_space<semaphore_mem>>
        %dma_wait3A_279 = tpu.memref_squeeze %dma_wait3A_278 : memref<1x!tpu.dma_semaphore, #tpu.memory_space<semaphore_mem>> -> memref<!tpu.dma_semaphore, #tpu.memory_space<semaphore_mem>>
        tpu.wait_indirect_dma semaphore(%dma_wait3A_279 : memref<!tpu.dma_semaphore, #tpu.memory_space<semaphore_mem>>) src(%dma_wait3A_277 : memref<10000x32xf32, #tpu.memory_space<hbm>>) dst(%dma_wait3A_271 : memref<128x32xf32, #tpu.memory_space<vmem>>)
        %add3A_280 = arith.constant 1 : i32
        %add3A_281 = arith.addi %add3A_153, %add3A_280 : i32
        %dma_start3A_282 = arith.constant 1 : i32
        %dma_start3A_283 = arith.constant 1 : i32
        %dma_start3A_284 = arith.constant 0 : i32
        %dma_start3A_285 = arith.constant 0 : i32
        %dma_start3A_286 = tpu.memref_slice %arg8[%dma_start3A_282, %dma_start3A_284, %dma_start3A_285] : memref<4x128x32xf32, #tpu.memory_space<vmem>> -> memref<1x128x32xf32, #tpu.memory_space<vmem>>
        %dma_start3A_287 = tpu.memref_squeeze %dma_start3A_286 : memref<1x128x32xf32, #tpu.memory_space<vmem>> -> memref<128x32xf32, #tpu.memory_space<vmem>>
        %dma_start3A_288 = arith.constant 0 : i32
        %dma_start3A_289 = tpu.memref_slice %arg7[%add3A_281, %dma_start3A_288] : memref<80x128xi32, #tpu.memory_space<vmem>> -> memref<1x128xi32, #tpu.memory_space<vmem>>
        %dma_start3A_290 = tpu.memref_squeeze %dma_start3A_289 : memref<1x128xi32, #tpu.memory_space<vmem>> -> memref<128xi32, #tpu.memory_space<vmem>>
        %dma_start3A_291 = arith.constant 0 : i32
        %dma_start3A_292 = arith.constant 0 : i32
        %dma_start3A_293 = tpu.memref_slice %arg10[%dma_start3A_291, %dma_start3A_292] : memref<10240x32xf32, #tpu.memory_space<vmem_shared>> -> memref<10240x32xf32, #tpu.memory_space<vmem_shared>>
        %dma_start3A_294 = tpu.memref_slice %arg12[%dma_start3A_283] : memref<4x!tpu.dma_semaphore, #tpu.memory_space<semaphore_mem>> -> memref<1x!tpu.dma_semaphore, #tpu.memory_space<semaphore_mem>>
        %dma_start3A_295 = tpu.memref_squeeze %dma_start3A_294 : memref<1x!tpu.dma_semaphore, #tpu.memory_space<semaphore_mem>> -> memref<!tpu.dma_semaphore, #tpu.memory_space<semaphore_mem>>
        tpu.enqueue_indirect_dma source(%dma_start3A_287 : memref<128x32xf32, #tpu.memory_space<vmem>>) target(%dma_start3A_293 : memref<10240x32xf32, #tpu.memory_space<vmem_shared>>) offsets(%dma_start3A_290 : memref<128xi32, #tpu.memory_space<vmem>>) semaphore(%dma_start3A_295 : memref<!tpu.dma_semaphore, #tpu.memory_space<semaphore_mem>>) {add = true}
        %dma_wait3A_296 = arith.constant 2 : i32
        %dma_wait3A_297 = arith.constant 2 : i32
        %dma_wait3A_298 = arith.constant 0 : i32
        %dma_wait3A_299 = arith.constant 0 : i32
        %dma_wait3A_300 = tpu.memref_slice %arg8[%dma_wait3A_296, %dma_wait3A_298, %dma_wait3A_299] : memref<4x128x32xf32, #tpu.memory_space<vmem>> -> memref<1x128x32xf32, #tpu.memory_space<vmem>>
        %dma_wait3A_301 = tpu.memref_squeeze %dma_wait3A_300 : memref<1x128x32xf32, #tpu.memory_space<vmem>> -> memref<128x32xf32, #tpu.memory_space<vmem>>
        %dma_wait3A_302 = arith.constant 0 : i32
        %dma_wait3A_303 = tpu.memref_slice %arg6[%add3A_200, %dma_wait3A_302] : memref<80x128xi32, #tpu.memory_space<vmem>> -> memref<1x128xi32, #tpu.memory_space<vmem>>
        %dma_wait3A_304 = tpu.memref_squeeze %dma_wait3A_303 : memref<1x128xi32, #tpu.memory_space<vmem>> -> memref<128xi32, #tpu.memory_space<vmem>>
        %dma_wait3A_305 = arith.constant 0 : i32
        %dma_wait3A_306 = arith.constant 0 : i32
        %dma_wait3A_307 = tpu.memref_slice %arg2[%dma_wait3A_305, %dma_wait3A_306] : memref<10000x32xf32, #tpu.memory_space<hbm>> -> memref<10000x32xf32, #tpu.memory_space<hbm>>
        %dma_wait3A_308 = tpu.memref_slice %arg11[%dma_wait3A_297] : memref<4x!tpu.dma_semaphore, #tpu.memory_space<semaphore_mem>> -> memref<1x!tpu.dma_semaphore, #tpu.memory_space<semaphore_mem>>
        %dma_wait3A_309 = tpu.memref_squeeze %dma_wait3A_308 : memref<1x!tpu.dma_semaphore, #tpu.memory_space<semaphore_mem>> -> memref<!tpu.dma_semaphore, #tpu.memory_space<semaphore_mem>>
        tpu.wait_indirect_dma semaphore(%dma_wait3A_309 : memref<!tpu.dma_semaphore, #tpu.memory_space<semaphore_mem>>) src(%dma_wait3A_307 : memref<10000x32xf32, #tpu.memory_space<hbm>>) dst(%dma_wait3A_301 : memref<128x32xf32, #tpu.memory_space<vmem>>)
        %add3A_310 = arith.constant 2 : i32
        %add3A_311 = arith.addi %add3A_153, %add3A_310 : i32
        %dma_start3A_312 = arith.constant 2 : i32
        %dma_start3A_313 = arith.constant 2 : i32
        %dma_start3A_314 = arith.constant 0 : i32
        %dma_start3A_315 = arith.constant 0 : i32
        %dma_start3A_316 = tpu.memref_slice %arg8[%dma_start3A_312, %dma_start3A_314, %dma_start3A_315] : memref<4x128x32xf32, #tpu.memory_space<vmem>> -> memref<1x128x32xf32, #tpu.memory_space<vmem>>
        %dma_start3A_317 = tpu.memref_squeeze %dma_start3A_316 : memref<1x128x32xf32, #tpu.memory_space<vmem>> -> memref<128x32xf32, #tpu.memory_space<vmem>>
        %dma_start3A_318 = arith.constant 0 : i32
        %dma_start3A_319 = tpu.memref_slice %arg7[%add3A_311, %dma_start3A_318] : memref<80x128xi32, #tpu.memory_space<vmem>> -> memref<1x128xi32, #tpu.memory_space<vmem>>
        %dma_start3A_320 = tpu.memref_squeeze %dma_start3A_319 : memref<1x128xi32, #tpu.memory_space<vmem>> -> memref<128xi32, #tpu.memory_space<vmem>>
        %dma_start3A_321 = arith.constant 0 : i32
        %dma_start3A_322 = arith.constant 0 : i32
        %dma_start3A_323 = tpu.memref_slice %arg10[%dma_start3A_321, %dma_start3A_322] : memref<10240x32xf32, #tpu.memory_space<vmem_shared>> -> memref<10240x32xf32, #tpu.memory_space<vmem_shared>>
        %dma_start3A_324 = tpu.memref_slice %arg12[%dma_start3A_313] : memref<4x!tpu.dma_semaphore, #tpu.memory_space<semaphore_mem>> -> memref<1x!tpu.dma_semaphore, #tpu.memory_space<semaphore_mem>>
        %dma_start3A_325 = tpu.memref_squeeze %dma_start3A_324 : memref<1x!tpu.dma_semaphore, #tpu.memory_space<semaphore_mem>> -> memref<!tpu.dma_semaphore, #tpu.memory_space<semaphore_mem>>
        tpu.enqueue_indirect_dma source(%dma_start3A_317 : memref<128x32xf32, #tpu.memory_space<vmem>>) target(%dma_start3A_323 : memref<10240x32xf32, #tpu.memory_space<vmem_shared>>) offsets(%dma_start3A_320 : memref<128xi32, #tpu.memory_space<vmem>>) semaphore(%dma_start3A_325 : memref<!tpu.dma_semaphore, #tpu.memory_space<semaphore_mem>>) {add = true}
        %dma_wait3A_326 = arith.constant 3 : i32
        %dma_wait3A_327 = arith.constant 3 : i32
        %dma_wait3A_328 = arith.constant 0 : i32
        %dma_wait3A_329 = arith.constant 0 : i32
        %dma_wait3A_330 = tpu.memref_slice %arg8[%dma_wait3A_326, %dma_wait3A_328, %dma_wait3A_329] : memref<4x128x32xf32, #tpu.memory_space<vmem>> -> memref<1x128x32xf32, #tpu.memory_space<vmem>>
        %dma_wait3A_331 = tpu.memref_squeeze %dma_wait3A_330 : memref<1x128x32xf32, #tpu.memory_space<vmem>> -> memref<128x32xf32, #tpu.memory_space<vmem>>
        %dma_wait3A_332 = arith.constant 0 : i32
        %dma_wait3A_333 = tpu.memref_slice %arg6[%add3A_221, %dma_wait3A_332] : memref<80x128xi32, #tpu.memory_space<vmem>> -> memref<1x128xi32, #tpu.memory_space<vmem>>
        %dma_wait3A_334 = tpu.memref_squeeze %dma_wait3A_333 : memref<1x128xi32, #tpu.memory_space<vmem>> -> memref<128xi32, #tpu.memory_space<vmem>>
        %dma_wait3A_335 = arith.constant 0 : i32
        %dma_wait3A_336 = arith.constant 0 : i32
        %dma_wait3A_337 = tpu.memref_slice %arg2[%dma_wait3A_335, %dma_wait3A_336] : memref<10000x32xf32, #tpu.memory_space<hbm>> -> memref<10000x32xf32, #tpu.memory_space<hbm>>
        %dma_wait3A_338 = tpu.memref_slice %arg11[%dma_wait3A_327] : memref<4x!tpu.dma_semaphore, #tpu.memory_space<semaphore_mem>> -> memref<1x!tpu.dma_semaphore, #tpu.memory_space<semaphore_mem>>
        %dma_wait3A_339 = tpu.memref_squeeze %dma_wait3A_338 : memref<1x!tpu.dma_semaphore, #tpu.memory_space<semaphore_mem>> -> memref<!tpu.dma_semaphore, #tpu.memory_space<semaphore_mem>>
        tpu.wait_indirect_dma semaphore(%dma_wait3A_339 : memref<!tpu.dma_semaphore, #tpu.memory_space<semaphore_mem>>) src(%dma_wait3A_337 : memref<10000x32xf32, #tpu.memory_space<hbm>>) dst(%dma_wait3A_331 : memref<128x32xf32, #tpu.memory_space<vmem>>)
        %add3A_340 = arith.constant 3 : i32
        %add3A_341 = arith.addi %add3A_153, %add3A_340 : i32
        %dma_start3A_342 = arith.constant 3 : i32
        %dma_start3A_343 = arith.constant 3 : i32
        %dma_start3A_344 = arith.constant 0 : i32
        %dma_start3A_345 = arith.constant 0 : i32
        %dma_start3A_346 = tpu.memref_slice %arg8[%dma_start3A_342, %dma_start3A_344, %dma_start3A_345] : memref<4x128x32xf32, #tpu.memory_space<vmem>> -> memref<1x128x32xf32, #tpu.memory_space<vmem>>
        %dma_start3A_347 = tpu.memref_squeeze %dma_start3A_346 : memref<1x128x32xf32, #tpu.memory_space<vmem>> -> memref<128x32xf32, #tpu.memory_space<vmem>>
        %dma_start3A_348 = arith.constant 0 : i32
        %dma_start3A_349 = tpu.memref_slice %arg7[%add3A_341, %dma_start3A_348] : memref<80x128xi32, #tpu.memory_space<vmem>> -> memref<1x128xi32, #tpu.memory_space<vmem>>
        %dma_start3A_350 = tpu.memref_squeeze %dma_start3A_349 : memref<1x128xi32, #tpu.memory_space<vmem>> -> memref<128xi32, #tpu.memory_space<vmem>>
        %dma_start3A_351 = arith.constant 0 : i32
        %dma_start3A_352 = arith.constant 0 : i32
        %dma_start3A_353 = tpu.memref_slice %arg10[%dma_start3A_351, %dma_start3A_352] : memref<10240x32xf32, #tpu.memory_space<vmem_shared>> -> memref<10240x32xf32, #tpu.memory_space<vmem_shared>>
        %dma_start3A_354 = tpu.memref_slice %arg12[%dma_start3A_343] : memref<4x!tpu.dma_semaphore, #tpu.memory_space<semaphore_mem>> -> memref<1x!tpu.dma_semaphore, #tpu.memory_space<semaphore_mem>>
        %dma_start3A_355 = tpu.memref_squeeze %dma_start3A_354 : memref<1x!tpu.dma_semaphore, #tpu.memory_space<semaphore_mem>> -> memref<!tpu.dma_semaphore, #tpu.memory_space<semaphore_mem>>
        tpu.enqueue_indirect_dma source(%dma_start3A_347 : memref<128x32xf32, #tpu.memory_space<vmem>>) target(%dma_start3A_353 : memref<10240x32xf32, #tpu.memory_space<vmem_shared>>) offsets(%dma_start3A_350 : memref<128xi32, #tpu.memory_space<vmem>>) semaphore(%dma_start3A_355 : memref<!tpu.dma_semaphore, #tpu.memory_space<semaphore_mem>>) {add = true}
      }
      %scan3A_19 = arith.constant 20 : i32
      %dma_wait3A = arith.constant 0 : i32
      %dma_wait3A_20 = arith.constant 0 : i32
      %dma_wait3A_21 = arith.constant 0 : i32
      %dma_wait3A_22 = arith.constant 0 : i32
      %dma_wait3A_23 = arith.constant 0 : i32
      %dma_wait3A_24 = tpu.memref_slice %arg8[%dma_wait3A, %dma_wait3A_22, %dma_wait3A_23] : memref<4x128x32xf32, #tpu.memory_space<vmem>> -> memref<1x128x32xf32, #tpu.memory_space<vmem>>
      %dma_wait3A_25 = tpu.memref_squeeze %dma_wait3A_24 : memref<1x128x32xf32, #tpu.memory_space<vmem>> -> memref<128x32xf32, #tpu.memory_space<vmem>>
      %dma_wait3A_26 = arith.constant 0 : i32
      %dma_wait3A_27 = tpu.memref_slice %arg7[%dma_wait3A_20, %dma_wait3A_26] : memref<80x128xi32, #tpu.memory_space<vmem>> -> memref<1x128xi32, #tpu.memory_space<vmem>>
      %dma_wait3A_28 = tpu.memref_squeeze %dma_wait3A_27 : memref<1x128xi32, #tpu.memory_space<vmem>> -> memref<128xi32, #tpu.memory_space<vmem>>
      %dma_wait3A_29 = arith.constant 0 : i32
      %dma_wait3A_30 = arith.constant 0 : i32
      %dma_wait3A_31 = tpu.memref_slice %arg10[%dma_wait3A_29, %dma_wait3A_30] : memref<10240x32xf32, #tpu.memory_space<vmem_shared>> -> memref<10240x32xf32, #tpu.memory_space<vmem_shared>>
      %dma_wait3A_32 = tpu.memref_slice %arg12[%dma_wait3A_21] : memref<4x!tpu.dma_semaphore, #tpu.memory_space<semaphore_mem>> -> memref<1x!tpu.dma_semaphore, #tpu.memory_space<semaphore_mem>>
      %dma_wait3A_33 = tpu.memref_squeeze %dma_wait3A_32 : memref<1x!tpu.dma_semaphore, #tpu.memory_space<semaphore_mem>> -> memref<!tpu.dma_semaphore, #tpu.memory_space<semaphore_mem>>
      tpu.wait_indirect_dma semaphore(%dma_wait3A_33 : memref<!tpu.dma_semaphore, #tpu.memory_space<semaphore_mem>>) src(%dma_wait3A_25 : memref<128x32xf32, #tpu.memory_space<vmem>>) dst(%dma_wait3A_31 : memref<10240x32xf32, #tpu.memory_space<vmem_shared>>)
      %dma_wait3A_34 = arith.constant 1 : i32
      %dma_wait3A_35 = arith.constant 0 : i32
      %dma_wait3A_36 = arith.constant 1 : i32
      %dma_wait3A_37 = arith.constant 0 : i32
      %dma_wait3A_38 = arith.constant 0 : i32
      %dma_wait3A_39 = tpu.memref_slice %arg8[%dma_wait3A_34, %dma_wait3A_37, %dma_wait3A_38] : memref<4x128x32xf32, #tpu.memory_space<vmem>> -> memref<1x128x32xf32, #tpu.memory_space<vmem>>
      %dma_wait3A_40 = tpu.memref_squeeze %dma_wait3A_39 : memref<1x128x32xf32, #tpu.memory_space<vmem>> -> memref<128x32xf32, #tpu.memory_space<vmem>>
      %dma_wait3A_41 = arith.constant 0 : i32
      %dma_wait3A_42 = tpu.memref_slice %arg7[%dma_wait3A_35, %dma_wait3A_41] : memref<80x128xi32, #tpu.memory_space<vmem>> -> memref<1x128xi32, #tpu.memory_space<vmem>>
      %dma_wait3A_43 = tpu.memref_squeeze %dma_wait3A_42 : memref<1x128xi32, #tpu.memory_space<vmem>> -> memref<128xi32, #tpu.memory_space<vmem>>
      %dma_wait3A_44 = arith.constant 0 : i32
      %dma_wait3A_45 = arith.constant 0 : i32
      %dma_wait3A_46 = tpu.memref_slice %arg10[%dma_wait3A_44, %dma_wait3A_45] : memref<10240x32xf32, #tpu.memory_space<vmem_shared>> -> memref<10240x32xf32, #tpu.memory_space<vmem_shared>>
      %dma_wait3A_47 = tpu.memref_slice %arg12[%dma_wait3A_36] : memref<4x!tpu.dma_semaphore, #tpu.memory_space<semaphore_mem>> -> memref<1x!tpu.dma_semaphore, #tpu.memory_space<semaphore_mem>>
      %dma_wait3A_48 = tpu.memref_squeeze %dma_wait3A_47 : memref<1x!tpu.dma_semaphore, #tpu.memory_space<semaphore_mem>> -> memref<!tpu.dma_semaphore, #tpu.memory_space<semaphore_mem>>
      tpu.wait_indirect_dma semaphore(%dma_wait3A_48 : memref<!tpu.dma_semaphore, #tpu.memory_space<semaphore_mem>>) src(%dma_wait3A_40 : memref<128x32xf32, #tpu.memory_space<vmem>>) dst(%dma_wait3A_46 : memref<10240x32xf32, #tpu.memory_space<vmem_shared>>)
      %dma_wait3A_49 = arith.constant 2 : i32
      %dma_wait3A_50 = arith.constant 0 : i32
      %dma_wait3A_51 = arith.constant 2 : i32
      %dma_wait3A_52 = arith.constant 0 : i32
      %dma_wait3A_53 = arith.constant 0 : i32
      %dma_wait3A_54 = tpu.memref_slice %arg8[%dma_wait3A_49, %dma_wait3A_52, %dma_wait3A_53] : memref<4x128x32xf32, #tpu.memory_space<vmem>> -> memref<1x128x32xf32, #tpu.memory_space<vmem>>
      %dma_wait3A_55 = tpu.memref_squeeze %dma_wait3A_54 : memref<1x128x32xf32, #tpu.memory_space<vmem>> -> memref<128x32xf32, #tpu.memory_space<vmem>>
      %dma_wait3A_56 = arith.constant 0 : i32
      %dma_wait3A_57 = tpu.memref_slice %arg7[%dma_wait3A_50, %dma_wait3A_56] : memref<80x128xi32, #tpu.memory_space<vmem>> -> memref<1x128xi32, #tpu.memory_space<vmem>>
      %dma_wait3A_58 = tpu.memref_squeeze %dma_wait3A_57 : memref<1x128xi32, #tpu.memory_space<vmem>> -> memref<128xi32, #tpu.memory_space<vmem>>
      %dma_wait3A_59 = arith.constant 0 : i32
      %dma_wait3A_60 = arith.constant 0 : i32
      %dma_wait3A_61 = tpu.memref_slice %arg10[%dma_wait3A_59, %dma_wait3A_60] : memref<10240x32xf32, #tpu.memory_space<vmem_shared>> -> memref<10240x32xf32, #tpu.memory_space<vmem_shared>>
      %dma_wait3A_62 = tpu.memref_slice %arg12[%dma_wait3A_51] : memref<4x!tpu.dma_semaphore, #tpu.memory_space<semaphore_mem>> -> memref<1x!tpu.dma_semaphore, #tpu.memory_space<semaphore_mem>>
      %dma_wait3A_63 = tpu.memref_squeeze %dma_wait3A_62 : memref<1x!tpu.dma_semaphore, #tpu.memory_space<semaphore_mem>> -> memref<!tpu.dma_semaphore, #tpu.memory_space<semaphore_mem>>
      tpu.wait_indirect_dma semaphore(%dma_wait3A_63 : memref<!tpu.dma_semaphore, #tpu.memory_space<semaphore_mem>>) src(%dma_wait3A_55 : memref<128x32xf32, #tpu.memory_space<vmem>>) dst(%dma_wait3A_61 : memref<10240x32xf32, #tpu.memory_space<vmem_shared>>)
      %dma_wait3A_64 = arith.constant 3 : i32
      %dma_wait3A_65 = arith.constant 0 : i32
      %dma_wait3A_66 = arith.constant 3 : i32
      %dma_wait3A_67 = arith.constant 0 : i32
      %dma_wait3A_68 = arith.constant 0 : i32
      %dma_wait3A_69 = tpu.memref_slice %arg8[%dma_wait3A_64, %dma_wait3A_67, %dma_wait3A_68] : memref<4x128x32xf32, #tpu.memory_space<vmem>> -> memref<1x128x32xf32, #tpu.memory_space<vmem>>
      %dma_wait3A_70 = tpu.memref_squeeze %dma_wait3A_69 : memref<1x128x32xf32, #tpu.memory_space<vmem>> -> memref<128x32xf32, #tpu.memory_space<vmem>>
      %dma_wait3A_71 = arith.constant 0 : i32
      %dma_wait3A_72 = tpu.memref_slice %arg7[%dma_wait3A_65, %dma_wait3A_71] : memref<80x128xi32, #tpu.memory_space<vmem>> -> memref<1x128xi32, #tpu.memory_space<vmem>>
      %dma_wait3A_73 = tpu.memref_squeeze %dma_wait3A_72 : memref<1x128xi32, #tpu.memory_space<vmem>> -> memref<128xi32, #tpu.memory_space<vmem>>
      %dma_wait3A_74 = arith.constant 0 : i32
      %dma_wait3A_75 = arith.constant 0 : i32
      %dma_wait3A_76 = tpu.memref_slice %arg10[%dma_wait3A_74, %dma_wait3A_75] : memref<10240x32xf32, #tpu.memory_space<vmem_shared>> -> memref<10240x32xf32, #tpu.memory_space<vmem_shared>>
      %dma_wait3A_77 = tpu.memref_slice %arg12[%dma_wait3A_66] : memref<4x!tpu.dma_semaphore, #tpu.memory_space<semaphore_mem>> -> memref<1x!tpu.dma_semaphore, #tpu.memory_space<semaphore_mem>>
      %dma_wait3A_78 = tpu.memref_squeeze %dma_wait3A_77 : memref<1x!tpu.dma_semaphore, #tpu.memory_space<semaphore_mem>> -> memref<!tpu.dma_semaphore, #tpu.memory_space<semaphore_mem>>
      tpu.wait_indirect_dma semaphore(%dma_wait3A_78 : memref<!tpu.dma_semaphore, #tpu.memory_space<semaphore_mem>>) src(%dma_wait3A_70 : memref<128x32xf32, #tpu.memory_space<vmem>>) dst(%dma_wait3A_76 : memref<10240x32xf32, #tpu.memory_space<vmem_shared>>)
      %mul3A_79 = arith.constant 160 : i32
      %mul3A_80 = arith.muli %arg1, %mul3A_79 : i32
      %add3A_81 = arith.constant 80 : i32
      %add3A_82 = arith.addi %mul3A_80, %add3A_81 : i32
      "tpu.region"() ({
        %run_scoped3A = tpu.sem_alloc : memref<!tpu.dma_semaphore, #tpu.memory_space<semaphore_mem>>
        %dma_start3A = arith.constant 0 : i32
        %dma_start3A_149 = tpu.memref_slice %arg3[%add3A_82, %dma_start3A] : memref<2560x128xi32, #tpu.memory_space<hbm>> -> memref<80x128xi32, #tpu.memory_space<hbm>>
        %dma_start3A_150 = arith.constant 0 : i32
        %dma_start3A_151 = tpu.memref_slice %arg3[%add3A_82, %dma_start3A_150] : memref<2560x128xi32, #tpu.memory_space<hbm>> -> memref<80x128xi32, #tpu.memory_space<hbm>>
        tpu.enqueue_dma source(%dma_start3A_151 : memref<80x128xi32, #tpu.memory_space<hbm>>) target(%arg6 : memref<80x128xi32, #tpu.memory_space<vmem>>) target_semaphore(%run_scoped3A : memref<!tpu.dma_semaphore, #tpu.memory_space<semaphore_mem>>)
        %dma_wait3A_152 = arith.constant 0 : i32
        %dma_wait3A_153 = tpu.memref_slice %arg3[%add3A_82, %dma_wait3A_152] : memref<2560x128xi32, #tpu.memory_space<hbm>> -> memref<80x128xi32, #tpu.memory_space<hbm>>
        %dma_wait3A_154 = arith.constant 0 : i32
        %dma_wait3A_155 = tpu.memref_slice %arg3[%add3A_82, %dma_wait3A_154] : memref<2560x128xi32, #tpu.memory_space<hbm>> -> memref<80x128xi32, #tpu.memory_space<hbm>>
        tpu.wait_dma2 semaphore(%run_scoped3A : memref<!tpu.dma_semaphore, #tpu.memory_space<semaphore_mem>>) src(%dma_wait3A_155 : memref<80x128xi32, #tpu.memory_space<hbm>>) dst(%arg6 : memref<80x128xi32, #tpu.memory_space<vmem>>)
        tpu.yield
      }) : () -> ()
      "tpu.region"() ({
        %run_scoped3A = tpu.sem_alloc : memref<!tpu.dma_semaphore, #tpu.memory_space<semaphore_mem>>
        %dma_start3A = arith.constant 0 : i32
        %dma_start3A_149 = tpu.memref_slice %arg4[%add3A_82, %dma_start3A] : memref<2560x128xi32, #tpu.memory_space<hbm>> -> memref<80x128xi32, #tpu.memory_space<hbm>>
        %dma_start3A_150 = arith.constant 0 : i32
        %dma_start3A_151 = tpu.memref_slice %arg4[%add3A_82, %dma_start3A_150] : memref<2560x128xi32, #tpu.memory_space<hbm>> -> memref<80x128xi32, #tpu.memory_space<hbm>>
        tpu.enqueue_dma source(%dma_start3A_151 : memref<80x128xi32, #tpu.memory_space<hbm>>) target(%arg7 : memref<80x128xi32, #tpu.memory_space<vmem>>) target_semaphore(%run_scoped3A : memref<!tpu.dma_semaphore, #tpu.memory_space<semaphore_mem>>)
        %dma_wait3A_152 = arith.constant 0 : i32
        %dma_wait3A_153 = tpu.memref_slice %arg4[%add3A_82, %dma_wait3A_152] : memref<2560x128xi32, #tpu.memory_space<hbm>> -> memref<80x128xi32, #tpu.memory_space<hbm>>
        %dma_wait3A_154 = arith.constant 0 : i32
        %dma_wait3A_155 = tpu.memref_slice %arg4[%add3A_82, %dma_wait3A_154] : memref<2560x128xi32, #tpu.memory_space<hbm>> -> memref<80x128xi32, #tpu.memory_space<hbm>>
        tpu.wait_dma2 semaphore(%run_scoped3A : memref<!tpu.dma_semaphore, #tpu.memory_space<semaphore_mem>>) src(%dma_wait3A_155 : memref<80x128xi32, #tpu.memory_space<hbm>>) dst(%arg7 : memref<80x128xi32, #tpu.memory_space<vmem>>)
        tpu.yield
      }) : () -> ()
      %scan3A_83 = arith.constant 0 : i32
      %scan3A_84 = arith.constant 20 : i32
      %scan3A_85 = arith.addi %scan3A_83, %scan3A_84 : i32
      %scan3A_86 = arith.constant 1 : i32
      scf.for %scan3A_149 = %scan3A_83 to %scan3A_85 step %scan3A_86  : i32 {
        %mul3A_150 = arith.constant 4 : i32
        %mul3A_151 = arith.muli %scan3A_149, %mul3A_150 : i32
        %add3A_152 = arith.constant 0 : i32
        %add3A_153 = arith.addi %add3A_152, %mul3A_151 : i32
        %gt3A = arith.constant 0 : i32
        %gt3A_154 = arith.cmpi sgt, %add3A_153, %gt3A : i32
        %convert_element_type3A_155 = arith.extui %gt3A_154 : i1 to i32
        %cond3A_156 = arith.constant 0 : i32
        %cond3A_157 = arith.cmpi ne, %convert_element_type3A_155, %cond3A_156 : i32
        scf.if %cond3A_157 {
          %dma_wait3A_356 = arith.constant 0 : i32
          %dma_wait3A_357 = arith.constant 0 : i32
          %dma_wait3A_358 = arith.constant 0 : i32
          %dma_wait3A_359 = arith.constant 0 : i32
          %dma_wait3A_360 = tpu.memref_slice %arg8[%dma_wait3A_356, %dma_wait3A_358, %dma_wait3A_359] : memref<4x128x32xf32, #tpu.memory_space<vmem>> -> memref<1x128x32xf32, #tpu.memory_space<vmem>>
          %dma_wait3A_361 = tpu.memref_squeeze %dma_wait3A_360 : memref<1x128x32xf32, #tpu.memory_space<vmem>> -> memref<128x32xf32, #tpu.memory_space<vmem>>
          %dma_wait3A_362 = arith.constant 0 : i32
          %dma_wait3A_363 = tpu.memref_slice %arg7[%add3A_153, %dma_wait3A_362] : memref<80x128xi32, #tpu.memory_space<vmem>> -> memref<1x128xi32, #tpu.memory_space<vmem>>
          %dma_wait3A_364 = tpu.memref_squeeze %dma_wait3A_363 : memref<1x128xi32, #tpu.memory_space<vmem>> -> memref<128xi32, #tpu.memory_space<vmem>>
          %dma_wait3A_365 = arith.constant 0 : i32
          %dma_wait3A_366 = arith.constant 0 : i32
          %dma_wait3A_367 = tpu.memref_slice %arg10[%dma_wait3A_365, %dma_wait3A_366] : memref<10240x32xf32, #tpu.memory_space<vmem_shared>> -> memref<10240x32xf32, #tpu.memory_space<vmem_shared>>
          %dma_wait3A_368 = tpu.memref_slice %arg12[%dma_wait3A_357] : memref<4x!tpu.dma_semaphore, #tpu.memory_space<semaphore_mem>> -> memref<1x!tpu.dma_semaphore, #tpu.memory_space<semaphore_mem>>
          %dma_wait3A_369 = tpu.memref_squeeze %dma_wait3A_368 : memref<1x!tpu.dma_semaphore, #tpu.memory_space<semaphore_mem>> -> memref<!tpu.dma_semaphore, #tpu.memory_space<semaphore_mem>>
          tpu.wait_indirect_dma semaphore(%dma_wait3A_369 : memref<!tpu.dma_semaphore, #tpu.memory_space<semaphore_mem>>) src(%dma_wait3A_361 : memref<128x32xf32, #tpu.memory_space<vmem>>) dst(%dma_wait3A_367 : memref<10240x32xf32, #tpu.memory_space<vmem_shared>>)
        } else {
        }
        %add3A_158 = arith.constant 0 : i32
        %add3A_159 = arith.addi %add3A_153, %add3A_158 : i32
        %dma_start3A = arith.constant 0 : i32
        %dma_start3A_160 = arith.constant 0 : i32
        %dma_start3A_161 = arith.constant 0 : i32
        %dma_start3A_162 = arith.constant 0 : i32
        %dma_start3A_163 = tpu.memref_slice %arg8[%dma_start3A, %dma_start3A_161, %dma_start3A_162] : memref<4x128x32xf32, #tpu.memory_space<vmem>> -> memref<1x128x32xf32, #tpu.memory_space<vmem>>
        %dma_start3A_164 = tpu.memref_squeeze %dma_start3A_163 : memref<1x128x32xf32, #tpu.memory_space<vmem>> -> memref<128x32xf32, #tpu.memory_space<vmem>>
        %dma_start3A_165 = arith.constant 0 : i32
        %dma_start3A_166 = tpu.memref_slice %arg6[%add3A_159, %dma_start3A_165] : memref<80x128xi32, #tpu.memory_space<vmem>> -> memref<1x128xi32, #tpu.memory_space<vmem>>
        %dma_start3A_167 = tpu.memref_squeeze %dma_start3A_166 : memref<1x128xi32, #tpu.memory_space<vmem>> -> memref<128xi32, #tpu.memory_space<vmem>>
        %dma_start3A_168 = arith.constant 0 : i32
        %dma_start3A_169 = arith.constant 0 : i32
        %dma_start3A_170 = tpu.memref_slice %arg2[%dma_start3A_168, %dma_start3A_169] : memref<10000x32xf32, #tpu.memory_space<hbm>> -> memref<10000x32xf32, #tpu.memory_space<hbm>>
        %dma_start3A_171 = tpu.memref_slice %arg11[%dma_start3A_160] : memref<4x!tpu.dma_semaphore, #tpu.memory_space<semaphore_mem>> -> memref<1x!tpu.dma_semaphore, #tpu.memory_space<semaphore_mem>>
        %dma_start3A_172 = tpu.memref_squeeze %dma_start3A_171 : memref<1x!tpu.dma_semaphore, #tpu.memory_space<semaphore_mem>> -> memref<!tpu.dma_semaphore, #tpu.memory_space<semaphore_mem>>
        tpu.enqueue_indirect_dma source(%dma_start3A_170 : memref<10000x32xf32, #tpu.memory_space<hbm>>) target(%dma_start3A_164 : memref<128x32xf32, #tpu.memory_space<vmem>>) offsets(%dma_start3A_167 : memref<128xi32, #tpu.memory_space<vmem>>) semaphore(%dma_start3A_172 : memref<!tpu.dma_semaphore, #tpu.memory_space<semaphore_mem>>)
        %gt3A_173 = arith.constant 0 : i32
        %gt3A_174 = arith.cmpi sgt, %add3A_153, %gt3A_173 : i32
        %convert_element_type3A_175 = arith.extui %gt3A_174 : i1 to i32
        %cond3A_176 = arith.constant 0 : i32
        %cond3A_177 = arith.cmpi ne, %convert_element_type3A_175, %cond3A_176 : i32
        scf.if %cond3A_177 {
          %dma_wait3A_356 = arith.constant 1 : i32
          %dma_wait3A_357 = arith.constant 1 : i32
          %dma_wait3A_358 = arith.constant 0 : i32
          %dma_wait3A_359 = arith.constant 0 : i32
          %dma_wait3A_360 = tpu.memref_slice %arg8[%dma_wait3A_356, %dma_wait3A_358, %dma_wait3A_359] : memref<4x128x32xf32, #tpu.memory_space<vmem>> -> memref<1x128x32xf32, #tpu.memory_space<vmem>>
          %dma_wait3A_361 = tpu.memref_squeeze %dma_wait3A_360 : memref<1x128x32xf32, #tpu.memory_space<vmem>> -> memref<128x32xf32, #tpu.memory_space<vmem>>
          %dma_wait3A_362 = arith.constant 0 : i32
          %dma_wait3A_363 = tpu.memref_slice %arg7[%add3A_153, %dma_wait3A_362] : memref<80x128xi32, #tpu.memory_space<vmem>> -> memref<1x128xi32, #tpu.memory_space<vmem>>
          %dma_wait3A_364 = tpu.memref_squeeze %dma_wait3A_363 : memref<1x128xi32, #tpu.memory_space<vmem>> -> memref<128xi32, #tpu.memory_space<vmem>>
          %dma_wait3A_365 = arith.constant 0 : i32
          %dma_wait3A_366 = arith.constant 0 : i32
          %dma_wait3A_367 = tpu.memref_slice %arg10[%dma_wait3A_365, %dma_wait3A_366] : memref<10240x32xf32, #tpu.memory_space<vmem_shared>> -> memref<10240x32xf32, #tpu.memory_space<vmem_shared>>
          %dma_wait3A_368 = tpu.memref_slice %arg12[%dma_wait3A_357] : memref<4x!tpu.dma_semaphore, #tpu.memory_space<semaphore_mem>> -> memref<1x!tpu.dma_semaphore, #tpu.memory_space<semaphore_mem>>
          %dma_wait3A_369 = tpu.memref_squeeze %dma_wait3A_368 : memref<1x!tpu.dma_semaphore, #tpu.memory_space<semaphore_mem>> -> memref<!tpu.dma_semaphore, #tpu.memory_space<semaphore_mem>>
          tpu.wait_indirect_dma semaphore(%dma_wait3A_369 : memref<!tpu.dma_semaphore, #tpu.memory_space<semaphore_mem>>) src(%dma_wait3A_361 : memref<128x32xf32, #tpu.memory_space<vmem>>) dst(%dma_wait3A_367 : memref<10240x32xf32, #tpu.memory_space<vmem_shared>>)
        } else {
        }
        %add3A_178 = arith.constant 1 : i32
        %add3A_179 = arith.addi %add3A_153, %add3A_178 : i32
        %dma_start3A_180 = arith.constant 1 : i32
        %dma_start3A_181 = arith.constant 1 : i32
        %dma_start3A_182 = arith.constant 0 : i32
        %dma_start3A_183 = arith.constant 0 : i32
        %dma_start3A_184 = tpu.memref_slice %arg8[%dma_start3A_180, %dma_start3A_182, %dma_start3A_183] : memref<4x128x32xf32, #tpu.memory_space<vmem>> -> memref<1x128x32xf32, #tpu.memory_space<vmem>>
        %dma_start3A_185 = tpu.memref_squeeze %dma_start3A_184 : memref<1x128x32xf32, #tpu.memory_space<vmem>> -> memref<128x32xf32, #tpu.memory_space<vmem>>
        %dma_start3A_186 = arith.constant 0 : i32
        %dma_start3A_187 = tpu.memref_slice %arg6[%add3A_179, %dma_start3A_186] : memref<80x128xi32, #tpu.memory_space<vmem>> -> memref<1x128xi32, #tpu.memory_space<vmem>>
        %dma_start3A_188 = tpu.memref_squeeze %dma_start3A_187 : memref<1x128xi32, #tpu.memory_space<vmem>> -> memref<128xi32, #tpu.memory_space<vmem>>
        %dma_start3A_189 = arith.constant 0 : i32
        %dma_start3A_190 = arith.constant 0 : i32
        %dma_start3A_191 = tpu.memref_slice %arg2[%dma_start3A_189, %dma_start3A_190] : memref<10000x32xf32, #tpu.memory_space<hbm>> -> memref<10000x32xf32, #tpu.memory_space<hbm>>
        %dma_start3A_192 = tpu.memref_slice %arg11[%dma_start3A_181] : memref<4x!tpu.dma_semaphore, #tpu.memory_space<semaphore_mem>> -> memref<1x!tpu.dma_semaphore, #tpu.memory_space<semaphore_mem>>
        %dma_start3A_193 = tpu.memref_squeeze %dma_start3A_192 : memref<1x!tpu.dma_semaphore, #tpu.memory_space<semaphore_mem>> -> memref<!tpu.dma_semaphore, #tpu.memory_space<semaphore_mem>>
        tpu.enqueue_indirect_dma source(%dma_start3A_191 : memref<10000x32xf32, #tpu.memory_space<hbm>>) target(%dma_start3A_185 : memref<128x32xf32, #tpu.memory_space<vmem>>) offsets(%dma_start3A_188 : memref<128xi32, #tpu.memory_space<vmem>>) semaphore(%dma_start3A_193 : memref<!tpu.dma_semaphore, #tpu.memory_space<semaphore_mem>>)
        %gt3A_194 = arith.constant 0 : i32
        %gt3A_195 = arith.cmpi sgt, %add3A_153, %gt3A_194 : i32
        %convert_element_type3A_196 = arith.extui %gt3A_195 : i1 to i32
        %cond3A_197 = arith.constant 0 : i32
        %cond3A_198 = arith.cmpi ne, %convert_element_type3A_196, %cond3A_197 : i32
        scf.if %cond3A_198 {
          %dma_wait3A_356 = arith.constant 2 : i32
          %dma_wait3A_357 = arith.constant 2 : i32
          %dma_wait3A_358 = arith.constant 0 : i32
          %dma_wait3A_359 = arith.constant 0 : i32
          %dma_wait3A_360 = tpu.memref_slice %arg8[%dma_wait3A_356, %dma_wait3A_358, %dma_wait3A_359] : memref<4x128x32xf32, #tpu.memory_space<vmem>> -> memref<1x128x32xf32, #tpu.memory_space<vmem>>
          %dma_wait3A_361 = tpu.memref_squeeze %dma_wait3A_360 : memref<1x128x32xf32, #tpu.memory_space<vmem>> -> memref<128x32xf32, #tpu.memory_space<vmem>>
          %dma_wait3A_362 = arith.constant 0 : i32
          %dma_wait3A_363 = tpu.memref_slice %arg7[%add3A_153, %dma_wait3A_362] : memref<80x128xi32, #tpu.memory_space<vmem>> -> memref<1x128xi32, #tpu.memory_space<vmem>>
          %dma_wait3A_364 = tpu.memref_squeeze %dma_wait3A_363 : memref<1x128xi32, #tpu.memory_space<vmem>> -> memref<128xi32, #tpu.memory_space<vmem>>
          %dma_wait3A_365 = arith.constant 0 : i32
          %dma_wait3A_366 = arith.constant 0 : i32
          %dma_wait3A_367 = tpu.memref_slice %arg10[%dma_wait3A_365, %dma_wait3A_366] : memref<10240x32xf32, #tpu.memory_space<vmem_shared>> -> memref<10240x32xf32, #tpu.memory_space<vmem_shared>>
          %dma_wait3A_368 = tpu.memref_slice %arg12[%dma_wait3A_357] : memref<4x!tpu.dma_semaphore, #tpu.memory_space<semaphore_mem>> -> memref<1x!tpu.dma_semaphore, #tpu.memory_space<semaphore_mem>>
          %dma_wait3A_369 = tpu.memref_squeeze %dma_wait3A_368 : memref<1x!tpu.dma_semaphore, #tpu.memory_space<semaphore_mem>> -> memref<!tpu.dma_semaphore, #tpu.memory_space<semaphore_mem>>
          tpu.wait_indirect_dma semaphore(%dma_wait3A_369 : memref<!tpu.dma_semaphore, #tpu.memory_space<semaphore_mem>>) src(%dma_wait3A_361 : memref<128x32xf32, #tpu.memory_space<vmem>>) dst(%dma_wait3A_367 : memref<10240x32xf32, #tpu.memory_space<vmem_shared>>)
        } else {
        }
        %add3A_199 = arith.constant 2 : i32
        %add3A_200 = arith.addi %add3A_153, %add3A_199 : i32
        %dma_start3A_201 = arith.constant 2 : i32
        %dma_start3A_202 = arith.constant 2 : i32
        %dma_start3A_203 = arith.constant 0 : i32
        %dma_start3A_204 = arith.constant 0 : i32
        %dma_start3A_205 = tpu.memref_slice %arg8[%dma_start3A_201, %dma_start3A_203, %dma_start3A_204] : memref<4x128x32xf32, #tpu.memory_space<vmem>> -> memref<1x128x32xf32, #tpu.memory_space<vmem>>
        %dma_start3A_206 = tpu.memref_squeeze %dma_start3A_205 : memref<1x128x32xf32, #tpu.memory_space<vmem>> -> memref<128x32xf32, #tpu.memory_space<vmem>>
        %dma_start3A_207 = arith.constant 0 : i32
        %dma_start3A_208 = tpu.memref_slice %arg6[%add3A_200, %dma_start3A_207] : memref<80x128xi32, #tpu.memory_space<vmem>> -> memref<1x128xi32, #tpu.memory_space<vmem>>
        %dma_start3A_209 = tpu.memref_squeeze %dma_start3A_208 : memref<1x128xi32, #tpu.memory_space<vmem>> -> memref<128xi32, #tpu.memory_space<vmem>>
        %dma_start3A_210 = arith.constant 0 : i32
        %dma_start3A_211 = arith.constant 0 : i32
        %dma_start3A_212 = tpu.memref_slice %arg2[%dma_start3A_210, %dma_start3A_211] : memref<10000x32xf32, #tpu.memory_space<hbm>> -> memref<10000x32xf32, #tpu.memory_space<hbm>>
        %dma_start3A_213 = tpu.memref_slice %arg11[%dma_start3A_202] : memref<4x!tpu.dma_semaphore, #tpu.memory_space<semaphore_mem>> -> memref<1x!tpu.dma_semaphore, #tpu.memory_space<semaphore_mem>>
        %dma_start3A_214 = tpu.memref_squeeze %dma_start3A_213 : memref<1x!tpu.dma_semaphore, #tpu.memory_space<semaphore_mem>> -> memref<!tpu.dma_semaphore, #tpu.memory_space<semaphore_mem>>
        tpu.enqueue_indirect_dma source(%dma_start3A_212 : memref<10000x32xf32, #tpu.memory_space<hbm>>) target(%dma_start3A_206 : memref<128x32xf32, #tpu.memory_space<vmem>>) offsets(%dma_start3A_209 : memref<128xi32, #tpu.memory_space<vmem>>) semaphore(%dma_start3A_214 : memref<!tpu.dma_semaphore, #tpu.memory_space<semaphore_mem>>)
        %gt3A_215 = arith.constant 0 : i32
        %gt3A_216 = arith.cmpi sgt, %add3A_153, %gt3A_215 : i32
        %convert_element_type3A_217 = arith.extui %gt3A_216 : i1 to i32
        %cond3A_218 = arith.constant 0 : i32
        %cond3A_219 = arith.cmpi ne, %convert_element_type3A_217, %cond3A_218 : i32
        scf.if %cond3A_219 {
          %dma_wait3A_356 = arith.constant 3 : i32
          %dma_wait3A_357 = arith.constant 3 : i32
          %dma_wait3A_358 = arith.constant 0 : i32
          %dma_wait3A_359 = arith.constant 0 : i32
          %dma_wait3A_360 = tpu.memref_slice %arg8[%dma_wait3A_356, %dma_wait3A_358, %dma_wait3A_359] : memref<4x128x32xf32, #tpu.memory_space<vmem>> -> memref<1x128x32xf32, #tpu.memory_space<vmem>>
          %dma_wait3A_361 = tpu.memref_squeeze %dma_wait3A_360 : memref<1x128x32xf32, #tpu.memory_space<vmem>> -> memref<128x32xf32, #tpu.memory_space<vmem>>
          %dma_wait3A_362 = arith.constant 0 : i32
          %dma_wait3A_363 = tpu.memref_slice %arg7[%add3A_153, %dma_wait3A_362] : memref<80x128xi32, #tpu.memory_space<vmem>> -> memref<1x128xi32, #tpu.memory_space<vmem>>
          %dma_wait3A_364 = tpu.memref_squeeze %dma_wait3A_363 : memref<1x128xi32, #tpu.memory_space<vmem>> -> memref<128xi32, #tpu.memory_space<vmem>>
          %dma_wait3A_365 = arith.constant 0 : i32
          %dma_wait3A_366 = arith.constant 0 : i32
          %dma_wait3A_367 = tpu.memref_slice %arg10[%dma_wait3A_365, %dma_wait3A_366] : memref<10240x32xf32, #tpu.memory_space<vmem_shared>> -> memref<10240x32xf32, #tpu.memory_space<vmem_shared>>
          %dma_wait3A_368 = tpu.memref_slice %arg12[%dma_wait3A_357] : memref<4x!tpu.dma_semaphore, #tpu.memory_space<semaphore_mem>> -> memref<1x!tpu.dma_semaphore, #tpu.memory_space<semaphore_mem>>
          %dma_wait3A_369 = tpu.memref_squeeze %dma_wait3A_368 : memref<1x!tpu.dma_semaphore, #tpu.memory_space<semaphore_mem>> -> memref<!tpu.dma_semaphore, #tpu.memory_space<semaphore_mem>>
          tpu.wait_indirect_dma semaphore(%dma_wait3A_369 : memref<!tpu.dma_semaphore, #tpu.memory_space<semaphore_mem>>) src(%dma_wait3A_361 : memref<128x32xf32, #tpu.memory_space<vmem>>) dst(%dma_wait3A_367 : memref<10240x32xf32, #tpu.memory_space<vmem_shared>>)
        } else {
        }
        %add3A_220 = arith.constant 3 : i32
        %add3A_221 = arith.addi %add3A_153, %add3A_220 : i32
        %dma_start3A_222 = arith.constant 3 : i32
        %dma_start3A_223 = arith.constant 3 : i32
        %dma_start3A_224 = arith.constant 0 : i32
        %dma_start3A_225 = arith.constant 0 : i32
        %dma_start3A_226 = tpu.memref_slice %arg8[%dma_start3A_222, %dma_start3A_224, %dma_start3A_225] : memref<4x128x32xf32, #tpu.memory_space<vmem>> -> memref<1x128x32xf32, #tpu.memory_space<vmem>>
        %dma_start3A_227 = tpu.memref_squeeze %dma_start3A_226 : memref<1x128x32xf32, #tpu.memory_space<vmem>> -> memref<128x32xf32, #tpu.memory_space<vmem>>
        %dma_start3A_228 = arith.constant 0 : i32
        %dma_start3A_229 = tpu.memref_slice %arg6[%add3A_221, %dma_start3A_228] : memref<80x128xi32, #tpu.memory_space<vmem>> -> memref<1x128xi32, #tpu.memory_space<vmem>>
        %dma_start3A_230 = tpu.memref_squeeze %dma_start3A_229 : memref<1x128xi32, #tpu.memory_space<vmem>> -> memref<128xi32, #tpu.memory_space<vmem>>
        %dma_start3A_231 = arith.constant 0 : i32
        %dma_start3A_232 = arith.constant 0 : i32
        %dma_start3A_233 = tpu.memref_slice %arg2[%dma_start3A_231, %dma_start3A_232] : memref<10000x32xf32, #tpu.memory_space<hbm>> -> memref<10000x32xf32, #tpu.memory_space<hbm>>
        %dma_start3A_234 = tpu.memref_slice %arg11[%dma_start3A_223] : memref<4x!tpu.dma_semaphore, #tpu.memory_space<semaphore_mem>> -> memref<1x!tpu.dma_semaphore, #tpu.memory_space<semaphore_mem>>
        %dma_start3A_235 = tpu.memref_squeeze %dma_start3A_234 : memref<1x!tpu.dma_semaphore, #tpu.memory_space<semaphore_mem>> -> memref<!tpu.dma_semaphore, #tpu.memory_space<semaphore_mem>>
        tpu.enqueue_indirect_dma source(%dma_start3A_233 : memref<10000x32xf32, #tpu.memory_space<hbm>>) target(%dma_start3A_227 : memref<128x32xf32, #tpu.memory_space<vmem>>) offsets(%dma_start3A_230 : memref<128xi32, #tpu.memory_space<vmem>>) semaphore(%dma_start3A_235 : memref<!tpu.dma_semaphore, #tpu.memory_space<semaphore_mem>>)
        %dma_wait3A_236 = arith.constant 0 : i32
        %dma_wait3A_237 = arith.constant 0 : i32
        %dma_wait3A_238 = arith.constant 0 : i32
        %dma_wait3A_239 = arith.constant 0 : i32
        %dma_wait3A_240 = tpu.memref_slice %arg8[%dma_wait3A_236, %dma_wait3A_238, %dma_wait3A_239] : memref<4x128x32xf32, #tpu.memory_space<vmem>> -> memref<1x128x32xf32, #tpu.memory_space<vmem>>
        %dma_wait3A_241 = tpu.memref_squeeze %dma_wait3A_240 : memref<1x128x32xf32, #tpu.memory_space<vmem>> -> memref<128x32xf32, #tpu.memory_space<vmem>>
        %dma_wait3A_242 = arith.constant 0 : i32
        %dma_wait3A_243 = tpu.memref_slice %arg6[%add3A_159, %dma_wait3A_242] : memref<80x128xi32, #tpu.memory_space<vmem>> -> memref<1x128xi32, #tpu.memory_space<vmem>>
        %dma_wait3A_244 = tpu.memref_squeeze %dma_wait3A_243 : memref<1x128xi32, #tpu.memory_space<vmem>> -> memref<128xi32, #tpu.memory_space<vmem>>
        %dma_wait3A_245 = arith.constant 0 : i32
        %dma_wait3A_246 = arith.constant 0 : i32
        %dma_wait3A_247 = tpu.memref_slice %arg2[%dma_wait3A_245, %dma_wait3A_246] : memref<10000x32xf32, #tpu.memory_space<hbm>> -> memref<10000x32xf32, #tpu.memory_space<hbm>>
        %dma_wait3A_248 = tpu.memref_slice %arg11[%dma_wait3A_237] : memref<4x!tpu.dma_semaphore, #tpu.memory_space<semaphore_mem>> -> memref<1x!tpu.dma_semaphore, #tpu.memory_space<semaphore_mem>>
        %dma_wait3A_249 = tpu.memref_squeeze %dma_wait3A_248 : memref<1x!tpu.dma_semaphore, #tpu.memory_space<semaphore_mem>> -> memref<!tpu.dma_semaphore, #tpu.memory_space<semaphore_mem>>
        tpu.wait_indirect_dma semaphore(%dma_wait3A_249 : memref<!tpu.dma_semaphore, #tpu.memory_space<semaphore_mem>>) src(%dma_wait3A_247 : memref<10000x32xf32, #tpu.memory_space<hbm>>) dst(%dma_wait3A_241 : memref<128x32xf32, #tpu.memory_space<vmem>>)
        %add3A_250 = arith.constant 0 : i32
        %add3A_251 = arith.addi %add3A_153, %add3A_250 : i32
        %dma_start3A_252 = arith.constant 0 : i32
        %dma_start3A_253 = arith.constant 0 : i32
        %dma_start3A_254 = arith.constant 0 : i32
        %dma_start3A_255 = arith.constant 0 : i32
        %dma_start3A_256 = tpu.memref_slice %arg8[%dma_start3A_252, %dma_start3A_254, %dma_start3A_255] : memref<4x128x32xf32, #tpu.memory_space<vmem>> -> memref<1x128x32xf32, #tpu.memory_space<vmem>>
        %dma_start3A_257 = tpu.memref_squeeze %dma_start3A_256 : memref<1x128x32xf32, #tpu.memory_space<vmem>> -> memref<128x32xf32, #tpu.memory_space<vmem>>
        %dma_start3A_258 = arith.constant 0 : i32
        %dma_start3A_259 = tpu.memref_slice %arg7[%add3A_251, %dma_start3A_258] : memref<80x128xi32, #tpu.memory_space<vmem>> -> memref<1x128xi32, #tpu.memory_space<vmem>>
        %dma_start3A_260 = tpu.memref_squeeze %dma_start3A_259 : memref<1x128xi32, #tpu.memory_space<vmem>> -> memref<128xi32, #tpu.memory_space<vmem>>
        %dma_start3A_261 = arith.constant 0 : i32
        %dma_start3A_262 = arith.constant 0 : i32
        %dma_start3A_263 = tpu.memref_slice %arg10[%dma_start3A_261, %dma_start3A_262] : memref<10240x32xf32, #tpu.memory_space<vmem_shared>> -> memref<10240x32xf32, #tpu.memory_space<vmem_shared>>
        %dma_start3A_264 = tpu.memref_slice %arg12[%dma_start3A_253] : memref<4x!tpu.dma_semaphore, #tpu.memory_space<semaphore_mem>> -> memref<1x!tpu.dma_semaphore, #tpu.memory_space<semaphore_mem>>
        %dma_start3A_265 = tpu.memref_squeeze %dma_start3A_264 : memref<1x!tpu.dma_semaphore, #tpu.memory_space<semaphore_mem>> -> memref<!tpu.dma_semaphore, #tpu.memory_space<semaphore_mem>>
        tpu.enqueue_indirect_dma source(%dma_start3A_257 : memref<128x32xf32, #tpu.memory_space<vmem>>) target(%dma_start3A_263 : memref<10240x32xf32, #tpu.memory_space<vmem_shared>>) offsets(%dma_start3A_260 : memref<128xi32, #tpu.memory_space<vmem>>) semaphore(%dma_start3A_265 : memref<!tpu.dma_semaphore, #tpu.memory_space<semaphore_mem>>) {add = true}
        %dma_wait3A_266 = arith.constant 1 : i32
        %dma_wait3A_267 = arith.constant 1 : i32
        %dma_wait3A_268 = arith.constant 0 : i32
        %dma_wait3A_269 = arith.constant 0 : i32
        %dma_wait3A_270 = tpu.memref_slice %arg8[%dma_wait3A_266, %dma_wait3A_268, %dma_wait3A_269] : memref<4x128x32xf32, #tpu.memory_space<vmem>> -> memref<1x128x32xf32, #tpu.memory_space<vmem>>
        %dma_wait3A_271 = tpu.memref_squeeze %dma_wait3A_270 : memref<1x128x32xf32, #tpu.memory_space<vmem>> -> memref<128x32xf32, #tpu.memory_space<vmem>>
        %dma_wait3A_272 = arith.constant 0 : i32
        %dma_wait3A_273 = tpu.memref_slice %arg6[%add3A_179, %dma_wait3A_272] : memref<80x128xi32, #tpu.memory_space<vmem>> -> memref<1x128xi32, #tpu.memory_space<vmem>>
        %dma_wait3A_274 = tpu.memref_squeeze %dma_wait3A_273 : memref<1x128xi32, #tpu.memory_space<vmem>> -> memref<128xi32, #tpu.memory_space<vmem>>
        %dma_wait3A_275 = arith.constant 0 : i32
        %dma_wait3A_276 = arith.constant 0 : i32
        %dma_wait3A_277 = tpu.memref_slice %arg2[%dma_wait3A_275, %dma_wait3A_276] : memref<10000x32xf32, #tpu.memory_space<hbm>> -> memref<10000x32xf32, #tpu.memory_space<hbm>>
        %dma_wait3A_278 = tpu.memref_slice %arg11[%dma_wait3A_267] : memref<4x!tpu.dma_semaphore, #tpu.memory_space<semaphore_mem>> -> memref<1x!tpu.dma_semaphore, #tpu.memory_space<semaphore_mem>>
        %dma_wait3A_279 = tpu.memref_squeeze %dma_wait3A_278 : memref<1x!tpu.dma_semaphore, #tpu.memory_space<semaphore_mem>> -> memref<!tpu.dma_semaphore, #tpu.memory_space<semaphore_mem>>
        tpu.wait_indirect_dma semaphore(%dma_wait3A_279 : memref<!tpu.dma_semaphore, #tpu.memory_space<semaphore_mem>>) src(%dma_wait3A_277 : memref<10000x32xf32, #tpu.memory_space<hbm>>) dst(%dma_wait3A_271 : memref<128x32xf32, #tpu.memory_space<vmem>>)
        %add3A_280 = arith.constant 1 : i32
        %add3A_281 = arith.addi %add3A_153, %add3A_280 : i32
        %dma_start3A_282 = arith.constant 1 : i32
        %dma_start3A_283 = arith.constant 1 : i32
        %dma_start3A_284 = arith.constant 0 : i32
        %dma_start3A_285 = arith.constant 0 : i32
        %dma_start3A_286 = tpu.memref_slice %arg8[%dma_start3A_282, %dma_start3A_284, %dma_start3A_285] : memref<4x128x32xf32, #tpu.memory_space<vmem>> -> memref<1x128x32xf32, #tpu.memory_space<vmem>>
        %dma_start3A_287 = tpu.memref_squeeze %dma_start3A_286 : memref<1x128x32xf32, #tpu.memory_space<vmem>> -> memref<128x32xf32, #tpu.memory_space<vmem>>
        %dma_start3A_288 = arith.constant 0 : i32
        %dma_start3A_289 = tpu.memref_slice %arg7[%add3A_281, %dma_start3A_288] : memref<80x128xi32, #tpu.memory_space<vmem>> -> memref<1x128xi32, #tpu.memory_space<vmem>>
        %dma_start3A_290 = tpu.memref_squeeze %dma_start3A_289 : memref<1x128xi32, #tpu.memory_space<vmem>> -> memref<128xi32, #tpu.memory_space<vmem>>
        %dma_start3A_291 = arith.constant 0 : i32
        %dma_start3A_292 = arith.constant 0 : i32
        %dma_start3A_293 = tpu.memref_slice %arg10[%dma_start3A_291, %dma_start3A_292] : memref<10240x32xf32, #tpu.memory_space<vmem_shared>> -> memref<10240x32xf32, #tpu.memory_space<vmem_shared>>
        %dma_start3A_294 = tpu.memref_slice %arg12[%dma_start3A_283] : memref<4x!tpu.dma_semaphore, #tpu.memory_space<semaphore_mem>> -> memref<1x!tpu.dma_semaphore, #tpu.memory_space<semaphore_mem>>
        %dma_start3A_295 = tpu.memref_squeeze %dma_start3A_294 : memref<1x!tpu.dma_semaphore, #tpu.memory_space<semaphore_mem>> -> memref<!tpu.dma_semaphore, #tpu.memory_space<semaphore_mem>>
        tpu.enqueue_indirect_dma source(%dma_start3A_287 : memref<128x32xf32, #tpu.memory_space<vmem>>) target(%dma_start3A_293 : memref<10240x32xf32, #tpu.memory_space<vmem_shared>>) offsets(%dma_start3A_290 : memref<128xi32, #tpu.memory_space<vmem>>) semaphore(%dma_start3A_295 : memref<!tpu.dma_semaphore, #tpu.memory_space<semaphore_mem>>) {add = true}
        %dma_wait3A_296 = arith.constant 2 : i32
        %dma_wait3A_297 = arith.constant 2 : i32
        %dma_wait3A_298 = arith.constant 0 : i32
        %dma_wait3A_299 = arith.constant 0 : i32
        %dma_wait3A_300 = tpu.memref_slice %arg8[%dma_wait3A_296, %dma_wait3A_298, %dma_wait3A_299] : memref<4x128x32xf32, #tpu.memory_space<vmem>> -> memref<1x128x32xf32, #tpu.memory_space<vmem>>
        %dma_wait3A_301 = tpu.memref_squeeze %dma_wait3A_300 : memref<1x128x32xf32, #tpu.memory_space<vmem>> -> memref<128x32xf32, #tpu.memory_space<vmem>>
        %dma_wait3A_302 = arith.constant 0 : i32
        %dma_wait3A_303 = tpu.memref_slice %arg6[%add3A_200, %dma_wait3A_302] : memref<80x128xi32, #tpu.memory_space<vmem>> -> memref<1x128xi32, #tpu.memory_space<vmem>>
        %dma_wait3A_304 = tpu.memref_squeeze %dma_wait3A_303 : memref<1x128xi32, #tpu.memory_space<vmem>> -> memref<128xi32, #tpu.memory_space<vmem>>
        %dma_wait3A_305 = arith.constant 0 : i32
        %dma_wait3A_306 = arith.constant 0 : i32
        %dma_wait3A_307 = tpu.memref_slice %arg2[%dma_wait3A_305, %dma_wait3A_306] : memref<10000x32xf32, #tpu.memory_space<hbm>> -> memref<10000x32xf32, #tpu.memory_space<hbm>>
        %dma_wait3A_308 = tpu.memref_slice %arg11[%dma_wait3A_297] : memref<4x!tpu.dma_semaphore, #tpu.memory_space<semaphore_mem>> -> memref<1x!tpu.dma_semaphore, #tpu.memory_space<semaphore_mem>>
        %dma_wait3A_309 = tpu.memref_squeeze %dma_wait3A_308 : memref<1x!tpu.dma_semaphore, #tpu.memory_space<semaphore_mem>> -> memref<!tpu.dma_semaphore, #tpu.memory_space<semaphore_mem>>
        tpu.wait_indirect_dma semaphore(%dma_wait3A_309 : memref<!tpu.dma_semaphore, #tpu.memory_space<semaphore_mem>>) src(%dma_wait3A_307 : memref<10000x32xf32, #tpu.memory_space<hbm>>) dst(%dma_wait3A_301 : memref<128x32xf32, #tpu.memory_space<vmem>>)
        %add3A_310 = arith.constant 2 : i32
        %add3A_311 = arith.addi %add3A_153, %add3A_310 : i32
        %dma_start3A_312 = arith.constant 2 : i32
        %dma_start3A_313 = arith.constant 2 : i32
        %dma_start3A_314 = arith.constant 0 : i32
        %dma_start3A_315 = arith.constant 0 : i32
        %dma_start3A_316 = tpu.memref_slice %arg8[%dma_start3A_312, %dma_start3A_314, %dma_start3A_315] : memref<4x128x32xf32, #tpu.memory_space<vmem>> -> memref<1x128x32xf32, #tpu.memory_space<vmem>>
        %dma_start3A_317 = tpu.memref_squeeze %dma_start3A_316 : memref<1x128x32xf32, #tpu.memory_space<vmem>> -> memref<128x32xf32, #tpu.memory_space<vmem>>
        %dma_start3A_318 = arith.constant 0 : i32
        %dma_start3A_319 = tpu.memref_slice %arg7[%add3A_311, %dma_start3A_318] : memref<80x128xi32, #tpu.memory_space<vmem>> -> memref<1x128xi32, #tpu.memory_space<vmem>>
        %dma_start3A_320 = tpu.memref_squeeze %dma_start3A_319 : memref<1x128xi32, #tpu.memory_space<vmem>> -> memref<128xi32, #tpu.memory_space<vmem>>
        %dma_start3A_321 = arith.constant 0 : i32
        %dma_start3A_322 = arith.constant 0 : i32
        %dma_start3A_323 = tpu.memref_slice %arg10[%dma_start3A_321, %dma_start3A_322] : memref<10240x32xf32, #tpu.memory_space<vmem_shared>> -> memref<10240x32xf32, #tpu.memory_space<vmem_shared>>
        %dma_start3A_324 = tpu.memref_slice %arg12[%dma_start3A_313] : memref<4x!tpu.dma_semaphore, #tpu.memory_space<semaphore_mem>> -> memref<1x!tpu.dma_semaphore, #tpu.memory_space<semaphore_mem>>
        %dma_start3A_325 = tpu.memref_squeeze %dma_start3A_324 : memref<1x!tpu.dma_semaphore, #tpu.memory_space<semaphore_mem>> -> memref<!tpu.dma_semaphore, #tpu.memory_space<semaphore_mem>>
        tpu.enqueue_indirect_dma source(%dma_start3A_317 : memref<128x32xf32, #tpu.memory_space<vmem>>) target(%dma_start3A_323 : memref<10240x32xf32, #tpu.memory_space<vmem_shared>>) offsets(%dma_start3A_320 : memref<128xi32, #tpu.memory_space<vmem>>) semaphore(%dma_start3A_325 : memref<!tpu.dma_semaphore, #tpu.memory_space<semaphore_mem>>) {add = true}
        %dma_wait3A_326 = arith.constant 3 : i32
        %dma_wait3A_327 = arith.constant 3 : i32
        %dma_wait3A_328 = arith.constant 0 : i32
        %dma_wait3A_329 = arith.constant 0 : i32
        %dma_wait3A_330 = tpu.memref_slice %arg8[%dma_wait3A_326, %dma_wait3A_328, %dma_wait3A_329] : memref<4x128x32xf32, #tpu.memory_space<vmem>> -> memref<1x128x32xf32, #tpu.memory_space<vmem>>
        %dma_wait3A_331 = tpu.memref_squeeze %dma_wait3A_330 : memref<1x128x32xf32, #tpu.memory_space<vmem>> -> memref<128x32xf32, #tpu.memory_space<vmem>>
        %dma_wait3A_332 = arith.constant 0 : i32
        %dma_wait3A_333 = tpu.memref_slice %arg6[%add3A_221, %dma_wait3A_332] : memref<80x128xi32, #tpu.memory_space<vmem>> -> memref<1x128xi32, #tpu.memory_space<vmem>>
        %dma_wait3A_334 = tpu.memref_squeeze %dma_wait3A_333 : memref<1x128xi32, #tpu.memory_space<vmem>> -> memref<128xi32, #tpu.memory_space<vmem>>
        %dma_wait3A_335 = arith.constant 0 : i32
        %dma_wait3A_336 = arith.constant 0 : i32
        %dma_wait3A_337 = tpu.memref_slice %arg2[%dma_wait3A_335, %dma_wait3A_336] : memref<10000x32xf32, #tpu.memory_space<hbm>> -> memref<10000x32xf32, #tpu.memory_space<hbm>>
        %dma_wait3A_338 = tpu.memref_slice %arg11[%dma_wait3A_327] : memref<4x!tpu.dma_semaphore, #tpu.memory_space<semaphore_mem>> -> memref<1x!tpu.dma_semaphore, #tpu.memory_space<semaphore_mem>>
        %dma_wait3A_339 = tpu.memref_squeeze %dma_wait3A_338 : memref<1x!tpu.dma_semaphore, #tpu.memory_space<semaphore_mem>> -> memref<!tpu.dma_semaphore, #tpu.memory_space<semaphore_mem>>
        tpu.wait_indirect_dma semaphore(%dma_wait3A_339 : memref<!tpu.dma_semaphore, #tpu.memory_space<semaphore_mem>>) src(%dma_wait3A_337 : memref<10000x32xf32, #tpu.memory_space<hbm>>) dst(%dma_wait3A_331 : memref<128x32xf32, #tpu.memory_space<vmem>>)
        %add3A_340 = arith.constant 3 : i32
        %add3A_341 = arith.addi %add3A_153, %add3A_340 : i32
        %dma_start3A_342 = arith.constant 3 : i32
        %dma_start3A_343 = arith.constant 3 : i32
        %dma_start3A_344 = arith.constant 0 : i32
        %dma_start3A_345 = arith.constant 0 : i32
        %dma_start3A_346 = tpu.memref_slice %arg8[%dma_start3A_342, %dma_start3A_344, %dma_start3A_345] : memref<4x128x32xf32, #tpu.memory_space<vmem>> -> memref<1x128x32xf32, #tpu.memory_space<vmem>>
        %dma_start3A_347 = tpu.memref_squeeze %dma_start3A_346 : memref<1x128x32xf32, #tpu.memory_space<vmem>> -> memref<128x32xf32, #tpu.memory_space<vmem>>
        %dma_start3A_348 = arith.constant 0 : i32
        %dma_start3A_349 = tpu.memref_slice %arg7[%add3A_341, %dma_start3A_348] : memref<80x128xi32, #tpu.memory_space<vmem>> -> memref<1x128xi32, #tpu.memory_space<vmem>>
        %dma_start3A_350 = tpu.memref_squeeze %dma_start3A_349 : memref<1x128xi32, #tpu.memory_space<vmem>> -> memref<128xi32, #tpu.memory_space<vmem>>
        %dma_start3A_351 = arith.constant 0 : i32
        %dma_start3A_352 = arith.constant 0 : i32
        %dma_start3A_353 = tpu.memref_slice %arg10[%dma_start3A_351, %dma_start3A_352] : memref<10240x32xf32, #tpu.memory_space<vmem_shared>> -> memref<10240x32xf32, #tpu.memory_space<vmem_shared>>
        %dma_start3A_354 = tpu.memref_slice %arg12[%dma_start3A_343] : memref<4x!tpu.dma_semaphore, #tpu.memory_space<semaphore_mem>> -> memref<1x!tpu.dma_semaphore, #tpu.memory_space<semaphore_mem>>
        %dma_start3A_355 = tpu.memref_squeeze %dma_start3A_354 : memref<1x!tpu.dma_semaphore, #tpu.memory_space<semaphore_mem>> -> memref<!tpu.dma_semaphore, #tpu.memory_space<semaphore_mem>>
        tpu.enqueue_indirect_dma source(%dma_start3A_347 : memref<128x32xf32, #tpu.memory_space<vmem>>) target(%dma_start3A_353 : memref<10240x32xf32, #tpu.memory_space<vmem_shared>>) offsets(%dma_start3A_350 : memref<128xi32, #tpu.memory_space<vmem>>) semaphore(%dma_start3A_355 : memref<!tpu.dma_semaphore, #tpu.memory_space<semaphore_mem>>) {add = true}
      }
      %scan3A_87 = arith.constant 20 : i32
      %dma_wait3A_88 = arith.constant 0 : i32
      %dma_wait3A_89 = arith.constant 0 : i32
      %dma_wait3A_90 = arith.constant 0 : i32
      %dma_wait3A_91 = arith.constant 0 : i32
      %dma_wait3A_92 = arith.constant 0 : i32
      %dma_wait3A_93 = tpu.memref_slice %arg8[%dma_wait3A_88, %dma_wait3A_91, %dma_wait3A_92] : memref<4x128x32xf32, #tpu.memory_space<vmem>> -> memref<1x128x32xf32, #tpu.memory_space<vmem>>
      %dma_wait3A_94 = tpu.memref_squeeze %dma_wait3A_93 : memref<1x128x32xf32, #tpu.memory_space<vmem>> -> memref<128x32xf32, #tpu.memory_space<vmem>>
      %dma_wait3A_95 = arith.constant 0 : i32
      %dma_wait3A_96 = tpu.memref_slice %arg7[%dma_wait3A_89, %dma_wait3A_95] : memref<80x128xi32, #tpu.memory_space<vmem>> -> memref<1x128xi32, #tpu.memory_space<vmem>>
      %dma_wait3A_97 = tpu.memref_squeeze %dma_wait3A_96 : memref<1x128xi32, #tpu.memory_space<vmem>> -> memref<128xi32, #tpu.memory_space<vmem>>
      %dma_wait3A_98 = arith.constant 0 : i32
      %dma_wait3A_99 = arith.constant 0 : i32
      %dma_wait3A_100 = tpu.memref_slice %arg10[%dma_wait3A_98, %dma_wait3A_99] : memref<10240x32xf32, #tpu.memory_space<vmem_shared>> -> memref<10240x32xf32, #tpu.memory_space<vmem_shared>>
      %dma_wait3A_101 = tpu.memref_slice %arg12[%dma_wait3A_90] : memref<4x!tpu.dma_semaphore, #tpu.memory_space<semaphore_mem>> -> memref<1x!tpu.dma_semaphore, #tpu.memory_space<semaphore_mem>>
      %dma_wait3A_102 = tpu.memref_squeeze %dma_wait3A_101 : memref<1x!tpu.dma_semaphore, #tpu.memory_space<semaphore_mem>> -> memref<!tpu.dma_semaphore, #tpu.memory_space<semaphore_mem>>
      tpu.wait_indirect_dma semaphore(%dma_wait3A_102 : memref<!tpu.dma_semaphore, #tpu.memory_space<semaphore_mem>>) src(%dma_wait3A_94 : memref<128x32xf32, #tpu.memory_space<vmem>>) dst(%dma_wait3A_100 : memref<10240x32xf32, #tpu.memory_space<vmem_shared>>)
      %dma_wait3A_103 = arith.constant 1 : i32
      %dma_wait3A_104 = arith.constant 0 : i32
      %dma_wait3A_105 = arith.constant 1 : i32
      %dma_wait3A_106 = arith.constant 0 : i32
      %dma_wait3A_107 = arith.constant 0 : i32
      %dma_wait3A_108 = tpu.memref_slice %arg8[%dma_wait3A_103, %dma_wait3A_106, %dma_wait3A_107] : memref<4x128x32xf32, #tpu.memory_space<vmem>> -> memref<1x128x32xf32, #tpu.memory_space<vmem>>
      %dma_wait3A_109 = tpu.memref_squeeze %dma_wait3A_108 : memref<1x128x32xf32, #tpu.memory_space<vmem>> -> memref<128x32xf32, #tpu.memory_space<vmem>>
      %dma_wait3A_110 = arith.constant 0 : i32
      %dma_wait3A_111 = tpu.memref_slice %arg7[%dma_wait3A_104, %dma_wait3A_110] : memref<80x128xi32, #tpu.memory_space<vmem>> -> memref<1x128xi32, #tpu.memory_space<vmem>>
      %dma_wait3A_112 = tpu.memref_squeeze %dma_wait3A_111 : memref<1x128xi32, #tpu.memory_space<vmem>> -> memref<128xi32, #tpu.memory_space<vmem>>
      %dma_wait3A_113 = arith.constant 0 : i32
      %dma_wait3A_114 = arith.constant 0 : i32
      %dma_wait3A_115 = tpu.memref_slice %arg10[%dma_wait3A_113, %dma_wait3A_114] : memref<10240x32xf32, #tpu.memory_space<vmem_shared>> -> memref<10240x32xf32, #tpu.memory_space<vmem_shared>>
      %dma_wait3A_116 = tpu.memref_slice %arg12[%dma_wait3A_105] : memref<4x!tpu.dma_semaphore, #tpu.memory_space<semaphore_mem>> -> memref<1x!tpu.dma_semaphore, #tpu.memory_space<semaphore_mem>>
      %dma_wait3A_117 = tpu.memref_squeeze %dma_wait3A_116 : memref<1x!tpu.dma_semaphore, #tpu.memory_space<semaphore_mem>> -> memref<!tpu.dma_semaphore, #tpu.memory_space<semaphore_mem>>
      tpu.wait_indirect_dma semaphore(%dma_wait3A_117 : memref<!tpu.dma_semaphore, #tpu.memory_space<semaphore_mem>>) src(%dma_wait3A_109 : memref<128x32xf32, #tpu.memory_space<vmem>>) dst(%dma_wait3A_115 : memref<10240x32xf32, #tpu.memory_space<vmem_shared>>)
      %dma_wait3A_118 = arith.constant 2 : i32
      %dma_wait3A_119 = arith.constant 0 : i32
      %dma_wait3A_120 = arith.constant 2 : i32
      %dma_wait3A_121 = arith.constant 0 : i32
      %dma_wait3A_122 = arith.constant 0 : i32
      %dma_wait3A_123 = tpu.memref_slice %arg8[%dma_wait3A_118, %dma_wait3A_121, %dma_wait3A_122] : memref<4x128x32xf32, #tpu.memory_space<vmem>> -> memref<1x128x32xf32, #tpu.memory_space<vmem>>
      %dma_wait3A_124 = tpu.memref_squeeze %dma_wait3A_123 : memref<1x128x32xf32, #tpu.memory_space<vmem>> -> memref<128x32xf32, #tpu.memory_space<vmem>>
      %dma_wait3A_125 = arith.constant 0 : i32
      %dma_wait3A_126 = tpu.memref_slice %arg7[%dma_wait3A_119, %dma_wait3A_125] : memref<80x128xi32, #tpu.memory_space<vmem>> -> memref<1x128xi32, #tpu.memory_space<vmem>>
      %dma_wait3A_127 = tpu.memref_squeeze %dma_wait3A_126 : memref<1x128xi32, #tpu.memory_space<vmem>> -> memref<128xi32, #tpu.memory_space<vmem>>
      %dma_wait3A_128 = arith.constant 0 : i32
      %dma_wait3A_129 = arith.constant 0 : i32
      %dma_wait3A_130 = tpu.memref_slice %arg10[%dma_wait3A_128, %dma_wait3A_129] : memref<10240x32xf32, #tpu.memory_space<vmem_shared>> -> memref<10240x32xf32, #tpu.memory_space<vmem_shared>>
      %dma_wait3A_131 = tpu.memref_slice %arg12[%dma_wait3A_120] : memref<4x!tpu.dma_semaphore, #tpu.memory_space<semaphore_mem>> -> memref<1x!tpu.dma_semaphore, #tpu.memory_space<semaphore_mem>>
      %dma_wait3A_132 = tpu.memref_squeeze %dma_wait3A_131 : memref<1x!tpu.dma_semaphore, #tpu.memory_space<semaphore_mem>> -> memref<!tpu.dma_semaphore, #tpu.memory_space<semaphore_mem>>
      tpu.wait_indirect_dma semaphore(%dma_wait3A_132 : memref<!tpu.dma_semaphore, #tpu.memory_space<semaphore_mem>>) src(%dma_wait3A_124 : memref<128x32xf32, #tpu.memory_space<vmem>>) dst(%dma_wait3A_130 : memref<10240x32xf32, #tpu.memory_space<vmem_shared>>)
      %dma_wait3A_133 = arith.constant 3 : i32
      %dma_wait3A_134 = arith.constant 0 : i32
      %dma_wait3A_135 = arith.constant 3 : i32
      %dma_wait3A_136 = arith.constant 0 : i32
      %dma_wait3A_137 = arith.constant 0 : i32
      %dma_wait3A_138 = tpu.memref_slice %arg8[%dma_wait3A_133, %dma_wait3A_136, %dma_wait3A_137] : memref<4x128x32xf32, #tpu.memory_space<vmem>> -> memref<1x128x32xf32, #tpu.memory_space<vmem>>
      %dma_wait3A_139 = tpu.memref_squeeze %dma_wait3A_138 : memref<1x128x32xf32, #tpu.memory_space<vmem>> -> memref<128x32xf32, #tpu.memory_space<vmem>>
      %dma_wait3A_140 = arith.constant 0 : i32
      %dma_wait3A_141 = tpu.memref_slice %arg7[%dma_wait3A_134, %dma_wait3A_140] : memref<80x128xi32, #tpu.memory_space<vmem>> -> memref<1x128xi32, #tpu.memory_space<vmem>>
      %dma_wait3A_142 = tpu.memref_squeeze %dma_wait3A_141 : memref<1x128xi32, #tpu.memory_space<vmem>> -> memref<128xi32, #tpu.memory_space<vmem>>
      %dma_wait3A_143 = arith.constant 0 : i32
      %dma_wait3A_144 = arith.constant 0 : i32
      %dma_wait3A_145 = tpu.memref_slice %arg10[%dma_wait3A_143, %dma_wait3A_144] : memref<10240x32xf32, #tpu.memory_space<vmem_shared>> -> memref<10240x32xf32, #tpu.memory_space<vmem_shared>>
      %dma_wait3A_146 = tpu.memref_slice %arg12[%dma_wait3A_135] : memref<4x!tpu.dma_semaphore, #tpu.memory_space<semaphore_mem>> -> memref<1x!tpu.dma_semaphore, #tpu.memory_space<semaphore_mem>>
      %dma_wait3A_147 = tpu.memref_squeeze %dma_wait3A_146 : memref<1x!tpu.dma_semaphore, #tpu.memory_space<semaphore_mem>> -> memref<!tpu.dma_semaphore, #tpu.memory_space<semaphore_mem>>
      tpu.wait_indirect_dma semaphore(%dma_wait3A_147 : memref<!tpu.dma_semaphore, #tpu.memory_space<semaphore_mem>>) src(%dma_wait3A_139 : memref<128x32xf32, #tpu.memory_space<vmem>>) dst(%dma_wait3A_145 : memref<10240x32xf32, #tpu.memory_space<vmem_shared>>)
      %barrier3A_148 = arith.constant 0 : index
      tpu.barrier barrier_id(%barrier3A_148)
      "tpu.region"() ({
        %run_scoped3A = tpu.sem_alloc : memref<!tpu.dma_semaphore, #tpu.memory_space<semaphore_mem>>
        %dma_start3A = arith.constant 0 : i32
        %dma_start3A_149 = tpu.memref_slice %arg5[%mul3A_0, %dma_start3A] : memref<10240x32xf32, #tpu.memory_space<hbm>> -> memref<640x32xf32, #tpu.memory_space<hbm>>
        %dma_start3A_150 = arith.constant 0 : i32
        %dma_start3A_151 = tpu.memref_slice %arg10[%mul3A_0, %dma_start3A_150] : memref<10240x32xf32, #tpu.memory_space<vmem_shared>> -> memref<640x32xf32, #tpu.memory_space<vmem_shared>>
        tpu.enqueue_dma source(%dma_start3A_151 : memref<640x32xf32, #tpu.memory_space<vmem_shared>>) target(%dma_start3A_149 : memref<640x32xf32, #tpu.memory_space<hbm>>) target_semaphore(%run_scoped3A : memref<!tpu.dma_semaphore, #tpu.memory_space<semaphore_mem>>)
        %dma_wait3A_152 = arith.constant 0 : i32
        %dma_wait3A_153 = tpu.memref_slice %arg5[%mul3A_0, %dma_wait3A_152] : memref<10240x32xf32, #tpu.memory_space<hbm>> -> memref<640x32xf32, #tpu.memory_space<hbm>>
        %dma_wait3A_154 = arith.constant 0 : i32
        %dma_wait3A_155 = tpu.memref_slice %arg10[%mul3A_0, %dma_wait3A_154] : memref<10240x32xf32, #tpu.memory_space<vmem_shared>> -> memref<640x32xf32, #tpu.memory_space<vmem_shared>>
        tpu.wait_dma2 semaphore(%run_scoped3A : memref<!tpu.dma_semaphore, #tpu.memory_space<semaphore_mem>>) src(%dma_wait3A_155 : memref<640x32xf32, #tpu.memory_space<vmem_shared>>) dst(%dma_wait3A_153 : memref<640x32xf32, #tpu.memory_space<hbm>>)
        tpu.yield
      }) : () -> ()
    } else {
    }
    return
  }
}

module attributes {stable_mosaic.version = 14 : i64} {
  func.func @_proj1_body(%arg0: i32, %arg1: memref<1000x128xf32, #tpu.memory_space<vmem>>, %arg2: memref<128x128xf32, #tpu.memory_space<vmem>>, %arg3: memref<1000x64xf32, #tpu.memory_space<vmem>>, %arg4: memref<1000x64xf32, #tpu.memory_space<vmem>>) attributes {dimension_semantics = [#tpu.dimension_semantics<arbitrary>], iteration_bounds = array<i64: 10>, scalar_prefetch = 0 : i64, scratch_operands = 0 : i64, tpu.core_type = #tpu.core_type<tc>, window_params = [{transform_indices = @transform_0, window_bounds = array<i64: 1000, 128>}, {pipeline_mode = #tpu.pipeline_mode<synchronous>, transform_indices = @transform_1, window_bounds = array<i64: 128, 128>}, {transform_indices = @transform_2, window_bounds = array<i64: 1000, 64>}, {transform_indices = @transform_3, window_bounds = array<i64: 1000, 64>}]} {
    %get3A = arith.constant 0 : index
    %get3A_0 = arith.constant 0 : index
    %get3A_1 = vector.load %arg1[%get3A, %get3A_0] : memref<1000x128xf32, #tpu.memory_space<vmem>>, vector<1000x128xf32>
    %get3A_2 = arith.constant 0 : index
    %get3A_3 = arith.constant 0 : index
    %get3A_4 = vector.load %arg2[%get3A_2, %get3A_3] : memref<128x128xf32, #tpu.memory_space<vmem>>, vector<128x128xf32>
    %dot_general3A = arith.constant dense<0.000000e+00> : vector<1000x128xf32>
    %dot_general3A_5 = tpu.matmul %get3A_1, %get3A_4, %dot_general3A {dimension_numbers = #tpu.dot_dimension_numbers<[1], [0], [0], [1], [0, 0, 1, 1], [], []>, transpose_lhs_hint = false} : vector<1000x128xf32>, vector<128x128xf32>, vector<1000x128xf32> -> vector<1000x128xf32>
    %slice3A = vector.extract_strided_slice %dot_general3A_5 {offsets = [0, 0], sizes = [1000, 64], strides = [1, 1]} : vector<1000x128xf32> to vector<1000x64xf32>
    %swap3A = arith.constant 0 : index
    %swap3A_6 = arith.constant 0 : index
    %swap3A_7 = vector.load %arg3[%swap3A, %swap3A_6] : memref<1000x64xf32, #tpu.memory_space<vmem>>, vector<1000x64xf32>
    tpu.vector_store %arg3[%swap3A, %swap3A_6], %slice3A {strides = array<i32>} : memref<1000x64xf32, #tpu.memory_space<vmem>>, vector<1000x64xf32>,
    %slice3A_8 = vector.extract_strided_slice %dot_general3A_5 {offsets = [0, 64], sizes = [1000, 64], strides = [1, 1]} : vector<1000x128xf32> to vector<1000x64xf32>
    %swap3A_9 = arith.constant 0 : index
    %swap3A_10 = arith.constant 0 : index
    %swap3A_11 = vector.load %arg4[%swap3A_9, %swap3A_10] : memref<1000x64xf32, #tpu.memory_space<vmem>>, vector<1000x64xf32>
    tpu.vector_store %arg4[%swap3A_9, %swap3A_10], %slice3A_8 {strides = array<i32>} : memref<1000x64xf32, #tpu.memory_space<vmem>>, vector<1000x64xf32>,
    return
  }
  func.func @transform_0(%arg0: i32) -> (i32, i32) {
    %c0_i32 = arith.constant 0 : i32
    %c0_i32_0 = arith.constant 0 : i32
    return %arg0, %c0_i32 : i32, i32
  }
  func.func @transform_1(%arg0: i32) -> (i32, i32) {
    %c0_i32 = arith.constant 0 : i32
    %c0_i32_0 = arith.constant 0 : i32
    %c0_i32_1 = arith.constant 0 : i32
    return %c0_i32, %c0_i32_0 : i32, i32
  }
  func.func @transform_2(%arg0: i32) -> (i32, i32) {
    %c0_i32 = arith.constant 0 : i32
    %c0_i32_0 = arith.constant 0 : i32
    return %arg0, %c0_i32 : i32, i32
  }
  func.func @transform_3(%arg0: i32) -> (i32, i32) {
    %c0_i32 = arith.constant 0 : i32
    %c0_i32_0 = arith.constant 0 : i32
    return %arg0, %c0_i32 : i32, i32
  }
}

module attributes {stable_mosaic.version = 14 : i64} {
  func.func @_combine1_body(%arg0: i32, %arg1: memref<1000x64xf32, #tpu.memory_space<vmem>>, %arg2: memref<1000x16xf32, #tpu.memory_space<vmem>>, %arg3: memref<1000x64xf32, #tpu.memory_space<vmem>>, %arg4: memref<64x64xf32, #tpu.memory_space<vmem>>, %arg5: memref<1x64xf32, #tpu.memory_space<vmem>>, %arg6: memref<1000x32xf32, #tpu.memory_space<vmem>>, %arg7: memref<1000x32xf32, #tpu.memory_space<vmem>>, %arg8: memref<1000x16xf32, #tpu.memory_space<vmem>>) attributes {dimension_semantics = [#tpu.dimension_semantics<arbitrary>], iteration_bounds = array<i64: 10>, scalar_prefetch = 0 : i64, scratch_operands = 0 : i64, tpu.core_type = #tpu.core_type<tc>, window_params = [{transform_indices = @transform_0, window_bounds = array<i64: 1000, 64>}, {transform_indices = @transform_1, window_bounds = array<i64: 1000, 16>}, {transform_indices = @transform_2, window_bounds = array<i64: 1000, 64>}, {pipeline_mode = #tpu.pipeline_mode<synchronous>, transform_indices = @transform_3, window_bounds = array<i64: 64, 64>}, {pipeline_mode = #tpu.pipeline_mode<synchronous>, transform_indices = @transform_4, window_bounds = array<i64: 1, 64>}, {transform_indices = @transform_5, window_bounds = array<i64: 1000, 32>}, {transform_indices = @transform_6, window_bounds = array<i64: 1000, 32>}, {transform_indices = @transform_7, window_bounds = array<i64: 1000, 16>}]} {
    %get3A = arith.constant 0 : index
    %get3A_0 = arith.constant 0 : index
    %get3A_1 = vector.load %arg2[%get3A, %get3A_0] : memref<1000x16xf32, #tpu.memory_space<vmem>>, vector<1000x16xf32>
    %max3A = arith.constant 1.000000e+00 : f32
    %max3A_2 = vector.broadcast %max3A : f32 to vector<1000x16xf32>
    %max3A_3 = arith.maximumf %get3A_1, %max3A_2 : vector<1000x16xf32>
    %div3A = arith.constant 1.000000e+00 : f32
    %div3A_4 = vector.broadcast %div3A : f32 to vector<1000x16xf32>
    %div3A_5 = arith.divf %div3A_4, %max3A_3 : vector<1000x16xf32>
    %get3A_6 = arith.constant 0 : index
    %get3A_7 = arith.constant 0 : index
    %get3A_8 = vector.load %arg1[%get3A_6, %get3A_7] : memref<1000x64xf32, #tpu.memory_space<vmem>>, vector<1000x64xf32>
    %slice3A = vector.extract_strided_slice %div3A_5 {offsets = [0, 0], sizes = [1000, 1], strides = [1, 1]} : vector<1000x16xf32> to vector<1000x1xf32>
    %mul3A = vector.broadcast %slice3A : vector<1000x1xf32> to vector<1000x64xf32>
    %mul3A_9 = arith.mulf %get3A_8, %mul3A : vector<1000x64xf32>
    %get3A_10 = arith.constant 0 : index
    %get3A_11 = arith.constant 0 : index
    %get3A_12 = vector.load %arg3[%get3A_10, %get3A_11] : memref<1000x64xf32, #tpu.memory_space<vmem>>, vector<1000x64xf32>
    %add3A = arith.addf %mul3A_9, %get3A_12 : vector<1000x64xf32>
    %get3A_13 = arith.constant 0 : index
    %get3A_14 = arith.constant 0 : index
    %get3A_15 = vector.load %arg5[%get3A_13, %get3A_14] : memref<1x64xf32, #tpu.memory_space<vmem>>, vector<1x64xf32>
    %add3A_16 = vector.broadcast %get3A_15 : vector<1x64xf32> to vector<1000x64xf32>
    %add3A_17 = arith.addf %add3A, %add3A_16 : vector<1000x64xf32>
    %max3A_18 = arith.constant 0.000000e+00 : f32
    %max3A_19 = vector.broadcast %max3A_18 : f32 to vector<1000x64xf32>
    %max3A_20 = arith.maximumf %add3A_17, %max3A_19 : vector<1000x64xf32>
    %get3A_21 = arith.constant 0 : index
    %get3A_22 = arith.constant 0 : index
    %get3A_23 = vector.load %arg4[%get3A_21, %get3A_22] : memref<64x64xf32, #tpu.memory_space<vmem>>, vector<64x64xf32>
    %dot_general3A = arith.constant dense<0.000000e+00> : vector<1000x64xf32>
    %dot_general3A_24 = tpu.matmul %max3A_20, %get3A_23, %dot_general3A {dimension_numbers = #tpu.dot_dimension_numbers<[1], [0], [0], [1], [0, 0, 1, 1], [], []>, transpose_lhs_hint = false} : vector<1000x64xf32>, vector<64x64xf32>, vector<1000x64xf32> -> vector<1000x64xf32>
    %slice3A_25 = vector.extract_strided_slice %dot_general3A_24 {offsets = [0, 0], sizes = [1000, 32], strides = [1, 1]} : vector<1000x64xf32> to vector<1000x32xf32>
    %swap3A = arith.constant 0 : index
    %swap3A_26 = arith.constant 0 : index
    %swap3A_27 = vector.load %arg6[%swap3A, %swap3A_26] : memref<1000x32xf32, #tpu.memory_space<vmem>>, vector<1000x32xf32>
    tpu.vector_store %arg6[%swap3A, %swap3A_26], %slice3A_25 {strides = array<i32>} : memref<1000x32xf32, #tpu.memory_space<vmem>>, vector<1000x32xf32>,
    %slice3A_28 = vector.extract_strided_slice %dot_general3A_24 {offsets = [0, 32], sizes = [1000, 32], strides = [1, 1]} : vector<1000x64xf32> to vector<1000x32xf32>
    %swap3A_29 = arith.constant 0 : index
    %swap3A_30 = arith.constant 0 : index
    %swap3A_31 = vector.load %arg7[%swap3A_29, %swap3A_30] : memref<1000x32xf32, #tpu.memory_space<vmem>>, vector<1000x32xf32>
    tpu.vector_store %arg7[%swap3A_29, %swap3A_30], %slice3A_28 {strides = array<i32>} : memref<1000x32xf32, #tpu.memory_space<vmem>>, vector<1000x32xf32>,
    %swap3A_32 = arith.constant 0 : index
    %swap3A_33 = arith.constant 0 : index
    %swap3A_34 = vector.load %arg8[%swap3A_32, %swap3A_33] : memref<1000x16xf32, #tpu.memory_space<vmem>>, vector<1000x16xf32>
    tpu.vector_store %arg8[%swap3A_32, %swap3A_33], %div3A_5 {strides = array<i32>} : memref<1000x16xf32, #tpu.memory_space<vmem>>, vector<1000x16xf32>,
    return
  }
  func.func @transform_0(%arg0: i32) -> (i32, i32) {
    %c0_i32 = arith.constant 0 : i32
    %c0_i32_0 = arith.constant 0 : i32
    return %arg0, %c0_i32 : i32, i32
  }
  func.func @transform_1(%arg0: i32) -> (i32, i32) {
    %c0_i32 = arith.constant 0 : i32
    %c0_i32_0 = arith.constant 0 : i32
    return %arg0, %c0_i32 : i32, i32
  }
  func.func @transform_2(%arg0: i32) -> (i32, i32) {
    %c0_i32 = arith.constant 0 : i32
    %c0_i32_0 = arith.constant 0 : i32
    return %arg0, %c0_i32 : i32, i32
  }
  func.func @transform_3(%arg0: i32) -> (i32, i32) {
    %c0_i32 = arith.constant 0 : i32
    %c0_i32_0 = arith.constant 0 : i32
    %c0_i32_1 = arith.constant 0 : i32
    return %c0_i32, %c0_i32_0 : i32, i32
  }
  func.func @transform_4(%arg0: i32) -> (i32, i32) {
    %c0_i32 = arith.constant 0 : i32
    %c0_i32_0 = arith.constant 0 : i32
    %c0_i32_1 = arith.constant 0 : i32
    return %c0_i32, %c0_i32_0 : i32, i32
  }
  func.func @transform_5(%arg0: i32) -> (i32, i32) {
    %c0_i32 = arith.constant 0 : i32
    %c0_i32_0 = arith.constant 0 : i32
    return %arg0, %c0_i32 : i32, i32
  }
  func.func @transform_6(%arg0: i32) -> (i32, i32) {
    %c0_i32 = arith.constant 0 : i32
    %c0_i32_0 = arith.constant 0 : i32
    return %arg0, %c0_i32 : i32, i32
  }
  func.func @transform_7(%arg0: i32) -> (i32, i32) {
    %c0_i32 = arith.constant 0 : i32
    %c0_i32_0 = arith.constant 0 : i32
    return %arg0, %c0_i32 : i32, i32
  }
}

module attributes {stable_mosaic.version = 14 : i64} {
  func.func @_combine2_body(%arg0: i32, %arg1: memref<1000x32xf32, #tpu.memory_space<vmem>>, %arg2: memref<1000x16xf32, #tpu.memory_space<vmem>>, %arg3: memref<1000x32xf32, #tpu.memory_space<vmem>>, %arg4: memref<1x32xf32, #tpu.memory_space<vmem>>, %arg5: memref<1000x32xf32, #tpu.memory_space<vmem>>) attributes {dimension_semantics = [#tpu.dimension_semantics<arbitrary>], iteration_bounds = array<i64: 10>, scalar_prefetch = 0 : i64, scratch_operands = 0 : i64, tpu.core_type = #tpu.core_type<tc>, window_params = [{transform_indices = @transform_0, window_bounds = array<i64: 1000, 32>}, {transform_indices = @transform_1, window_bounds = array<i64: 1000, 16>}, {transform_indices = @transform_2, window_bounds = array<i64: 1000, 32>}, {pipeline_mode = #tpu.pipeline_mode<synchronous>, transform_indices = @transform_3, window_bounds = array<i64: 1, 32>}, {transform_indices = @transform_4, window_bounds = array<i64: 1000, 32>}]} {
    %get3A = arith.constant 0 : index
    %get3A_0 = arith.constant 0 : index
    %get3A_1 = vector.load %arg1[%get3A, %get3A_0] : memref<1000x32xf32, #tpu.memory_space<vmem>>, vector<1000x32xf32>
    %get3A_2 = arith.constant 0 : index
    %get3A_3 = arith.constant 0 : index
    %get3A_4 = vector.load %arg2[%get3A_2, %get3A_3] : memref<1000x16xf32, #tpu.memory_space<vmem>>, vector<1000x1xf32>
    %mul3A = vector.broadcast %get3A_4 : vector<1000x1xf32> to vector<1000x32xf32>
    %mul3A_5 = arith.mulf %get3A_1, %mul3A : vector<1000x32xf32>
    %get3A_6 = arith.constant 0 : index
    %get3A_7 = arith.constant 0 : index
    %get3A_8 = vector.load %arg3[%get3A_6, %get3A_7] : memref<1000x32xf32, #tpu.memory_space<vmem>>, vector<1000x32xf32>
    %add3A = arith.addf %mul3A_5, %get3A_8 : vector<1000x32xf32>
    %get3A_9 = arith.constant 0 : index
    %get3A_10 = arith.constant 0 : index
    %get3A_11 = vector.load %arg4[%get3A_9, %get3A_10] : memref<1x32xf32, #tpu.memory_space<vmem>>, vector<1x32xf32>
    %add3A_12 = vector.broadcast %get3A_11 : vector<1x32xf32> to vector<1000x32xf32>
    %add3A_13 = arith.addf %add3A, %add3A_12 : vector<1000x32xf32>
    %swap3A = arith.constant 0 : index
    %swap3A_14 = arith.constant 0 : index
    %swap3A_15 = vector.load %arg5[%swap3A, %swap3A_14] : memref<1000x32xf32, #tpu.memory_space<vmem>>, vector<1000x32xf32>
    tpu.vector_store %arg5[%swap3A, %swap3A_14], %add3A_13 {strides = array<i32>} : memref<1000x32xf32, #tpu.memory_space<vmem>>, vector<1000x32xf32>,
    return
  }
  func.func @transform_0(%arg0: i32) -> (i32, i32) {
    %c0_i32 = arith.constant 0 : i32
    %c0_i32_0 = arith.constant 0 : i32
    return %arg0, %c0_i32 : i32, i32
  }
  func.func @transform_1(%arg0: i32) -> (i32, i32) {
    %c0_i32 = arith.constant 0 : i32
    %c0_i32_0 = arith.constant 0 : i32
    return %arg0, %c0_i32 : i32, i32
  }
  func.func @transform_2(%arg0: i32) -> (i32, i32) {
    %c0_i32 = arith.constant 0 : i32
    %c0_i32_0 = arith.constant 0 : i32
    return %arg0, %c0_i32 : i32, i32
  }
  func.func @transform_3(%arg0: i32) -> (i32, i32) {
    %c0_i32 = arith.constant 0 : i32
    %c0_i32_0 = arith.constant 0 : i32
    %c0_i32_1 = arith.constant 0 : i32
    return %c0_i32, %c0_i32_0 : i32, i32
  }
  func.func @transform_4(%arg0: i32) -> (i32, i32) {
    %c0_i32 = arith.constant 0 : i32
    %c0_i32_0 = arith.constant 0 : i32
    return %arg0, %c0_i32 : i32, i32
  }
}

</mosaic_0001>

<sc_bundles>
// kernel: kernel.10.cloned.1.call-start
scs
__scs_entry_jumppad:
0x0: {  	(pc) =	sbr.rel $0x88, $3  }
0x1: {  	(tag) =	ssettag $0x0;
	lr =	simm.s32 $0x1  }
0x2: {  	[smem:$0x3F99] =	sst lr;
	_ =	strace $0xD0000000  }
0x3: {  	_ = 	snop  }
0x4: {  	_ = 	snop  }
0x5: {  	_ = 	snop  }
0x6: {  	_ = 	snop  }
0x7: {  	_ = 	snop  }
__scs_overlays_trampoline_lowered:
0x8: {  	[smem:$0x3FA8] =	sst s0  }
0x9: {  	[smem:$0x3FA9] =	sst s1  }
0xa: {  	[smem:$0x3FAA] =	sst s2  }
0xb: {  	[smem:$0x3FAB] =	sst s3  }
0xc: {  	[smem:$0x3FAC] =	sst s4  }
0xd: {  	[smem:$0x3FAD] =	sst s5  }
0xe: {  	[smem:$0x3FAE] =	sst s6  }
0xf: {  	[smem:$0x3FAF] =	sst s7  }
0x10: {  	[smem:$0x3FB0] =	sst s8  }
0x11: {  	[smem:$0x3FB1] =	sst s9;
	s0 =	simm.s32 @!p0 $0x0  }
0x12: {  	s1 =	sld [smem:$0x3F97];
	s0 =	simm.s32 @p0 $0x1  }
0x13: {  	[smem:$0x3FB2] =	sst s0;
	s0 =	simm.s32 @!p1 $0x0  }
0x14: {  	s2 =	sld [smem:$0x3F96];
	s0 =	simm.s32 @p1 $0x1  }
0x15: {  	[smem:$0x3FB3] =	sst s0;
	s0 =	simm.s32 @!p2 $0x0  }
0x16: {  	s3 =	sld [smem:$0x3FDB];
	s0 =	simm.s32 @p2 $0x1  }
0x17: {  	s4 =	simm.s32 $0x1BF5;
	[smem:$0x3FB5] =	sst s0  }
0x18: {  	s0 =	sld [smem:$0x3F98];
	_ =	swait.ge [sflag:s4], $0x0  }
0x19: {  	s7 =	sld [smem:$0x3F99]  }
0x1a: {  	s8 =	sadd.s32 $0xFFFFE003, lr  }
0x1b: {  	s9 =	sadd.s32 $0xFFFFFEF7, lr;
	s5 =	simm.s32 $0xFFFFFFFF;
	p2 =	slt.u32 s8, $0xFFFFF086  }
0x1c: {  	p1 =	slt.u32 s9, $0xF7A;
	s5 =	simm.s32 @!p2 $0x0  }
0x1d: {  	s5 =	simm.s32 @p1 $0x1;
	p0 =	seq.s32 s7, s2  }
0x1e: {  	s7 =	smul.u32 @!p0 $0xF7A, s2;
	p2 =	seq.s32 @!p0 s5, $0x0  }
0x1f: {  	s9 =	smul.u32 $0xF7A, s1;
	s8 =	simm.s32 @!p0 $0x1BF5;
	p2 =	por !p2, p0  }
0x20: {  	[sflag:s8] =	ssyncset.s32 @!p0 $0xFFFFF086;
	s6 =	sadd.s32 @!p0 s3, s7;
	s7 =	simm.s32 @!p0 $0x108  }
0x21: {  	s3 =	sadd.s32 s3, s9;
	s6 =	sadd.s32 @!p0 $0x88, s6;
	s7 =	simm.s32 @p2 $0x1082  }
0x22: {  	[simem:s7], [sflag:s8] =	dma.local @!p0 [hbm:s6], $0xF7A  }
0x23: {  	s9 =	sor.u32 $0xD0000000, s2;
	s6 =	simm.s32 $0x108;
	_ =	swait.ge @!p0 [sflag:s8], $0x0  }
0x24: {  	s3 =	sadd.s32 $0x88, s3;
	s6 =	simm.s32 @!p1 $0x1082;
	[sflag:s4] =	ssyncset.s32 $0xFFFFF086  }
0x25: {  	[simem:s6], [sflag:s4] =	dma.local [hbm:s3], $0xF7A  }
0x26: {  	[smem:$0x3F99] =	sst s1;
	(tag) =	ssettag s2;
	_ =	strace s9  }
0x27: {  	s1 =	sld [smem:$0x3FA9]  }
0x28: {  	s2 =	sld [smem:$0x3FAA]  }
0x29: {  	s4 =	sld [smem:$0x3FAC]  }
0x2a: {  	p0 =	seq.s32 s5, $0x0;
	s5 =	sld [smem:$0x3FAD]  }
0x2b: {  	s6 =	sld [smem:$0x3FAE]  }
0x2c: {  	s7 =	sld [smem:$0x3FAF]  }
0x2d: {  	s3 =	simm.s32 $0x108;
	s8 =	sld [smem:$0x3FB0]  }
0x2e: {  	s3 =	simm.s32 @!p0 $0x1082;
	s9 =	sld [smem:$0x3FB1]  }
0x2f: {  	lr =	sadd.s32 s0, s3;
	s0 =	sld [smem:$0x3FA8]  }
0x30: {  	s3 =	sld [smem:$0x3FAB]  }
0x31: {  	[smem:$0x3FB4] =	sst s10  }
0x32: {  	s10 =	sld [smem:$0x3FB2];
	_ =	sdelay $0x3  }
0x33: {  	p0 =	seq.s32 s10, $0x1;
	s10 =	sld [smem:$0x3FB4];
	_ =	sdelay $0x3  }
0x34: {  	[smem:$0x3FB4] =	sst s10  }
0x35: {  	s10 =	sld [smem:$0x3FB3];
	_ =	sdelay $0x3  }
0x36: {  	p1 =	seq.s32 s10, $0x1;
	s10 =	sld [smem:$0x3FB4];
	_ =	sdelay $0x3  }
0x37: {  	[smem:$0x3FB4] =	sst s10  }
0x38: {  	s10 =	sld [smem:$0x3FB5]  }
0x39: {  	_ = 	snop;
	(pc) =	sbr.ind lr, $3  }
0x3a: {  	_ = 	snop  }
0x3b: {  	_ = 	snop  }
0x3c: {  	p2 =	seq.s32 s10, $0x1;
	s10 =	sld [smem:$0x3FB4]  }
0x3d: {  	_ =	shalt  }
0x3e: {  	_ =	shalt  }
0x3f: {  	_ =	shalt  }
0x40: {  	_ =	shalt  }
0x41: {  	_ =	shalt  }
0x42: {  	_ =	shalt  }
0x43: {  	_ =	shalt  }
0x44: {  	_ =	shalt  }
0x45: {  	_ =	shalt  }
0x46: {  	_ =	shalt  }
0x47: {  	_ =	shalt  }
0x48: {  	_ =	shalt  }
0x49: {  	_ =	shalt  }
0x4a: {  	_ =	shalt  }
0x4b: {  	_ =	shalt  }
0x4c: {  	_ =	shalt  }
0x4d: {  	_ =	shalt  }
0x4e: {  	_ =	shalt  }
0x4f: {  	_ =	shalt  }
0x50: {  	_ =	shalt  }
0x51: {  	_ =	shalt  }
0x52: {  	_ =	shalt  }
0x53: {  	_ =	shalt  }
0x54: {  	_ =	shalt  }
0x55: {  	_ =	shalt  }
0x56: {  	_ =	shalt  }
0x57: {  	_ =	shalt  }
0x58: {  	_ =	shalt  }
0x59: {  	_ =	shalt  }
0x5a: {  	_ =	shalt  }
0x5b: {  	_ =	shalt  }
0x5c: {  	_ =	shalt  }
0x5d: {  	_ =	shalt  }
0x5e: {  	_ =	shalt  }
0x5f: {  	_ =	shalt  }
0x60: {  	_ =	shalt  }
0x61: {  	_ =	shalt  }
0x62: {  	_ =	shalt  }
0x63: {  	_ =	shalt  }
0x64: {  	_ =	shalt  }
0x65: {  	_ =	shalt  }
0x66: {  	_ =	shalt  }
0x67: {  	_ =	shalt  }
0x68: {  	_ =	shalt  }
0x69: {  	_ =	shalt  }
0x6a: {  	_ =	shalt  }
0x6b: {  	_ =	shalt  }
0x6c: {  	_ =	shalt  }
0x6d: {  	_ =	shalt  }
0x6e: {  	_ =	shalt  }
0x6f: {  	_ =	shalt  }
0x70: {  	_ =	shalt  }
0x71: {  	_ =	shalt  }
0x72: {  	_ =	shalt  }
0x73: {  	_ =	shalt  }
0x74: {  	_ =	shalt  }
0x75: {  	_ =	shalt  }
0x76: {  	_ =	shalt  }
0x77: {  	_ =	shalt  }
0x78: {  	_ =	shalt  }
0x79: {  	_ =	shalt  }
0x7a: {  	_ =	shalt  }
0x7b: {  	_ =	shalt  }
0x7c: {  	_ =	shalt  }
0x7d: {  	_ =	shalt  }
0x7e: {  	_ =	shalt  }
0x7f: {  	_ =	shalt  }
0x80: {  	_ =	shalt  }
0x81: {  	_ =	shalt  }
0x82: {  	_ =	shalt  }
0x83: {  	_ =	shalt  }
0x84: {  	_ =	shalt  }
0x85: {  	_ =	shalt  }
0x86: {  	_ =	shalt  }
0x87: {  	_ =	shalt  }
.Lfunc_end0:
.L_simem_size_0:
called_computation.1_lowered:
.L_overlay_start_0:
0x88: {  	s2 =	sld [smem:$0x3FD9]  }
0x89: {  	s3 =	sld [smem:$0x3FFE];
	_ =	sdelay $0x1  }
0x8a: {  	s1 =	srdreg.scid  }
0x8b: {  	s0 =	sand.u32 $0x1, s1  }
0x8c: {  	s17 =	sshll.u32 s0, $0xA;
	s2 =	sadd.s32 s3, s2  }
0x8d: {  	s2 =	sadd.s32 s2, s17  }
0x8e: {  	[smem:$0x3FC0] =	sst s2  }
0x8f: {  	_ = 	snop  }
0x90: {  	s2 =	sld [smem:$0x3FD0];
	(tm) =	ssettm $0x1  }
0x91: {  	s18 =	sld [smem:$0x3FFB];
	_ =	sdelay $0x3  }
0x92: {  	_ =	strace s18  }
0x93: {  	s3 =	sld [smem:$0x3FFC];
	_ =	sdelay $0x3  }
0x94: {  	_ =	strace s3  }
0x95: {  	s3 =	sld [smem:$0x3FFD];
	_ =	sdelay $0x3  }
0x96: {  	_ =	strace s3  }
0x97: {  	_ =	strace $0x8FFFFFFF  }
0x98: {  	s19 =	sld [smem:$0x3FDB];
	_ =	sdelay $0x1  }
0x99: {  	s4 =	simm.s32 $_scs_section_size  }
0x9a: {  	s5 =	simm.s32 $_size__tile_overlayer_lowered;
	s6 =	simm.s32 $_tile_overlayer_lowered  }
0x9b: {  	s22 =	simm.s32 $0x1BFF;
	s21 =	sshll.u32 s6, $0x1;
	s3 =	sadd.s32 s4, s19  }
0x9c: {  	s7 =	simm.s32 $0x0;
	s20 =	sshll.u32 s5, $0x1;
	s5 =	sadd.s32 s21, s3  }
0x9d: {  	[timem:s7], [sflag:s22] =	dma.local [hbm:s5], s20  }
0x9e: {  	_ =	swait.ge [sflag:s22], s20  }
0x9f: {  	s4 =	ssub.s32 $0x0, s20;
	[sflag:s22] =	ssyncset.done $0x0  }
0xa0: {  	[sflag:s22] =	ssyncadd.s32 s4;
	_ =	sdelay $0x1  }
0xa1: {  	s23 =	simm.s32 $0x1B8B  }
0xa2: {  	_ =	swait.ge [sflag:s23], $0x1  }
0xa3: {  	[sflag:s23] =	ssyncset.done $0x0  }
0xa4: {  	s25 =	simm.s32 $0x1B8E;
	s24 =	sld [smem:$0x3FFE];
	[sflag:s23] =	ssyncadd.s32 $0xFFFFFFFF  }
0xa5: {  	s26 =	simm.s32 $execute0_lowered;
	[smem:$0x3FD2] =	sst s25  }
0xa6: {  	s5 =	sshll.u32 s26, $0x1;
	_ =	strace $0x80000049;
	[dreg:$0x1] =	wrdreg $0xFFFFFFFF  }
0xa7: {  	s28 =	simm.s32 $_size_execute0_lowered;
	s3 =	sadd.s32 s3, s5;
	[dreg:$0x0] =	wrdreg $0x0  }
0xa8: {  	s5 =	sshll.u32 s28, $0x1;
	[dreg:$0x2] =	wrdreg s3  }
0xa9: {  	[dreg:$0x3] =	wrdreg s5  }
0xaa: {  	[dreg:$0x4] =	wrdreg $0xC0  }
0xab: {  	_ =	task [dreg:s7], $0x5FFFF  }
0xac: {  	[dreg:$0x1] =	wrdreg $0xFFFFFFFF  }
0xad: {  	[dreg:$0x0] =	wrdreg $0x60  }
0xae: {  	[dreg:$0x2] =	wrdreg s2  }
0xaf: {  	[dreg:$0x3] =	wrdreg s24  }
0xb0: {  	[dreg:$0x4] =	wrdreg $0xA0000  }
0xb1: {  	[dreg:$0x5] =	wrdreg $0x9  }
0xb2: {  	_ =	task.clear_ibuf [dreg:s7], $0x6FFFF;
	_ =	strace $0x90000049  }
0xb3: {  	s29 =	simm.s32 $0x9;
	_ =	strace $0x8000004B  }
0xb4: {  	_ =	swait.ge [sflag:s29], $0x1  }
0xb5: {  	[sflag:s29] =	ssyncadd.s32 $0xFFFFFFFF  }
0xb6: {  	_ =	strace $0x9000004B  }
0xb7: {  	_ =	sfence  }
0xb8: {  	s30 =	sld [smem:$0x0];
	_ =	sdelay $0x2  }
0xb9: {  	s31 =	sshll.u32 s1, $0xD;
	s1 =	sshrl.u32 s1, $0x2  }
0xba: {  	s3 =	sand.u32 $0x4000, s31;
	s1 =	sadd.s32 s1, s30  }
0xbb: {  	s0 =	sor.u32 s3, s0;
	s1 =	sshll.u32 s1, $0x11  }
0xbc: {  	s0 =	sor.u32 s1, s0  }
0xbd: {  	s0 =	sadd.s32 $0x8F2B, s0  }
0xbe: {  	[sflag:s0] =	ssyncadd.remote.s32 $0x1  }
0xbf: {  	_ =	sfence.sel $0xFFFF  }
0xc0: {  	[dreg:$0x0] =	wrdreg $0xFFFFFFFF;
	(pc) =	sbr.abs _section_cstart, $3  }
0xc1: {  	[dreg:$0x1] =	wrdreg $0xFFFFFFFF  }
0xc2: {  	_ =	task.clear_ibuf [dreg:s7], $0x2FFFF;
	_ =	strace $0x9FFFFFFF  }
0xc3: {  	(tm) =	ssettm $0x7FFFFFFF  }
tec
execute0_lowered:
.L_overlay_start_1:
0x0: {  	(tag) =	ssettag $0x1  }
0x1: {  	s1 =	srdreg.scid  }
0x2: {  	s1 =	sand.u32 $0x1, s1  }
0x3: {  	p0 =	seq.s32 s1, $0x0  }
.Ltmp0:
0x4: {  	s2 =	rddreg [dreg:$0x0];
	(pc) =	sbr.rel @p0 .LBB2_8-.Ltmp0, $4  }
0x5: {  	s4 =	rddreg [dreg:$0x1]  }
0x6: {  	s3 =	rddreg [dreg:$0x2];
	s5 =	simm.s32 $0x0  }
0x7: {  	[smem:$0x7FF] =	sst s5  }
0x8: {  	s0 =	rddreg [dreg:$0x3];
	_ =	strace $0x8000004A;
	s1 =	stileid.u32  }
0x9: {  	s5 =	smul.u32 $0x5000, s1  }
0xa: {  	s6 =	smul.u32 $0x14000, s1  }
0xb: {  	s7 =	sadd.s32 $0x1EE00, s4;
	s11 =	smul.u32 $0xA00, s1  }
0xc: {  	s10 =	sadd.s32 $0x14E00, s4;
	s15 =	simm.s32 $0x80;
	s16 =	simm.s32 $0x0  }
0xd: {  	s8 =	sshrl.u32 s5, $0x3;
	s6 =	sshrl.u32 s6, $0x2;
	s9 =	sadd.s32 s7, s11  }
0xe: {  	s5 =	sadd.s32 s5, s3;
	s30 =	sadd.s32 s8, s4;
	s31 =	sadd.s32 $0x500, s8  }
0xf: {  	s12 =	sadd.s32 s6, s3;
	s8 =	sadd.s32 s10, s11;
	s7 =	sadd.s32 s7, s31  }
0x10: {  	s6 =	sadd.s32 s10, s31;
	s4 =	sadd.s32 $0x1400, s30;
	s14 =	sadd.s32 $0x1000, s12  }
0x11: {  	v0 =	vimm.f32 $0.0e+00;
	s13 =	sadd.s32 $0x2000, s12;
	s11 =	sadd.s32 $0x3000, s12;
	s10 =	sadd.s32 $0x4000, s12  }
.LBB2_2:
0x12: {  	p0 =	sne.s32 s15, $0x3F80;
	[tilespmem:s16+$0x9000] =	vst v0;
	s17 =	smov.u32 s15;
	s15 =	sadd.s32 $0x80, s15  }
.Ltmp1:
0x13: {  	[tilespmem:s16+$0x9010] =	vst v0;
	(pc) =	sbr.rel @p0 .LBB2_2-.Ltmp1, $2  }
0x14: {  	_ =	sdelay $0x2  }
0x15: {  	s16 =	sshra.s32 s17, $0x2  }
0x16: {  	[tilespmem:s16+$0x9000] =	vst v0  }
0x17: {  	[tilespmem:s16+$0x9010] =	vst v0;
	s15 =	simm.s32 $0x9000;
	s20 =	simm.s32 $0x9  }
0x18: {  	[spmem:s12] =	stream.linear.scatter [tilespmem:s15], [sflag:$0x9], $0x1000, $0x38;
	[tilespmem:$0xF000] =	vst v63  }
0x19: {  	_ =	swait.ge [sflag:s20], $0x1000  }
0x1a: {  	[sflag:s20] =	ssyncset.done $0x0  }
0x1b: {  	[sflag:s20] =	ssyncadd.s32 $0xFFFFF000  }
0x1c: {  	[spmem:s14] =	stream.linear.scatter [tilespmem:s15], [sflag:$0x9], $0x1000, $0x38;
	[tilespmem:$0xF000] =	vst v63  }
0x1d: {  	_ =	swait.ge [sflag:s20], $0x1000  }
0x1e: {  	[sflag:s20] =	ssyncset.done $0x0  }
0x1f: {  	[sflag:s20] =	ssyncadd.s32 $0xFFFFF000  }
0x20: {  	[spmem:s13] =	stream.linear.scatter [tilespmem:s15], [sflag:$0x9], $0x1000, $0x38;
	[tilespmem:$0xF000] =	vst v63  }
0x21: {  	_ =	swait.ge [sflag:s20], $0x1000  }
0x22: {  	[sflag:s20] =	ssyncset.done $0x0  }
0x23: {  	[sflag:s20] =	ssyncadd.s32 $0xFFFFF000  }
0x24: {  	[spmem:s11] =	stream.linear.scatter [tilespmem:s15], [sflag:$0x9], $0x1000, $0x38;
	[tilespmem:$0xF000] =	vst v63  }
0x25: {  	_ =	swait.ge [sflag:s20], $0x1000  }
0x26: {  	[sflag:s20] =	ssyncset.done $0x0  }
0x27: {  	[sflag:s20] =	ssyncadd.s32 $0xFFFFF000  }
0x28: {  	[spmem:s10] =	stream.linear.scatter [tilespmem:s15], [sflag:$0x9], $0x1000, $0x38;
	[tilespmem:$0xF000] =	vst v63  }
0x29: {  	_ =	swait.ge [sflag:s20], $0x1000  }
0x2a: {  	[sflag:s20] =	ssyncset.done $0x0  }
0x2b: {  	s21 =	simm.s32 $0x0;
	[sflag:s20] =	ssyncadd.s32 $0xFFFFF000  }
0x2c: {  	[tilespmem:s21], [sflag:$0x9] =	stream.linear.gather [hbm4b:s9+s21], $0x2800, $0x38;
	[tilespmem:$0xF000] =	vst v63  }
0x2d: {  	_ =	swait.ge [sflag:s20], $0x2800  }
0x2e: {  	[sflag:s20] =	ssyncset.done $0x0  }
0x2f: {  	s22 =	simm.s32 $0x2800;
	[sflag:s20] =	ssyncadd.s32 $0xFFFFD800  }
0x30: {  	[tilespmem:s22], [sflag:$0x9] =	stream.linear.gather [hbm4b:s8+s21], $0x2800, $0x38;
	[tilespmem:$0xF000] =	vst v63  }
0x31: {  	_ =	swait.ge [sflag:s20], $0x2800  }
0x32: {  	[sflag:s20] =	ssyncset.done $0x0  }
0x33: {  	[sflag:s20] =	ssyncadd.s32 $0xFFFFD800  }
0x34: {  	s9 =	simm.s32 $0x5000;
	s8 =	simm.s32 $0x80;
	[bflag:$0x0] =	sbarrier.arrive $0xFFFF  }
0x35: {  	[tilespmem:s9], [sflag:$0x1] =	stream.indirect.gather [hbm4b:s2+s8], $0x20, s21, s8, $0xb8;
	[tilespmem:$0xF000] =	vst v63  }
0x36: {  	s10 =	simm.s32 $0x6000  }
0x37: {  	[tilespmem:s10], [sflag:$0x2] =	stream.indirect.gather [hbm4b:s2+s8], $0x20, s8, s8, $0xb8;
	[tilespmem:$0xF000] =	vst v63  }
0x38: {  	s23 =	simm.s32 $0x100;
	s11 =	simm.s32 $0x7000  }
0x39: {  	[tilespmem:s11], [sflag:$0x3] =	stream.indirect.gather [hbm4b:s2+s8], $0x20, s23, s8, $0xb8;
	[tilespmem:$0xF000] =	vst v63  }
0x3a: {  	s24 =	simm.s32 $0x180;
	s12 =	simm.s32 $0x8000;
	s13 =	simm.s32 $0x1  }
0x3b: {  	[tilespmem:s12], [sflag:$0x4] =	stream.indirect.gather [hbm4b:s2+s8], $0x20, s24, s8, $0xb8;
	[tilespmem:$0xF000] =	vst v63  }
0x3c: {  	_ =	swait.ge [sflag:s13], $0x1000  }
0x3d: {  	[sflag:s13] =	ssyncset.done $0x0  }
0x3e: {  	s14 =	simm.s32 $0x2;
	[sflag:s13] =	ssyncadd.s32 $0xFFFFF000  }
0x3f: {  	[spmem:s3] =	stream.indirect.scatter.add.f32 [tilespmem:s9], [sflag:$0x5], $0x20, s22, s8, $0xb8;
	[tilespmem:$0xF000] =	vst v63  }
0x40: {  	_ =	swait.ge [sflag:s14], $0x1000  }
0x41: {  	[sflag:s14] =	ssyncset.done $0x0  }
0x42: {  	s25 =	simm.s32 $0x2880;
	s15 =	simm.s32 $0x3;
	[sflag:s14] =	ssyncadd.s32 $0xFFFFF000  }
0x43: {  	[spmem:s3] =	stream.indirect.scatter.add.f32 [tilespmem:s10], [sflag:$0x6], $0x20, s25, s8, $0xb8;
	[tilespmem:$0xF000] =	vst v63  }
0x44: {  	_ =	swait.ge [sflag:s15], $0x1000  }
0x45: {  	[sflag:s15] =	ssyncset.done $0x0  }
0x46: {  	s26 =	simm.s32 $0x2900;
	s16 =	simm.s32 $0x4;
	[sflag:s15] =	ssyncadd.s32 $0xFFFFF000  }
0x47: {  	[spmem:s3] =	stream.indirect.scatter.add.f32 [tilespmem:s11], [sflag:$0x7], $0x20, s26, s8, $0xb8;
	[tilespmem:$0xF000] =	vst v63  }
0x48: {  	_ =	swait.ge [sflag:s16], $0x1000  }
0x49: {  	[sflag:s16] =	ssyncset.done $0x0  }
0x4a: {  	s17 =	simm.s32 $0x2980;
	[sflag:s16] =	ssyncadd.s32 $0xFFFFF000  }
0x4b: {  	[spmem:s3] =	stream.indirect.scatter.add.f32 [tilespmem:s12], [sflag:$0x8], $0x20, s17, s8, $0xb8;
	[tilespmem:$0xF000] =	vst v63  }
0x4c: {  	s17 =	simm.s32 $0x5  }
0x4d: {  	_ =	swait.ge [sflag:s17], $0x1000  }
0x4e: {  	[sflag:s17] =	ssyncset.done $0x0  }
0x4f: {  	s18 =	simm.s32 $0x6;
	s19 =	simm.s32 $0x200;
	[sflag:s17] =	ssyncadd.s32 $0xFFFFF000  }
0x50: {  	[tilespmem:s9], [sflag:$0x1] =	stream.indirect.gather [hbm4b:s2+s8], $0x20, s19, s8, $0xb8;
	[tilespmem:$0xF000] =	vst v63  }
0x51: {  	_ =	swait.ge [sflag:s18], $0x1000  }
0x52: {  	[sflag:s18] =	ssyncset.done $0x0  }
0x53: {  	s20 =	simm.s32 $0x280;
	s19 =	simm.s32 $0x7;
	[sflag:s18] =	ssyncadd.s32 $0xFFFFF000  }
0x54: {  	[tilespmem:s10], [sflag:$0x2] =	stream.indirect.gather [hbm4b:s2+s8], $0x20, s20, s8, $0xb8;
	[tilespmem:$0xF000] =	vst v63  }
0x55: {  	_ =	swait.ge [sflag:s19], $0x1000  }
0x56: {  	[sflag:s19] =	ssyncset.done $0x0  }
0x57: {  	s21 =	simm.s32 $0x300;
	s20 =	simm.s32 $0x8;
	[sflag:s19] =	ssyncadd.s32 $0xFFFFF000  }
0x58: {  	[tilespmem:s11], [sflag:$0x3] =	stream.indirect.gather [hbm4b:s2+s8], $0x20, s21, s8, $0xb8;
	[tilespmem:$0xF000] =	vst v63  }
0x59: {  	_ =	swait.ge [sflag:s20], $0x1000  }
0x5a: {  	[sflag:s20] =	ssyncset.done $0x0  }
0x5b: {  	s28 =	simm.s32 $0x380;
	[sflag:s20] =	ssyncadd.s32 $0xFFFFF000  }
0x5c: {  	[tilespmem:s12], [sflag:$0x4] =	stream.indirect.gather [hbm4b:s2+s8], $0x20, s28, s8, $0xb8;
	[tilespmem:$0xF000] =	vst v63  }
0x5d: {  	_ =	swait.ge [sflag:s13], $0x1000  }
0x5e: {  	[sflag:s13] =	ssyncset.done $0x0  }
0x5f: {  	s29 =	simm.s32 $0x2A00;
	[sflag:s13] =	ssyncadd.s32 $0xFFFFF000  }
0x60: {  	[spmem:s3] =	stream.indirect.scatter.add.f32 [tilespmem:s9], [sflag:$0x5], $0x20, s29, s8, $0xb8;
	[tilespmem:$0xF000] =	vst v63  }
0x61: {  	_ =	swait.ge [sflag:s14], $0x1000  }
0x62: {  	[sflag:s14] =	ssyncset.done $0x0  }
0x63: {  	s30 =	simm.s32 $0x2A80;
	[sflag:s14] =	ssyncadd.s32 $0xFFFFF000  }
0x64: {  	[spmem:s3] =	stream.indirect.scatter.add.f32 [tilespmem:s10], [sflag:$0x6], $0x20, s30, s8, $0xb8;
	[tilespmem:$0xF000] =	vst v63  }
0x65: {  	_ =	swait.ge [sflag:s15], $0x1000  }
0x66: {  	[sflag:s15] =	ssyncset.done $0x0  }
0x67: {  	s31 =	simm.s32 $0x2B00;
	[sflag:s15] =	ssyncadd.s32 $0xFFFFF000  }
0x68: {  	[spmem:s3] =	stream.indirect.scatter.add.f32 [tilespmem:s11], [sflag:$0x7], $0x20, s31, s8, $0xb8;
	[tilespmem:$0xF000] =	vst v63  }
0x69: {  	_ =	swait.ge [sflag:s16], $0x1000  }
0x6a: {  	[sflag:s16] =	ssyncset.done $0x0  }
0x6b: {  	s22 =	simm.s32 $0x2B80;
	s21 =	simm.s32 $0x800;
	[sflag:s16] =	ssyncadd.s32 $0xFFFFF000  }
.LBB2_4:
0x6c: {  	[spmem:s3] =	stream.indirect.scatter.add.f32 [tilespmem:s12], [sflag:$0x8], $0x20, s22, s8, $0xb8;
	[tilespmem:$0xF000] =	vst v63  }
0x6d: {  	s22 =	smov.u32 s21  }
0x6e: {  	p0 =	sne.s32 s21, $0x9000;
	s21 =	sadd.s32 $0x800, s21;
	_ =	swait.ge [sflag:s17], $0x1000  }
0x6f: {  	s22 =	sshra.s32 s22, $0x2;
	[sflag:s17] =	ssyncset.done $0x0  }
0x70: {  	s23 =	sadd.s32 $0x200, s22;
	[sflag:s17] =	ssyncadd.s32 $0xFFFFF000  }
0x71: {  	[tilespmem:s9], [sflag:$0x1] =	stream.indirect.gather [hbm4b:s2+s8], $0x20, s23, s8, $0xb8;
	[tilespmem:$0xF000] =	vst v63  }
0x72: {  	_ =	swait.ge [sflag:s18], $0x1000  }
0x73: {  	[sflag:s18] =	ssyncset.done $0x0  }
0x74: {  	s23 =	sadd.s32 $0x280, s22;
	[sflag:s18] =	ssyncadd.s32 $0xFFFFF000  }
0x75: {  	[tilespmem:s10], [sflag:$0x2] =	stream.indirect.gather [hbm4b:s2+s8], $0x20, s23, s8, $0xb8;
	[tilespmem:$0xF000] =	vst v63  }
0x76: {  	_ =	swait.ge [sflag:s19], $0x1000  }
0x77: {  	[sflag:s19] =	ssyncset.done $0x0  }
0x78: {  	s23 =	sadd.s32 $0x300, s22;
	[sflag:s19] =	ssyncadd.s32 $0xFFFFF000  }
0x79: {  	[tilespmem:s11], [sflag:$0x3] =	stream.indirect.gather [hbm4b:s2+s8], $0x20, s23, s8, $0xb8;
	[tilespmem:$0xF000] =	vst v63  }
0x7a: {  	_ =	swait.ge [sflag:s20], $0x1000  }
0x7b: {  	[sflag:s20] =	ssyncset.done $0x0  }
0x7c: {  	s23 =	sadd.s32 $0x380, s22;
	[sflag:s20] =	ssyncadd.s32 $0xFFFFF000  }
0x7d: {  	[tilespmem:s12], [sflag:$0x4] =	stream.indirect.gather [hbm4b:s2+s8], $0x20, s23, s8, $0xb8;
	[tilespmem:$0xF000] =	vst v63  }
0x7e: {  	_ =	swait.ge [sflag:s13], $0x1000  }
0x7f: {  	[sflag:s13] =	ssyncset.done $0x0  }
0x80: {  	s23 =	sadd.s32 $0x2A00, s22;
	[sflag:s13] =	ssyncadd.s32 $0xFFFFF000  }
0x81: {  	[spmem:s3] =	stream.indirect.scatter.add.f32 [tilespmem:s9], [sflag:$0x5], $0x20, s23, s8, $0xb8;
	[tilespmem:$0xF000] =	vst v63  }
0x82: {  	_ =	swait.ge [sflag:s14], $0x1000  }
0x83: {  	[sflag:s14] =	ssyncset.done $0x0  }
0x84: {  	s23 =	sadd.s32 $0x2A80, s22;
	[sflag:s14] =	ssyncadd.s32 $0xFFFFF000  }
0x85: {  	[spmem:s3] =	stream.indirect.scatter.add.f32 [tilespmem:s10], [sflag:$0x6], $0x20, s23, s8, $0xb8;
	[tilespmem:$0xF000] =	vst v63  }
0x86: {  	_ =	swait.ge [sflag:s15], $0x1000  }
0x87: {  	[sflag:s15] =	ssyncset.done $0x0  }
.Ltmp2:
0x88: {  	s23 =	sadd.s32 $0x2B00, s22;
	[sflag:s15] =	ssyncadd.s32 $0xFFFFF000;
	(pc) =	sbr.rel @p0 .LBB2_4-.Ltmp2, $4  }
0x89: {  	[spmem:s3] =	stream.indirect.scatter.add.f32 [tilespmem:s11], [sflag:$0x7], $0x20, s23, s8, $0xb8;
	[tilespmem:$0xF000] =	vst v63  }
0x8a: {  	_ =	swait.ge [sflag:s16], $0x1000  }
0x8b: {  	[sflag:s16] =	ssyncset.done $0x0  }
0x8c: {  	s22 =	sadd.s32 $0x2B80, s22;
	[sflag:s16] =	ssyncadd.s32 $0xFFFFF000  }
0x8d: {  	[spmem:s3] =	stream.indirect.scatter.add.f32 [tilespmem:s12], [sflag:$0x8], $0x20, s22, s8, $0xb8;
	[tilespmem:$0xF000] =	vst v63  }
0x8e: {  	s8 =	simm.s32 $0x5  }
0x8f: {  	_ =	swait.ge [sflag:s8], $0x1000  }
0x90: {  	[sflag:s8] =	ssyncset.done $0x0  }
0x91: {  	s9 =	simm.s32 $0x6;
	[sflag:s8] =	ssyncadd.s32 $0xFFFFF000  }
0x92: {  	_ =	swait.ge [sflag:s9], $0x1000  }
0x93: {  	[sflag:s9] =	ssyncset.done $0x0  }
0x94: {  	s10 =	simm.s32 $0x7;
	[sflag:s9] =	ssyncadd.s32 $0xFFFFF000  }
0x95: {  	_ =	swait.ge [sflag:s10], $0x1000  }
0x96: {  	[sflag:s10] =	ssyncset.done $0x0  }
0x97: {  	s11 =	simm.s32 $0x8;
	[sflag:s10] =	ssyncadd.s32 $0xFFFFF000  }
0x98: {  	_ =	swait.ge [sflag:s11], $0x1000  }
0x99: {  	[sflag:s11] =	ssyncset.done $0x0  }
0x9a: {  	s22 =	simm.s32 $0x0;
	s23 =	simm.s32 $0x9;
	[sflag:s11] =	ssyncadd.s32 $0xFFFFF000  }
0x9b: {  	[tilespmem:s22], [sflag:$0x9] =	stream.linear.gather [hbm4b:s7+s22], $0x2800, $0x38;
	[tilespmem:$0xF000] =	vst v63  }
0x9c: {  	_ =	swait.ge [sflag:s23], $0x2800  }
0x9d: {  	[sflag:s23] =	ssyncset.done $0x0  }
0x9e: {  	s16 =	simm.s32 $0x2800;
	[sflag:s23] =	ssyncadd.s32 $0xFFFFD800  }
0x9f: {  	[tilespmem:s16], [sflag:$0x9] =	stream.linear.gather [hbm4b:s6+s22], $0x2800, $0x38;
	[tilespmem:$0xF000] =	vst v63  }
0xa0: {  	_ =	swait.ge [sflag:s23], $0x2800  }
0xa1: {  	[sflag:s23] =	ssyncset.done $0x0  }
0xa2: {  	s7 =	simm.s32 $0x5000;
	s6 =	simm.s32 $0x80;
	[sflag:s23] =	ssyncadd.s32 $0xFFFFD800  }
0xa3: {  	[tilespmem:s7], [sflag:$0x1] =	stream.indirect.gather [hbm4b:s2+s6], $0x20, s22, s6, $0xb8;
	[tilespmem:$0xF000] =	vst v63  }
0xa4: {  	s12 =	simm.s32 $0x6000  }
0xa5: {  	[tilespmem:s12], [sflag:$0x2] =	stream.indirect.gather [hbm4b:s2+s6], $0x20, s6, s6, $0xb8;
	[tilespmem:$0xF000] =	vst v63  }
0xa6: {  	s14 =	simm.s32 $0x100;
	s13 =	simm.s32 $0x7000  }
0xa7: {  	[tilespmem:s13], [sflag:$0x3] =	stream.indirect.gather [hbm4b:s2+s6], $0x20, s14, s6, $0xb8;
	[tilespmem:$0xF000] =	vst v63  }
0xa8: {  	s15 =	simm.s32 $0x180;
	s14 =	simm.s32 $0x8000  }
0xa9: {  	[tilespmem:s14], [sflag:$0x4] =	stream.indirect.gather [hbm4b:s2+s6], $0x20, s15, s6, $0xb8;
	[tilespmem:$0xF000] =	vst v63  }
0xaa: {  	s15 =	simm.s32 $0x1  }
0xab: {  	_ =	swait.ge [sflag:s15], $0x1000  }
0xac: {  	[sflag:s15] =	ssyncset.done $0x0  }
0xad: {  	[sflag:s15] =	ssyncadd.s32 $0xFFFFF000  }
0xae: {  	[spmem:s3] =	stream.indirect.scatter.add.f32 [tilespmem:s7], [sflag:$0x5], $0x20, s16, s6, $0xb8;
	[tilespmem:$0xF000] =	vst v63  }
0xaf: {  	s16 =	simm.s32 $0x2  }
0xb0: {  	_ =	swait.ge [sflag:s16], $0x1000  }
0xb1: {  	[sflag:s16] =	ssyncset.done $0x0  }
0xb2: {  	s17 =	simm.s32 $0x2880;
	[sflag:s16] =	ssyncadd.s32 $0xFFFFF000  }
0xb3: {  	[spmem:s3] =	stream.indirect.scatter.add.f32 [tilespmem:s12], [sflag:$0x6], $0x20, s17, s6, $0xb8;
	[tilespmem:$0xF000] =	vst v63  }
0xb4: {  	s17 =	simm.s32 $0x3  }
0xb5: {  	_ =	swait.ge [sflag:s17], $0x1000  }
0xb6: {  	[sflag:s17] =	ssyncset.done $0x0  }
0xb7: {  	s18 =	simm.s32 $0x2900;
	[sflag:s17] =	ssyncadd.s32 $0xFFFFF000  }
0xb8: {  	[spmem:s3] =	stream.indirect.scatter.add.f32 [tilespmem:s13], [sflag:$0x7], $0x20, s18, s6, $0xb8;
	[tilespmem:$0xF000] =	vst v63  }
0xb9: {  	s18 =	simm.s32 $0x4  }
0xba: {  	_ =	swait.ge [sflag:s18], $0x1000  }
0xbb: {  	[sflag:s18] =	ssyncset.done $0x0  }
0xbc: {  	s19 =	simm.s32 $0x2980;
	[sflag:s18] =	ssyncadd.s32 $0xFFFFF000  }
0xbd: {  	[spmem:s3] =	stream.indirect.scatter.add.f32 [tilespmem:s14], [sflag:$0x8], $0x20, s19, s6, $0xb8;
	[tilespmem:$0xF000] =	vst v63  }
0xbe: {  	_ =	swait.ge [sflag:s8], $0x1000  }
0xbf: {  	[sflag:s8] =	ssyncset.done $0x0  }
0xc0: {  	s24 =	simm.s32 $0x200;
	[sflag:s8] =	ssyncadd.s32 $0xFFFFF000  }
0xc1: {  	[tilespmem:s7], [sflag:$0x1] =	stream.indirect.gather [hbm4b:s2+s6], $0x20, s24, s6, $0xb8;
	[tilespmem:$0xF000] =	vst v63  }
0xc2: {  	_ =	swait.ge [sflag:s9], $0x1000  }
0xc3: {  	[sflag:s9] =	ssyncset.done $0x0  }
0xc4: {  	s25 =	simm.s32 $0x280;
	[sflag:s9] =	ssyncadd.s32 $0xFFFFF000  }
0xc5: {  	[tilespmem:s12], [sflag:$0x2] =	stream.indirect.gather [hbm4b:s2+s6], $0x20, s25, s6, $0xb8;
	[tilespmem:$0xF000] =	vst v63  }
0xc6: {  	_ =	swait.ge [sflag:s10], $0x1000  }
0xc7: {  	[sflag:s10] =	ssyncset.done $0x0  }
0xc8: {  	s26 =	simm.s32 $0x300;
	[sflag:s10] =	ssyncadd.s32 $0xFFFFF000  }
0xc9: {  	[tilespmem:s13], [sflag:$0x3] =	stream.indirect.gather [hbm4b:s2+s6], $0x20, s26, s6, $0xb8;
	[tilespmem:$0xF000] =	vst v63  }
0xca: {  	_ =	swait.ge [sflag:s11], $0x1000  }
0xcb: {  	[sflag:s11] =	ssyncset.done $0x0  }
0xcc: {  	s28 =	simm.s32 $0x380;
	[sflag:s11] =	ssyncadd.s32 $0xFFFFF000  }
0xcd: {  	[tilespmem:s14], [sflag:$0x4] =	stream.indirect.gather [hbm4b:s2+s6], $0x20, s28, s6, $0xb8;
	[tilespmem:$0xF000] =	vst v63  }
0xce: {  	_ =	swait.ge [sflag:s15], $0x1000  }
0xcf: {  	[sflag:s15] =	ssyncset.done $0x0  }
0xd0: {  	s29 =	simm.s32 $0x2A00;
	[sflag:s15] =	ssyncadd.s32 $0xFFFFF000  }
0xd1: {  	[spmem:s3] =	stream.indirect.scatter.add.f32 [tilespmem:s7], [sflag:$0x5], $0x20, s29, s6, $0xb8;
	[tilespmem:$0xF000] =	vst v63  }
0xd2: {  	_ =	swait.ge [sflag:s16], $0x1000  }
0xd3: {  	[sflag:s16] =	ssyncset.done $0x0  }
0xd4: {  	s30 =	simm.s32 $0x2A80;
	[sflag:s16] =	ssyncadd.s32 $0xFFFFF000  }
0xd5: {  	[spmem:s3] =	stream.indirect.scatter.add.f32 [tilespmem:s12], [sflag:$0x6], $0x20, s30, s6, $0xb8;
	[tilespmem:$0xF000] =	vst v63  }
0xd6: {  	_ =	swait.ge [sflag:s17], $0x1000  }
0xd7: {  	[sflag:s17] =	ssyncset.done $0x0  }
0xd8: {  	s31 =	simm.s32 $0x2B00;
	[sflag:s17] =	ssyncadd.s32 $0xFFFFF000  }
0xd9: {  	[spmem:s3] =	stream.indirect.scatter.add.f32 [tilespmem:s13], [sflag:$0x7], $0x20, s31, s6, $0xb8;
	[tilespmem:$0xF000] =	vst v63  }
0xda: {  	_ =	swait.ge [sflag:s18], $0x1000  }
0xdb: {  	[sflag:s18] =	ssyncset.done $0x0  }
0xdc: {  	s20 =	simm.s32 $0x2B80;
	s19 =	simm.s32 $0x800;
	[sflag:s18] =	ssyncadd.s32 $0xFFFFF000  }
.LBB2_6:
0xdd: {  	[spmem:s3] =	stream.indirect.scatter.add.f32 [tilespmem:s14], [sflag:$0x8], $0x20, s20, s6, $0xb8;
	[tilespmem:$0xF000] =	vst v63  }
0xde: {  	s20 =	smov.u32 s19  }
0xdf: {  	p0 =	sne.s32 s19, $0x9000;
	s19 =	sadd.s32 $0x800, s19;
	_ =	swait.ge [sflag:s8], $0x1000  }
0xe0: {  	s20 =	sshra.s32 s20, $0x2;
	[sflag:s8] =	ssyncset.done $0x0  }
0xe1: {  	s21 =	sadd.s32 $0x200, s20;
	[sflag:s8] =	ssyncadd.s32 $0xFFFFF000  }
0xe2: {  	[tilespmem:s7], [sflag:$0x1] =	stream.indirect.gather [hbm4b:s2+s6], $0x20, s21, s6, $0xb8;
	[tilespmem:$0xF000] =	vst v63  }
0xe3: {  	_ =	swait.ge [sflag:s9], $0x1000  }
0xe4: {  	[sflag:s9] =	ssyncset.done $0x0  }
0xe5: {  	s21 =	sadd.s32 $0x280, s20;
	[sflag:s9] =	ssyncadd.s32 $0xFFFFF000  }
0xe6: {  	[tilespmem:s12], [sflag:$0x2] =	stream.indirect.gather [hbm4b:s2+s6], $0x20, s21, s6, $0xb8;
	[tilespmem:$0xF000] =	vst v63  }
0xe7: {  	_ =	swait.ge [sflag:s10], $0x1000  }
0xe8: {  	[sflag:s10] =	ssyncset.done $0x0  }
0xe9: {  	s21 =	sadd.s32 $0x300, s20;
	[sflag:s10] =	ssyncadd.s32 $0xFFFFF000  }
0xea: {  	[tilespmem:s13], [sflag:$0x3] =	stream.indirect.gather [hbm4b:s2+s6], $0x20, s21, s6, $0xb8;
	[tilespmem:$0xF000] =	vst v63  }
0xeb: {  	_ =	swait.ge [sflag:s11], $0x1000  }
0xec: {  	[sflag:s11] =	ssyncset.done $0x0  }
0xed: {  	s21 =	sadd.s32 $0x380, s20;
	[sflag:s11] =	ssyncadd.s32 $0xFFFFF000  }
0xee: {  	[tilespmem:s14], [sflag:$0x4] =	stream.indirect.gather [hbm4b:s2+s6], $0x20, s21, s6, $0xb8;
	[tilespmem:$0xF000] =	vst v63  }
0xef: {  	_ =	swait.ge [sflag:s15], $0x1000  }
0xf0: {  	[sflag:s15] =	ssyncset.done $0x0  }
0xf1: {  	s21 =	sadd.s32 $0x2A00, s20;
	[sflag:s15] =	ssyncadd.s32 $0xFFFFF000  }
0xf2: {  	[spmem:s3] =	stream.indirect.scatter.add.f32 [tilespmem:s7], [sflag:$0x5], $0x20, s21, s6, $0xb8;
	[tilespmem:$0xF000] =	vst v63  }
0xf3: {  	_ =	swait.ge [sflag:s16], $0x1000  }
0xf4: {  	[sflag:s16] =	ssyncset.done $0x0  }
0xf5: {  	s21 =	sadd.s32 $0x2A80, s20;
	[sflag:s16] =	ssyncadd.s32 $0xFFFFF000  }
0xf6: {  	[spmem:s3] =	stream.indirect.scatter.add.f32 [tilespmem:s12], [sflag:$0x6], $0x20, s21, s6, $0xb8;
	[tilespmem:$0xF000] =	vst v63  }
0xf7: {  	_ =	swait.ge [sflag:s17], $0x1000  }
0xf8: {  	[sflag:s17] =	ssyncset.done $0x0  }
.Ltmp3:
0xf9: {  	s21 =	sadd.s32 $0x2B00, s20;
	[sflag:s17] =	ssyncadd.s32 $0xFFFFF000;
	(pc) =	sbr.rel @p0 .LBB2_6-.Ltmp3, $4  }
0xfa: {  	[spmem:s3] =	stream.indirect.scatter.add.f32 [tilespmem:s13], [sflag:$0x7], $0x20, s21, s6, $0xb8;
	[tilespmem:$0xF000] =	vst v63  }
0xfb: {  	_ =	swait.ge [sflag:s18], $0x1000  }
0xfc: {  	[sflag:s18] =	ssyncset.done $0x0  }
0xfd: {  	s20 =	sadd.s32 $0x2B80, s20;
	[sflag:s18] =	ssyncadd.s32 $0xFFFFF000  }
0xfe: {  	[spmem:s3] =	stream.indirect.scatter.add.f32 [tilespmem:s14], [sflag:$0x8], $0x20, s20, s6, $0xb8;
	[tilespmem:$0xF000] =	vst v63  }
0xff: {  	s2 =	simm.s32 $0x5  }
0x100: {  	_ =	swait.ge [sflag:s2], $0x1000  }
0x101: {  	[sflag:s2] =	ssyncset.done $0x0  }
0x102: {  	s25 =	simm.s32 $0x6;
	[sflag:s2] =	ssyncadd.s32 $0xFFFFF000  }
0x103: {  	_ =	swait.ge [sflag:s25], $0x1000  }
0x104: {  	[sflag:s25] =	ssyncset.done $0x0  }
0x105: {  	s26 =	simm.s32 $0x7;
	[sflag:s25] =	ssyncadd.s32 $0xFFFFF000  }
0x106: {  	_ =	swait.ge [sflag:s26], $0x1000  }
0x107: {  	[sflag:s26] =	ssyncset.done $0x0  }
0x108: {  	s28 =	simm.s32 $0x8;
	[sflag:s26] =	ssyncadd.s32 $0xFFFFF000  }
0x109: {  	_ =	swait.ge [sflag:s28], $0x1000  }
0x10a: {  	[sflag:s28] =	ssyncset.done $0x0  }
0x10b: {  	s29 =	sshll.u32 s1, $0x6;
	s30 =	sshrl.u32 s5, $0x3;
	[sflag:s28] =	ssyncadd.s32 $0xFFFFF000  }
0x10c: {  	s31 =	simm.s32 $0x9;
	s2 =	sor.u32 $0x1C09, s29;
	[bflag:$0x0] =	sbarrier.arrive $0xFFFF  }
0x10d: {  	[hbm:s4], [sflag:s2] =	dma.local [spmem:s30], $0xA00  }
0x10e: {  	_ =	swait.ge [sflag:s31], $0xA00  }
0x10f: {  	[sflag:s31] =	ssyncset.done $0x0  }
0x110: {  	[sflag:s31] =	ssyncadd.s32 $0xFFFFF600  }
.LBB2_8:
0x111: {  	_ =	sfence.sel $0x180000  }
0x112: {  	[bflag:$0x0] =	sbarrier.arrive $0xFFFF  }
0x113: {  	p0 =	sne.s32 s1, $0x0;
	_ =	strace $0x9000004A  }
0x114: {  	s0 =	sadd.s32 @!p0 $0x100000, s0;
	[bflag:$0x2] =	sbarrier.arrive $0xFFFF  }
0x115: {  	[sflag:s0] =	ssyncadd.tile.s32 @!p0 $0x1;
	_ =	shalt  }
.Lfunc_end2:
_tile_overlayer_lowered:
.L_overlay_start_2:
0x116: {  	(tag) =	ssettag $0x2  }
0x117: {  	s0 =	rddreg [dreg:$0x0];
	s2 =	stileid.u32  }
0x118: {  	s1 =	rddreg [dreg:$0x1];
	p0 =	sne.s32 s2, $0x0  }
0x119: {  	s3 =	rddreg [dreg:$0x2];
	[bflag:$0x3] =	sbarrier.arrive $0xFFFF;
	s2 =	simm.s32 @!p0 $0x1C09  }
0x11a: {  	[timem:s3], [sflag:s2] =	dma.local @!p0 [hbm:s0], s1  }
0x11b: {  	s0 =	simm.s32 @!p0 $0x9  }
0x11c: {  	_ =	swait.ge @!p0 [sflag:s0], s1  }
0x11d: {  	s1 =	ssub.s32 @!p0 $0x0, s1;
	[sflag:s0] =	ssyncset.done @!p0 $0x0  }
0x11e: {  	[sflag:s0] =	ssyncadd.s32 @!p0 s1  }
0x11f: {  	[bflag:$0x3] =	sbarrier.arrive $0xFFFF  }
0x120: {  	_ =	shalt  }

// kernel: kernel.7.cloned.1.call-start
scs
__scs_entry_jumppad:
0x0: {  	(pc) =	sbr.rel $0x88, $3  }
0x1: {  	(tag) =	ssettag $0x0;
	lr =	simm.s32 $0x1  }
0x2: {  	[smem:$0x3F99] =	sst lr;
	_ =	strace $0xD0000000  }
0x3: {  	_ = 	snop  }
0x4: {  	_ = 	snop  }
0x5: {  	_ = 	snop  }
0x6: {  	_ = 	snop  }
0x7: {  	_ = 	snop  }
__scs_overlays_trampoline_lowered:
0x8: {  	[smem:$0x3FA8] =	sst s0  }
0x9: {  	[smem:$0x3FA9] =	sst s1  }
0xa: {  	[smem:$0x3FAA] =	sst s2  }
0xb: {  	[smem:$0x3FAB] =	sst s3  }
0xc: {  	[smem:$0x3FAC] =	sst s4  }
0xd: {  	[smem:$0x3FAD] =	sst s5  }
0xe: {  	[smem:$0x3FAE] =	sst s6  }
0xf: {  	[smem:$0x3FAF] =	sst s7  }
0x10: {  	[smem:$0x3FB0] =	sst s8  }
0x11: {  	[smem:$0x3FB1] =	sst s9;
	s0 =	simm.s32 @!p0 $0x0  }
0x12: {  	s1 =	sld [smem:$0x3F97];
	s0 =	simm.s32 @p0 $0x1  }
0x13: {  	[smem:$0x3FB2] =	sst s0;
	s0 =	simm.s32 @!p1 $0x0  }
0x14: {  	s2 =	sld [smem:$0x3F96];
	s0 =	simm.s32 @p1 $0x1  }
0x15: {  	[smem:$0x3FB3] =	sst s0;
	s0 =	simm.s32 @!p2 $0x0  }
0x16: {  	s3 =	sld [smem:$0x3FDB];
	s0 =	simm.s32 @p2 $0x1  }
0x17: {  	s4 =	simm.s32 $0x1BF5;
	[smem:$0x3FB5] =	sst s0  }
0x18: {  	s0 =	sld [smem:$0x3F98];
	_ =	swait.ge [sflag:s4], $0x0  }
0x19: {  	s7 =	sld [smem:$0x3F99]  }
0x1a: {  	s8 =	sadd.s32 $0xFFFFE003, lr  }
0x1b: {  	s9 =	sadd.s32 $0xFFFFFEF7, lr;
	s5 =	simm.s32 $0xFFFFFFFF;
	p2 =	slt.u32 s8, $0xFFFFF086  }
0x1c: {  	p1 =	slt.u32 s9, $0xF7A;
	s5 =	simm.s32 @!p2 $0x0  }
0x1d: {  	s5 =	simm.s32 @p1 $0x1;
	p0 =	seq.s32 s7, s2  }
0x1e: {  	s7 =	smul.u32 @!p0 $0xF7A, s2;
	p2 =	seq.s32 @!p0 s5, $0x0  }
0x1f: {  	s9 =	smul.u32 $0xF7A, s1;
	s8 =	simm.s32 @!p0 $0x1BF5;
	p2 =	por !p2, p0  }
0x20: {  	[sflag:s8] =	ssyncset.s32 @!p0 $0xFFFFF086;
	s6 =	sadd.s32 @!p0 s3, s7;
	s7 =	simm.s32 @!p0 $0x108  }
0x21: {  	s3 =	sadd.s32 s3, s9;
	s6 =	sadd.s32 @!p0 $0x88, s6;
	s7 =	simm.s32 @p2 $0x1082  }
0x22: {  	[simem:s7], [sflag:s8] =	dma.local @!p0 [hbm:s6], $0xF7A  }
0x23: {  	s9 =	sor.u32 $0xD0000000, s2;
	s6 =	simm.s32 $0x108;
	_ =	swait.ge @!p0 [sflag:s8], $0x0  }
0x24: {  	s3 =	sadd.s32 $0x88, s3;
	s6 =	simm.s32 @!p1 $0x1082;
	[sflag:s4] =	ssyncset.s32 $0xFFFFF086  }
0x25: {  	[simem:s6], [sflag:s4] =	dma.local [hbm:s3], $0xF7A  }
0x26: {  	[smem:$0x3F99] =	sst s1;
	(tag) =	ssettag s2;
	_ =	strace s9  }
0x27: {  	s1 =	sld [smem:$0x3FA9]  }
0x28: {  	s2 =	sld [smem:$0x3FAA]  }
0x29: {  	s4 =	sld [smem:$0x3FAC]  }
0x2a: {  	p0 =	seq.s32 s5, $0x0;
	s5 =	sld [smem:$0x3FAD]  }
0x2b: {  	s6 =	sld [smem:$0x3FAE]  }
0x2c: {  	s7 =	sld [smem:$0x3FAF]  }
0x2d: {  	s3 =	simm.s32 $0x108;
	s8 =	sld [smem:$0x3FB0]  }
0x2e: {  	s3 =	simm.s32 @!p0 $0x1082;
	s9 =	sld [smem:$0x3FB1]  }
0x2f: {  	lr =	sadd.s32 s0, s3;
	s0 =	sld [smem:$0x3FA8]  }
0x30: {  	s3 =	sld [smem:$0x3FAB]  }
0x31: {  	[smem:$0x3FB4] =	sst s10  }
0x32: {  	s10 =	sld [smem:$0x3FB2];
	_ =	sdelay $0x3  }
0x33: {  	p0 =	seq.s32 s10, $0x1;
	s10 =	sld [smem:$0x3FB4];
	_ =	sdelay $0x3  }
0x34: {  	[smem:$0x3FB4] =	sst s10  }
0x35: {  	s10 =	sld [smem:$0x3FB3];
	_ =	sdelay $0x3  }
0x36: {  	p1 =	seq.s32 s10, $0x1;
	s10 =	sld [smem:$0x3FB4];
	_ =	sdelay $0x3  }
0x37: {  	[smem:$0x3FB4] =	sst s10  }
0x38: {  	s10 =	sld [smem:$0x3FB5]  }
0x39: {  	_ = 	snop;
	(pc) =	sbr.ind lr, $3  }
0x3a: {  	_ = 	snop  }
0x3b: {  	_ = 	snop  }
0x3c: {  	p2 =	seq.s32 s10, $0x1;
	s10 =	sld [smem:$0x3FB4]  }
0x3d: {  	_ =	shalt  }
0x3e: {  	_ =	shalt  }
0x3f: {  	_ =	shalt  }
0x40: {  	_ =	shalt  }
0x41: {  	_ =	shalt  }
0x42: {  	_ =	shalt  }
0x43: {  	_ =	shalt  }
0x44: {  	_ =	shalt  }
0x45: {  	_ =	shalt  }
0x46: {  	_ =	shalt  }
0x47: {  	_ =	shalt  }
0x48: {  	_ =	shalt  }
0x49: {  	_ =	shalt  }
0x4a: {  	_ =	shalt  }
0x4b: {  	_ =	shalt  }
0x4c: {  	_ =	shalt  }
0x4d: {  	_ =	shalt  }
0x4e: {  	_ =	shalt  }
0x4f: {  	_ =	shalt  }
0x50: {  	_ =	shalt  }
0x51: {  	_ =	shalt  }
0x52: {  	_ =	shalt  }
0x53: {  	_ =	shalt  }
0x54: {  	_ =	shalt  }
0x55: {  	_ =	shalt  }
0x56: {  	_ =	shalt  }
0x57: {  	_ =	shalt  }
0x58: {  	_ =	shalt  }
0x59: {  	_ =	shalt  }
0x5a: {  	_ =	shalt  }
0x5b: {  	_ =	shalt  }
0x5c: {  	_ =	shalt  }
0x5d: {  	_ =	shalt  }
0x5e: {  	_ =	shalt  }
0x5f: {  	_ =	shalt  }
0x60: {  	_ =	shalt  }
0x61: {  	_ =	shalt  }
0x62: {  	_ =	shalt  }
0x63: {  	_ =	shalt  }
0x64: {  	_ =	shalt  }
0x65: {  	_ =	shalt  }
0x66: {  	_ =	shalt  }
0x67: {  	_ =	shalt  }
0x68: {  	_ =	shalt  }
0x69: {  	_ =	shalt  }
0x6a: {  	_ =	shalt  }
0x6b: {  	_ =	shalt  }
0x6c: {  	_ =	shalt  }
0x6d: {  	_ =	shalt  }
0x6e: {  	_ =	shalt  }
0x6f: {  	_ =	shalt  }
0x70: {  	_ =	shalt  }
0x71: {  	_ =	shalt  }
0x72: {  	_ =	shalt  }
0x73: {  	_ =	shalt  }
0x74: {  	_ =	shalt  }
0x75: {  	_ =	shalt  }
0x76: {  	_ =	shalt  }
0x77: {  	_ =	shalt  }
0x78: {  	_ =	shalt  }
0x79: {  	_ =	shalt  }
0x7a: {  	_ =	shalt  }
0x7b: {  	_ =	shalt  }
0x7c: {  	_ =	shalt  }
0x7d: {  	_ =	shalt  }
0x7e: {  	_ =	shalt  }
0x7f: {  	_ =	shalt  }
0x80: {  	_ =	shalt  }
0x81: {  	_ =	shalt  }
0x82: {  	_ =	shalt  }
0x83: {  	_ =	shalt  }
0x84: {  	_ =	shalt  }
0x85: {  	_ =	shalt  }
0x86: {  	_ =	shalt  }
0x87: {  	_ =	shalt  }
.Lfunc_end0:
.L_simem_size_0:
called_computation_lowered:
.L_overlay_start_0:
0x88: {  	s2 =	sld [smem:$0x3FD9]  }
0x89: {  	s3 =	sld [smem:$0x3FFE];
	_ =	sdelay $0x1  }
0x8a: {  	s1 =	srdreg.scid  }
0x8b: {  	s0 =	sand.u32 $0x1, s1  }
0x8c: {  	s17 =	sshll.u32 s0, $0xA;
	s2 =	sadd.s32 s3, s2  }
0x8d: {  	s2 =	sadd.s32 s2, s17  }
0x8e: {  	[smem:$0x3FC0] =	sst s2  }
0x8f: {  	_ = 	snop  }
0x90: {  	s2 =	sld [smem:$0x3FD0];
	(tm) =	ssettm $0x1  }
0x91: {  	s18 =	sld [smem:$0x3FFB];
	_ =	sdelay $0x3  }
0x92: {  	_ =	strace s18  }
0x93: {  	s3 =	sld [smem:$0x3FFC];
	_ =	sdelay $0x3  }
0x94: {  	_ =	strace s3  }
0x95: {  	s3 =	sld [smem:$0x3FFD];
	_ =	sdelay $0x3  }
0x96: {  	_ =	strace s3  }
0x97: {  	_ =	strace $0x8FFFFFFF  }
0x98: {  	s19 =	sld [smem:$0x3FDB];
	_ =	sdelay $0x1  }
0x99: {  	s4 =	simm.s32 $_scs_section_size  }
0x9a: {  	s5 =	simm.s32 $_size__tile_overlayer_lowered;
	s6 =	simm.s32 $_tile_overlayer_lowered  }
0x9b: {  	s22 =	simm.s32 $0x1BFF;
	s21 =	sshll.u32 s6, $0x1;
	s3 =	sadd.s32 s4, s19  }
0x9c: {  	s7 =	simm.s32 $0x0;
	s20 =	sshll.u32 s5, $0x1;
	s5 =	sadd.s32 s21, s3  }
0x9d: {  	[timem:s7], [sflag:s22] =	dma.local [hbm:s5], s20  }
0x9e: {  	_ =	swait.ge [sflag:s22], s20  }
0x9f: {  	s4 =	ssub.s32 $0x0, s20;
	[sflag:s22] =	ssyncset.done $0x0  }
0xa0: {  	[sflag:s22] =	ssyncadd.s32 s4;
	_ =	sdelay $0x1  }
0xa1: {  	s23 =	simm.s32 $0x1B8B  }
0xa2: {  	_ =	swait.ge [sflag:s23], $0x1  }
0xa3: {  	[sflag:s23] =	ssyncset.done $0x0  }
0xa4: {  	s25 =	simm.s32 $0x1B8E;
	s24 =	sld [smem:$0x3FFE];
	[sflag:s23] =	ssyncadd.s32 $0xFFFFFFFF  }
0xa5: {  	s26 =	simm.s32 $execute0_lowered;
	[smem:$0x3FD2] =	sst s25  }
0xa6: {  	s5 =	sshll.u32 s26, $0x1;
	_ =	strace $0x80000046;
	[dreg:$0x1] =	wrdreg $0xFFFFFFFF  }
0xa7: {  	s28 =	simm.s32 $_size_execute0_lowered;
	s3 =	sadd.s32 s3, s5;
	[dreg:$0x0] =	wrdreg $0x0  }
0xa8: {  	s5 =	sshll.u32 s28, $0x1;
	[dreg:$0x2] =	wrdreg s3  }
0xa9: {  	[dreg:$0x3] =	wrdreg s5  }
0xaa: {  	[dreg:$0x4] =	wrdreg $0xC0  }
0xab: {  	_ =	task [dreg:s7], $0x5FFFF  }
0xac: {  	[dreg:$0x1] =	wrdreg $0xFFFFFFFF  }
0xad: {  	[dreg:$0x0] =	wrdreg $0x60  }
0xae: {  	[dreg:$0x2] =	wrdreg s24  }
0xaf: {  	[dreg:$0x3] =	wrdreg s2  }
0xb0: {  	[dreg:$0x4] =	wrdreg $0xF0000  }
0xb1: {  	[dreg:$0x5] =	wrdreg $0x1A0000  }
0xb2: {  	[dreg:$0x6] =	wrdreg $0x9  }
0xb3: {  	_ =	task.clear_ibuf [dreg:s7], $0x7FFFF;
	_ =	strace $0x90000046  }
0xb4: {  	s29 =	simm.s32 $0x9;
	_ =	strace $0x80000048  }
0xb5: {  	_ =	swait.ge [sflag:s29], $0x1  }
0xb6: {  	[sflag:s29] =	ssyncadd.s32 $0xFFFFFFFF  }
0xb7: {  	_ =	strace $0x90000048  }
0xb8: {  	_ =	sfence  }
0xb9: {  	s30 =	sld [smem:$0x0];
	_ =	sdelay $0x2  }
0xba: {  	s31 =	sshll.u32 s1, $0xD;
	s1 =	sshrl.u32 s1, $0x2  }
0xbb: {  	s3 =	sand.u32 $0x4000, s31;
	s1 =	sadd.s32 s1, s30  }
0xbc: {  	s0 =	sor.u32 s3, s0;
	s1 =	sshll.u32 s1, $0x11  }
0xbd: {  	s0 =	sor.u32 s1, s0  }
0xbe: {  	s0 =	sadd.s32 $0x8F2B, s0  }
0xbf: {  	[sflag:s0] =	ssyncadd.remote.s32 $0x1  }
0xc0: {  	_ =	sfence.sel $0xFFFF  }
0xc1: {  	[dreg:$0x0] =	wrdreg $0xFFFFFFFF;
	(pc) =	sbr.abs _section_cstart, $3  }
0xc2: {  	[dreg:$0x1] =	wrdreg $0xFFFFFFFF  }
0xc3: {  	_ =	task.clear_ibuf [dreg:s7], $0x2FFFF;
	_ =	strace $0x9FFFFFFF  }
0xc4: {  	(tm) =	ssettm $0x7FFFFFFF  }
0xc5: {  	_ =	shalt  }
tec
execute0_lowered:
.L_overlay_start_1:
0x0: {  	(tag) =	ssettag $0x1  }
0x1: {  	s1 =	srdreg.scid  }
0x2: {  	s1 =	sand.u32 $0x1, s1  }
0x3: {  	s3 =	rddreg [dreg:$0x0];
	p0 =	seq.s32 s1, $0x0  }
.Ltmp0:
0x4: {  	s2 =	rddreg [dreg:$0x1];
	(pc) =	sbr.rel @p0 .LBB2_8-.Ltmp0, $4  }
0x5: {  	s6 =	rddreg [dreg:$0x2]  }
0x6: {  	s7 =	rddreg [dreg:$0x3];
	s4 =	simm.s32 $0x0  }
0x7: {  	[smem:$0x7FF] =	sst s4  }
0x8: {  	s0 =	rddreg [dreg:$0x4];
	_ =	strace $0x80000047;
	s1 =	stileid.u32  }
0x9: {  	s13 =	smul.u32 $0xA000, s1  }
0xa: {  	s4 =	smul.u32 $0xA00, s1  }
0xb: {  	s5 =	smul.u32 $0x5000, s1  }
0xc: {  	s15 =	smul.u32 $0x2800, s1  }
0xd: {  	s8 =	sadd.s32 $0x1400, s3;
	s9 =	sadd.s32 $0x1EE00, s3;
	s29 =	smul.u32 $0x28000, s1  }
0xe: {  	s14 =	sadd.s32 $0x14E00, s3;
	s31 =	smul.u32 $0x280, s1;
	s23 =	simm.s32 $0xD020  }
0xf: {  	s10 =	sshrl.u32 s13, $0x3;
	s12 =	sadd.s32 s9, s4;
	s5 =	sshrl.u32 s5, $0x3  }
0x10: {  	s11 =	sadd.s32 s14, s4;
	s30 =	sshrl.u32 s15, $0x3;
	s16 =	sshrl.u32 s29, $0x2  }
0x11: {  	s4 =	sadd.s32 s15, s7;
	s24 =	sadd.s32 $0x80, s31;
	s25 =	sadd.s32 $0x100, s31  }
0x12: {  	s18 =	sadd.s32 $0x180, s31;
	s26 =	sadd.s32 s10, s3;
	s28 =	sadd.s32 $0x500, s5  }
0x13: {  	s5 =	sadd.s32 s13, s6;
	s2 =	sadd.s32 s2, s30;
	s22 =	sadd.s32 s16, s6  }
0x14: {  	s13 =	sshrl.u32 s13, $0x2;
	s17 =	sshll.u32 s25, $0x6;
	s29 =	sshll.u32 s18, $0x6  }
0x15: {  	s30 =	sshll.u32 s18, $0x4;
	s10 =	sadd.s32 s9, s28;
	s9 =	sadd.s32 s14, s28  }
0x16: {  	s3 =	sadd.s32 $0x28E00, s26;
	s20 =	sadd.s32 s13, s7;
	s26 =	sshll.u32 s24, $0x6  }
0x17: {  	v0 =	vimm.f32 $0.0e+00;
	s13 =	sshll.u32 s24, $0x4;
	s15 =	sadd.s32 s17, s6;
	s28 =	sshll.u32 s25, $0x4  }
0x18: {  	[tilespmem:s23+$0xFFFFFFE0] =	vst v0;
	s24 =	sadd.s32 $0x200, s31;
	s17 =	sadd.s32 s29, s6;
	s18 =	sadd.s32 s30, s7  }
0x19: {  	[tilespmem:s23+$0x10] =	vst v0;
	s25 =	simm.s32 $0x0;
	s21 =	sadd.s32 s26, s6;
	s19 =	sadd.s32 s13, s7  }
0x1a: {  	[tilespmem:s23+$0x0] =	vst v0;
	s16 =	sadd.s32 s28, s7;
	s14 =	sshll.u32 s24, $0x6;
	s31 =	sshll.u32 s24, $0x4  }
0x1b: {  	v1 =	vimm.f32 $1.000000000e+00;
	[tilespmem:s23+$0xFFFFFFF0] =	vst v0;
	s24 =	simm.s32 $0x40;
	s14 =	sadd.s32 s14, s6;
	s13 =	sadd.s32 s31, s7  }
.LBB2_2:
0x1c: {  	p0 =	sne.s32 s24, $0x1FC0  }
0x1d: {  	[tilespmem:s25+$0x19800] =	vst v0;
	s23 =	sadd.s32 $0x40, s23;
	s26 =	smov.u32 s24;
	s24 =	sadd.s32 $0x40, s24  }
.Ltmp1:
0x1e: {  	[tilespmem:s25+$0x19000] =	vst v1;
	(pc) =	sbr.rel @p0 .LBB2_2-.Ltmp1, $4  }
0x1f: {  	[tilespmem:s23+$0xFFFFFFE0] =	vst v0  }
0x20: {  	[tilespmem:s23+$0x10] =	vst v0  }
0x21: {  	[tilespmem:s23+$0x0] =	vst v0  }
0x22: {  	s25 =	sshra.s32 s26, $0x2;
	[tilespmem:s23+$0xFFFFFFF0] =	vst v0  }
0x23: {  	[tilespmem:s25+$0x19800] =	vst v0  }
0x24: {  	[tilespmem:s25+$0x19000] =	vst v1;
	s23 =	simm.s32 $0xD000;
	s31 =	simm.s32 $0xA  }
0x25: {  	[spmem:s22] =	stream.linear.scatter [tilespmem:s23], [sflag:$0xA], $0x2000, $0x38;
	[tilespmem:$0x1C800] =	vst v63  }
0x26: {  	_ =	swait.ge [sflag:s31], $0x2000  }
0x27: {  	[sflag:s31] =	ssyncset.done $0x0  }
0x28: {  	s24 =	simm.s32 $0x19800;
	[sflag:s31] =	ssyncadd.s32 $0xFFFFE000  }
0x29: {  	[spmem:s20] =	stream.linear.scatter [tilespmem:s24], [sflag:$0xA], $0x800, $0x38;
	[tilespmem:$0x1C800] =	vst v63  }
0x2a: {  	_ =	swait.ge [sflag:s31], $0x800  }
0x2b: {  	[sflag:s31] =	ssyncset.done $0x0  }
0x2c: {  	[sflag:s31] =	ssyncadd.s32 $0xFFFFF800  }
0x2d: {  	[spmem:s21] =	stream.linear.scatter [tilespmem:s23], [sflag:$0xA], $0x2000, $0x38;
	[tilespmem:$0x1C800] =	vst v63  }
0x2e: {  	_ =	swait.ge [sflag:s31], $0x2000  }
0x2f: {  	[sflag:s31] =	ssyncset.done $0x0  }
0x30: {  	[sflag:s31] =	ssyncadd.s32 $0xFFFFE000  }
0x31: {  	[spmem:s19] =	stream.linear.scatter [tilespmem:s24], [sflag:$0xA], $0x800, $0x38;
	[tilespmem:$0x1C800] =	vst v63  }
0x32: {  	_ =	swait.ge [sflag:s31], $0x800  }
0x33: {  	[sflag:s31] =	ssyncset.done $0x0  }
0x34: {  	[sflag:s31] =	ssyncadd.s32 $0xFFFFF800  }
0x35: {  	[spmem:s15] =	stream.linear.scatter [tilespmem:s23], [sflag:$0xA], $0x2000, $0x38;
	[tilespmem:$0x1C800] =	vst v63  }
0x36: {  	_ =	swait.ge [sflag:s31], $0x2000  }
0x37: {  	[sflag:s31] =	ssyncset.done $0x0  }
0x38: {  	[sflag:s31] =	ssyncadd.s32 $0xFFFFE000  }
0x39: {  	[spmem:s16] =	stream.linear.scatter [tilespmem:s24], [sflag:$0xA], $0x800, $0x38;
	[tilespmem:$0x1C800] =	vst v63  }
0x3a: {  	_ =	swait.ge [sflag:s31], $0x800  }
0x3b: {  	[sflag:s31] =	ssyncset.done $0x0  }
0x3c: {  	[sflag:s31] =	ssyncadd.s32 $0xFFFFF800  }
0x3d: {  	[spmem:s17] =	stream.linear.scatter [tilespmem:s23], [sflag:$0xA], $0x2000, $0x38;
	[tilespmem:$0x1C800] =	vst v63  }
0x3e: {  	_ =	swait.ge [sflag:s31], $0x2000  }
0x3f: {  	[sflag:s31] =	ssyncset.done $0x0  }
0x40: {  	[sflag:s31] =	ssyncadd.s32 $0xFFFFE000  }
0x41: {  	[spmem:s18] =	stream.linear.scatter [tilespmem:s24], [sflag:$0xA], $0x800, $0x38;
	[tilespmem:$0x1C800] =	vst v63  }
0x42: {  	_ =	swait.ge [sflag:s31], $0x800  }
0x43: {  	[sflag:s31] =	ssyncset.done $0x0  }
0x44: {  	[sflag:s31] =	ssyncadd.s32 $0xFFFFF800  }
0x45: {  	[spmem:s14] =	stream.linear.scatter [tilespmem:s23], [sflag:$0xA], $0x2000, $0x38;
	[tilespmem:$0x1C800] =	vst v63  }
0x46: {  	_ =	swait.ge [sflag:s31], $0x2000  }
0x47: {  	[sflag:s31] =	ssyncset.done $0x0  }
0x48: {  	[sflag:s31] =	ssyncadd.s32 $0xFFFFE000  }
0x49: {  	[spmem:s13] =	stream.linear.scatter [tilespmem:s24], [sflag:$0xA], $0x800, $0x38;
	[tilespmem:$0x1C800] =	vst v63  }
0x4a: {  	_ =	swait.ge [sflag:s31], $0x800  }
0x4b: {  	[sflag:s31] =	ssyncset.done $0x0  }
0x4c: {  	s21 =	simm.s32 $0x0;
	[sflag:s31] =	ssyncadd.s32 $0xFFFFF800  }
0x4d: {  	[tilespmem:s21], [sflag:$0xA] =	stream.linear.gather [hbm4b:s12+s21], $0x2800, $0x38;
	[tilespmem:$0x1C800] =	vst v63  }
0x4e: {  	_ =	swait.ge [sflag:s31], $0x2800  }
0x4f: {  	[sflag:s31] =	ssyncset.done $0x0  }
0x50: {  	s23 =	simm.s32 $0x2800;
	[sflag:s31] =	ssyncadd.s32 $0xFFFFD800  }
0x51: {  	[tilespmem:s23], [sflag:$0xA] =	stream.linear.gather [hbm4b:s11+s21], $0x2800, $0x38;
	[tilespmem:$0x1C800] =	vst v63  }
0x52: {  	_ =	swait.ge [sflag:s31], $0x2800  }
0x53: {  	[sflag:s31] =	ssyncset.done $0x0  }
0x54: {  	[sflag:s31] =	ssyncadd.s32 $0xFFFFD800  }
0x55: {  	s24 =	simm.s32 $0xB000;
	[bflag:$0x0] =	sbarrier.arrive $0xFFFF  }
0x56: {  	s25 =	simm.s32 $0x5000;
	[dreg:$0x5] =	wrdreg s24  }
0x57: {  	s26 =	simm.s32 $0x9000;
	p1 =	por $0x0, $0x0;
	[dreg:$0x6] =	wrdreg s25  }
0x58: {  	s11 =	simm.s32 @p1 $0x5;
	[dreg:$0x7] =	wrdreg s26  }
0x59: {  	_ =	swait.ge @p1 [sflag:s11], $0x2000  }
0x5a: {  	s16 =	simm.s32 @p1 $0x80;
	s14 =	simm.s32 @p1 $0x0;
	[sflag:s11] =	ssyncset.done @p1 $0x0  }
0x5b: {  	s13 =	simm.s32 @p1 $0x6;
	s12 =	simm.s32 @p1 $0x5000;
	[sflag:s11] =	ssyncadd.s32 @p1 $0xFFFFE000  }
0x5c: {  	[tilespmem:s12], [sflag:$0x1] =	stream.indirect.gather @p1 [hbm4b:s8+s16], $0x40, s14, s16, $0xb8;
	[tilespmem:$0x1C800] =	vst v63  }
0x5d: {  	_ =	swait.ge @p1 [sflag:s13], $0x2000  }
0x5e: {  	s11 =	simm.s32 @p1 $0x7;
	[sflag:s13] =	ssyncset.done @p1 $0x0  }
0x5f: {  	s12 =	simm.s32 @p1 $0x80;
	s14 =	simm.s32 @p1 $0x7000;
	[sflag:s13] =	ssyncadd.s32 @p1 $0xFFFFE000  }
0x60: {  	[tilespmem:s14], [sflag:$0x2] =	stream.indirect.gather @p1 [hbm4b:s8+s16], $0x40, s12, s16, $0xb8;
	[tilespmem:$0x1C800] =	vst v63  }
0x61: {  	_ =	swait.ge @p1 [sflag:s11], $0x2000  }
0x62: {  	s15 =	simm.s32 $0x100;
	[sflag:s11] =	ssyncset.done @p1 $0x0  }
0x63: {  	s13 =	simm.s32 @p1 $0x8;
	s12 =	simm.s32 @p1 $0x9000;
	[sflag:s11] =	ssyncadd.s32 @p1 $0xFFFFE000  }
0x64: {  	[tilespmem:s12], [sflag:$0x3] =	stream.indirect.gather @p1 [hbm4b:s8+s16], $0x40, s15, s16, $0xb8;
	[tilespmem:$0x1C800] =	vst v63  }
0x65: {  	_ =	swait.ge @p1 [sflag:s13], $0x2000  }
0x66: {  	s14 =	simm.s32 @!p1 $0x80;
	s11 =	simm.s32 @!p1 $0x5000;
	[sflag:s13] =	ssyncset.done @p1 $0x0  }
0x67: {  	s12 =	simm.s32 @p1 $0x0;
	s16 =	simm.s32 @!p1 $0x0;
	[sflag:s13] =	ssyncadd.s32 @p1 $0xFFFFE000  }
0x68: {  	[tilespmem:s11], [sflag:$0x1] =	stream.indirect.gather @!p1 [hbm4b:s8+s14], $0x40, s16, s14, $0xb8;
	[tilespmem:$0x1C800] =	vst v63  }
0x69: {  	s12 =	simm.s32 @!p1 $0x0;
	s11 =	simm.s32 @!p1 $0x7000  }
0x6a: {  	[tilespmem:s11], [sflag:$0x2] =	stream.indirect.gather @!p1 [hbm4b:s8+s14], $0x40, s14, s14, $0xb8;
	[tilespmem:$0x1C800] =	vst v63  }
0x6b: {  	s28 =	rddreg [dreg:$0x5];
	s13 =	simm.s32 @!p1 $0x9000;
	s11 =	simm.s32 @!p1 $0x100  }
0x6c: {  	[tilespmem:s13], [sflag:$0x3] =	stream.indirect.gather @!p1 [hbm4b:s8+s14], $0x40, s11, s14, $0xb8;
	[tilespmem:$0x1C800] =	vst v63  }
0x6d: {  	s16 =	sor.u32 $0x180, s12;
	s11 =	simm.s32 $0x80;
	s13 =	simm.s32 $0x1  }
0x6e: {  	[tilespmem:s28], [sflag:$0x4] =	stream.indirect.gather [hbm4b:s8+s11], $0x40, s16, s11, $0xb8;
	[tilespmem:$0x1C800] =	vst v63  }
0x6f: {  	_ =	swait.ge [sflag:s13], $0x2000  }
0x70: {  	p0 =	por $0x1, $0x1;
	[sflag:s13] =	ssyncset.done $0x0  }
0x71: {  	s30 =	sadd.s32 $0x2800, s12;
	s29 =	rddreg [dreg:$0x6];
	[sflag:s13] =	ssyncadd.s32 $0xFFFFE000  }
0x72: {  	[spmem:s6] =	stream.indirect.scatter.add.f32 [tilespmem:s29], [sflag:$0x5], $0x40, s30, s11, $0xb8;
	[tilespmem:$0x1C800] =	vst v63  }
0x73: {  	s12 =	simm.s32 $0x19000;
	s14 =	simm.s32 @p0 $0x2  }
0x74: {  	[spmem:s7] =	stream.indirect.scatter.add.f32 [tilespmem:s12], [sflag:$0x9], $0x10, s30, s11, $0xb8;
	[tilespmem:$0x1C800] =	vst v63  }
0x75: {  	s17 =	simm.s32 @p1 $0x80;
	_ =	swait.ge @p0 [sflag:s14], $0x2000  }
0x76: {  	s19 =	simm.s32 @p0 $0x80;
	s17 =	simm.s32 @!p1 $0x80;
	[sflag:s14] =	ssyncset.done @p0 $0x0  }
0x77: {  	s18 =	simm.s32 @p0 $0x7000;
	[sflag:s14] =	ssyncadd.s32 @p0 $0xFFFFE000;
	s14 =	sadd.s32 @p0 $0x2800, s17  }
0x78: {  	[spmem:s6] =	stream.indirect.scatter.add.f32 @p0 [tilespmem:s18], [sflag:$0x6], $0x40, s14, s19, $0xb8;
	[tilespmem:$0x1C800] =	vst v63  }
0x79: {  	s20 =	simm.s32 @p0 $0x19000;
	s18 =	simm.s32 @!p0 $0x9  }
0x7a: {  	[spmem:s7] =	stream.indirect.scatter.add.f32 @p0 [tilespmem:s20], [sflag:$0x9], $0x10, s14, s19, $0xb8;
	[tilespmem:$0x1C800] =	vst v63  }
0x7b: {  	_ =	swait.ge @!p0 [sflag:s18], $0x800  }
0x7c: {  	[sflag:s18] =	ssyncset.done @!p0 $0x0  }
0x7d: {  	s14 =	simm.s32 @!p0 $0x2;
	[sflag:s18] =	ssyncadd.s32 @!p0 $0xFFFFF800  }
0x7e: {  	_ =	swait.ge @!p0 [sflag:s14], $0x2000  }
0x7f: {  	s21 =	simm.s32 @!p0 $0x7000;
	[sflag:s14] =	ssyncset.done @!p0 $0x0  }
0x80: {  	[sflag:s14] =	ssyncadd.s32 @!p0 $0xFFFFE000;
	s14 =	sadd.s32 @!p0 $0x2800, s17;
	s17 =	simm.s32 @!p0 $0x80  }
0x81: {  	[spmem:s6] =	stream.indirect.scatter.add.f32 @!p0 [tilespmem:s21], [sflag:$0x6], $0x40, s14, s17, $0xb8;
	[tilespmem:$0x1C800] =	vst v63  }
0x82: {  	s21 =	simm.s32 @!p0 $0x19000  }
0x83: {  	[spmem:s7] =	stream.indirect.scatter.add.f32 @!p0 [tilespmem:s21], [sflag:$0x9], $0x10, s14, s17, $0xb8;
	[tilespmem:$0x1C800] =	vst v63  }
0x84: {  	_ =	swait.ge @!p0 [sflag:s18], $0x800  }
0x85: {  	[sflag:s18] =	ssyncset.done @!p0 $0x0  }
0x86: {  	s14 =	simm.s32 $0x3;
	[sflag:s18] =	ssyncadd.s32 @!p0 $0xFFFFF800  }
0x87: {  	_ =	swait.ge [sflag:s14], $0x2000  }
0x88: {  	s15 =	simm.s32 @!p1 $0x100;
	[sflag:s14] =	ssyncset.done $0x0  }
0x89: {  	s15 =	sadd.s32 $0x2800, s15;
	s31 =	rddreg [dreg:$0x7];
	[sflag:s14] =	ssyncadd.s32 $0xFFFFE000  }
0x8a: {  	[spmem:s6] =	stream.indirect.scatter.add.f32 [tilespmem:s31], [sflag:$0x7], $0x40, s15, s11, $0xb8;
	[tilespmem:$0x1C800] =	vst v63  }
0x8b: {  	s22 =	simm.s32 @p0 $0x4  }
0x8c: {  	[spmem:s7] =	stream.indirect.scatter.add.f32 [tilespmem:s12], [sflag:$0x9], $0x10, s15, s11, $0xb8;
	[tilespmem:$0x1C800] =	vst v63  }
0x8d: {  	_ =	swait.ge @p0 [sflag:s22], $0x2000  }
0x8e: {  	[sflag:s22] =	ssyncset.done @p0 $0x0  }
0x8f: {  	s15 =	sadd.s32 @p0 $0x2800, s16;
	[sflag:s22] =	ssyncadd.s32 @p0 $0xFFFFE000;
	s22 =	simm.s32 @p0 $0xB000  }
0x90: {  	[spmem:s6] =	stream.indirect.scatter.add.f32 @p0 [tilespmem:s22], [sflag:$0x8], $0x40, s15, s19, $0xb8;
	[tilespmem:$0x1C800] =	vst v63  }
0x91: {  	_ = 	snop  }
0x92: {  	[spmem:s7] =	stream.indirect.scatter.add.f32 @p0 [tilespmem:s20], [sflag:$0x9], $0x10, s15, s19, $0xb8;
	[tilespmem:$0x1C800] =	vst v63  }
0x93: {  	_ =	swait.ge @!p0 [sflag:s18], $0x800  }
0x94: {  	[sflag:s18] =	ssyncset.done @!p0 $0x0  }
0x95: {  	s15 =	simm.s32 @!p0 $0x4;
	[sflag:s18] =	ssyncadd.s32 @!p0 $0xFFFFF800  }
0x96: {  	_ =	swait.ge @!p0 [sflag:s15], $0x2000  }
0x97: {  	[sflag:s15] =	ssyncset.done @!p0 $0x0  }
0x98: {  	s16 =	sadd.s32 @!p0 $0x2800, s16;
	[sflag:s15] =	ssyncadd.s32 @!p0 $0xFFFFE000;
	s15 =	simm.s32 @!p0 $0xB000  }
0x99: {  	[spmem:s6] =	stream.indirect.scatter.add.f32 @!p0 [tilespmem:s15], [sflag:$0x8], $0x40, s16, s17, $0xb8;
	[tilespmem:$0x1C800] =	vst v63  }
0x9a: {  	_ = 	snop  }
0x9b: {  	[spmem:s7] =	stream.indirect.scatter.add.f32 @!p0 [tilespmem:s21], [sflag:$0x9], $0x10, s16, s17, $0xb8;
	[tilespmem:$0x1C800] =	vst v63  }
0x9c: {  	s15 =	simm.s32 $0x300;
	s17 =	simm.s32 $0x500;
	s16 =	simm.s32 $0x300  }
.LBB2_4:
0x9d: {  	_ =	swait.ge @!p0 [sflag:s18], $0x800  }
0x9e: {  	p2 =	sne.s32 s15, $0x100;
	[sflag:s18] =	ssyncset.done @!p0 $0x0  }
0x9f: {  	s21 =	simm.s32 @p2 $0x5;
	[sflag:s18] =	ssyncadd.s32 @!p0 $0xFFFFF800  }
0xa0: {  	_ =	swait.ge @p2 [sflag:s21], $0x2000  }
0xa1: {  	s23 =	simm.s32 @p2 $0x6;
	s24 =	sadd.s32 @p2 $0xFFFFFF00, s16;
	[sflag:s21] =	ssyncset.done @p2 $0x0  }
0xa2: {  	s25 =	simm.s32 @p2 $0x80;
	s18 =	simm.s32 @p2 $0x5000;
	[sflag:s21] =	ssyncadd.s32 @p2 $0xFFFFE000  }
0xa3: {  	[tilespmem:s18], [sflag:$0x1] =	stream.indirect.gather @p2 [hbm4b:s8+s25], $0x40, s24, s25, $0xb8;
	[tilespmem:$0x1C800] =	vst v63  }
0xa4: {  	_ =	swait.ge @p2 [sflag:s23], $0x2000  }
0xa5: {  	s21 =	sadd.s32 @p2 $0xFFFFFF80, s16;
	[sflag:s23] =	ssyncset.done @p2 $0x0  }
0xa6: {  	s18 =	simm.s32 @p2 $0x7;
	s24 =	simm.s32 @p2 $0x7000;
	[sflag:s23] =	ssyncadd.s32 @p2 $0xFFFFE000  }
0xa7: {  	[tilespmem:s24], [sflag:$0x2] =	stream.indirect.gather @p2 [hbm4b:s8+s25], $0x40, s21, s25, $0xb8;
	[tilespmem:$0x1C800] =	vst v63  }
0xa8: {  	_ =	swait.ge @p2 [sflag:s18], $0x2000  }
0xa9: {  	[sflag:s18] =	ssyncset.done @p2 $0x0  }
0xaa: {  	s23 =	simm.s32 @p2 $0x8;
	s21 =	simm.s32 @p2 $0x9000;
	[sflag:s18] =	ssyncadd.s32 @p2 $0xFFFFE000  }
0xab: {  	[tilespmem:s21], [sflag:$0x3] =	stream.indirect.gather @p2 [hbm4b:s8+s25], $0x40, s16, s25, $0xb8;
	[tilespmem:$0x1C800] =	vst v63  }
0xac: {  	_ =	swait.ge @p2 [sflag:s23], $0x2000  }
0xad: {  	s24 =	simm.s32 @!p2 $0x0;
	[sflag:s23] =	ssyncset.done @p2 $0x0  }
0xae: {  	s18 =	simm.s32 @!p2 $0x5000;
	s21 =	simm.s32 @!p2 $0x80;
	[sflag:s23] =	ssyncadd.s32 @p2 $0xFFFFE000  }
0xaf: {  	[tilespmem:s18], [sflag:$0x1] =	stream.indirect.gather @!p2 [hbm4b:s8+s21], $0x40, s24, s21, $0xb8;
	[tilespmem:$0x1C800] =	vst v63  }
0xb0: {  	s22 =	sadd.s32 @p2 $0xFFFFFF00, s15;
	s18 =	simm.s32 @!p2 $0x7000  }
0xb1: {  	[tilespmem:s18], [sflag:$0x2] =	stream.indirect.gather @!p2 [hbm4b:s8+s21], $0x40, s21, s21, $0xb8;
	[tilespmem:$0x1C800] =	vst v63  }
0xb2: {  	s22 =	simm.s32 @!p2 $0x0;
	s23 =	simm.s32 @!p2 $0x9000;
	s18 =	simm.s32 @!p2 $0x100  }
0xb3: {  	[tilespmem:s23], [sflag:$0x3] =	stream.indirect.gather @!p2 [hbm4b:s8+s21], $0x40, s18, s21, $0xb8;
	[tilespmem:$0x1C800] =	vst v63  }
0xb4: {  	s28 =	rddreg [dreg:$0x5];
	s21 =	sor.u32 $0x180, s22  }
0xb5: {  	[tilespmem:s28], [sflag:$0x4] =	stream.indirect.gather [hbm4b:s8+s11], $0x40, s21, s11, $0xb8;
	[tilespmem:$0x1C800] =	vst v63  }
0xb6: {  	_ =	swait.ge [sflag:s13], $0x2000  }
0xb7: {  	p0 =	seq.s32 s15, $0x100;
	[sflag:s13] =	ssyncset.done $0x0  }
0xb8: {  	s22 =	sadd.s32 $0x2800, s22;
	s29 =	rddreg [dreg:$0x6];
	[sflag:s13] =	ssyncadd.s32 $0xFFFFE000  }
0xb9: {  	[spmem:s6] =	stream.indirect.scatter.add.f32 [tilespmem:s29], [sflag:$0x5], $0x40, s22, s11, $0xb8;
	[tilespmem:$0x1C800] =	vst v63  }
0xba: {  	s20 =	sadd.s32 @p2 $0xFFFFFF80, s15;
	s18 =	simm.s32 @p0 $0x2  }
0xbb: {  	[spmem:s7] =	stream.indirect.scatter.add.f32 [tilespmem:s12], [sflag:$0x9], $0x10, s22, s11, $0xb8;
	[tilespmem:$0x1C800] =	vst v63  }
0xbc: {  	s20 =	simm.s32 @!p2 $0x80;
	_ =	swait.ge @p0 [sflag:s18], $0x2000  }
0xbd: {  	s24 =	sadd.s32 @p0 $0x2800, s20;
	[sflag:s18] =	ssyncset.done @p0 $0x0  }
0xbe: {  	s23 =	simm.s32 @p0 $0x7000;
	s22 =	simm.s32 @p0 $0x80;
	[sflag:s18] =	ssyncadd.s32 @p0 $0xFFFFE000  }
0xbf: {  	[spmem:s6] =	stream.indirect.scatter.add.f32 @p0 [tilespmem:s23], [sflag:$0x6], $0x40, s24, s22, $0xb8;
	[tilespmem:$0x1C800] =	vst v63  }
0xc0: {  	s18 =	simm.s32 @!p0 $0x9;
	s23 =	simm.s32 @p0 $0x19000  }
0xc1: {  	[spmem:s7] =	stream.indirect.scatter.add.f32 @p0 [tilespmem:s23], [sflag:$0x9], $0x10, s24, s22, $0xb8;
	[tilespmem:$0x1C800] =	vst v63  }
0xc2: {  	_ =	swait.ge @!p0 [sflag:s18], $0x800  }
0xc3: {  	[sflag:s18] =	ssyncset.done @!p0 $0x0  }
0xc4: {  	s24 =	simm.s32 @!p0 $0x2;
	[sflag:s18] =	ssyncadd.s32 @!p0 $0xFFFFF800  }
0xc5: {  	_ =	swait.ge @!p0 [sflag:s24], $0x2000  }
0xc6: {  	s25 =	simm.s32 @!p0 $0x7000;
	[sflag:s24] =	ssyncset.done @!p0 $0x0  }
0xc7: {  	[sflag:s24] =	ssyncadd.s32 @!p0 $0xFFFFE000;
	s24 =	sadd.s32 @!p0 $0x2800, s20;
	s20 =	simm.s32 @!p0 $0x80  }
0xc8: {  	[spmem:s6] =	stream.indirect.scatter.add.f32 @!p0 [tilespmem:s25], [sflag:$0x6], $0x40, s24, s20, $0xb8;
	[tilespmem:$0x1C800] =	vst v63  }
0xc9: {  	s25 =	simm.s32 @!p0 $0x19000  }
0xca: {  	[spmem:s7] =	stream.indirect.scatter.add.f32 @!p0 [tilespmem:s25], [sflag:$0x9], $0x10, s24, s20, $0xb8;
	[tilespmem:$0x1C800] =	vst v63  }
0xcb: {  	_ =	swait.ge @!p0 [sflag:s18], $0x800  }
0xcc: {  	[sflag:s18] =	ssyncset.done @!p0 $0x0  }
0xcd: {  	[sflag:s18] =	ssyncadd.s32 @!p0 $0xFFFFF800  }
0xce: {  	s24 =	smov.u32 s15;
	_ =	swait.ge [sflag:s14], $0x2000  }
0xcf: {  	s24 =	simm.s32 @!p2 $0x100;
	[sflag:s14] =	ssyncset.done $0x0  }
0xd0: {  	s30 =	sadd.s32 $0x2800, s24;
	s31 =	rddreg [dreg:$0x7];
	[sflag:s14] =	ssyncadd.s32 $0xFFFFE000  }
0xd1: {  	[spmem:s6] =	stream.indirect.scatter.add.f32 [tilespmem:s31], [sflag:$0x7], $0x40, s30, s11, $0xb8;
	[tilespmem:$0x1C800] =	vst v63  }
0xd2: {  	s24 =	simm.s32 @p0 $0x4  }
0xd3: {  	[spmem:s7] =	stream.indirect.scatter.add.f32 [tilespmem:s12], [sflag:$0x9], $0x10, s30, s11, $0xb8;
	[tilespmem:$0x1C800] =	vst v63  }
0xd4: {  	s19 =	smov.u32 s17;
	_ =	swait.ge @p0 [sflag:s24], $0x2000  }
0xd5: {  	s15 =	smov.u32 s19;
	[sflag:s24] =	ssyncset.done @p0 $0x0  }
0xd6: {  	s19 =	sadd.s32 @p0 $0x2800, s21;
	[sflag:s24] =	ssyncadd.s32 @p0 $0xFFFFE000;
	s24 =	simm.s32 @p0 $0xB000  }
0xd7: {  	[spmem:s6] =	stream.indirect.scatter.add.f32 @p0 [tilespmem:s24], [sflag:$0x8], $0x40, s19, s22, $0xb8;
	[tilespmem:$0x1C800] =	vst v63  }
0xd8: {  	_ = 	snop  }
0xd9: {  	[spmem:s7] =	stream.indirect.scatter.add.f32 @p0 [tilespmem:s23], [sflag:$0x9], $0x10, s19, s22, $0xb8;
	[tilespmem:$0x1C800] =	vst v63  }
0xda: {  	_ =	swait.ge @!p0 [sflag:s18], $0x800  }
0xdb: {  	[sflag:s18] =	ssyncset.done @!p0 $0x0  }
0xdc: {  	s17 =	sadd.s32 $0x200, s17;
	s19 =	simm.s32 @!p0 $0x4;
	[sflag:s18] =	ssyncadd.s32 @!p0 $0xFFFFF800  }
0xdd: {  	p1 =	sne.s32 s17, $0x2900;
	_ =	swait.ge @!p0 [sflag:s19], $0x2000  }
.Ltmp2:
0xde: {  	[sflag:s19] =	ssyncset.done @!p0 $0x0;
	(pc) =	sbr.rel @p1 .LBB2_4-.Ltmp2, $4  }
0xdf: {  	s21 =	sadd.s32 @!p0 $0x2800, s21;
	[sflag:s19] =	ssyncadd.s32 @!p0 $0xFFFFE000;
	s19 =	simm.s32 @!p0 $0xB000  }
0xe0: {  	[spmem:s6] =	stream.indirect.scatter.add.f32 @!p0 [tilespmem:s19], [sflag:$0x8], $0x40, s21, s20, $0xb8;
	[tilespmem:$0x1C800] =	vst v63  }
0xe1: {  	s16 =	sadd.s32 $0x200, s16  }
0xe2: {  	[spmem:s7] =	stream.indirect.scatter.add.f32 @!p0 [tilespmem:s25], [sflag:$0x9], $0x10, s21, s20, $0xb8;
	[tilespmem:$0x1C800] =	vst v63  }
0xe3: {  	_ =	swait.ge @!p0 [sflag:s18], $0x800  }
0xe4: {  	p1 =	sne.s32 s15, $0x100;
	[sflag:s18] =	ssyncset.done @!p0 $0x0  }
0xe5: {  	s17 =	simm.s32 @p1 $0x5;
	[sflag:s18] =	ssyncadd.s32 @!p0 $0xFFFFF800  }
0xe6: {  	_ =	swait.ge @p1 [sflag:s17], $0x2000  }
0xe7: {  	s19 =	simm.s32 @p1 $0x6;
	s20 =	sadd.s32 @p1 $0xFFFFFF00, s16;
	[sflag:s17] =	ssyncset.done @p1 $0x0  }
0xe8: {  	s21 =	simm.s32 @p1 $0x80;
	s18 =	simm.s32 @p1 $0x5000;
	[sflag:s17] =	ssyncadd.s32 @p1 $0xFFFFE000  }
0xe9: {  	[tilespmem:s18], [sflag:$0x1] =	stream.indirect.gather @p1 [hbm4b:s8+s21], $0x40, s20, s21, $0xb8;
	[tilespmem:$0x1C800] =	vst v63  }
0xea: {  	_ =	swait.ge @p1 [sflag:s19], $0x2000  }
0xeb: {  	s17 =	simm.s32 @p1 $0x7;
	[sflag:s19] =	ssyncset.done @p1 $0x0  }
0xec: {  	s18 =	sadd.s32 @p1 $0xFFFFFF80, s16;
	s20 =	simm.s32 @p1 $0x7000;
	[sflag:s19] =	ssyncadd.s32 @p1 $0xFFFFE000  }
0xed: {  	[tilespmem:s20], [sflag:$0x2] =	stream.indirect.gather @p1 [hbm4b:s8+s21], $0x40, s18, s21, $0xb8;
	[tilespmem:$0x1C800] =	vst v63  }
0xee: {  	_ =	swait.ge @p1 [sflag:s17], $0x2000  }
0xef: {  	[sflag:s17] =	ssyncset.done @p1 $0x0  }
0xf0: {  	s19 =	simm.s32 @p1 $0x8;
	s18 =	simm.s32 @p1 $0x9000;
	[sflag:s17] =	ssyncadd.s32 @p1 $0xFFFFE000  }
0xf1: {  	[tilespmem:s18], [sflag:$0x3] =	stream.indirect.gather @p1 [hbm4b:s8+s21], $0x40, s16, s21, $0xb8;
	[tilespmem:$0x1C800] =	vst v63  }
0xf2: {  	_ =	swait.ge @p1 [sflag:s19], $0x2000  }
0xf3: {  	s20 =	simm.s32 @!p1 $0x0;
	[sflag:s19] =	ssyncset.done @p1 $0x0  }
0xf4: {  	s17 =	simm.s32 @!p1 $0x5000;
	s18 =	simm.s32 @!p1 $0x80;
	[sflag:s19] =	ssyncadd.s32 @p1 $0xFFFFE000  }
0xf5: {  	[tilespmem:s17], [sflag:$0x1] =	stream.indirect.gather @!p1 [hbm4b:s8+s18], $0x40, s20, s18, $0xb8;
	[tilespmem:$0x1C800] =	vst v63  }
0xf6: {  	s16 =	sadd.s32 @p1 $0xFFFFFF00, s15;
	s17 =	simm.s32 @!p1 $0x7000  }
0xf7: {  	[tilespmem:s17], [sflag:$0x2] =	stream.indirect.gather @!p1 [hbm4b:s8+s18], $0x40, s18, s18, $0xb8;
	[tilespmem:$0x1C800] =	vst v63  }
0xf8: {  	s16 =	simm.s32 @!p1 $0x0;
	s19 =	simm.s32 @!p1 $0x9000;
	s17 =	simm.s32 @!p1 $0x100  }
0xf9: {  	[tilespmem:s19], [sflag:$0x3] =	stream.indirect.gather @!p1 [hbm4b:s8+s18], $0x40, s17, s18, $0xb8;
	[tilespmem:$0x1C800] =	vst v63  }
0xfa: {  	s28 =	rddreg [dreg:$0x5];
	s17 =	sor.u32 $0x180, s16  }
0xfb: {  	[tilespmem:s28], [sflag:$0x4] =	stream.indirect.gather [hbm4b:s8+s11], $0x40, s17, s11, $0xb8;
	[tilespmem:$0x1C800] =	vst v63  }
0xfc: {  	_ =	swait.ge [sflag:s13], $0x2000  }
0xfd: {  	p0 =	seq.s32 s15, $0x100;
	[sflag:s13] =	ssyncset.done $0x0  }
0xfe: {  	s30 =	sadd.s32 $0x2800, s16;
	s29 =	rddreg [dreg:$0x6];
	[sflag:s13] =	ssyncadd.s32 $0xFFFFE000  }
0xff: {  	[spmem:s6] =	stream.indirect.scatter.add.f32 [tilespmem:s29], [sflag:$0x5], $0x40, s30, s11, $0xb8;
	[tilespmem:$0x1C800] =	vst v63  }
0x100: {  	s13 =	simm.s32 @p0 $0x2  }
0x101: {  	[spmem:s7] =	stream.indirect.scatter.add.f32 [tilespmem:s12], [sflag:$0x9], $0x10, s30, s11, $0xb8;
	[tilespmem:$0x1C800] =	vst v63  }
0x102: {  	s16 =	sadd.s32 @p1 $0xFFFFFF80, s15;
	_ =	swait.ge @p0 [sflag:s13], $0x2000  }
0x103: {  	s18 =	simm.s32 @p0 $0x7000;
	s16 =	simm.s32 @!p1 $0x80;
	[sflag:s13] =	ssyncset.done @p0 $0x0  }
0x104: {  	s19 =	simm.s32 @p0 $0x80;
	[sflag:s13] =	ssyncadd.s32 @p0 $0xFFFFE000;
	s13 =	sadd.s32 @p0 $0x2800, s16  }
0x105: {  	[spmem:s6] =	stream.indirect.scatter.add.f32 @p0 [tilespmem:s18], [sflag:$0x6], $0x40, s13, s19, $0xb8;
	[tilespmem:$0x1C800] =	vst v63  }
0x106: {  	s20 =	simm.s32 @!p0 $0x9;
	s18 =	simm.s32 @p0 $0x19000  }
0x107: {  	[spmem:s7] =	stream.indirect.scatter.add.f32 @p0 [tilespmem:s18], [sflag:$0x9], $0x10, s13, s19, $0xb8;
	[tilespmem:$0x1C800] =	vst v63  }
0x108: {  	_ =	swait.ge @!p0 [sflag:s20], $0x800  }
0x109: {  	[sflag:s20] =	ssyncset.done @!p0 $0x0  }
0x10a: {  	s13 =	simm.s32 @!p0 $0x2;
	[sflag:s20] =	ssyncadd.s32 @!p0 $0xFFFFF800  }
0x10b: {  	_ =	swait.ge @!p0 [sflag:s13], $0x2000  }
0x10c: {  	s21 =	simm.s32 @!p0 $0x7000;
	[sflag:s13] =	ssyncset.done @!p0 $0x0  }
0x10d: {  	[sflag:s13] =	ssyncadd.s32 @!p0 $0xFFFFE000;
	s13 =	sadd.s32 @!p0 $0x2800, s16;
	s16 =	simm.s32 @!p0 $0x80  }
0x10e: {  	[spmem:s6] =	stream.indirect.scatter.add.f32 @!p0 [tilespmem:s21], [sflag:$0x6], $0x40, s13, s16, $0xb8;
	[tilespmem:$0x1C800] =	vst v63  }
0x10f: {  	s21 =	simm.s32 @!p0 $0x19000  }
0x110: {  	[spmem:s7] =	stream.indirect.scatter.add.f32 @!p0 [tilespmem:s21], [sflag:$0x9], $0x10, s13, s16, $0xb8;
	[tilespmem:$0x1C800] =	vst v63  }
0x111: {  	_ =	swait.ge @!p0 [sflag:s20], $0x800  }
0x112: {  	[sflag:s20] =	ssyncset.done @!p0 $0x0  }
0x113: {  	[sflag:s20] =	ssyncadd.s32 @!p0 $0xFFFFF800  }
0x114: {  	_ =	swait.ge [sflag:s14], $0x2000  }
0x115: {  	s15 =	simm.s32 @!p1 $0x100;
	[sflag:s14] =	ssyncset.done $0x0  }
0x116: {  	s15 =	sadd.s32 $0x2800, s15;
	s31 =	rddreg [dreg:$0x7];
	[sflag:s14] =	ssyncadd.s32 $0xFFFFE000  }
0x117: {  	[spmem:s6] =	stream.indirect.scatter.add.f32 [tilespmem:s31], [sflag:$0x7], $0x40, s15, s11, $0xb8;
	[tilespmem:$0x1C800] =	vst v63  }
0x118: {  	s13 =	simm.s32 @p0 $0x4  }
0x119: {  	[spmem:s7] =	stream.indirect.scatter.add.f32 [tilespmem:s12], [sflag:$0x9], $0x10, s15, s11, $0xb8;
	[tilespmem:$0x1C800] =	vst v63  }
0x11a: {  	_ =	swait.ge @p0 [sflag:s13], $0x2000  }
0x11b: {  	[sflag:s13] =	ssyncset.done @p0 $0x0  }
0x11c: {  	s11 =	sadd.s32 @p0 $0x2800, s17;
	s12 =	simm.s32 @p0 $0xB000;
	[sflag:s13] =	ssyncadd.s32 @p0 $0xFFFFE000  }
0x11d: {  	[spmem:s6] =	stream.indirect.scatter.add.f32 @p0 [tilespmem:s12], [sflag:$0x8], $0x40, s11, s19, $0xb8;
	[tilespmem:$0x1C800] =	vst v63  }
0x11e: {  	_ = 	snop  }
0x11f: {  	[spmem:s7] =	stream.indirect.scatter.add.f32 @p0 [tilespmem:s18], [sflag:$0x9], $0x10, s11, s19, $0xb8;
	[tilespmem:$0x1C800] =	vst v63  }
0x120: {  	_ =	swait.ge @!p0 [sflag:s20], $0x800  }
0x121: {  	[sflag:s20] =	ssyncset.done @!p0 $0x0  }
0x122: {  	s11 =	simm.s32 @!p0 $0x4;
	[sflag:s20] =	ssyncadd.s32 @!p0 $0xFFFFF800  }
0x123: {  	_ =	swait.ge @!p0 [sflag:s11], $0x2000  }
0x124: {  	[sflag:s11] =	ssyncset.done @!p0 $0x0  }
0x125: {  	s12 =	sadd.s32 @!p0 $0x2800, s17;
	[sflag:s11] =	ssyncadd.s32 @!p0 $0xFFFFE000;
	s11 =	simm.s32 @!p0 $0xB000  }
0x126: {  	[spmem:s6] =	stream.indirect.scatter.add.f32 @!p0 [tilespmem:s11], [sflag:$0x8], $0x40, s12, s16, $0xb8;
	[tilespmem:$0x1C800] =	vst v63  }
0x127: {  	_ = 	snop  }
0x128: {  	[spmem:s7] =	stream.indirect.scatter.add.f32 @!p0 [tilespmem:s21], [sflag:$0x9], $0x10, s12, s16, $0xb8;
	[tilespmem:$0x1C800] =	vst v63  }
0x129: {  	_ =	swait.ge @!p0 [sflag:s20], $0x800  }
0x12a: {  	[sflag:s20] =	ssyncset.done @!p0 $0x0  }
0x12b: {  	s16 =	simm.s32 $0x5;
	[sflag:s20] =	ssyncadd.s32 @!p0 $0xFFFFF800  }
0x12c: {  	_ =	swait.ge [sflag:s16], $0x2000  }
0x12d: {  	[sflag:s16] =	ssyncset.done $0x0  }
0x12e: {  	s17 =	simm.s32 $0x9;
	[sflag:s16] =	ssyncadd.s32 $0xFFFFE000  }
0x12f: {  	_ =	swait.ge [sflag:s17], $0x800  }
0x130: {  	[sflag:s17] =	ssyncset.done $0x0  }
0x131: {  	s18 =	simm.s32 $0x6;
	[sflag:s17] =	ssyncadd.s32 $0xFFFFF800  }
0x132: {  	_ =	swait.ge [sflag:s18], $0x2000  }
0x133: {  	[sflag:s18] =	ssyncset.done $0x0  }
0x134: {  	[sflag:s18] =	ssyncadd.s32 $0xFFFFE000  }
0x135: {  	_ =	swait.ge [sflag:s17], $0x800  }
0x136: {  	[sflag:s17] =	ssyncset.done $0x0  }
0x137: {  	s19 =	simm.s32 $0x7;
	[sflag:s17] =	ssyncadd.s32 $0xFFFFF800  }
0x138: {  	_ =	swait.ge [sflag:s19], $0x2000  }
0x139: {  	[sflag:s19] =	ssyncset.done $0x0  }
0x13a: {  	[sflag:s19] =	ssyncadd.s32 $0xFFFFE000  }
0x13b: {  	_ =	swait.ge [sflag:s17], $0x800  }
0x13c: {  	[sflag:s17] =	ssyncset.done $0x0  }
0x13d: {  	s20 =	simm.s32 $0x8;
	[sflag:s17] =	ssyncadd.s32 $0xFFFFF800  }
0x13e: {  	_ =	swait.ge [sflag:s20], $0x2000  }
0x13f: {  	[sflag:s20] =	ssyncset.done $0x0  }
0x140: {  	[sflag:s20] =	ssyncadd.s32 $0xFFFFE000  }
0x141: {  	_ =	swait.ge [sflag:s17], $0x800  }
0x142: {  	[sflag:s17] =	ssyncset.done $0x0  }
0x143: {  	s22 =	simm.s32 $0xA;
	s21 =	simm.s32 $0x0;
	[sflag:s17] =	ssyncadd.s32 $0xFFFFF800  }
0x144: {  	[tilespmem:s21], [sflag:$0xA] =	stream.linear.gather [hbm4b:s10+s21], $0x2800, $0x38;
	[tilespmem:$0x1C800] =	vst v63  }
0x145: {  	_ =	swait.ge [sflag:s22], $0x2800  }
0x146: {  	s23 =	simm.s32 $0x2800;
	[sflag:s22] =	ssyncset.done $0x0  }
0x147: {  	s24 =	simm.s32 $0xB000;
	s25 =	simm.s32 $0x5000;
	[sflag:s22] =	ssyncadd.s32 $0xFFFFD800  }
0x148: {  	[tilespmem:s23], [sflag:$0xA] =	stream.linear.gather [hbm4b:s9+s21], $0x2800, $0x38;
	[tilespmem:$0x1C800] =	vst v63  }
0x149: {  	s26 =	simm.s32 $0x9000;
	_ =	swait.ge [sflag:s22], $0x2800;
	[dreg:$0x8] =	wrdreg s24  }
0x14a: {  	p1 =	por $0x0, $0x0;
	[dreg:$0x9] =	wrdreg s25;
	[sflag:s22] =	ssyncset.done $0x0  }
0x14b: {  	s9 =	simm.s32 @p1 $0x5;
	[dreg:$0xa] =	wrdreg s26;
	[sflag:s22] =	ssyncadd.s32 $0xFFFFD800  }
0x14c: {  	_ =	swait.ge @p1 [sflag:s9], $0x2000  }
0x14d: {  	s14 =	simm.s32 @p1 $0x80;
	s11 =	simm.s32 @p1 $0x6;
	[sflag:s9] =	ssyncset.done @p1 $0x0  }
0x14e: {  	s12 =	simm.s32 @p1 $0x0;
	s10 =	simm.s32 @p1 $0x5000;
	[sflag:s9] =	ssyncadd.s32 @p1 $0xFFFFE000  }
0x14f: {  	[tilespmem:s10], [sflag:$0x1] =	stream.indirect.gather @p1 [hbm4b:s8+s14], $0x40, s12, s14, $0xb8;
	[tilespmem:$0x1C800] =	vst v63  }
0x150: {  	_ =	swait.ge @p1 [sflag:s11], $0x2000  }
0x151: {  	s9 =	simm.s32 @p1 $0x7;
	[sflag:s11] =	ssyncset.done @p1 $0x0  }
0x152: {  	s10 =	simm.s32 @p1 $0x80;
	s12 =	simm.s32 @p1 $0x7000;
	[sflag:s11] =	ssyncadd.s32 @p1 $0xFFFFE000  }
0x153: {  	[tilespmem:s12], [sflag:$0x2] =	stream.indirect.gather @p1 [hbm4b:s8+s14], $0x40, s10, s14, $0xb8;
	[tilespmem:$0x1C800] =	vst v63  }
0x154: {  	_ =	swait.ge @p1 [sflag:s9], $0x2000  }
0x155: {  	s13 =	simm.s32 $0x100;
	[sflag:s9] =	ssyncset.done @p1 $0x0  }
0x156: {  	s11 =	simm.s32 @p1 $0x8;
	s10 =	simm.s32 @p1 $0x9000;
	[sflag:s9] =	ssyncadd.s32 @p1 $0xFFFFE000  }
0x157: {  	[tilespmem:s10], [sflag:$0x3] =	stream.indirect.gather @p1 [hbm4b:s8+s14], $0x40, s13, s14, $0xb8;
	[tilespmem:$0x1C800] =	vst v63  }
0x158: {  	_ =	swait.ge @p1 [sflag:s11], $0x2000  }
0x159: {  	s12 =	simm.s32 @!p1 $0x80;
	s9 =	simm.s32 @!p1 $0x5000;
	[sflag:s11] =	ssyncset.done @p1 $0x0  }
0x15a: {  	s10 =	simm.s32 @p1 $0x0;
	s14 =	simm.s32 @!p1 $0x0;
	[sflag:s11] =	ssyncadd.s32 @p1 $0xFFFFE000  }
0x15b: {  	[tilespmem:s9], [sflag:$0x1] =	stream.indirect.gather @!p1 [hbm4b:s8+s12], $0x40, s14, s12, $0xb8;
	[tilespmem:$0x1C800] =	vst v63  }
0x15c: {  	s10 =	simm.s32 @!p1 $0x0;
	s9 =	simm.s32 @!p1 $0x7000  }
0x15d: {  	[tilespmem:s9], [sflag:$0x2] =	stream.indirect.gather @!p1 [hbm4b:s8+s12], $0x40, s12, s12, $0xb8;
	[tilespmem:$0x1C800] =	vst v63  }
0x15e: {  	s28 =	rddreg [dreg:$0x8];
	s11 =	simm.s32 @!p1 $0x9000;
	s9 =	simm.s32 @!p1 $0x100  }
0x15f: {  	[tilespmem:s11], [sflag:$0x3] =	stream.indirect.gather @!p1 [hbm4b:s8+s12], $0x40, s9, s12, $0xb8;
	[tilespmem:$0x1C800] =	vst v63  }
0x160: {  	s14 =	sor.u32 $0x180, s10;
	s9 =	simm.s32 $0x80;
	s11 =	simm.s32 $0x1  }
0x161: {  	[tilespmem:s28], [sflag:$0x4] =	stream.indirect.gather [hbm4b:s8+s9], $0x40, s14, s9, $0xb8;
	[tilespmem:$0x1C800] =	vst v63  }
0x162: {  	_ =	swait.ge [sflag:s11], $0x2000  }
0x163: {  	p0 =	por $0x1, $0x1;
	[sflag:s11] =	ssyncset.done $0x0  }
0x164: {  	s30 =	sadd.s32 $0x2800, s10;
	s29 =	rddreg [dreg:$0x9];
	[sflag:s11] =	ssyncadd.s32 $0xFFFFE000  }
0x165: {  	[spmem:s6] =	stream.indirect.scatter.add.f32 [tilespmem:s29], [sflag:$0x5], $0x40, s30, s9, $0xb8;
	[tilespmem:$0x1C800] =	vst v63  }
0x166: {  	s10 =	simm.s32 $0x19000;
	s12 =	simm.s32 @p0 $0x2  }
0x167: {  	[spmem:s7] =	stream.indirect.scatter.add.f32 [tilespmem:s10], [sflag:$0x9], $0x10, s30, s9, $0xb8;
	[tilespmem:$0x1C800] =	vst v63  }
0x168: {  	s15 =	simm.s32 @p1 $0x80;
	_ =	swait.ge @p0 [sflag:s12], $0x2000  }
0x169: {  	s15 =	simm.s32 @!p1 $0x80;
	s16 =	simm.s32 @p0 $0x7000;
	[sflag:s12] =	ssyncset.done @p0 $0x0  }
0x16a: {  	s17 =	simm.s32 @p0 $0x80;
	[sflag:s12] =	ssyncadd.s32 @p0 $0xFFFFE000;
	s12 =	sadd.s32 @p0 $0x2800, s15  }
0x16b: {  	[spmem:s6] =	stream.indirect.scatter.add.f32 @p0 [tilespmem:s16], [sflag:$0x6], $0x40, s12, s17, $0xb8;
	[tilespmem:$0x1C800] =	vst v63  }
0x16c: {  	s18 =	simm.s32 @p0 $0x19000;
	s16 =	simm.s32 @!p0 $0x9  }
0x16d: {  	[spmem:s7] =	stream.indirect.scatter.add.f32 @p0 [tilespmem:s18], [sflag:$0x9], $0x10, s12, s17, $0xb8;
	[tilespmem:$0x1C800] =	vst v63  }
0x16e: {  	_ =	swait.ge @!p0 [sflag:s16], $0x800  }
0x16f: {  	[sflag:s16] =	ssyncset.done @!p0 $0x0  }
0x170: {  	s12 =	simm.s32 @!p0 $0x2;
	[sflag:s16] =	ssyncadd.s32 @!p0 $0xFFFFF800  }
0x171: {  	_ =	swait.ge @!p0 [sflag:s12], $0x2000  }
0x172: {  	s19 =	simm.s32 @!p0 $0x7000;
	[sflag:s12] =	ssyncset.done @!p0 $0x0  }
0x173: {  	[sflag:s12] =	ssyncadd.s32 @!p0 $0xFFFFE000;
	s12 =	sadd.s32 @!p0 $0x2800, s15;
	s15 =	simm.s32 @!p0 $0x80  }
0x174: {  	[spmem:s6] =	stream.indirect.scatter.add.f32 @!p0 [tilespmem:s19], [sflag:$0x6], $0x40, s12, s15, $0xb8;
	[tilespmem:$0x1C800] =	vst v63  }
0x175: {  	s19 =	simm.s32 @!p0 $0x19000  }
0x176: {  	[spmem:s7] =	stream.indirect.scatter.add.f32 @!p0 [tilespmem:s19], [sflag:$0x9], $0x10, s12, s15, $0xb8;
	[tilespmem:$0x1C800] =	vst v63  }
0x177: {  	_ =	swait.ge @!p0 [sflag:s16], $0x800  }
0x178: {  	[sflag:s16] =	ssyncset.done @!p0 $0x0  }
0x179: {  	s12 =	simm.s32 $0x3;
	[sflag:s16] =	ssyncadd.s32 @!p0 $0xFFFFF800  }
0x17a: {  	_ =	swait.ge [sflag:s12], $0x2000  }
0x17b: {  	s13 =	simm.s32 @!p1 $0x100;
	[sflag:s12] =	ssyncset.done $0x0  }
0x17c: {  	s13 =	sadd.s32 $0x2800, s13;
	s31 =	rddreg [dreg:$0xa];
	[sflag:s12] =	ssyncadd.s32 $0xFFFFE000  }
0x17d: {  	[spmem:s6] =	stream.indirect.scatter.add.f32 [tilespmem:s31], [sflag:$0x7], $0x40, s13, s9, $0xb8;
	[tilespmem:$0x1C800] =	vst v63  }
0x17e: {  	s20 =	simm.s32 @p0 $0x4  }
0x17f: {  	[spmem:s7] =	stream.indirect.scatter.add.f32 [tilespmem:s10], [sflag:$0x9], $0x10, s13, s9, $0xb8;
	[tilespmem:$0x1C800] =	vst v63  }
0x180: {  	_ =	swait.ge @p0 [sflag:s20], $0x2000  }
0x181: {  	[sflag:s20] =	ssyncset.done @p0 $0x0  }
0x182: {  	s13 =	sadd.s32 @p0 $0x2800, s14;
	[sflag:s20] =	ssyncadd.s32 @p0 $0xFFFFE000;
	s20 =	simm.s32 @p0 $0xB000  }
0x183: {  	[spmem:s6] =	stream.indirect.scatter.add.f32 @p0 [tilespmem:s20], [sflag:$0x8], $0x40, s13, s17, $0xb8;
	[tilespmem:$0x1C800] =	vst v63  }
0x184: {  	_ = 	snop  }
0x185: {  	[spmem:s7] =	stream.indirect.scatter.add.f32 @p0 [tilespmem:s18], [sflag:$0x9], $0x10, s13, s17, $0xb8;
	[tilespmem:$0x1C800] =	vst v63  }
0x186: {  	_ =	swait.ge @!p0 [sflag:s16], $0x800  }
0x187: {  	[sflag:s16] =	ssyncset.done @!p0 $0x0  }
0x188: {  	s13 =	simm.s32 @!p0 $0x4;
	[sflag:s16] =	ssyncadd.s32 @!p0 $0xFFFFF800  }
0x189: {  	_ =	swait.ge @!p0 [sflag:s13], $0x2000  }
0x18a: {  	[sflag:s13] =	ssyncset.done @!p0 $0x0  }
0x18b: {  	s14 =	sadd.s32 @!p0 $0x2800, s14;
	[sflag:s13] =	ssyncadd.s32 @!p0 $0xFFFFE000;
	s13 =	simm.s32 @!p0 $0xB000  }
0x18c: {  	[spmem:s6] =	stream.indirect.scatter.add.f32 @!p0 [tilespmem:s13], [sflag:$0x8], $0x40, s14, s15, $0xb8;
	[tilespmem:$0x1C800] =	vst v63  }
0x18d: {  	_ = 	snop  }
0x18e: {  	[spmem:s7] =	stream.indirect.scatter.add.f32 @!p0 [tilespmem:s19], [sflag:$0x9], $0x10, s14, s15, $0xb8;
	[tilespmem:$0x1C800] =	vst v63  }
0x18f: {  	s13 =	simm.s32 $0x300;
	s15 =	simm.s32 $0x500;
	s14 =	simm.s32 $0x300  }
.LBB2_6:
0x190: {  	_ =	swait.ge @!p0 [sflag:s16], $0x800  }
0x191: {  	p2 =	sne.s32 s13, $0x100;
	[sflag:s16] =	ssyncset.done @!p0 $0x0  }
0x192: {  	s19 =	simm.s32 @p2 $0x5;
	[sflag:s16] =	ssyncadd.s32 @!p0 $0xFFFFF800  }
0x193: {  	_ =	swait.ge @p2 [sflag:s19], $0x2000  }
0x194: {  	s21 =	simm.s32 @p2 $0x6;
	s22 =	sadd.s32 @p2 $0xFFFFFF00, s14;
	[sflag:s19] =	ssyncset.done @p2 $0x0  }
0x195: {  	s23 =	simm.s32 @p2 $0x80;
	s16 =	simm.s32 @p2 $0x5000;
	[sflag:s19] =	ssyncadd.s32 @p2 $0xFFFFE000  }
0x196: {  	[tilespmem:s16], [sflag:$0x1] =	stream.indirect.gather @p2 [hbm4b:s8+s23], $0x40, s22, s23, $0xb8;
	[tilespmem:$0x1C800] =	vst v63  }
0x197: {  	_ =	swait.ge @p2 [sflag:s21], $0x2000  }
0x198: {  	s19 =	sadd.s32 @p2 $0xFFFFFF80, s14;
	[sflag:s21] =	ssyncset.done @p2 $0x0  }
0x199: {  	s16 =	simm.s32 @p2 $0x7;
	s22 =	simm.s32 @p2 $0x7000;
	[sflag:s21] =	ssyncadd.s32 @p2 $0xFFFFE000  }
0x19a: {  	[tilespmem:s22], [sflag:$0x2] =	stream.indirect.gather @p2 [hbm4b:s8+s23], $0x40, s19, s23, $0xb8;
	[tilespmem:$0x1C800] =	vst v63  }
0x19b: {  	_ =	swait.ge @p2 [sflag:s16], $0x2000  }
0x19c: {  	[sflag:s16] =	ssyncset.done @p2 $0x0  }
0x19d: {  	s21 =	simm.s32 @p2 $0x8;
	s19 =	simm.s32 @p2 $0x9000;
	[sflag:s16] =	ssyncadd.s32 @p2 $0xFFFFE000  }
0x19e: {  	[tilespmem:s19], [sflag:$0x3] =	stream.indirect.gather @p2 [hbm4b:s8+s23], $0x40, s14, s23, $0xb8;
	[tilespmem:$0x1C800] =	vst v63  }
0x19f: {  	_ =	swait.ge @p2 [sflag:s21], $0x2000  }
0x1a0: {  	s22 =	simm.s32 @!p2 $0x0;
	[sflag:s21] =	ssyncset.done @p2 $0x0  }
0x1a1: {  	s16 =	simm.s32 @!p2 $0x5000;
	s19 =	simm.s32 @!p2 $0x80;
	[sflag:s21] =	ssyncadd.s32 @p2 $0xFFFFE000  }
0x1a2: {  	[tilespmem:s16], [sflag:$0x1] =	stream.indirect.gather @!p2 [hbm4b:s8+s19], $0x40, s22, s19, $0xb8;
	[tilespmem:$0x1C800] =	vst v63  }
0x1a3: {  	s20 =	sadd.s32 @p2 $0xFFFFFF00, s13;
	s16 =	simm.s32 @!p2 $0x7000  }
0x1a4: {  	[tilespmem:s16], [sflag:$0x2] =	stream.indirect.gather @!p2 [hbm4b:s8+s19], $0x40, s19, s19, $0xb8;
	[tilespmem:$0x1C800] =	vst v63  }
0x1a5: {  	s20 =	simm.s32 @!p2 $0x0;
	s21 =	simm.s32 @!p2 $0x9000;
	s16 =	simm.s32 @!p2 $0x100  }
0x1a6: {  	[tilespmem:s21], [sflag:$0x3] =	stream.indirect.gather @!p2 [hbm4b:s8+s19], $0x40, s16, s19, $0xb8;
	[tilespmem:$0x1C800] =	vst v63  }
0x1a7: {  	s28 =	rddreg [dreg:$0x8];
	s19 =	sor.u32 $0x180, s20  }
0x1a8: {  	[tilespmem:s28], [sflag:$0x4] =	stream.indirect.gather [hbm4b:s8+s9], $0x40, s19, s9, $0xb8;
	[tilespmem:$0x1C800] =	vst v63  }
0x1a9: {  	_ =	swait.ge [sflag:s11], $0x2000  }
0x1aa: {  	p0 =	seq.s32 s13, $0x100;
	[sflag:s11] =	ssyncset.done $0x0  }
0x1ab: {  	s20 =	sadd.s32 $0x2800, s20;
	s29 =	rddreg [dreg:$0x9];
	[sflag:s11] =	ssyncadd.s32 $0xFFFFE000  }
0x1ac: {  	[spmem:s6] =	stream.indirect.scatter.add.f32 [tilespmem:s29], [sflag:$0x5], $0x40, s20, s9, $0xb8;
	[tilespmem:$0x1C800] =	vst v63  }
0x1ad: {  	s18 =	sadd.s32 @p2 $0xFFFFFF80, s13;
	s16 =	simm.s32 @p0 $0x2  }
0x1ae: {  	[spmem:s7] =	stream.indirect.scatter.add.f32 [tilespmem:s10], [sflag:$0x9], $0x10, s20, s9, $0xb8;
	[tilespmem:$0x1C800] =	vst v63  }
0x1af: {  	s18 =	simm.s32 @!p2 $0x80;
	_ =	swait.ge @p0 [sflag:s16], $0x2000  }
0x1b0: {  	s22 =	sadd.s32 @p0 $0x2800, s18;
	[sflag:s16] =	ssyncset.done @p0 $0x0  }
0x1b1: {  	s21 =	simm.s32 @p0 $0x7000;
	s20 =	simm.s32 @p0 $0x80;
	[sflag:s16] =	ssyncadd.s32 @p0 $0xFFFFE000  }
0x1b2: {  	[spmem:s6] =	stream.indirect.scatter.add.f32 @p0 [tilespmem:s21], [sflag:$0x6], $0x40, s22, s20, $0xb8;
	[tilespmem:$0x1C800] =	vst v63  }
0x1b3: {  	s16 =	simm.s32 @!p0 $0x9;
	s21 =	simm.s32 @p0 $0x19000  }
0x1b4: {  	[spmem:s7] =	stream.indirect.scatter.add.f32 @p0 [tilespmem:s21], [sflag:$0x9], $0x10, s22, s20, $0xb8;
	[tilespmem:$0x1C800] =	vst v63  }
0x1b5: {  	_ =	swait.ge @!p0 [sflag:s16], $0x800  }
0x1b6: {  	[sflag:s16] =	ssyncset.done @!p0 $0x0  }
0x1b7: {  	s22 =	simm.s32 @!p0 $0x2;
	[sflag:s16] =	ssyncadd.s32 @!p0 $0xFFFFF800  }
0x1b8: {  	_ =	swait.ge @!p0 [sflag:s22], $0x2000  }
0x1b9: {  	s23 =	simm.s32 @!p0 $0x7000;
	[sflag:s22] =	ssyncset.done @!p0 $0x0  }
0x1ba: {  	[sflag:s22] =	ssyncadd.s32 @!p0 $0xFFFFE000;
	s22 =	sadd.s32 @!p0 $0x2800, s18;
	s18 =	simm.s32 @!p0 $0x80  }
0x1bb: {  	[spmem:s6] =	stream.indirect.scatter.add.f32 @!p0 [tilespmem:s23], [sflag:$0x6], $0x40, s22, s18, $0xb8;
	[tilespmem:$0x1C800] =	vst v63  }
0x1bc: {  	s23 =	simm.s32 @!p0 $0x19000  }
0x1bd: {  	[spmem:s7] =	stream.indirect.scatter.add.f32 @!p0 [tilespmem:s23], [sflag:$0x9], $0x10, s22, s18, $0xb8;
	[tilespmem:$0x1C800] =	vst v63  }
0x1be: {  	_ =	swait.ge @!p0 [sflag:s16], $0x800  }
0x1bf: {  	[sflag:s16] =	ssyncset.done @!p0 $0x0  }
0x1c0: {  	[sflag:s16] =	ssyncadd.s32 @!p0 $0xFFFFF800  }
0x1c1: {  	s22 =	smov.u32 s13;
	_ =	swait.ge [sflag:s12], $0x2000  }
0x1c2: {  	s22 =	simm.s32 @!p2 $0x100;
	[sflag:s12] =	ssyncset.done $0x0  }
0x1c3: {  	s30 =	sadd.s32 $0x2800, s22;
	s31 =	rddreg [dreg:$0xa];
	[sflag:s12] =	ssyncadd.s32 $0xFFFFE000  }
0x1c4: {  	[spmem:s6] =	stream.indirect.scatter.add.f32 [tilespmem:s31], [sflag:$0x7], $0x40, s30, s9, $0xb8;
	[tilespmem:$0x1C800] =	vst v63  }
0x1c5: {  	s22 =	simm.s32 @p0 $0x4  }
0x1c6: {  	[spmem:s7] =	stream.indirect.scatter.add.f32 [tilespmem:s10], [sflag:$0x9], $0x10, s30, s9, $0xb8;
	[tilespmem:$0x1C800] =	vst v63  }
0x1c7: {  	s17 =	smov.u32 s15;
	_ =	swait.ge @p0 [sflag:s22], $0x2000  }
0x1c8: {  	s13 =	smov.u32 s17;
	[sflag:s22] =	ssyncset.done @p0 $0x0  }
0x1c9: {  	s17 =	sadd.s32 @p0 $0x2800, s19;
	[sflag:s22] =	ssyncadd.s32 @p0 $0xFFFFE000;
	s22 =	simm.s32 @p0 $0xB000  }
0x1ca: {  	[spmem:s6] =	stream.indirect.scatter.add.f32 @p0 [tilespmem:s22], [sflag:$0x8], $0x40, s17, s20, $0xb8;
	[tilespmem:$0x1C800] =	vst v63  }
0x1cb: {  	_ = 	snop  }
0x1cc: {  	[spmem:s7] =	stream.indirect.scatter.add.f32 @p0 [tilespmem:s21], [sflag:$0x9], $0x10, s17, s20, $0xb8;
	[tilespmem:$0x1C800] =	vst v63  }
0x1cd: {  	_ =	swait.ge @!p0 [sflag:s16], $0x800  }
0x1ce: {  	[sflag:s16] =	ssyncset.done @!p0 $0x0  }
0x1cf: {  	s15 =	sadd.s32 $0x200, s15;
	s17 =	simm.s32 @!p0 $0x4;
	[sflag:s16] =	ssyncadd.s32 @!p0 $0xFFFFF800  }
0x1d0: {  	p1 =	sne.s32 s15, $0x2900;
	_ =	swait.ge @!p0 [sflag:s17], $0x2000  }
.Ltmp3:
0x1d1: {  	[sflag:s17] =	ssyncset.done @!p0 $0x0;
	(pc) =	sbr.rel @p1 .LBB2_6-.Ltmp3, $4  }
0x1d2: {  	s19 =	sadd.s32 @!p0 $0x2800, s19;
	[sflag:s17] =	ssyncadd.s32 @!p0 $0xFFFFE000;
	s17 =	simm.s32 @!p0 $0xB000  }
0x1d3: {  	[spmem:s6] =	stream.indirect.scatter.add.f32 @!p0 [tilespmem:s17], [sflag:$0x8], $0x40, s19, s18, $0xb8;
	[tilespmem:$0x1C800] =	vst v63  }
0x1d4: {  	s14 =	sadd.s32 $0x200, s14  }
0x1d5: {  	[spmem:s7] =	stream.indirect.scatter.add.f32 @!p0 [tilespmem:s23], [sflag:$0x9], $0x10, s19, s18, $0xb8;
	[tilespmem:$0x1C800] =	vst v63  }
0x1d6: {  	_ =	swait.ge @!p0 [sflag:s16], $0x800  }
0x1d7: {  	p1 =	sne.s32 s13, $0x100;
	[sflag:s16] =	ssyncset.done @!p0 $0x0  }
0x1d8: {  	s15 =	simm.s32 @p1 $0x5;
	[sflag:s16] =	ssyncadd.s32 @!p0 $0xFFFFF800  }
0x1d9: {  	_ =	swait.ge @p1 [sflag:s15], $0x2000  }
0x1da: {  	s17 =	simm.s32 @p1 $0x6;
	s18 =	sadd.s32 @p1 $0xFFFFFF00, s14;
	[sflag:s15] =	ssyncset.done @p1 $0x0  }
0x1db: {  	s19 =	simm.s32 @p1 $0x80;
	s16 =	simm.s32 @p1 $0x5000;
	[sflag:s15] =	ssyncadd.s32 @p1 $0xFFFFE000  }
0x1dc: {  	[tilespmem:s16], [sflag:$0x1] =	stream.indirect.gather @p1 [hbm4b:s8+s19], $0x40, s18, s19, $0xb8;
	[tilespmem:$0x1C800] =	vst v63  }
0x1dd: {  	_ =	swait.ge @p1 [sflag:s17], $0x2000  }
0x1de: {  	s15 =	simm.s32 @p1 $0x7;
	[sflag:s17] =	ssyncset.done @p1 $0x0  }
0x1df: {  	s16 =	sadd.s32 @p1 $0xFFFFFF80, s14;
	s18 =	simm.s32 @p1 $0x7000;
	[sflag:s17] =	ssyncadd.s32 @p1 $0xFFFFE000  }
0x1e0: {  	[tilespmem:s18], [sflag:$0x2] =	stream.indirect.gather @p1 [hbm4b:s8+s19], $0x40, s16, s19, $0xb8;
	[tilespmem:$0x1C800] =	vst v63  }
0x1e1: {  	_ =	swait.ge @p1 [sflag:s15], $0x2000  }
0x1e2: {  	[sflag:s15] =	ssyncset.done @p1 $0x0  }
0x1e3: {  	s17 =	simm.s32 @p1 $0x8;
	s16 =	simm.s32 @p1 $0x9000;
	[sflag:s15] =	ssyncadd.s32 @p1 $0xFFFFE000  }
0x1e4: {  	[tilespmem:s16], [sflag:$0x3] =	stream.indirect.gather @p1 [hbm4b:s8+s19], $0x40, s14, s19, $0xb8;
	[tilespmem:$0x1C800] =	vst v63  }
0x1e5: {  	_ =	swait.ge @p1 [sflag:s17], $0x2000  }
0x1e6: {  	s18 =	simm.s32 @!p1 $0x0;
	[sflag:s17] =	ssyncset.done @p1 $0x0  }
0x1e7: {  	s15 =	simm.s32 @!p1 $0x5000;
	s16 =	simm.s32 @!p1 $0x80;
	[sflag:s17] =	ssyncadd.s32 @p1 $0xFFFFE000  }
0x1e8: {  	[tilespmem:s15], [sflag:$0x1] =	stream.indirect.gather @!p1 [hbm4b:s8+s16], $0x40, s18, s16, $0xb8;
	[tilespmem:$0x1C800] =	vst v63  }
0x1e9: {  	s14 =	sadd.s32 @p1 $0xFFFFFF00, s13;
	s15 =	simm.s32 @!p1 $0x7000  }
0x1ea: {  	[tilespmem:s15], [sflag:$0x2] =	stream.indirect.gather @!p1 [hbm4b:s8+s16], $0x40, s16, s16, $0xb8;
	[tilespmem:$0x1C800] =	vst v63  }
0x1eb: {  	s14 =	simm.s32 @!p1 $0x0;
	s17 =	simm.s32 @!p1 $0x9000;
	s15 =	simm.s32 @!p1 $0x100  }
0x1ec: {  	[tilespmem:s17], [sflag:$0x3] =	stream.indirect.gather @!p1 [hbm4b:s8+s16], $0x40, s15, s16, $0xb8;
	[tilespmem:$0x1C800] =	vst v63  }
0x1ed: {  	s20 =	rddreg [dreg:$0x8];
	s15 =	sor.u32 $0x180, s14  }
0x1ee: {  	[tilespmem:s20], [sflag:$0x4] =	stream.indirect.gather [hbm4b:s8+s9], $0x40, s15, s9, $0xb8;
	[tilespmem:$0x1C800] =	vst v63  }
0x1ef: {  	_ =	swait.ge [sflag:s11], $0x2000  }
0x1f0: {  	p0 =	seq.s32 s13, $0x100;
	[sflag:s11] =	ssyncset.done $0x0  }
0x1f1: {  	s22 =	sadd.s32 $0x2800, s14;
	s21 =	rddreg [dreg:$0x9];
	[sflag:s11] =	ssyncadd.s32 $0xFFFFE000  }
0x1f2: {  	[spmem:s6] =	stream.indirect.scatter.add.f32 [tilespmem:s21], [sflag:$0x5], $0x40, s22, s9, $0xb8;
	[tilespmem:$0x1C800] =	vst v63  }
0x1f3: {  	s8 =	simm.s32 @p0 $0x2  }
0x1f4: {  	[spmem:s7] =	stream.indirect.scatter.add.f32 [tilespmem:s10], [sflag:$0x9], $0x10, s22, s9, $0xb8;
	[tilespmem:$0x1C800] =	vst v63  }
0x1f5: {  	s11 =	sadd.s32 @p1 $0xFFFFFF80, s13;
	_ =	swait.ge @p0 [sflag:s8], $0x2000  }
0x1f6: {  	s14 =	simm.s32 @p0 $0x7000;
	s11 =	simm.s32 @!p1 $0x80;
	[sflag:s8] =	ssyncset.done @p0 $0x0  }
0x1f7: {  	s16 =	simm.s32 @p0 $0x80;
	[sflag:s8] =	ssyncadd.s32 @p0 $0xFFFFE000;
	s8 =	sadd.s32 @p0 $0x2800, s11  }
0x1f8: {  	[spmem:s6] =	stream.indirect.scatter.add.f32 @p0 [tilespmem:s14], [sflag:$0x6], $0x40, s8, s16, $0xb8;
	[tilespmem:$0x1C800] =	vst v63  }
0x1f9: {  	s17 =	simm.s32 @!p0 $0x9;
	s14 =	simm.s32 @p0 $0x19000  }
0x1fa: {  	[spmem:s7] =	stream.indirect.scatter.add.f32 @p0 [tilespmem:s14], [sflag:$0x9], $0x10, s8, s16, $0xb8;
	[tilespmem:$0x1C800] =	vst v63  }
0x1fb: {  	_ =	swait.ge @!p0 [sflag:s17], $0x800  }
0x1fc: {  	[sflag:s17] =	ssyncset.done @!p0 $0x0  }
0x1fd: {  	s8 =	simm.s32 @!p0 $0x2;
	[sflag:s17] =	ssyncadd.s32 @!p0 $0xFFFFF800  }
0x1fe: {  	_ =	swait.ge @!p0 [sflag:s8], $0x2000  }
0x1ff: {  	s18 =	simm.s32 @!p0 $0x7000;
	[sflag:s8] =	ssyncset.done @!p0 $0x0  }
0x200: {  	[sflag:s8] =	ssyncadd.s32 @!p0 $0xFFFFE000;
	s8 =	sadd.s32 @!p0 $0x2800, s11;
	s11 =	simm.s32 @!p0 $0x80  }
0x201: {  	[spmem:s6] =	stream.indirect.scatter.add.f32 @!p0 [tilespmem:s18], [sflag:$0x6], $0x40, s8, s11, $0xb8;
	[tilespmem:$0x1C800] =	vst v63  }
0x202: {  	s18 =	simm.s32 @!p0 $0x19000  }
0x203: {  	[spmem:s7] =	stream.indirect.scatter.add.f32 @!p0 [tilespmem:s18], [sflag:$0x9], $0x10, s8, s11, $0xb8;
	[tilespmem:$0x1C800] =	vst v63  }
0x204: {  	_ =	swait.ge @!p0 [sflag:s17], $0x800  }
0x205: {  	[sflag:s17] =	ssyncset.done @!p0 $0x0  }
0x206: {  	[sflag:s17] =	ssyncadd.s32 @!p0 $0xFFFFF800  }
0x207: {  	_ =	swait.ge [sflag:s12], $0x2000  }
0x208: {  	s13 =	simm.s32 @!p1 $0x100;
	[sflag:s12] =	ssyncset.done $0x0  }
0x209: {  	s13 =	sadd.s32 $0x2800, s13;
	s23 =	rddreg [dreg:$0xa];
	[sflag:s12] =	ssyncadd.s32 $0xFFFFE000  }
0x20a: {  	[spmem:s6] =	stream.indirect.scatter.add.f32 [tilespmem:s23], [sflag:$0x7], $0x40, s13, s9, $0xb8;
	[tilespmem:$0x1C800] =	vst v63  }
0x20b: {  	s8 =	simm.s32 @p0 $0x4  }
0x20c: {  	[spmem:s7] =	stream.indirect.scatter.add.f32 [tilespmem:s10], [sflag:$0x9], $0x10, s13, s9, $0xb8;
	[tilespmem:$0x1C800] =	vst v63  }
0x20d: {  	_ =	swait.ge @p0 [sflag:s8], $0x2000  }
0x20e: {  	[sflag:s8] =	ssyncset.done @p0 $0x0  }
0x20f: {  	s9 =	sadd.s32 @p0 $0x2800, s15;
	[sflag:s8] =	ssyncadd.s32 @p0 $0xFFFFE000;
	s8 =	simm.s32 @p0 $0xB000  }
0x210: {  	[spmem:s6] =	stream.indirect.scatter.add.f32 @p0 [tilespmem:s8], [sflag:$0x8], $0x40, s9, s16, $0xb8;
	[tilespmem:$0x1C800] =	vst v63  }
0x211: {  	_ = 	snop  }
0x212: {  	[spmem:s7] =	stream.indirect.scatter.add.f32 @p0 [tilespmem:s14], [sflag:$0x9], $0x10, s9, s16, $0xb8;
	[tilespmem:$0x1C800] =	vst v63  }
0x213: {  	_ =	swait.ge @!p0 [sflag:s17], $0x800  }
0x214: {  	[sflag:s17] =	ssyncset.done @!p0 $0x0  }
0x215: {  	s8 =	simm.s32 @!p0 $0x4;
	[sflag:s17] =	ssyncadd.s32 @!p0 $0xFFFFF800  }
0x216: {  	_ =	swait.ge @!p0 [sflag:s8], $0x2000  }
0x217: {  	[sflag:s8] =	ssyncset.done @!p0 $0x0  }
0x218: {  	s9 =	sadd.s32 @!p0 $0x2800, s15;
	[sflag:s8] =	ssyncadd.s32 @!p0 $0xFFFFE000;
	s8 =	simm.s32 @!p0 $0xB000  }
0x219: {  	[spmem:s6] =	stream.indirect.scatter.add.f32 @!p0 [tilespmem:s8], [sflag:$0x8], $0x40, s9, s11, $0xb8;
	[tilespmem:$0x1C800] =	vst v63  }
0x21a: {  	_ = 	snop  }
0x21b: {  	[spmem:s7] =	stream.indirect.scatter.add.f32 @!p0 [tilespmem:s18], [sflag:$0x9], $0x10, s9, s11, $0xb8;
	[tilespmem:$0x1C800] =	vst v63  }
0x21c: {  	_ =	swait.ge @!p0 [sflag:s17], $0x800  }
0x21d: {  	[sflag:s17] =	ssyncset.done @!p0 $0x0  }
0x21e: {  	s24 =	simm.s32 $0x5;
	[sflag:s17] =	ssyncadd.s32 @!p0 $0xFFFFF800  }
0x21f: {  	_ =	swait.ge [sflag:s24], $0x2000  }
0x220: {  	[sflag:s24] =	ssyncset.done $0x0  }
0x221: {  	s25 =	simm.s32 $0x9;
	[sflag:s24] =	ssyncadd.s32 $0xFFFFE000  }
0x222: {  	_ =	swait.ge [sflag:s25], $0x800  }
0x223: {  	[sflag:s25] =	ssyncset.done $0x0  }
0x224: {  	s26 =	simm.s32 $0x6;
	[sflag:s25] =	ssyncadd.s32 $0xFFFFF800  }
0x225: {  	_ =	swait.ge [sflag:s26], $0x2000  }
0x226: {  	[sflag:s26] =	ssyncset.done $0x0  }
0x227: {  	[sflag:s26] =	ssyncadd.s32 $0xFFFFE000  }
0x228: {  	_ =	swait.ge [sflag:s25], $0x800  }
0x229: {  	[sflag:s25] =	ssyncset.done $0x0  }
0x22a: {  	s28 =	simm.s32 $0x7;
	[sflag:s25] =	ssyncadd.s32 $0xFFFFF800  }
0x22b: {  	_ =	swait.ge [sflag:s28], $0x2000  }
0x22c: {  	[sflag:s28] =	ssyncset.done $0x0  }
0x22d: {  	[sflag:s28] =	ssyncadd.s32 $0xFFFFE000  }
0x22e: {  	_ =	swait.ge [sflag:s25], $0x800  }
0x22f: {  	[sflag:s25] =	ssyncset.done $0x0  }
0x230: {  	s29 =	simm.s32 $0x8;
	[sflag:s25] =	ssyncadd.s32 $0xFFFFF800  }
0x231: {  	_ =	swait.ge [sflag:s29], $0x2000  }
0x232: {  	[sflag:s29] =	ssyncset.done $0x0  }
0x233: {  	[sflag:s29] =	ssyncadd.s32 $0xFFFFE000  }
0x234: {  	_ =	swait.ge [sflag:s25], $0x800  }
0x235: {  	[sflag:s25] =	ssyncset.done $0x0  }
0x236: {  	s30 =	sshll.u32 s1, $0x6;
	s5 =	sshrl.u32 s5, $0x3;
	[sflag:s25] =	ssyncadd.s32 $0xFFFFF800  }
0x237: {  	s31 =	simm.s32 $0xA;
	s6 =	sor.u32 $0x1C0A, s30;
	[bflag:$0x0] =	sbarrier.arrive $0xFFFF  }
0x238: {  	[hbm:s3], [sflag:s6] =	dma.local [spmem:s5], $0x1400  }
0x239: {  	_ =	swait.ge [sflag:s31], $0x1400  }
0x23a: {  	[sflag:s31] =	ssyncset.done $0x0  }
0x23b: {  	s4 =	sshrl.u32 s4, $0x3;
	[sflag:s31] =	ssyncadd.s32 $0xFFFFEC00  }
0x23c: {  	[hbm:s2], [sflag:s6] =	dma.local [spmem:s4], $0x500  }
0x23d: {  	_ =	swait.ge [sflag:s31], $0x500  }
0x23e: {  	[sflag:s31] =	ssyncset.done $0x0  }
0x23f: {  	[sflag:s31] =	ssyncadd.s32 $0xFFFFFB00  }
.LBB2_8:
0x240: {  	_ =	sfence.sel $0x180000  }
0x241: {  	[bflag:$0x0] =	sbarrier.arrive $0xFFFF  }
0x242: {  	p0 =	sne.s32 s1, $0x0;
	_ =	strace $0x90000047  }
0x243: {  	s0 =	sadd.s32 @!p0 $0x100000, s0;
	[bflag:$0x2] =	sbarrier.arrive $0xFFFF  }
0x244: {  	[sflag:s0] =	ssyncadd.tile.s32 @!p0 $0x1;
	_ =	shalt  }
.Lfunc_end2:
_tile_overlayer_lowered:
.L_overlay_start_2:
0x245: {  	(tag) =	ssettag $0x2  }
0x246: {  	s0 =	rddreg [dreg:$0x0];
	s2 =	stileid.u32  }
0x247: {  	s1 =	rddreg [dreg:$0x1];
	p0 =	sne.s32 s2, $0x0  }
0x248: {  	s3 =	rddreg [dreg:$0x2];
	[bflag:$0x3] =	sbarrier.arrive $0xFFFF;
	s2 =	simm.s32 @!p0 $0x1C0A  }
0x249: {  	[timem:s3], [sflag:s2] =	dma.local @!p0 [hbm:s0], s1  }
0x24a: {  	s0 =	simm.s32 @!p0 $0xA  }
0x24b: {  	_ =	swait.ge @!p0 [sflag:s0], s1  }
0x24c: {  	s1 =	ssub.s32 @!p0 $0x0, s1;
	[sflag:s0] =	ssyncset.done @!p0 $0x0  }
0x24d: {  	[sflag:s0] =	ssyncadd.s32 @!p0 s1  }
0x24e: {  	[bflag:$0x3] =	sbarrier.arrive $0xFFFF  }
0x24f: {  	_ =	shalt  }

</sc_bundles>
